<compile_context>
chip_gen: v7x
topology: tpu7x:2x2x1
jax: 0.10.2.dev20260603
libtpu: 0.0.44.dev20260713+nightly
codegen_flags: <defaults>
</compile_context>

<pallas_src>
import math

import jax
import jax.numpy as jnp
from jax import lax
from jax.experimental import pallas as pl
from jax.experimental.pallas import tpu as pltpu
from jax.experimental.pallas import tpu_sc as plsc

VOCAB = 1000000
D = 64
NB = 16384
NT = 50
B_TOTAL = NB * NT
NC, NS = 2, 16
NW = NC * NS
GRP = 128
KB = 4
SB_ROWS = KB * GRP
DESC = 256
NDESC = SB_ROWS // DESC
N_BLK_B = NB // GRP
SB_PER_T = N_BLK_B // KB
N_SB = NT * SB_PER_T
SB_PER_W = N_SB // NW
FR = D // 8
SCALE = math.sqrt(D)


def _emb_kernel(w_hbm, idx_hbm, out_hbm, idx_v, rows, trans, gs0, gs1, osem, isem):
    wid = lax.axis_index("s") * NC + lax.axis_index("c")
    gs_base = wid * SB_PER_W
    gsems = (gs0, gs1)
    iota = lax.iota(jnp.int32, 16)

    def stage_idx(s, b):
        roff = pl.multiple_of((gs_base + s) * NDESC, 2)
        pltpu.async_copy(idx_hbm.at[pl.ds(roff, NDESC)], idx_v.at[b], isem)

    def wait_idx(b):
        pltpu.make_async_copy(
            idx_hbm.at[pl.ds(0, NDESC)], idx_v.at[b], isem
        ).wait()

    def fire_gather(b):
        for k in range(NDESC):
            pltpu.async_copy(
                w_hbm.at[idx_v.at[b, k]],
                rows.at[b, pl.ds(k * DESC, DESC)],
                gsems[b],
            )

    def wait_gather(b):
        pltpu.make_async_copy(
            w_hbm.at[pl.ds(0, SB_ROWS)], rows.at[b], gsems[b]
        ).wait()

    fi_iota = lax.rem(iota, 8)
    fr_half = lax.div(iota, 8)

    def transpose_scale(b):
        @pl.loop(0, GRP)
        def _(bi):
            bi_v = jnp.full((16,), 0, jnp.int32) + bi
            for bci in range(KB):
                bci_v = jnp.full((16,), bci, jnp.int32)
                for j in range(D // 16):
                    fr_v = fr_half + (2 * j)
                    v = rows[b, bci * GRP + bi, pl.ds(j * 16, 16)]
                    plsc.store_scatter(
                        trans, [fr_v, bci_v, fi_iota, bi_v], v * SCALE
                    )

    def fire_out(s, b):
        gs = gs_base + s
        t = lax.shift_right_logical(gs, 5)
        bq = lax.bitwise_and(gs, SB_PER_T - 1)
        bc0 = pl.multiple_of(bq * KB, 4)
        for fr in range(FR):
            pltpu.async_copy(
                trans.at[fr, :, :, pl.ds(0, GRP)],
                out_hbm.at[t, fr, pl.ds(bc0, KB)],
                osem,
            )

    def wait_out():
        pltpu.make_async_copy(
            w_hbm.at[pl.ds(0, SB_ROWS)], rows.at[0], osem
        ).wait()

    stage_idx(0, 0)
    wait_idx(0)
    fire_gather(0)
    stage_idx(1, 1)

    wait_idx(1)
    fire_gather(1)
    wait_gather(0)
    stage_idx(2, 0)
    transpose_scale(0)
    fire_out(0, 0)

    wait_idx(0)
    fire_gather(0)
    wait_gather(1)
    stage_idx(3, 1)
    wait_out()
    transpose_scale(1)
    fire_out(1, 1)

    @pl.loop(2, SB_PER_W - 2, step=2)
    def _(s0):
        for u in range(2):
            s = s0 + u
            b = u
            wait_idx(1 - b)
            fire_gather(1 - b)
            wait_gather(b)
            stage_idx(s + 2, b)
            wait_out()
            transpose_scale(b)
            fire_out(s, b)

    s2 = SB_PER_W - 2
    wait_idx(1)
    fire_gather(1)
    wait_gather(0)
    wait_out()
    transpose_scale(0)
    fire_out(s2, 0)

    wait_gather(1)
    wait_out()
    transpose_scale(1)
    fire_out(s2 + 1, 1)
    wait_out()


@jax.jit
def _emb(weight, idx2d):
    mesh = plsc.VectorSubcoreMesh(
        core_axis_name="c", subcore_axis_name="s", num_cores=NC, num_subcores=NS
    )
    run = pl.kernel(
        _emb_kernel,
        out_type=jax.ShapeDtypeStruct((NT, FR, N_BLK_B, 8, GRP), jnp.float32),
        mesh=mesh,
        scratch_types=[
            pltpu.VMEM((2, NDESC, DESC), jnp.int32),
            pltpu.VMEM((2, SB_ROWS, D), jnp.float32),
            pltpu.VMEM((FR, KB, 8, GRP + 1), jnp.float32),
            pltpu.SemaphoreType.DMA,
            pltpu.SemaphoreType.DMA,
            pltpu.SemaphoreType.DMA,
            pltpu.SemaphoreType.DMA,
        ],
        compiler_params=pltpu.CompilerParams(
            use_tc_tiling_on_sc=False, needs_layout_passes=False
        ),
    )
    return run(weight, idx2d)


def kernel(input_ids, weight):
    idx2d = input_ids.astype(jnp.int32).T.reshape(B_TOTAL // DESC, DESC)
    raw5 = _emb(weight, idx2d)
    out = raw5.transpose(2, 4, 0, 1, 3).reshape(NB, NT, D)
    return out

# --- scband reference (transcript-rebuilt; emitter-appended) ---
"""Pipeline reference for scband-embedding-86775519248665 (READ-ONLY COPY).

The authoritative reference and input builder live on the scoring server;
editing this copy changes nothing except your own understanding.
"""

import jax, jax.numpy as jnp
import numpy as np
import math

VOCAB = 1000000
HIDDEN = 64

def setup_inputs(seed: int = 0) -> dict:
    key = jax.random.key(seed)
    k1, k2 = jax.random.split(key)
    input_ids = jax.random.randint(k1, (16384, 50), 0, VOCAB, dtype=jnp.int64 if jax.config.jax_enable_x64 else jnp.int32)
    weight = jax.random.normal(k2, (VOCAB, HIDDEN), dtype=jnp.float32) * 0.02
    return {"input_ids": input_ids, "weight": weight}

def reference(input_ids, weight):
    emb = jnp.take(weight, input_ids, axis=0)
    return emb * math.sqrt(HIDDEN)

if __name__ == "__main__":
    import jax
    _d = setup_inputs()
    print(jax.jit(kernel)(*tuple(_d.values())))

</pallas_src>

<mosaic_0001>
#map = affine_map<(d0, d1) -> (0, 0)>
#map1 = affine_map<(d0, d1) -> (0, 0, 0, 0, 0)>
module attributes {stable_mosaic.version = 14 : i64} {
  func.func @_emb_kernel(%arg0: i32, %arg1: i32, %arg2: memref<1000000x64xf32, #tpu.memory_space<hbm>>, %arg3: memref<3200x256xi32, #tpu.memory_space<hbm>>, %arg4: memref<50x8x128x8x128xf32, #tpu.memory_space<hbm>>, %arg5: memref<2x2x256xi32, #tpu.memory_space<vmem>>, %arg6: memref<2x512x64xf32, #tpu.memory_space<vmem>>, %arg7: memref<8x4x8x129xf32, #tpu.memory_space<vmem>>, %arg8: memref<!tpu.dma_semaphore, #tpu.memory_space<semaphore_mem>>, %arg9: memref<!tpu.dma_semaphore, #tpu.memory_space<semaphore_mem>>, %arg10: memref<!tpu.dma_semaphore, #tpu.memory_space<semaphore_mem>>, %arg11: memref<!tpu.dma_semaphore, #tpu.memory_space<semaphore_mem>>) attributes {dimension_semantics = [#tpu.dimension_semantics<core_parallel>, #tpu.dimension_semantics<subcore_parallel>], iteration_bounds = array<i64: 2, 16>, scalar_prefetch = 0 : i64, scratch_operands = 7 : i64, tpu.core_type = #tpu.core_type<sc_vector_subcore>, window_params = [{transform_indices = #map}, {transform_indices = #map}, {transform_indices = #map1}]} {
    %mul3A = arith.constant 2 : i32
    %mul3A_0 = arith.muli %arg1, %mul3A : i32
    %add3A = arith.addi %mul3A_0, %arg0 : i32
    %mul3A_1 = arith.constant 50 : i32
    %mul3A_2 = arith.muli %add3A, %mul3A_1 : i32
    %iota3A = tpu.iota {dimensions = array<i32: 0>} : vector<16xi32>
    %rem3A = arith.constant 8 : i32
    %rem3A_3 = vector.broadcast %rem3A : i32 to vector<16xi32>
    %rem3A_4 = arith.remsi %iota3A, %rem3A_3 : vector<16xi32>
    %div3A = arith.constant 8 : i32
    %div3A_5 = vector.broadcast %div3A : i32 to vector<16xi32>
    %div3A_6 = arith.divsi %iota3A, %div3A_5 : vector<16xi32>
    %add3A_7 = arith.constant 0 : i32
    %add3A_8 = arith.addi %mul3A_2, %add3A_7 : i32
    %mul3A_9 = arith.constant 2 : i32
    %mul3A_10 = arith.muli %add3A_8, %mul3A_9 : i32
    %multiple_of3A = tpu.assume_multiple %mul3A_10, 2 : i32
    %dma_start3A = arith.constant 0 : i32
    %dma_start3A_11 = arith.constant 0 : i32
    %dma_start3A_12 = arith.constant 0 : i32
    %dma_start3A_13 = tpu.memref_slice %arg5[%dma_start3A, %dma_start3A_11, %dma_start3A_12] : memref<2x2x256xi32, #tpu.memory_space<vmem>> -> memref<1x2x256xi32, #tpu.memory_space<vmem>>
    %dma_start3A_14 = tpu.memref_squeeze %dma_start3A_13 : memref<1x2x256xi32, #tpu.memory_space<vmem>> -> memref<2x256xi32, #tpu.memory_space<vmem>>
    %dma_start3A_15 = arith.constant 0 : i32
    %dma_start3A_16 = tpu.memref_slice %arg3[%multiple_of3A, %dma_start3A_15] : memref<3200x256xi32, #tpu.memory_space<hbm>> -> memref<2x256xi32, #tpu.memory_space<hbm>>
    %dma_start3A_17 = arith.constant 0 : i32
    %dma_start3A_18 = arith.constant 0 : i32
    %dma_start3A_19 = tpu.memref_slice %arg5[%dma_start3A, %dma_start3A_17, %dma_start3A_18] : memref<2x2x256xi32, #tpu.memory_space<vmem>> -> memref<1x2x256xi32, #tpu.memory_space<vmem>>
    %dma_start3A_20 = tpu.memref_squeeze %dma_start3A_19 : memref<1x2x256xi32, #tpu.memory_space<vmem>> -> memref<2x256xi32, #tpu.memory_space<vmem>>
    %dma_start3A_21 = arith.constant 0 : i32
    %dma_start3A_22 = tpu.memref_slice %arg3[%multiple_of3A, %dma_start3A_21] : memref<3200x256xi32, #tpu.memory_space<hbm>> -> memref<2x256xi32, #tpu.memory_space<hbm>>
    tpu.enqueue_dma source(%dma_start3A_22 : memref<2x256xi32, #tpu.memory_space<hbm>>) target(%dma_start3A_20 : memref<2x256xi32, #tpu.memory_space<vmem>>) target_semaphore(%arg11 : memref<!tpu.dma_semaphore, #tpu.memory_space<semaphore_mem>>)
    %dma_wait3A = arith.constant 0 : i32
    %dma_wait3A_23 = arith.constant 0 : i32
    %dma_wait3A_24 = arith.constant 0 : i32
    %dma_wait3A_25 = tpu.memref_slice %arg5[%dma_wait3A, %dma_wait3A_23, %dma_wait3A_24] : memref<2x2x256xi32, #tpu.memory_space<vmem>> -> memref<1x2x256xi32, #tpu.memory_space<vmem>>
    %dma_wait3A_26 = tpu.memref_squeeze %dma_wait3A_25 : memref<1x2x256xi32, #tpu.memory_space<vmem>> -> memref<2x256xi32, #tpu.memory_space<vmem>>
    %dma_wait3A_27 = arith.constant 0 : i32
    %dma_wait3A_28 = arith.constant 0 : i32
    %dma_wait3A_29 = tpu.memref_slice %arg3[%dma_wait3A_27, %dma_wait3A_28] : memref<3200x256xi32, #tpu.memory_space<hbm>> -> memref<2x256xi32, #tpu.memory_space<hbm>>
    %dma_wait3A_30 = arith.constant 0 : i32
    %dma_wait3A_31 = arith.constant 0 : i32
    %dma_wait3A_32 = tpu.memref_slice %arg5[%dma_wait3A, %dma_wait3A_30, %dma_wait3A_31] : memref<2x2x256xi32, #tpu.memory_space<vmem>> -> memref<1x2x256xi32, #tpu.memory_space<vmem>>
    %dma_wait3A_33 = tpu.memref_squeeze %dma_wait3A_32 : memref<1x2x256xi32, #tpu.memory_space<vmem>> -> memref<2x256xi32, #tpu.memory_space<vmem>>
    %dma_wait3A_34 = arith.constant 0 : i32
    %dma_wait3A_35 = arith.constant 0 : i32
    %dma_wait3A_36 = tpu.memref_slice %arg3[%dma_wait3A_34, %dma_wait3A_35] : memref<3200x256xi32, #tpu.memory_space<hbm>> -> memref<2x256xi32, #tpu.memory_space<hbm>>
    tpu.wait_dma2 semaphore(%arg11 : memref<!tpu.dma_semaphore, #tpu.memory_space<semaphore_mem>>) src(%dma_wait3A_36 : memref<2x256xi32, #tpu.memory_space<hbm>>) dst(%dma_wait3A_33 : memref<2x256xi32, #tpu.memory_space<vmem>>)
    %dma_start3A_37 = arith.constant 0 : i32
    %dma_start3A_38 = arith.constant 0 : i32
    %dma_start3A_39 = arith.constant 0 : i32
    %dma_start3A_40 = arith.constant 0 : i32
    %dma_start3A_41 = arith.constant 0 : i32
    %dma_start3A_42 = tpu.memref_slice %arg6[%dma_start3A_39, %dma_start3A_40, %dma_start3A_41] : memref<2x512x64xf32, #tpu.memory_space<vmem>> -> memref<1x256x64xf32, #tpu.memory_space<vmem>>
    %dma_start3A_43 = tpu.memref_squeeze %dma_start3A_42 : memref<1x256x64xf32, #tpu.memory_space<vmem>> -> memref<256x64xf32, #tpu.memory_space<vmem>>
    %dma_start3A_44 = arith.constant 0 : i32
    %dma_start3A_45 = tpu.memref_slice %arg5[%dma_start3A_37, %dma_start3A_38, %dma_start3A_44] : memref<2x2x256xi32, #tpu.memory_space<vmem>> -> memref<1x1x256xi32, #tpu.memory_space<vmem>>
    %dma_start3A_46 = tpu.memref_squeeze %dma_start3A_45 : memref<1x1x256xi32, #tpu.memory_space<vmem>> -> memref<256xi32, #tpu.memory_space<vmem>>
    %dma_start3A_47 = arith.constant 0 : i32
    %dma_start3A_48 = arith.constant 0 : i32
    %dma_start3A_49 = tpu.memref_slice %arg2[%dma_start3A_47, %dma_start3A_48] : memref<1000000x64xf32, #tpu.memory_space<hbm>> -> memref<1000000x64xf32, #tpu.memory_space<hbm>>
    tpu.enqueue_indirect_dma source(%dma_start3A_49 : memref<1000000x64xf32, #tpu.memory_space<hbm>>) target(%dma_start3A_43 : memref<256x64xf32, #tpu.memory_space<vmem>>) offsets(%dma_start3A_46 : memref<256xi32, #tpu.memory_space<vmem>>) semaphore(%arg8 : memref<!tpu.dma_semaphore, #tpu.memory_space<semaphore_mem>>)
    %dma_start3A_50 = arith.constant 0 : i32
    %dma_start3A_51 = arith.constant 1 : i32
    %dma_start3A_52 = arith.constant 0 : i32
    %dma_start3A_53 = arith.constant 256 : i32
    %dma_start3A_54 = arith.constant 0 : i32
    %dma_start3A_55 = tpu.memref_slice %arg6[%dma_start3A_52, %dma_start3A_53, %dma_start3A_54] : memref<2x512x64xf32, #tpu.memory_space<vmem>> -> memref<1x256x64xf32, #tpu.memory_space<vmem>>
    %dma_start3A_56 = tpu.memref_squeeze %dma_start3A_55 : memref<1x256x64xf32, #tpu.memory_space<vmem>> -> memref<256x64xf32, #tpu.memory_space<vmem>>
    %dma_start3A_57 = arith.constant 0 : i32
    %dma_start3A_58 = tpu.memref_slice %arg5[%dma_start3A_50, %dma_start3A_51, %dma_start3A_57] : memref<2x2x256xi32, #tpu.memory_space<vmem>> -> memref<1x1x256xi32, #tpu.memory_space<vmem>>
    %dma_start3A_59 = tpu.memref_squeeze %dma_start3A_58 : memref<1x1x256xi32, #tpu.memory_space<vmem>> -> memref<256xi32, #tpu.memory_space<vmem>>
    %dma_start3A_60 = arith.constant 0 : i32
    %dma_start3A_61 = arith.constant 0 : i32
    %dma_start3A_62 = tpu.memref_slice %arg2[%dma_start3A_60, %dma_start3A_61] : memref<1000000x64xf32, #tpu.memory_space<hbm>> -> memref<1000000x64xf32, #tpu.memory_space<hbm>>
    tpu.enqueue_indirect_dma source(%dma_start3A_62 : memref<1000000x64xf32, #tpu.memory_space<hbm>>) target(%dma_start3A_56 : memref<256x64xf32, #tpu.memory_space<vmem>>) offsets(%dma_start3A_59 : memref<256xi32, #tpu.memory_space<vmem>>) semaphore(%arg8 : memref<!tpu.dma_semaphore, #tpu.memory_space<semaphore_mem>>)
    %add3A_63 = arith.constant 1 : i32
    %add3A_64 = arith.addi %mul3A_2, %add3A_63 : i32
    %mul3A_65 = arith.constant 2 : i32
    %mul3A_66 = arith.muli %add3A_64, %mul3A_65 : i32
    %multiple_of3A_67 = tpu.assume_multiple %mul3A_66, 2 : i32
    %dma_start3A_68 = arith.constant 1 : i32
    %dma_start3A_69 = arith.constant 0 : i32
    %dma_start3A_70 = arith.constant 0 : i32
    %dma_start3A_71 = tpu.memref_slice %arg5[%dma_start3A_68, %dma_start3A_69, %dma_start3A_70] : memref<2x2x256xi32, #tpu.memory_space<vmem>> -> memref<1x2x256xi32, #tpu.memory_space<vmem>>
    %dma_start3A_72 = tpu.memref_squeeze %dma_start3A_71 : memref<1x2x256xi32, #tpu.memory_space<vmem>> -> memref<2x256xi32, #tpu.memory_space<vmem>>
    %dma_start3A_73 = arith.constant 0 : i32
    %dma_start3A_74 = tpu.memref_slice %arg3[%multiple_of3A_67, %dma_start3A_73] : memref<3200x256xi32, #tpu.memory_space<hbm>> -> memref<2x256xi32, #tpu.memory_space<hbm>>
    %dma_start3A_75 = arith.constant 0 : i32
    %dma_start3A_76 = arith.constant 0 : i32
    %dma_start3A_77 = tpu.memref_slice %arg5[%dma_start3A_68, %dma_start3A_75, %dma_start3A_76] : memref<2x2x256xi32, #tpu.memory_space<vmem>> -> memref<1x2x256xi32, #tpu.memory_space<vmem>>
    %dma_start3A_78 = tpu.memref_squeeze %dma_start3A_77 : memref<1x2x256xi32, #tpu.memory_space<vmem>> -> memref<2x256xi32, #tpu.memory_space<vmem>>
    %dma_start3A_79 = arith.constant 0 : i32
    %dma_start3A_80 = tpu.memref_slice %arg3[%multiple_of3A_67, %dma_start3A_79] : memref<3200x256xi32, #tpu.memory_space<hbm>> -> memref<2x256xi32, #tpu.memory_space<hbm>>
    tpu.enqueue_dma source(%dma_start3A_80 : memref<2x256xi32, #tpu.memory_space<hbm>>) target(%dma_start3A_78 : memref<2x256xi32, #tpu.memory_space<vmem>>) target_semaphore(%arg11 : memref<!tpu.dma_semaphore, #tpu.memory_space<semaphore_mem>>)
    %dma_wait3A_81 = arith.constant 1 : i32
    %dma_wait3A_82 = arith.constant 0 : i32
    %dma_wait3A_83 = arith.constant 0 : i32
    %dma_wait3A_84 = tpu.memref_slice %arg5[%dma_wait3A_81, %dma_wait3A_82, %dma_wait3A_83] : memref<2x2x256xi32, #tpu.memory_space<vmem>> -> memref<1x2x256xi32, #tpu.memory_space<vmem>>
    %dma_wait3A_85 = tpu.memref_squeeze %dma_wait3A_84 : memref<1x2x256xi32, #tpu.memory_space<vmem>> -> memref<2x256xi32, #tpu.memory_space<vmem>>
    %dma_wait3A_86 = arith.constant 0 : i32
    %dma_wait3A_87 = arith.constant 0 : i32
    %dma_wait3A_88 = tpu.memref_slice %arg3[%dma_wait3A_86, %dma_wait3A_87] : memref<3200x256xi32, #tpu.memory_space<hbm>> -> memref<2x256xi32, #tpu.memory_space<hbm>>
    %dma_wait3A_89 = arith.constant 0 : i32
    %dma_wait3A_90 = arith.constant 0 : i32
    %dma_wait3A_91 = tpu.memref_slice %arg5[%dma_wait3A_81, %dma_wait3A_89, %dma_wait3A_90] : memref<2x2x256xi32, #tpu.memory_space<vmem>> -> memref<1x2x256xi32, #tpu.memory_space<vmem>>
    %dma_wait3A_92 = tpu.memref_squeeze %dma_wait3A_91 : memref<1x2x256xi32, #tpu.memory_space<vmem>> -> memref<2x256xi32, #tpu.memory_space<vmem>>
    %dma_wait3A_93 = arith.constant 0 : i32
    %dma_wait3A_94 = arith.constant 0 : i32
    %dma_wait3A_95 = tpu.memref_slice %arg3[%dma_wait3A_93, %dma_wait3A_94] : memref<3200x256xi32, #tpu.memory_space<hbm>> -> memref<2x256xi32, #tpu.memory_space<hbm>>
    tpu.wait_dma2 semaphore(%arg11 : memref<!tpu.dma_semaphore, #tpu.memory_space<semaphore_mem>>) src(%dma_wait3A_95 : memref<2x256xi32, #tpu.memory_space<hbm>>) dst(%dma_wait3A_92 : memref<2x256xi32, #tpu.memory_space<vmem>>)
    %dma_start3A_96 = arith.constant 1 : i32
    %dma_start3A_97 = arith.constant 0 : i32
    %dma_start3A_98 = arith.constant 1 : i32
    %dma_start3A_99 = arith.constant 0 : i32
    %dma_start3A_100 = arith.constant 0 : i32
    %dma_start3A_101 = tpu.memref_slice %arg6[%dma_start3A_98, %dma_start3A_99, %dma_start3A_100] : memref<2x512x64xf32, #tpu.memory_space<vmem>> -> memref<1x256x64xf32, #tpu.memory_space<vmem>>
    %dma_start3A_102 = tpu.memref_squeeze %dma_start3A_101 : memref<1x256x64xf32, #tpu.memory_space<vmem>> -> memref<256x64xf32, #tpu.memory_space<vmem>>
    %dma_start3A_103 = arith.constant 0 : i32
    %dma_start3A_104 = tpu.memref_slice %arg5[%dma_start3A_96, %dma_start3A_97, %dma_start3A_103] : memref<2x2x256xi32, #tpu.memory_space<vmem>> -> memref<1x1x256xi32, #tpu.memory_space<vmem>>
    %dma_start3A_105 = tpu.memref_squeeze %dma_start3A_104 : memref<1x1x256xi32, #tpu.memory_space<vmem>> -> memref<256xi32, #tpu.memory_space<vmem>>
    %dma_start3A_106 = arith.constant 0 : i32
    %dma_start3A_107 = arith.constant 0 : i32
    %dma_start3A_108 = tpu.memref_slice %arg2[%dma_start3A_106, %dma_start3A_107] : memref<1000000x64xf32, #tpu.memory_space<hbm>> -> memref<1000000x64xf32, #tpu.memory_space<hbm>>
    tpu.enqueue_indirect_dma source(%dma_start3A_108 : memref<1000000x64xf32, #tpu.memory_space<hbm>>) target(%dma_start3A_102 : memref<256x64xf32, #tpu.memory_space<vmem>>) offsets(%dma_start3A_105 : memref<256xi32, #tpu.memory_space<vmem>>) semaphore(%arg9 : memref<!tpu.dma_semaphore, #tpu.memory_space<semaphore_mem>>)
    %dma_start3A_109 = arith.constant 1 : i32
    %dma_start3A_110 = arith.constant 1 : i32
    %dma_start3A_111 = arith.constant 1 : i32
    %dma_start3A_112 = arith.constant 256 : i32
    %dma_start3A_113 = arith.constant 0 : i32
    %dma_start3A_114 = tpu.memref_slice %arg6[%dma_start3A_111, %dma_start3A_112, %dma_start3A_113] : memref<2x512x64xf32, #tpu.memory_space<vmem>> -> memref<1x256x64xf32, #tpu.memory_space<vmem>>
    %dma_start3A_115 = tpu.memref_squeeze %dma_start3A_114 : memref<1x256x64xf32, #tpu.memory_space<vmem>> -> memref<256x64xf32, #tpu.memory_space<vmem>>
    %dma_start3A_116 = arith.constant 0 : i32
    %dma_start3A_117 = tpu.memref_slice %arg5[%dma_start3A_109, %dma_start3A_110, %dma_start3A_116] : memref<2x2x256xi32, #tpu.memory_space<vmem>> -> memref<1x1x256xi32, #tpu.memory_space<vmem>>
    %dma_start3A_118 = tpu.memref_squeeze %dma_start3A_117 : memref<1x1x256xi32, #tpu.memory_space<vmem>> -> memref<256xi32, #tpu.memory_space<vmem>>
    %dma_start3A_119 = arith.constant 0 : i32
    %dma_start3A_120 = arith.constant 0 : i32
    %dma_start3A_121 = tpu.memref_slice %arg2[%dma_start3A_119, %dma_start3A_120] : memref<1000000x64xf32, #tpu.memory_space<hbm>> -> memref<1000000x64xf32, #tpu.memory_space<hbm>>
    tpu.enqueue_indirect_dma source(%dma_start3A_121 : memref<1000000x64xf32, #tpu.memory_space<hbm>>) target(%dma_start3A_115 : memref<256x64xf32, #tpu.memory_space<vmem>>) offsets(%dma_start3A_118 : memref<256xi32, #tpu.memory_space<vmem>>) semaphore(%arg9 : memref<!tpu.dma_semaphore, #tpu.memory_space<semaphore_mem>>)
    %dma_wait3A_122 = arith.constant 0 : i32
    %dma_wait3A_123 = arith.constant 0 : i32
    %dma_wait3A_124 = arith.constant 0 : i32
    %dma_wait3A_125 = tpu.memref_slice %arg6[%dma_wait3A_122, %dma_wait3A_123, %dma_wait3A_124] : memref<2x512x64xf32, #tpu.memory_space<vmem>> -> memref<1x512x64xf32, #tpu.memory_space<vmem>>
    %dma_wait3A_126 = tpu.memref_squeeze %dma_wait3A_125 : memref<1x512x64xf32, #tpu.memory_space<vmem>> -> memref<512x64xf32, #tpu.memory_space<vmem>>
    %dma_wait3A_127 = arith.constant 0 : i32
    %dma_wait3A_128 = arith.constant 0 : i32
    %dma_wait3A_129 = tpu.memref_slice %arg2[%dma_wait3A_127, %dma_wait3A_128] : memref<1000000x64xf32, #tpu.memory_space<hbm>> -> memref<512x64xf32, #tpu.memory_space<hbm>>
    %dma_wait3A_130 = arith.constant 0 : i32
    %dma_wait3A_131 = arith.constant 0 : i32
    %dma_wait3A_132 = tpu.memref_slice %arg6[%dma_wait3A_122, %dma_wait3A_130, %dma_wait3A_131] : memref<2x512x64xf32, #tpu.memory_space<vmem>> -> memref<1x512x64xf32, #tpu.memory_space<vmem>>
    %dma_wait3A_133 = tpu.memref_squeeze %dma_wait3A_132 : memref<1x512x64xf32, #tpu.memory_space<vmem>> -> memref<512x64xf32, #tpu.memory_space<vmem>>
    %dma_wait3A_134 = arith.constant 0 : i32
    %dma_wait3A_135 = arith.constant 0 : i32
    %dma_wait3A_136 = tpu.memref_slice %arg2[%dma_wait3A_134, %dma_wait3A_135] : memref<1000000x64xf32, #tpu.memory_space<hbm>> -> memref<512x64xf32, #tpu.memory_space<hbm>>
    tpu.wait_dma2 semaphore(%arg8 : memref<!tpu.dma_semaphore, #tpu.memory_space<semaphore_mem>>) src(%dma_wait3A_136 : memref<512x64xf32, #tpu.memory_space<hbm>>) dst(%dma_wait3A_133 : memref<512x64xf32, #tpu.memory_space<vmem>>)
    %add3A_137 = arith.constant 2 : i32
    %add3A_138 = arith.addi %mul3A_2, %add3A_137 : i32
    %mul3A_139 = arith.constant 2 : i32
    %mul3A_140 = arith.muli %add3A_138, %mul3A_139 : i32
    %multiple_of3A_141 = tpu.assume_multiple %mul3A_140, 2 : i32
    %dma_start3A_142 = arith.constant 0 : i32
    %dma_start3A_143 = arith.constant 0 : i32
    %dma_start3A_144 = arith.constant 0 : i32
    %dma_start3A_145 = tpu.memref_slice %arg5[%dma_start3A_142, %dma_start3A_143, %dma_start3A_144] : memref<2x2x256xi32, #tpu.memory_space<vmem>> -> memref<1x2x256xi32, #tpu.memory_space<vmem>>
    %dma_start3A_146 = tpu.memref_squeeze %dma_start3A_145 : memref<1x2x256xi32, #tpu.memory_space<vmem>> -> memref<2x256xi32, #tpu.memory_space<vmem>>
    %dma_start3A_147 = arith.constant 0 : i32
    %dma_start3A_148 = tpu.memref_slice %arg3[%multiple_of3A_141, %dma_start3A_147] : memref<3200x256xi32, #tpu.memory_space<hbm>> -> memref<2x256xi32, #tpu.memory_space<hbm>>
    %dma_start3A_149 = arith.constant 0 : i32
    %dma_start3A_150 = arith.constant 0 : i32
    %dma_start3A_151 = tpu.memref_slice %arg5[%dma_start3A_142, %dma_start3A_149, %dma_start3A_150] : memref<2x2x256xi32, #tpu.memory_space<vmem>> -> memref<1x2x256xi32, #tpu.memory_space<vmem>>
    %dma_start3A_152 = tpu.memref_squeeze %dma_start3A_151 : memref<1x2x256xi32, #tpu.memory_space<vmem>> -> memref<2x256xi32, #tpu.memory_space<vmem>>
    %dma_start3A_153 = arith.constant 0 : i32
    %dma_start3A_154 = tpu.memref_slice %arg3[%multiple_of3A_141, %dma_start3A_153] : memref<3200x256xi32, #tpu.memory_space<hbm>> -> memref<2x256xi32, #tpu.memory_space<hbm>>
    tpu.enqueue_dma source(%dma_start3A_154 : memref<2x256xi32, #tpu.memory_space<hbm>>) target(%dma_start3A_152 : memref<2x256xi32, #tpu.memory_space<vmem>>) target_semaphore(%arg11 : memref<!tpu.dma_semaphore, #tpu.memory_space<semaphore_mem>>)
    %scan3A = arith.constant 0 : i32
    %scan3A_155 = arith.constant 128 : i32
    %scan3A_156 = arith.addi %scan3A, %scan3A_155 : i32
    %scan3A_157 = arith.constant 1 : i32
    scf.for %scan3A_1058 = %scan3A to %scan3A_156 step %scan3A_157  : i32 {
      %mul3A_1059 = arith.constant 1 : i32
      %mul3A_1060 = arith.muli %scan3A_1058, %mul3A_1059 : i32
      %add3A_1061 = arith.constant 0 : i32
      %add3A_1062 = arith.addi %add3A_1061, %mul3A_1060 : i32
      %broadcast_in_dim3A = arith.constant 0 : i32
      %broadcast_in_dim3A_1063 = vector.broadcast %broadcast_in_dim3A : i32 to vector<16xi32>
      %add3A_1064 = vector.broadcast %add3A_1062 : i32 to vector<16xi32>
      %add3A_1065 = arith.addi %broadcast_in_dim3A_1063, %add3A_1064 : vector<16xi32>
      %broadcast_in_dim3A_1066 = arith.constant 0 : i32
      %broadcast_in_dim3A_1067 = vector.broadcast %broadcast_in_dim3A_1066 : i32 to vector<16xi32>
      %add3A_1068 = arith.constant 0 : i32
      %add3A_1069 = vector.broadcast %add3A_1068 : i32 to vector<16xi32>
      %add3A_1070 = arith.addi %div3A_6, %add3A_1069 : vector<16xi32>
      %add3A_1071 = arith.constant 0 : i32
      %add3A_1072 = arith.addi %add3A_1071, %add3A_1062 : i32
      %get3A = arith.constant 0 : i32
      %get3A_1073 = arith.index_cast %get3A : i32 to index
      %get3A_1074 = arith.index_cast %add3A_1072 : i32 to index
      %get3A_1075 = arith.constant 0 : index
      %get3A_1076 = tpu.vector_load %arg6[%get3A_1073, %get3A_1074, %get3A_1075] {strides = array<i32>} : memref<2x512x64xf32, #tpu.memory_space<vmem>>, vector<16xf32>,
      %mul3A_1077 = arith.constant 8.000000e+00 : f32
      %mul3A_1078 = vector.broadcast %mul3A_1077 : f32 to vector<16xf32>
      %mul3A_1079 = arith.mulf %get3A_1076, %mul3A_1078 : vector<16xf32>
      tpu.vector_store_idx %arg7[%add3A_1070, %broadcast_in_dim3A_1067, %rem3A_4, %add3A_1065], %mul3A_1079 : memref<8x4x8x129xf32, #tpu.memory_space<vmem>>[vector<16xi32>, vector<16xi32>, vector<16xi32>, vector<16xi32>], vector<16xf32>,
      %add3A_1080 = arith.constant 2 : i32
      %add3A_1081 = vector.broadcast %add3A_1080 : i32 to vector<16xi32>
      %add3A_1082 = arith.addi %div3A_6, %add3A_1081 : vector<16xi32>
      %add3A_1083 = arith.constant 0 : i32
      %add3A_1084 = arith.addi %add3A_1083, %add3A_1062 : i32
      %get3A_1085 = arith.constant 0 : i32
      %get3A_1086 = arith.index_cast %get3A_1085 : i32 to index
      %get3A_1087 = arith.index_cast %add3A_1084 : i32 to index
      %get3A_1088 = arith.constant 16 : index
      %get3A_1089 = tpu.vector_load %arg6[%get3A_1086, %get3A_1087, %get3A_1088] {strides = array<i32>} : memref<2x512x64xf32, #tpu.memory_space<vmem>>, vector<16xf32>,
      %mul3A_1090 = arith.constant 8.000000e+00 : f32
      %mul3A_1091 = vector.broadcast %mul3A_1090 : f32 to vector<16xf32>
      %mul3A_1092 = arith.mulf %get3A_1089, %mul3A_1091 : vector<16xf32>
      tpu.vector_store_idx %arg7[%add3A_1082, %broadcast_in_dim3A_1067, %rem3A_4, %add3A_1065], %mul3A_1092 : memref<8x4x8x129xf32, #tpu.memory_space<vmem>>[vector<16xi32>, vector<16xi32>, vector<16xi32>, vector<16xi32>], vector<16xf32>,
      %add3A_1093 = arith.constant 4 : i32
      %add3A_1094 = vector.broadcast %add3A_1093 : i32 to vector<16xi32>
      %add3A_1095 = arith.addi %div3A_6, %add3A_1094 : vector<16xi32>
      %add3A_1096 = arith.constant 0 : i32
      %add3A_1097 = arith.addi %add3A_1096, %add3A_1062 : i32
      %get3A_1098 = arith.constant 0 : i32
      %get3A_1099 = arith.index_cast %get3A_1098 : i32 to index
      %get3A_1100 = arith.index_cast %add3A_1097 : i32 to index
      %get3A_1101 = arith.constant 32 : index
      %get3A_1102 = tpu.vector_load %arg6[%get3A_1099, %get3A_1100, %get3A_1101] {strides = array<i32>} : memref<2x512x64xf32, #tpu.memory_space<vmem>>, vector<16xf32>,
      %mul3A_1103 = arith.constant 8.000000e+00 : f32
      %mul3A_1104 = vector.broadcast %mul3A_1103 : f32 to vector<16xf32>
      %mul3A_1105 = arith.mulf %get3A_1102, %mul3A_1104 : vector<16xf32>
      tpu.vector_store_idx %arg7[%add3A_1095, %broadcast_in_dim3A_1067, %rem3A_4, %add3A_1065], %mul3A_1105 : memref<8x4x8x129xf32, #tpu.memory_space<vmem>>[vector<16xi32>, vector<16xi32>, vector<16xi32>, vector<16xi32>], vector<16xf32>,
      %add3A_1106 = arith.constant 6 : i32
      %add3A_1107 = vector.broadcast %add3A_1106 : i32 to vector<16xi32>
      %add3A_1108 = arith.addi %div3A_6, %add3A_1107 : vector<16xi32>
      %add3A_1109 = arith.constant 0 : i32
      %add3A_1110 = arith.addi %add3A_1109, %add3A_1062 : i32
      %get3A_1111 = arith.constant 0 : i32
      %get3A_1112 = arith.index_cast %get3A_1111 : i32 to index
      %get3A_1113 = arith.index_cast %add3A_1110 : i32 to index
      %get3A_1114 = arith.constant 48 : index
      %get3A_1115 = tpu.vector_load %arg6[%get3A_1112, %get3A_1113, %get3A_1114] {strides = array<i32>} : memref<2x512x64xf32, #tpu.memory_space<vmem>>, vector<16xf32>,
      %mul3A_1116 = arith.constant 8.000000e+00 : f32
      %mul3A_1117 = vector.broadcast %mul3A_1116 : f32 to vector<16xf32>
      %mul3A_1118 = arith.mulf %get3A_1115, %mul3A_1117 : vector<16xf32>
      tpu.vector_store_idx %arg7[%add3A_1108, %broadcast_in_dim3A_1067, %rem3A_4, %add3A_1065], %mul3A_1118 : memref<8x4x8x129xf32, #tpu.memory_space<vmem>>[vector<16xi32>, vector<16xi32>, vector<16xi32>, vector<16xi32>], vector<16xf32>,
      %broadcast_in_dim3A_1119 = arith.constant 1 : i32
      %broadcast_in_dim3A_1120 = vector.broadcast %broadcast_in_dim3A_1119 : i32 to vector<16xi32>
      %add3A_1121 = arith.constant 0 : i32
      %add3A_1122 = vector.broadcast %add3A_1121 : i32 to vector<16xi32>
      %add3A_1123 = arith.addi %div3A_6, %add3A_1122 : vector<16xi32>
      %add3A_1124 = arith.constant 128 : i32
      %add3A_1125 = arith.addi %add3A_1124, %add3A_1062 : i32
      %get3A_1126 = arith.constant 0 : i32
      %get3A_1127 = arith.index_cast %get3A_1126 : i32 to index
      %get3A_1128 = arith.index_cast %add3A_1125 : i32 to index
      %get3A_1129 = arith.constant 0 : index
      %get3A_1130 = tpu.vector_load %arg6[%get3A_1127, %get3A_1128, %get3A_1129] {strides = array<i32>} : memref<2x512x64xf32, #tpu.memory_space<vmem>>, vector<16xf32>,
      %mul3A_1131 = arith.constant 8.000000e+00 : f32
      %mul3A_1132 = vector.broadcast %mul3A_1131 : f32 to vector<16xf32>
      %mul3A_1133 = arith.mulf %get3A_1130, %mul3A_1132 : vector<16xf32>
      tpu.vector_store_idx %arg7[%add3A_1123, %broadcast_in_dim3A_1120, %rem3A_4, %add3A_1065], %mul3A_1133 : memref<8x4x8x129xf32, #tpu.memory_space<vmem>>[vector<16xi32>, vector<16xi32>, vector<16xi32>, vector<16xi32>], vector<16xf32>,
      %add3A_1134 = arith.constant 2 : i32
      %add3A_1135 = vector.broadcast %add3A_1134 : i32 to vector<16xi32>
      %add3A_1136 = arith.addi %div3A_6, %add3A_1135 : vector<16xi32>
      %add3A_1137 = arith.constant 128 : i32
      %add3A_1138 = arith.addi %add3A_1137, %add3A_1062 : i32
      %get3A_1139 = arith.constant 0 : i32
      %get3A_1140 = arith.index_cast %get3A_1139 : i32 to index
      %get3A_1141 = arith.index_cast %add3A_1138 : i32 to index
      %get3A_1142 = arith.constant 16 : index
      %get3A_1143 = tpu.vector_load %arg6[%get3A_1140, %get3A_1141, %get3A_1142] {strides = array<i32>} : memref<2x512x64xf32, #tpu.memory_space<vmem>>, vector<16xf32>,
      %mul3A_1144 = arith.constant 8.000000e+00 : f32
      %mul3A_1145 = vector.broadcast %mul3A_1144 : f32 to vector<16xf32>
      %mul3A_1146 = arith.mulf %get3A_1143, %mul3A_1145 : vector<16xf32>
      tpu.vector_store_idx %arg7[%add3A_1136, %broadcast_in_dim3A_1120, %rem3A_4, %add3A_1065], %mul3A_1146 : memref<8x4x8x129xf32, #tpu.memory_space<vmem>>[vector<16xi32>, vector<16xi32>, vector<16xi32>, vector<16xi32>], vector<16xf32>,
      %add3A_1147 = arith.constant 4 : i32
      %add3A_1148 = vector.broadcast %add3A_1147 : i32 to vector<16xi32>
      %add3A_1149 = arith.addi %div3A_6, %add3A_1148 : vector<16xi32>
      %add3A_1150 = arith.constant 128 : i32
      %add3A_1151 = arith.addi %add3A_1150, %add3A_1062 : i32
      %get3A_1152 = arith.constant 0 : i32
      %get3A_1153 = arith.index_cast %get3A_1152 : i32 to index
      %get3A_1154 = arith.index_cast %add3A_1151 : i32 to index
      %get3A_1155 = arith.constant 32 : index
      %get3A_1156 = tpu.vector_load %arg6[%get3A_1153, %get3A_1154, %get3A_1155] {strides = array<i32>} : memref<2x512x64xf32, #tpu.memory_space<vmem>>, vector<16xf32>,
      %mul3A_1157 = arith.constant 8.000000e+00 : f32
      %mul3A_1158 = vector.broadcast %mul3A_1157 : f32 to vector<16xf32>
      %mul3A_1159 = arith.mulf %get3A_1156, %mul3A_1158 : vector<16xf32>
      tpu.vector_store_idx %arg7[%add3A_1149, %broadcast_in_dim3A_1120, %rem3A_4, %add3A_1065], %mul3A_1159 : memref<8x4x8x129xf32, #tpu.memory_space<vmem>>[vector<16xi32>, vector<16xi32>, vector<16xi32>, vector<16xi32>], vector<16xf32>,
      %add3A_1160 = arith.constant 6 : i32
      %add3A_1161 = vector.broadcast %add3A_1160 : i32 to vector<16xi32>
      %add3A_1162 = arith.addi %div3A_6, %add3A_1161 : vector<16xi32>
      %add3A_1163 = arith.constant 128 : i32
      %add3A_1164 = arith.addi %add3A_1163, %add3A_1062 : i32
      %get3A_1165 = arith.constant 0 : i32
      %get3A_1166 = arith.index_cast %get3A_1165 : i32 to index
      %get3A_1167 = arith.index_cast %add3A_1164 : i32 to index
      %get3A_1168 = arith.constant 48 : index
      %get3A_1169 = tpu.vector_load %arg6[%get3A_1166, %get3A_1167, %get3A_1168] {strides = array<i32>} : memref<2x512x64xf32, #tpu.memory_space<vmem>>, vector<16xf32>,
      %mul3A_1170 = arith.constant 8.000000e+00 : f32
      %mul3A_1171 = vector.broadcast %mul3A_1170 : f32 to vector<16xf32>
      %mul3A_1172 = arith.mulf %get3A_1169, %mul3A_1171 : vector<16xf32>
      tpu.vector_store_idx %arg7[%add3A_1162, %broadcast_in_dim3A_1120, %rem3A_4, %add3A_1065], %mul3A_1172 : memref<8x4x8x129xf32, #tpu.memory_space<vmem>>[vector<16xi32>, vector<16xi32>, vector<16xi32>, vector<16xi32>], vector<16xf32>,
      %broadcast_in_dim3A_1173 = arith.constant 2 : i32
      %broadcast_in_dim3A_1174 = vector.broadcast %broadcast_in_dim3A_1173 : i32 to vector<16xi32>
      %add3A_1175 = arith.constant 0 : i32
      %add3A_1176 = vector.broadcast %add3A_1175 : i32 to vector<16xi32>
      %add3A_1177 = arith.addi %div3A_6, %add3A_1176 : vector<16xi32>
      %add3A_1178 = arith.constant 256 : i32
      %add3A_1179 = arith.addi %add3A_1178, %add3A_1062 : i32
      %get3A_1180 = arith.constant 0 : i32
      %get3A_1181 = arith.index_cast %get3A_1180 : i32 to index
      %get3A_1182 = arith.index_cast %add3A_1179 : i32 to index
      %get3A_1183 = arith.constant 0 : index
      %get3A_1184 = tpu.vector_load %arg6[%get3A_1181, %get3A_1182, %get3A_1183] {strides = array<i32>} : memref<2x512x64xf32, #tpu.memory_space<vmem>>, vector<16xf32>,
      %mul3A_1185 = arith.constant 8.000000e+00 : f32
      %mul3A_1186 = vector.broadcast %mul3A_1185 : f32 to vector<16xf32>
      %mul3A_1187 = arith.mulf %get3A_1184, %mul3A_1186 : vector<16xf32>
      tpu.vector_store_idx %arg7[%add3A_1177, %broadcast_in_dim3A_1174, %rem3A_4, %add3A_1065], %mul3A_1187 : memref<8x4x8x129xf32, #tpu.memory_space<vmem>>[vector<16xi32>, vector<16xi32>, vector<16xi32>, vector<16xi32>], vector<16xf32>,
      %add3A_1188 = arith.constant 2 : i32
      %add3A_1189 = vector.broadcast %add3A_1188 : i32 to vector<16xi32>
      %add3A_1190 = arith.addi %div3A_6, %add3A_1189 : vector<16xi32>
      %add3A_1191 = arith.constant 256 : i32
      %add3A_1192 = arith.addi %add3A_1191, %add3A_1062 : i32
      %get3A_1193 = arith.constant 0 : i32
      %get3A_1194 = arith.index_cast %get3A_1193 : i32 to index
      %get3A_1195 = arith.index_cast %add3A_1192 : i32 to index
      %get3A_1196 = arith.constant 16 : index
      %get3A_1197 = tpu.vector_load %arg6[%get3A_1194, %get3A_1195, %get3A_1196] {strides = array<i32>} : memref<2x512x64xf32, #tpu.memory_space<vmem>>, vector<16xf32>,
      %mul3A_1198 = arith.constant 8.000000e+00 : f32
      %mul3A_1199 = vector.broadcast %mul3A_1198 : f32 to vector<16xf32>
      %mul3A_1200 = arith.mulf %get3A_1197, %mul3A_1199 : vector<16xf32>
      tpu.vector_store_idx %arg7[%add3A_1190, %broadcast_in_dim3A_1174, %rem3A_4, %add3A_1065], %mul3A_1200 : memref<8x4x8x129xf32, #tpu.memory_space<vmem>>[vector<16xi32>, vector<16xi32>, vector<16xi32>, vector<16xi32>], vector<16xf32>,
      %add3A_1201 = arith.constant 4 : i32
      %add3A_1202 = vector.broadcast %add3A_1201 : i32 to vector<16xi32>
      %add3A_1203 = arith.addi %div3A_6, %add3A_1202 : vector<16xi32>
      %add3A_1204 = arith.constant 256 : i32
      %add3A_1205 = arith.addi %add3A_1204, %add3A_1062 : i32
      %get3A_1206 = arith.constant 0 : i32
      %get3A_1207 = arith.index_cast %get3A_1206 : i32 to index
      %get3A_1208 = arith.index_cast %add3A_1205 : i32 to index
      %get3A_1209 = arith.constant 32 : index
      %get3A_1210 = tpu.vector_load %arg6[%get3A_1207, %get3A_1208, %get3A_1209] {strides = array<i32>} : memref<2x512x64xf32, #tpu.memory_space<vmem>>, vector<16xf32>,
      %mul3A_1211 = arith.constant 8.000000e+00 : f32
      %mul3A_1212 = vector.broadcast %mul3A_1211 : f32 to vector<16xf32>
      %mul3A_1213 = arith.mulf %get3A_1210, %mul3A_1212 : vector<16xf32>
      tpu.vector_store_idx %arg7[%add3A_1203, %broadcast_in_dim3A_1174, %rem3A_4, %add3A_1065], %mul3A_1213 : memref<8x4x8x129xf32, #tpu.memory_space<vmem>>[vector<16xi32>, vector<16xi32>, vector<16xi32>, vector<16xi32>], vector<16xf32>,
      %add3A_1214 = arith.constant 6 : i32
      %add3A_1215 = vector.broadcast %add3A_1214 : i32 to vector<16xi32>
      %add3A_1216 = arith.addi %div3A_6, %add3A_1215 : vector<16xi32>
      %add3A_1217 = arith.constant 256 : i32
      %add3A_1218 = arith.addi %add3A_1217, %add3A_1062 : i32
      %get3A_1219 = arith.constant 0 : i32
      %get3A_1220 = arith.index_cast %get3A_1219 : i32 to index
      %get3A_1221 = arith.index_cast %add3A_1218 : i32 to index
      %get3A_1222 = arith.constant 48 : index
      %get3A_1223 = tpu.vector_load %arg6[%get3A_1220, %get3A_1221, %get3A_1222] {strides = array<i32>} : memref<2x512x64xf32, #tpu.memory_space<vmem>>, vector<16xf32>,
      %mul3A_1224 = arith.constant 8.000000e+00 : f32
      %mul3A_1225 = vector.broadcast %mul3A_1224 : f32 to vector<16xf32>
      %mul3A_1226 = arith.mulf %get3A_1223, %mul3A_1225 : vector<16xf32>
      tpu.vector_store_idx %arg7[%add3A_1216, %broadcast_in_dim3A_1174, %rem3A_4, %add3A_1065], %mul3A_1226 : memref<8x4x8x129xf32, #tpu.memory_space<vmem>>[vector<16xi32>, vector<16xi32>, vector<16xi32>, vector<16xi32>], vector<16xf32>,
      %broadcast_in_dim3A_1227 = arith.constant 3 : i32
      %broadcast_in_dim3A_1228 = vector.broadcast %broadcast_in_dim3A_1227 : i32 to vector<16xi32>
      %add3A_1229 = arith.constant 0 : i32
      %add3A_1230 = vector.broadcast %add3A_1229 : i32 to vector<16xi32>
      %add3A_1231 = arith.addi %div3A_6, %add3A_1230 : vector<16xi32>
      %add3A_1232 = arith.constant 384 : i32
      %add3A_1233 = arith.addi %add3A_1232, %add3A_1062 : i32
      %get3A_1234 = arith.constant 0 : i32
      %get3A_1235 = arith.index_cast %get3A_1234 : i32 to index
      %get3A_1236 = arith.index_cast %add3A_1233 : i32 to index
      %get3A_1237 = arith.constant 0 : index
      %get3A_1238 = tpu.vector_load %arg6[%get3A_1235, %get3A_1236, %get3A_1237] {strides = array<i32>} : memref<2x512x64xf32, #tpu.memory_space<vmem>>, vector<16xf32>,
      %mul3A_1239 = arith.constant 8.000000e+00 : f32
      %mul3A_1240 = vector.broadcast %mul3A_1239 : f32 to vector<16xf32>
      %mul3A_1241 = arith.mulf %get3A_1238, %mul3A_1240 : vector<16xf32>
      tpu.vector_store_idx %arg7[%add3A_1231, %broadcast_in_dim3A_1228, %rem3A_4, %add3A_1065], %mul3A_1241 : memref<8x4x8x129xf32, #tpu.memory_space<vmem>>[vector<16xi32>, vector<16xi32>, vector<16xi32>, vector<16xi32>], vector<16xf32>,
      %add3A_1242 = arith.constant 2 : i32
      %add3A_1243 = vector.broadcast %add3A_1242 : i32 to vector<16xi32>
      %add3A_1244 = arith.addi %div3A_6, %add3A_1243 : vector<16xi32>
      %add3A_1245 = arith.constant 384 : i32
      %add3A_1246 = arith.addi %add3A_1245, %add3A_1062 : i32
      %get3A_1247 = arith.constant 0 : i32
      %get3A_1248 = arith.index_cast %get3A_1247 : i32 to index
      %get3A_1249 = arith.index_cast %add3A_1246 : i32 to index
      %get3A_1250 = arith.constant 16 : index
      %get3A_1251 = tpu.vector_load %arg6[%get3A_1248, %get3A_1249, %get3A_1250] {strides = array<i32>} : memref<2x512x64xf32, #tpu.memory_space<vmem>>, vector<16xf32>,
      %mul3A_1252 = arith.constant 8.000000e+00 : f32
      %mul3A_1253 = vector.broadcast %mul3A_1252 : f32 to vector<16xf32>
      %mul3A_1254 = arith.mulf %get3A_1251, %mul3A_1253 : vector<16xf32>
      tpu.vector_store_idx %arg7[%add3A_1244, %broadcast_in_dim3A_1228, %rem3A_4, %add3A_1065], %mul3A_1254 : memref<8x4x8x129xf32, #tpu.memory_space<vmem>>[vector<16xi32>, vector<16xi32>, vector<16xi32>, vector<16xi32>], vector<16xf32>,
      %add3A_1255 = arith.constant 4 : i32
      %add3A_1256 = vector.broadcast %add3A_1255 : i32 to vector<16xi32>
      %add3A_1257 = arith.addi %div3A_6, %add3A_1256 : vector<16xi32>
      %add3A_1258 = arith.constant 384 : i32
      %add3A_1259 = arith.addi %add3A_1258, %add3A_1062 : i32
      %get3A_1260 = arith.constant 0 : i32
      %get3A_1261 = arith.index_cast %get3A_1260 : i32 to index
      %get3A_1262 = arith.index_cast %add3A_1259 : i32 to index
      %get3A_1263 = arith.constant 32 : index
      %get3A_1264 = tpu.vector_load %arg6[%get3A_1261, %get3A_1262, %get3A_1263] {strides = array<i32>} : memref<2x512x64xf32, #tpu.memory_space<vmem>>, vector<16xf32>,
      %mul3A_1265 = arith.constant 8.000000e+00 : f32
      %mul3A_1266 = vector.broadcast %mul3A_1265 : f32 to vector<16xf32>
      %mul3A_1267 = arith.mulf %get3A_1264, %mul3A_1266 : vector<16xf32>
      tpu.vector_store_idx %arg7[%add3A_1257, %broadcast_in_dim3A_1228, %rem3A_4, %add3A_1065], %mul3A_1267 : memref<8x4x8x129xf32, #tpu.memory_space<vmem>>[vector<16xi32>, vector<16xi32>, vector<16xi32>, vector<16xi32>], vector<16xf32>,
      %add3A_1268 = arith.constant 6 : i32
      %add3A_1269 = vector.broadcast %add3A_1268 : i32 to vector<16xi32>
      %add3A_1270 = arith.addi %div3A_6, %add3A_1269 : vector<16xi32>
      %add3A_1271 = arith.constant 384 : i32
      %add3A_1272 = arith.addi %add3A_1271, %add3A_1062 : i32
      %get3A_1273 = arith.constant 0 : i32
      %get3A_1274 = arith.index_cast %get3A_1273 : i32 to index
      %get3A_1275 = arith.index_cast %add3A_1272 : i32 to index
      %get3A_1276 = arith.constant 48 : index
      %get3A_1277 = tpu.vector_load %arg6[%get3A_1274, %get3A_1275, %get3A_1276] {strides = array<i32>} : memref<2x512x64xf32, #tpu.memory_space<vmem>>, vector<16xf32>,
      %mul3A_1278 = arith.constant 8.000000e+00 : f32
      %mul3A_1279 = vector.broadcast %mul3A_1278 : f32 to vector<16xf32>
      %mul3A_1280 = arith.mulf %get3A_1277, %mul3A_1279 : vector<16xf32>
      tpu.vector_store_idx %arg7[%add3A_1270, %broadcast_in_dim3A_1228, %rem3A_4, %add3A_1065], %mul3A_1280 : memref<8x4x8x129xf32, #tpu.memory_space<vmem>>[vector<16xi32>, vector<16xi32>, vector<16xi32>, vector<16xi32>], vector<16xf32>,
    }
    %scan3A_158 = arith.constant 128 : i32
    %add3A_159 = arith.constant 0 : i32
    %add3A_160 = arith.addi %mul3A_2, %add3A_159 : i32
    %shift_right_logical3A = arith.constant 5 : i32
    %shift_right_logical3A_161 = arith.shrui %add3A_160, %shift_right_logical3A : i32
    %and3A = arith.constant 31 : i32
    %and3A_162 = arith.andi %add3A_160, %and3A : i32
    %mul3A_163 = arith.constant 4 : i32
    %mul3A_164 = arith.muli %and3A_162, %mul3A_163 : i32
    %multiple_of3A_165 = tpu.assume_multiple %mul3A_164, 4 : i32
    %dma_start3A_166 = arith.constant 0 : i32
    %dma_start3A_167 = arith.constant 0 : i32
    %dma_start3A_168 = arith.constant 0 : i32
    %dma_start3A_169 = arith.constant 0 : i32
    %dma_start3A_170 = arith.constant 0 : i32
    %dma_start3A_171 = tpu.memref_slice %arg7[%dma_start3A_166, %dma_start3A_168, %dma_start3A_169, %dma_start3A_170] : memref<8x4x8x129xf32, #tpu.memory_space<vmem>> -> memref<1x4x8x128xf32, #tpu.memory_space<vmem>>
    %dma_start3A_172 = tpu.memref_squeeze %dma_start3A_171 : memref<1x4x8x128xf32, #tpu.memory_space<vmem>> -> memref<4x8x128xf32, #tpu.memory_space<vmem>>
    %dma_start3A_173 = arith.constant 0 : i32
    %dma_start3A_174 = arith.constant 0 : i32
    %dma_start3A_175 = tpu.memref_slice %arg4[%shift_right_logical3A_161, %dma_start3A_167, %multiple_of3A_165, %dma_start3A_173, %dma_start3A_174] : memref<50x8x128x8x128xf32, #tpu.memory_space<hbm>> -> memref<1x1x4x8x128xf32, #tpu.memory_space<hbm>>
    %dma_start3A_176 = tpu.memref_squeeze %dma_start3A_175 : memref<1x1x4x8x128xf32, #tpu.memory_space<hbm>> -> memref<4x8x128xf32, #tpu.memory_space<hbm>>
    %dma_start3A_177 = arith.constant 0 : i32
    %dma_start3A_178 = arith.constant 0 : i32
    %dma_start3A_179 = tpu.memref_slice %arg4[%shift_right_logical3A_161, %dma_start3A_167, %multiple_of3A_165, %dma_start3A_177, %dma_start3A_178] : memref<50x8x128x8x128xf32, #tpu.memory_space<hbm>> -> memref<1x1x4x8x128xf32, #tpu.memory_space<hbm>>
    %dma_start3A_180 = tpu.memref_squeeze %dma_start3A_179 : memref<1x1x4x8x128xf32, #tpu.memory_space<hbm>> -> memref<4x8x128xf32, #tpu.memory_space<hbm>>
    %dma_start3A_181 = arith.constant 0 : i32
    %dma_start3A_182 = arith.constant 0 : i32
    %dma_start3A_183 = arith.constant 0 : i32
    %dma_start3A_184 = tpu.memref_slice %arg7[%dma_start3A_166, %dma_start3A_181, %dma_start3A_182, %dma_start3A_183] : memref<8x4x8x129xf32, #tpu.memory_space<vmem>> -> memref<1x4x8x128xf32, #tpu.memory_space<vmem>>
    %dma_start3A_185 = tpu.memref_squeeze %dma_start3A_184 : memref<1x4x8x128xf32, #tpu.memory_space<vmem>> -> memref<4x8x128xf32, #tpu.memory_space<vmem>>
    tpu.enqueue_dma source(%dma_start3A_185 : memref<4x8x128xf32, #tpu.memory_space<vmem>>) target(%dma_start3A_180 : memref<4x8x128xf32, #tpu.memory_space<hbm>>) target_semaphore(%arg10 : memref<!tpu.dma_semaphore, #tpu.memory_space<semaphore_mem>>)
    %dma_start3A_186 = arith.constant 1 : i32
    %dma_start3A_187 = arith.constant 1 : i32
    %dma_start3A_188 = arith.constant 0 : i32
    %dma_start3A_189 = arith.constant 0 : i32
    %dma_start3A_190 = arith.constant 0 : i32
    %dma_start3A_191 = tpu.memref_slice %arg7[%dma_start3A_186, %dma_start3A_188, %dma_start3A_189, %dma_start3A_190] : memref<8x4x8x129xf32, #tpu.memory_space<vmem>> -> memref<1x4x8x128xf32, #tpu.memory_space<vmem>>
    %dma_start3A_192 = tpu.memref_squeeze %dma_start3A_191 : memref<1x4x8x128xf32, #tpu.memory_space<vmem>> -> memref<4x8x128xf32, #tpu.memory_space<vmem>>
    %dma_start3A_193 = arith.constant 0 : i32
    %dma_start3A_194 = arith.constant 0 : i32
    %dma_start3A_195 = tpu.memref_slice %arg4[%shift_right_logical3A_161, %dma_start3A_187, %multiple_of3A_165, %dma_start3A_193, %dma_start3A_194] : memref<50x8x128x8x128xf32, #tpu.memory_space<hbm>> -> memref<1x1x4x8x128xf32, #tpu.memory_space<hbm>>
    %dma_start3A_196 = tpu.memref_squeeze %dma_start3A_195 : memref<1x1x4x8x128xf32, #tpu.memory_space<hbm>> -> memref<4x8x128xf32, #tpu.memory_space<hbm>>
    %dma_start3A_197 = arith.constant 0 : i32
    %dma_start3A_198 = arith.constant 0 : i32
    %dma_start3A_199 = tpu.memref_slice %arg4[%shift_right_logical3A_161, %dma_start3A_187, %multiple_of3A_165, %dma_start3A_197, %dma_start3A_198] : memref<50x8x128x8x128xf32, #tpu.memory_space<hbm>> -> memref<1x1x4x8x128xf32, #tpu.memory_space<hbm>>
    %dma_start3A_200 = tpu.memref_squeeze %dma_start3A_199 : memref<1x1x4x8x128xf32, #tpu.memory_space<hbm>> -> memref<4x8x128xf32, #tpu.memory_space<hbm>>
    %dma_start3A_201 = arith.constant 0 : i32
    %dma_start3A_202 = arith.constant 0 : i32
    %dma_start3A_203 = arith.constant 0 : i32
    %dma_start3A_204 = tpu.memref_slice %arg7[%dma_start3A_186, %dma_start3A_201, %dma_start3A_202, %dma_start3A_203] : memref<8x4x8x129xf32, #tpu.memory_space<vmem>> -> memref<1x4x8x128xf32, #tpu.memory_space<vmem>>
    %dma_start3A_205 = tpu.memref_squeeze %dma_start3A_204 : memref<1x4x8x128xf32, #tpu.memory_space<vmem>> -> memref<4x8x128xf32, #tpu.memory_space<vmem>>
    tpu.enqueue_dma source(%dma_start3A_205 : memref<4x8x128xf32, #tpu.memory_space<vmem>>) target(%dma_start3A_200 : memref<4x8x128xf32, #tpu.memory_space<hbm>>) target_semaphore(%arg10 : memref<!tpu.dma_semaphore, #tpu.memory_space<semaphore_mem>>)
    %dma_start3A_206 = arith.constant 2 : i32
    %dma_start3A_207 = arith.constant 2 : i32
    %dma_start3A_208 = arith.constant 0 : i32
    %dma_start3A_209 = arith.constant 0 : i32
    %dma_start3A_210 = arith.constant 0 : i32
    %dma_start3A_211 = tpu.memref_slice %arg7[%dma_start3A_206, %dma_start3A_208, %dma_start3A_209, %dma_start3A_210] : memref<8x4x8x129xf32, #tpu.memory_space<vmem>> -> memref<1x4x8x128xf32, #tpu.memory_space<vmem>>
    %dma_start3A_212 = tpu.memref_squeeze %dma_start3A_211 : memref<1x4x8x128xf32, #tpu.memory_space<vmem>> -> memref<4x8x128xf32, #tpu.memory_space<vmem>>
    %dma_start3A_213 = arith.constant 0 : i32
    %dma_start3A_214 = arith.constant 0 : i32
    %dma_start3A_215 = tpu.memref_slice %arg4[%shift_right_logical3A_161, %dma_start3A_207, %multiple_of3A_165, %dma_start3A_213, %dma_start3A_214] : memref<50x8x128x8x128xf32, #tpu.memory_space<hbm>> -> memref<1x1x4x8x128xf32, #tpu.memory_space<hbm>>
    %dma_start3A_216 = tpu.memref_squeeze %dma_start3A_215 : memref<1x1x4x8x128xf32, #tpu.memory_space<hbm>> -> memref<4x8x128xf32, #tpu.memory_space<hbm>>
    %dma_start3A_217 = arith.constant 0 : i32
    %dma_start3A_218 = arith.constant 0 : i32
    %dma_start3A_219 = tpu.memref_slice %arg4[%shift_right_logical3A_161, %dma_start3A_207, %multiple_of3A_165, %dma_start3A_217, %dma_start3A_218] : memref<50x8x128x8x128xf32, #tpu.memory_space<hbm>> -> memref<1x1x4x8x128xf32, #tpu.memory_space<hbm>>
    %dma_start3A_220 = tpu.memref_squeeze %dma_start3A_219 : memref<1x1x4x8x128xf32, #tpu.memory_space<hbm>> -> memref<4x8x128xf32, #tpu.memory_space<hbm>>
    %dma_start3A_221 = arith.constant 0 : i32
    %dma_start3A_222 = arith.constant 0 : i32
    %dma_start3A_223 = arith.constant 0 : i32
    %dma_start3A_224 = tpu.memref_slice %arg7[%dma_start3A_206, %dma_start3A_221, %dma_start3A_222, %dma_start3A_223] : memref<8x4x8x129xf32, #tpu.memory_space<vmem>> -> memref<1x4x8x128xf32, #tpu.memory_space<vmem>>
    %dma_start3A_225 = tpu.memref_squeeze %dma_start3A_224 : memref<1x4x8x128xf32, #tpu.memory_space<vmem>> -> memref<4x8x128xf32, #tpu.memory_space<vmem>>
    tpu.enqueue_dma source(%dma_start3A_225 : memref<4x8x128xf32, #tpu.memory_space<vmem>>) target(%dma_start3A_220 : memref<4x8x128xf32, #tpu.memory_space<hbm>>) target_semaphore(%arg10 : memref<!tpu.dma_semaphore, #tpu.memory_space<semaphore_mem>>)
    %dma_start3A_226 = arith.constant 3 : i32
    %dma_start3A_227 = arith.constant 3 : i32
    %dma_start3A_228 = arith.constant 0 : i32
    %dma_start3A_229 = arith.constant 0 : i32
    %dma_start3A_230 = arith.constant 0 : i32
    %dma_start3A_231 = tpu.memref_slice %arg7[%dma_start3A_226, %dma_start3A_228, %dma_start3A_229, %dma_start3A_230] : memref<8x4x8x129xf32, #tpu.memory_space<vmem>> -> memref<1x4x8x128xf32, #tpu.memory_space<vmem>>
    %dma_start3A_232 = tpu.memref_squeeze %dma_start3A_231 : memref<1x4x8x128xf32, #tpu.memory_space<vmem>> -> memref<4x8x128xf32, #tpu.memory_space<vmem>>
    %dma_start3A_233 = arith.constant 0 : i32
    %dma_start3A_234 = arith.constant 0 : i32
    %dma_start3A_235 = tpu.memref_slice %arg4[%shift_right_logical3A_161, %dma_start3A_227, %multiple_of3A_165, %dma_start3A_233, %dma_start3A_234] : memref<50x8x128x8x128xf32, #tpu.memory_space<hbm>> -> memref<1x1x4x8x128xf32, #tpu.memory_space<hbm>>
    %dma_start3A_236 = tpu.memref_squeeze %dma_start3A_235 : memref<1x1x4x8x128xf32, #tpu.memory_space<hbm>> -> memref<4x8x128xf32, #tpu.memory_space<hbm>>
    %dma_start3A_237 = arith.constant 0 : i32
    %dma_start3A_238 = arith.constant 0 : i32
    %dma_start3A_239 = tpu.memref_slice %arg4[%shift_right_logical3A_161, %dma_start3A_227, %multiple_of3A_165, %dma_start3A_237, %dma_start3A_238] : memref<50x8x128x8x128xf32, #tpu.memory_space<hbm>> -> memref<1x1x4x8x128xf32, #tpu.memory_space<hbm>>
    %dma_start3A_240 = tpu.memref_squeeze %dma_start3A_239 : memref<1x1x4x8x128xf32, #tpu.memory_space<hbm>> -> memref<4x8x128xf32, #tpu.memory_space<hbm>>
    %dma_start3A_241 = arith.constant 0 : i32
    %dma_start3A_242 = arith.constant 0 : i32
    %dma_start3A_243 = arith.constant 0 : i32
    %dma_start3A_244 = tpu.memref_slice %arg7[%dma_start3A_226, %dma_start3A_241, %dma_start3A_242, %dma_start3A_243] : memref<8x4x8x129xf32, #tpu.memory_space<vmem>> -> memref<1x4x8x128xf32, #tpu.memory_space<vmem>>
    %dma_start3A_245 = tpu.memref_squeeze %dma_start3A_244 : memref<1x4x8x128xf32, #tpu.memory_space<vmem>> -> memref<4x8x128xf32, #tpu.memory_space<vmem>>
    tpu.enqueue_dma source(%dma_start3A_245 : memref<4x8x128xf32, #tpu.memory_space<vmem>>) target(%dma_start3A_240 : memref<4x8x128xf32, #tpu.memory_space<hbm>>) target_semaphore(%arg10 : memref<!tpu.dma_semaphore, #tpu.memory_space<semaphore_mem>>)
    %dma_start3A_246 = arith.constant 4 : i32
    %dma_start3A_247 = arith.constant 4 : i32
    %dma_start3A_248 = arith.constant 0 : i32
    %dma_start3A_249 = arith.constant 0 : i32
    %dma_start3A_250 = arith.constant 0 : i32
    %dma_start3A_251 = tpu.memref_slice %arg7[%dma_start3A_246, %dma_start3A_248, %dma_start3A_249, %dma_start3A_250] : memref<8x4x8x129xf32, #tpu.memory_space<vmem>> -> memref<1x4x8x128xf32, #tpu.memory_space<vmem>>
    %dma_start3A_252 = tpu.memref_squeeze %dma_start3A_251 : memref<1x4x8x128xf32, #tpu.memory_space<vmem>> -> memref<4x8x128xf32, #tpu.memory_space<vmem>>
    %dma_start3A_253 = arith.constant 0 : i32
    %dma_start3A_254 = arith.constant 0 : i32
    %dma_start3A_255 = tpu.memref_slice %arg4[%shift_right_logical3A_161, %dma_start3A_247, %multiple_of3A_165, %dma_start3A_253, %dma_start3A_254] : memref<50x8x128x8x128xf32, #tpu.memory_space<hbm>> -> memref<1x1x4x8x128xf32, #tpu.memory_space<hbm>>
    %dma_start3A_256 = tpu.memref_squeeze %dma_start3A_255 : memref<1x1x4x8x128xf32, #tpu.memory_space<hbm>> -> memref<4x8x128xf32, #tpu.memory_space<hbm>>
    %dma_start3A_257 = arith.constant 0 : i32
    %dma_start3A_258 = arith.constant 0 : i32
    %dma_start3A_259 = tpu.memref_slice %arg4[%shift_right_logical3A_161, %dma_start3A_247, %multiple_of3A_165, %dma_start3A_257, %dma_start3A_258] : memref<50x8x128x8x128xf32, #tpu.memory_space<hbm>> -> memref<1x1x4x8x128xf32, #tpu.memory_space<hbm>>
    %dma_start3A_260 = tpu.memref_squeeze %dma_start3A_259 : memref<1x1x4x8x128xf32, #tpu.memory_space<hbm>> -> memref<4x8x128xf32, #tpu.memory_space<hbm>>
    %dma_start3A_261 = arith.constant 0 : i32
    %dma_start3A_262 = arith.constant 0 : i32
    %dma_start3A_263 = arith.constant 0 : i32
    %dma_start3A_264 = tpu.memref_slice %arg7[%dma_start3A_246, %dma_start3A_261, %dma_start3A_262, %dma_start3A_263] : memref<8x4x8x129xf32, #tpu.memory_space<vmem>> -> memref<1x4x8x128xf32, #tpu.memory_space<vmem>>
    %dma_start3A_265 = tpu.memref_squeeze %dma_start3A_264 : memref<1x4x8x128xf32, #tpu.memory_space<vmem>> -> memref<4x8x128xf32, #tpu.memory_space<vmem>>
    tpu.enqueue_dma source(%dma_start3A_265 : memref<4x8x128xf32, #tpu.memory_space<vmem>>) target(%dma_start3A_260 : memref<4x8x128xf32, #tpu.memory_space<hbm>>) target_semaphore(%arg10 : memref<!tpu.dma_semaphore, #tpu.memory_space<semaphore_mem>>)
    %dma_start3A_266 = arith.constant 5 : i32
    %dma_start3A_267 = arith.constant 5 : i32
    %dma_start3A_268 = arith.constant 0 : i32
    %dma_start3A_269 = arith.constant 0 : i32
    %dma_start3A_270 = arith.constant 0 : i32
    %dma_start3A_271 = tpu.memref_slice %arg7[%dma_start3A_266, %dma_start3A_268, %dma_start3A_269, %dma_start3A_270] : memref<8x4x8x129xf32, #tpu.memory_space<vmem>> -> memref<1x4x8x128xf32, #tpu.memory_space<vmem>>
    %dma_start3A_272 = tpu.memref_squeeze %dma_start3A_271 : memref<1x4x8x128xf32, #tpu.memory_space<vmem>> -> memref<4x8x128xf32, #tpu.memory_space<vmem>>
    %dma_start3A_273 = arith.constant 0 : i32
    %dma_start3A_274 = arith.constant 0 : i32
    %dma_start3A_275 = tpu.memref_slice %arg4[%shift_right_logical3A_161, %dma_start3A_267, %multiple_of3A_165, %dma_start3A_273, %dma_start3A_274] : memref<50x8x128x8x128xf32, #tpu.memory_space<hbm>> -> memref<1x1x4x8x128xf32, #tpu.memory_space<hbm>>
    %dma_start3A_276 = tpu.memref_squeeze %dma_start3A_275 : memref<1x1x4x8x128xf32, #tpu.memory_space<hbm>> -> memref<4x8x128xf32, #tpu.memory_space<hbm>>
    %dma_start3A_277 = arith.constant 0 : i32
    %dma_start3A_278 = arith.constant 0 : i32
    %dma_start3A_279 = tpu.memref_slice %arg4[%shift_right_logical3A_161, %dma_start3A_267, %multiple_of3A_165, %dma_start3A_277, %dma_start3A_278] : memref<50x8x128x8x128xf32, #tpu.memory_space<hbm>> -> memref<1x1x4x8x128xf32, #tpu.memory_space<hbm>>
    %dma_start3A_280 = tpu.memref_squeeze %dma_start3A_279 : memref<1x1x4x8x128xf32, #tpu.memory_space<hbm>> -> memref<4x8x128xf32, #tpu.memory_space<hbm>>
    %dma_start3A_281 = arith.constant 0 : i32
    %dma_start3A_282 = arith.constant 0 : i32
    %dma_start3A_283 = arith.constant 0 : i32
    %dma_start3A_284 = tpu.memref_slice %arg7[%dma_start3A_266, %dma_start3A_281, %dma_start3A_282, %dma_start3A_283] : memref<8x4x8x129xf32, #tpu.memory_space<vmem>> -> memref<1x4x8x128xf32, #tpu.memory_space<vmem>>
    %dma_start3A_285 = tpu.memref_squeeze %dma_start3A_284 : memref<1x4x8x128xf32, #tpu.memory_space<vmem>> -> memref<4x8x128xf32, #tpu.memory_space<vmem>>
    tpu.enqueue_dma source(%dma_start3A_285 : memref<4x8x128xf32, #tpu.memory_space<vmem>>) target(%dma_start3A_280 : memref<4x8x128xf32, #tpu.memory_space<hbm>>) target_semaphore(%arg10 : memref<!tpu.dma_semaphore, #tpu.memory_space<semaphore_mem>>)
    %dma_start3A_286 = arith.constant 6 : i32
    %dma_start3A_287 = arith.constant 6 : i32
    %dma_start3A_288 = arith.constant 0 : i32
    %dma_start3A_289 = arith.constant 0 : i32
    %dma_start3A_290 = arith.constant 0 : i32
    %dma_start3A_291 = tpu.memref_slice %arg7[%dma_start3A_286, %dma_start3A_288, %dma_start3A_289, %dma_start3A_290] : memref<8x4x8x129xf32, #tpu.memory_space<vmem>> -> memref<1x4x8x128xf32, #tpu.memory_space<vmem>>
    %dma_start3A_292 = tpu.memref_squeeze %dma_start3A_291 : memref<1x4x8x128xf32, #tpu.memory_space<vmem>> -> memref<4x8x128xf32, #tpu.memory_space<vmem>>
    %dma_start3A_293 = arith.constant 0 : i32
    %dma_start3A_294 = arith.constant 0 : i32
    %dma_start3A_295 = tpu.memref_slice %arg4[%shift_right_logical3A_161, %dma_start3A_287, %multiple_of3A_165, %dma_start3A_293, %dma_start3A_294] : memref<50x8x128x8x128xf32, #tpu.memory_space<hbm>> -> memref<1x1x4x8x128xf32, #tpu.memory_space<hbm>>
    %dma_start3A_296 = tpu.memref_squeeze %dma_start3A_295 : memref<1x1x4x8x128xf32, #tpu.memory_space<hbm>> -> memref<4x8x128xf32, #tpu.memory_space<hbm>>
    %dma_start3A_297 = arith.constant 0 : i32
    %dma_start3A_298 = arith.constant 0 : i32
    %dma_start3A_299 = tpu.memref_slice %arg4[%shift_right_logical3A_161, %dma_start3A_287, %multiple_of3A_165, %dma_start3A_297, %dma_start3A_298] : memref<50x8x128x8x128xf32, #tpu.memory_space<hbm>> -> memref<1x1x4x8x128xf32, #tpu.memory_space<hbm>>
    %dma_start3A_300 = tpu.memref_squeeze %dma_start3A_299 : memref<1x1x4x8x128xf32, #tpu.memory_space<hbm>> -> memref<4x8x128xf32, #tpu.memory_space<hbm>>
    %dma_start3A_301 = arith.constant 0 : i32
    %dma_start3A_302 = arith.constant 0 : i32
    %dma_start3A_303 = arith.constant 0 : i32
    %dma_start3A_304 = tpu.memref_slice %arg7[%dma_start3A_286, %dma_start3A_301, %dma_start3A_302, %dma_start3A_303] : memref<8x4x8x129xf32, #tpu.memory_space<vmem>> -> memref<1x4x8x128xf32, #tpu.memory_space<vmem>>
    %dma_start3A_305 = tpu.memref_squeeze %dma_start3A_304 : memref<1x4x8x128xf32, #tpu.memory_space<vmem>> -> memref<4x8x128xf32, #tpu.memory_space<vmem>>
    tpu.enqueue_dma source(%dma_start3A_305 : memref<4x8x128xf32, #tpu.memory_space<vmem>>) target(%dma_start3A_300 : memref<4x8x128xf32, #tpu.memory_space<hbm>>) target_semaphore(%arg10 : memref<!tpu.dma_semaphore, #tpu.memory_space<semaphore_mem>>)
    %dma_start3A_306 = arith.constant 7 : i32
    %dma_start3A_307 = arith.constant 7 : i32
    %dma_start3A_308 = arith.constant 0 : i32
    %dma_start3A_309 = arith.constant 0 : i32
    %dma_start3A_310 = arith.constant 0 : i32
    %dma_start3A_311 = tpu.memref_slice %arg7[%dma_start3A_306, %dma_start3A_308, %dma_start3A_309, %dma_start3A_310] : memref<8x4x8x129xf32, #tpu.memory_space<vmem>> -> memref<1x4x8x128xf32, #tpu.memory_space<vmem>>
    %dma_start3A_312 = tpu.memref_squeeze %dma_start3A_311 : memref<1x4x8x128xf32, #tpu.memory_space<vmem>> -> memref<4x8x128xf32, #tpu.memory_space<vmem>>
    %dma_start3A_313 = arith.constant 0 : i32
    %dma_start3A_314 = arith.constant 0 : i32
    %dma_start3A_315 = tpu.memref_slice %arg4[%shift_right_logical3A_161, %dma_start3A_307, %multiple_of3A_165, %dma_start3A_313, %dma_start3A_314] : memref<50x8x128x8x128xf32, #tpu.memory_space<hbm>> -> memref<1x1x4x8x128xf32, #tpu.memory_space<hbm>>
    %dma_start3A_316 = tpu.memref_squeeze %dma_start3A_315 : memref<1x1x4x8x128xf32, #tpu.memory_space<hbm>> -> memref<4x8x128xf32, #tpu.memory_space<hbm>>
    %dma_start3A_317 = arith.constant 0 : i32
    %dma_start3A_318 = arith.constant 0 : i32
    %dma_start3A_319 = tpu.memref_slice %arg4[%shift_right_logical3A_161, %dma_start3A_307, %multiple_of3A_165, %dma_start3A_317, %dma_start3A_318] : memref<50x8x128x8x128xf32, #tpu.memory_space<hbm>> -> memref<1x1x4x8x128xf32, #tpu.memory_space<hbm>>
    %dma_start3A_320 = tpu.memref_squeeze %dma_start3A_319 : memref<1x1x4x8x128xf32, #tpu.memory_space<hbm>> -> memref<4x8x128xf32, #tpu.memory_space<hbm>>
    %dma_start3A_321 = arith.constant 0 : i32
    %dma_start3A_322 = arith.constant 0 : i32
    %dma_start3A_323 = arith.constant 0 : i32
    %dma_start3A_324 = tpu.memref_slice %arg7[%dma_start3A_306, %dma_start3A_321, %dma_start3A_322, %dma_start3A_323] : memref<8x4x8x129xf32, #tpu.memory_space<vmem>> -> memref<1x4x8x128xf32, #tpu.memory_space<vmem>>
    %dma_start3A_325 = tpu.memref_squeeze %dma_start3A_324 : memref<1x4x8x128xf32, #tpu.memory_space<vmem>> -> memref<4x8x128xf32, #tpu.memory_space<vmem>>
    tpu.enqueue_dma source(%dma_start3A_325 : memref<4x8x128xf32, #tpu.memory_space<vmem>>) target(%dma_start3A_320 : memref<4x8x128xf32, #tpu.memory_space<hbm>>) target_semaphore(%arg10 : memref<!tpu.dma_semaphore, #tpu.memory_space<semaphore_mem>>)
    %dma_wait3A_326 = arith.constant 0 : i32
    %dma_wait3A_327 = arith.constant 0 : i32
    %dma_wait3A_328 = arith.constant 0 : i32
    %dma_wait3A_329 = tpu.memref_slice %arg5[%dma_wait3A_326, %dma_wait3A_327, %dma_wait3A_328] : memref<2x2x256xi32, #tpu.memory_space<vmem>> -> memref<1x2x256xi32, #tpu.memory_space<vmem>>
    %dma_wait3A_330 = tpu.memref_squeeze %dma_wait3A_329 : memref<1x2x256xi32, #tpu.memory_space<vmem>> -> memref<2x256xi32, #tpu.memory_space<vmem>>
    %dma_wait3A_331 = arith.constant 0 : i32
    %dma_wait3A_332 = arith.constant 0 : i32
    %dma_wait3A_333 = tpu.memref_slice %arg3[%dma_wait3A_331, %dma_wait3A_332] : memref<3200x256xi32, #tpu.memory_space<hbm>> -> memref<2x256xi32, #tpu.memory_space<hbm>>
    %dma_wait3A_334 = arith.constant 0 : i32
    %dma_wait3A_335 = arith.constant 0 : i32
    %dma_wait3A_336 = tpu.memref_slice %arg5[%dma_wait3A_326, %dma_wait3A_334, %dma_wait3A_335] : memref<2x2x256xi32, #tpu.memory_space<vmem>> -> memref<1x2x256xi32, #tpu.memory_space<vmem>>
    %dma_wait3A_337 = tpu.memref_squeeze %dma_wait3A_336 : memref<1x2x256xi32, #tpu.memory_space<vmem>> -> memref<2x256xi32, #tpu.memory_space<vmem>>
    %dma_wait3A_338 = arith.constant 0 : i32
    %dma_wait3A_339 = arith.constant 0 : i32
    %dma_wait3A_340 = tpu.memref_slice %arg3[%dma_wait3A_338, %dma_wait3A_339] : memref<3200x256xi32, #tpu.memory_space<hbm>> -> memref<2x256xi32, #tpu.memory_space<hbm>>
    tpu.wait_dma2 semaphore(%arg11 : memref<!tpu.dma_semaphore, #tpu.memory_space<semaphore_mem>>) src(%dma_wait3A_340 : memref<2x256xi32, #tpu.memory_space<hbm>>) dst(%dma_wait3A_337 : memref<2x256xi32, #tpu.memory_space<vmem>>)
    %dma_start3A_341 = arith.constant 0 : i32
    %dma_start3A_342 = arith.constant 0 : i32
    %dma_start3A_343 = arith.constant 0 : i32
    %dma_start3A_344 = arith.constant 0 : i32
    %dma_start3A_345 = arith.constant 0 : i32
    %dma_start3A_346 = tpu.memref_slice %arg6[%dma_start3A_343, %dma_start3A_344, %dma_start3A_345] : memref<2x512x64xf32, #tpu.memory_space<vmem>> -> memref<1x256x64xf32, #tpu.memory_space<vmem>>
    %dma_start3A_347 = tpu.memref_squeeze %dma_start3A_346 : memref<1x256x64xf32, #tpu.memory_space<vmem>> -> memref<256x64xf32, #tpu.memory_space<vmem>>
    %dma_start3A_348 = arith.constant 0 : i32
    %dma_start3A_349 = tpu.memref_slice %arg5[%dma_start3A_341, %dma_start3A_342, %dma_start3A_348] : memref<2x2x256xi32, #tpu.memory_space<vmem>> -> memref<1x1x256xi32, #tpu.memory_space<vmem>>
    %dma_start3A_350 = tpu.memref_squeeze %dma_start3A_349 : memref<1x1x256xi32, #tpu.memory_space<vmem>> -> memref<256xi32, #tpu.memory_space<vmem>>
    %dma_start3A_351 = arith.constant 0 : i32
    %dma_start3A_352 = arith.constant 0 : i32
    %dma_start3A_353 = tpu.memref_slice %arg2[%dma_start3A_351, %dma_start3A_352] : memref<1000000x64xf32, #tpu.memory_space<hbm>> -> memref<1000000x64xf32, #tpu.memory_space<hbm>>
    tpu.enqueue_indirect_dma source(%dma_start3A_353 : memref<1000000x64xf32, #tpu.memory_space<hbm>>) target(%dma_start3A_347 : memref<256x64xf32, #tpu.memory_space<vmem>>) offsets(%dma_start3A_350 : memref<256xi32, #tpu.memory_space<vmem>>) semaphore(%arg8 : memref<!tpu.dma_semaphore, #tpu.memory_space<semaphore_mem>>)
    %dma_start3A_354 = arith.constant 0 : i32
    %dma_start3A_355 = arith.constant 1 : i32
    %dma_start3A_356 = arith.constant 0 : i32
    %dma_start3A_357 = arith.constant 256 : i32
    %dma_start3A_358 = arith.constant 0 : i32
    %dma_start3A_359 = tpu.memref_slice %arg6[%dma_start3A_356, %dma_start3A_357, %dma_start3A_358] : memref<2x512x64xf32, #tpu.memory_space<vmem>> -> memref<1x256x64xf32, #tpu.memory_space<vmem>>
    %dma_start3A_360 = tpu.memref_squeeze %dma_start3A_359 : memref<1x256x64xf32, #tpu.memory_space<vmem>> -> memref<256x64xf32, #tpu.memory_space<vmem>>
    %dma_start3A_361 = arith.constant 0 : i32
    %dma_start3A_362 = tpu.memref_slice %arg5[%dma_start3A_354, %dma_start3A_355, %dma_start3A_361] : memref<2x2x256xi32, #tpu.memory_space<vmem>> -> memref<1x1x256xi32, #tpu.memory_space<vmem>>
    %dma_start3A_363 = tpu.memref_squeeze %dma_start3A_362 : memref<1x1x256xi32, #tpu.memory_space<vmem>> -> memref<256xi32, #tpu.memory_space<vmem>>
    %dma_start3A_364 = arith.constant 0 : i32
    %dma_start3A_365 = arith.constant 0 : i32
    %dma_start3A_366 = tpu.memref_slice %arg2[%dma_start3A_364, %dma_start3A_365] : memref<1000000x64xf32, #tpu.memory_space<hbm>> -> memref<1000000x64xf32, #tpu.memory_space<hbm>>
    tpu.enqueue_indirect_dma source(%dma_start3A_366 : memref<1000000x64xf32, #tpu.memory_space<hbm>>) target(%dma_start3A_360 : memref<256x64xf32, #tpu.memory_space<vmem>>) offsets(%dma_start3A_363 : memref<256xi32, #tpu.memory_space<vmem>>) semaphore(%arg8 : memref<!tpu.dma_semaphore, #tpu.memory_space<semaphore_mem>>)
    %dma_wait3A_367 = arith.constant 1 : i32
    %dma_wait3A_368 = arith.constant 0 : i32
    %dma_wait3A_369 = arith.constant 0 : i32
    %dma_wait3A_370 = tpu.memref_slice %arg6[%dma_wait3A_367, %dma_wait3A_368, %dma_wait3A_369] : memref<2x512x64xf32, #tpu.memory_space<vmem>> -> memref<1x512x64xf32, #tpu.memory_space<vmem>>
    %dma_wait3A_371 = tpu.memref_squeeze %dma_wait3A_370 : memref<1x512x64xf32, #tpu.memory_space<vmem>> -> memref<512x64xf32, #tpu.memory_space<vmem>>
    %dma_wait3A_372 = arith.constant 0 : i32
    %dma_wait3A_373 = arith.constant 0 : i32
    %dma_wait3A_374 = tpu.memref_slice %arg2[%dma_wait3A_372, %dma_wait3A_373] : memref<1000000x64xf32, #tpu.memory_space<hbm>> -> memref<512x64xf32, #tpu.memory_space<hbm>>
    %dma_wait3A_375 = arith.constant 0 : i32
    %dma_wait3A_376 = arith.constant 0 : i32
    %dma_wait3A_377 = tpu.memref_slice %arg6[%dma_wait3A_367, %dma_wait3A_375, %dma_wait3A_376] : memref<2x512x64xf32, #tpu.memory_space<vmem>> -> memref<1x512x64xf32, #tpu.memory_space<vmem>>
    %dma_wait3A_378 = tpu.memref_squeeze %dma_wait3A_377 : memref<1x512x64xf32, #tpu.memory_space<vmem>> -> memref<512x64xf32, #tpu.memory_space<vmem>>
    %dma_wait3A_379 = arith.constant 0 : i32
    %dma_wait3A_380 = arith.constant 0 : i32
    %dma_wait3A_381 = tpu.memref_slice %arg2[%dma_wait3A_379, %dma_wait3A_380] : memref<1000000x64xf32, #tpu.memory_space<hbm>> -> memref<512x64xf32, #tpu.memory_space<hbm>>
    tpu.wait_dma2 semaphore(%arg9 : memref<!tpu.dma_semaphore, #tpu.memory_space<semaphore_mem>>) src(%dma_wait3A_381 : memref<512x64xf32, #tpu.memory_space<hbm>>) dst(%dma_wait3A_378 : memref<512x64xf32, #tpu.memory_space<vmem>>)
    %add3A_382 = arith.constant 3 : i32
    %add3A_383 = arith.addi %mul3A_2, %add3A_382 : i32
    %mul3A_384 = arith.constant 2 : i32
    %mul3A_385 = arith.muli %add3A_383, %mul3A_384 : i32
    %multiple_of3A_386 = tpu.assume_multiple %mul3A_385, 2 : i32
    %dma_start3A_387 = arith.constant 1 : i32
    %dma_start3A_388 = arith.constant 0 : i32
    %dma_start3A_389 = arith.constant 0 : i32
    %dma_start3A_390 = tpu.memref_slice %arg5[%dma_start3A_387, %dma_start3A_388, %dma_start3A_389] : memref<2x2x256xi32, #tpu.memory_space<vmem>> -> memref<1x2x256xi32, #tpu.memory_space<vmem>>
    %dma_start3A_391 = tpu.memref_squeeze %dma_start3A_390 : memref<1x2x256xi32, #tpu.memory_space<vmem>> -> memref<2x256xi32, #tpu.memory_space<vmem>>
    %dma_start3A_392 = arith.constant 0 : i32
    %dma_start3A_393 = tpu.memref_slice %arg3[%multiple_of3A_386, %dma_start3A_392] : memref<3200x256xi32, #tpu.memory_space<hbm>> -> memref<2x256xi32, #tpu.memory_space<hbm>>
    %dma_start3A_394 = arith.constant 0 : i32
    %dma_start3A_395 = arith.constant 0 : i32
    %dma_start3A_396 = tpu.memref_slice %arg5[%dma_start3A_387, %dma_start3A_394, %dma_start3A_395] : memref<2x2x256xi32, #tpu.memory_space<vmem>> -> memref<1x2x256xi32, #tpu.memory_space<vmem>>
    %dma_start3A_397 = tpu.memref_squeeze %dma_start3A_396 : memref<1x2x256xi32, #tpu.memory_space<vmem>> -> memref<2x256xi32, #tpu.memory_space<vmem>>
    %dma_start3A_398 = arith.constant 0 : i32
    %dma_start3A_399 = tpu.memref_slice %arg3[%multiple_of3A_386, %dma_start3A_398] : memref<3200x256xi32, #tpu.memory_space<hbm>> -> memref<2x256xi32, #tpu.memory_space<hbm>>
    tpu.enqueue_dma source(%dma_start3A_399 : memref<2x256xi32, #tpu.memory_space<hbm>>) target(%dma_start3A_397 : memref<2x256xi32, #tpu.memory_space<vmem>>) target_semaphore(%arg11 : memref<!tpu.dma_semaphore, #tpu.memory_space<semaphore_mem>>)
    %dma_wait3A_400 = arith.constant 0 : i32
    %dma_wait3A_401 = arith.constant 0 : i32
    %dma_wait3A_402 = arith.constant 0 : i32
    %dma_wait3A_403 = tpu.memref_slice %arg6[%dma_wait3A_400, %dma_wait3A_401, %dma_wait3A_402] : memref<2x512x64xf32, #tpu.memory_space<vmem>> -> memref<1x512x64xf32, #tpu.memory_space<vmem>>
    %dma_wait3A_404 = tpu.memref_squeeze %dma_wait3A_403 : memref<1x512x64xf32, #tpu.memory_space<vmem>> -> memref<512x64xf32, #tpu.memory_space<vmem>>
    %dma_wait3A_405 = arith.constant 0 : i32
    %dma_wait3A_406 = arith.constant 0 : i32
    %dma_wait3A_407 = tpu.memref_slice %arg2[%dma_wait3A_405, %dma_wait3A_406] : memref<1000000x64xf32, #tpu.memory_space<hbm>> -> memref<512x64xf32, #tpu.memory_space<hbm>>
    %dma_wait3A_408 = arith.constant 0 : i32
    %dma_wait3A_409 = arith.constant 0 : i32
    %dma_wait3A_410 = tpu.memref_slice %arg6[%dma_wait3A_400, %dma_wait3A_408, %dma_wait3A_409] : memref<2x512x64xf32, #tpu.memory_space<vmem>> -> memref<1x512x64xf32, #tpu.memory_space<vmem>>
    %dma_wait3A_411 = tpu.memref_squeeze %dma_wait3A_410 : memref<1x512x64xf32, #tpu.memory_space<vmem>> -> memref<512x64xf32, #tpu.memory_space<vmem>>
    %dma_wait3A_412 = arith.constant 0 : i32
    %dma_wait3A_413 = arith.constant 0 : i32
    %dma_wait3A_414 = tpu.memref_slice %arg2[%dma_wait3A_412, %dma_wait3A_413] : memref<1000000x64xf32, #tpu.memory_space<hbm>> -> memref<512x64xf32, #tpu.memory_space<hbm>>
    tpu.wait_dma2 semaphore(%arg10 : memref<!tpu.dma_semaphore, #tpu.memory_space<semaphore_mem>>) src(%dma_wait3A_414 : memref<512x64xf32, #tpu.memory_space<hbm>>) dst(%dma_wait3A_411 : memref<512x64xf32, #tpu.memory_space<vmem>>)
    %scan3A_415 = arith.constant 0 : i32
    %scan3A_416 = arith.constant 128 : i32
    %scan3A_417 = arith.addi %scan3A_415, %scan3A_416 : i32
    %scan3A_418 = arith.constant 1 : i32
    scf.for %scan3A_1058 = %scan3A_415 to %scan3A_417 step %scan3A_418  : i32 {
      %mul3A_1059 = arith.constant 1 : i32
      %mul3A_1060 = arith.muli %scan3A_1058, %mul3A_1059 : i32
      %add3A_1061 = arith.constant 0 : i32
      %add3A_1062 = arith.addi %add3A_1061, %mul3A_1060 : i32
      %broadcast_in_dim3A = arith.constant 0 : i32
      %broadcast_in_dim3A_1063 = vector.broadcast %broadcast_in_dim3A : i32 to vector<16xi32>
      %add3A_1064 = vector.broadcast %add3A_1062 : i32 to vector<16xi32>
      %add3A_1065 = arith.addi %broadcast_in_dim3A_1063, %add3A_1064 : vector<16xi32>
      %broadcast_in_dim3A_1066 = arith.constant 0 : i32
      %broadcast_in_dim3A_1067 = vector.broadcast %broadcast_in_dim3A_1066 : i32 to vector<16xi32>
      %add3A_1068 = arith.constant 0 : i32
      %add3A_1069 = vector.broadcast %add3A_1068 : i32 to vector<16xi32>
      %add3A_1070 = arith.addi %div3A_6, %add3A_1069 : vector<16xi32>
      %add3A_1071 = arith.constant 0 : i32
      %add3A_1072 = arith.addi %add3A_1071, %add3A_1062 : i32
      %get3A = arith.constant 1 : i32
      %get3A_1073 = arith.index_cast %get3A : i32 to index
      %get3A_1074 = arith.index_cast %add3A_1072 : i32 to index
      %get3A_1075 = arith.constant 0 : index
      %get3A_1076 = tpu.vector_load %arg6[%get3A_1073, %get3A_1074, %get3A_1075] {strides = array<i32>} : memref<2x512x64xf32, #tpu.memory_space<vmem>>, vector<16xf32>,
      %mul3A_1077 = arith.constant 8.000000e+00 : f32
      %mul3A_1078 = vector.broadcast %mul3A_1077 : f32 to vector<16xf32>
      %mul3A_1079 = arith.mulf %get3A_1076, %mul3A_1078 : vector<16xf32>
      tpu.vector_store_idx %arg7[%add3A_1070, %broadcast_in_dim3A_1067, %rem3A_4, %add3A_1065], %mul3A_1079 : memref<8x4x8x129xf32, #tpu.memory_space<vmem>>[vector<16xi32>, vector<16xi32>, vector<16xi32>, vector<16xi32>], vector<16xf32>,
      %add3A_1080 = arith.constant 2 : i32
      %add3A_1081 = vector.broadcast %add3A_1080 : i32 to vector<16xi32>
      %add3A_1082 = arith.addi %div3A_6, %add3A_1081 : vector<16xi32>
      %add3A_1083 = arith.constant 0 : i32
      %add3A_1084 = arith.addi %add3A_1083, %add3A_1062 : i32
      %get3A_1085 = arith.constant 1 : i32
      %get3A_1086 = arith.index_cast %get3A_1085 : i32 to index
      %get3A_1087 = arith.index_cast %add3A_1084 : i32 to index
      %get3A_1088 = arith.constant 16 : index
      %get3A_1089 = tpu.vector_load %arg6[%get3A_1086, %get3A_1087, %get3A_1088] {strides = array<i32>} : memref<2x512x64xf32, #tpu.memory_space<vmem>>, vector<16xf32>,
      %mul3A_1090 = arith.constant 8.000000e+00 : f32
      %mul3A_1091 = vector.broadcast %mul3A_1090 : f32 to vector<16xf32>
      %mul3A_1092 = arith.mulf %get3A_1089, %mul3A_1091 : vector<16xf32>
      tpu.vector_store_idx %arg7[%add3A_1082, %broadcast_in_dim3A_1067, %rem3A_4, %add3A_1065], %mul3A_1092 : memref<8x4x8x129xf32, #tpu.memory_space<vmem>>[vector<16xi32>, vector<16xi32>, vector<16xi32>, vector<16xi32>], vector<16xf32>,
      %add3A_1093 = arith.constant 4 : i32
      %add3A_1094 = vector.broadcast %add3A_1093 : i32 to vector<16xi32>
      %add3A_1095 = arith.addi %div3A_6, %add3A_1094 : vector<16xi32>
      %add3A_1096 = arith.constant 0 : i32
      %add3A_1097 = arith.addi %add3A_1096, %add3A_1062 : i32
      %get3A_1098 = arith.constant 1 : i32
      %get3A_1099 = arith.index_cast %get3A_1098 : i32 to index
      %get3A_1100 = arith.index_cast %add3A_1097 : i32 to index
      %get3A_1101 = arith.constant 32 : index
      %get3A_1102 = tpu.vector_load %arg6[%get3A_1099, %get3A_1100, %get3A_1101] {strides = array<i32>} : memref<2x512x64xf32, #tpu.memory_space<vmem>>, vector<16xf32>,
      %mul3A_1103 = arith.constant 8.000000e+00 : f32
      %mul3A_1104 = vector.broadcast %mul3A_1103 : f32 to vector<16xf32>
      %mul3A_1105 = arith.mulf %get3A_1102, %mul3A_1104 : vector<16xf32>
      tpu.vector_store_idx %arg7[%add3A_1095, %broadcast_in_dim3A_1067, %rem3A_4, %add3A_1065], %mul3A_1105 : memref<8x4x8x129xf32, #tpu.memory_space<vmem>>[vector<16xi32>, vector<16xi32>, vector<16xi32>, vector<16xi32>], vector<16xf32>,
      %add3A_1106 = arith.constant 6 : i32
      %add3A_1107 = vector.broadcast %add3A_1106 : i32 to vector<16xi32>
      %add3A_1108 = arith.addi %div3A_6, %add3A_1107 : vector<16xi32>
      %add3A_1109 = arith.constant 0 : i32
      %add3A_1110 = arith.addi %add3A_1109, %add3A_1062 : i32
      %get3A_1111 = arith.constant 1 : i32
      %get3A_1112 = arith.index_cast %get3A_1111 : i32 to index
      %get3A_1113 = arith.index_cast %add3A_1110 : i32 to index
      %get3A_1114 = arith.constant 48 : index
      %get3A_1115 = tpu.vector_load %arg6[%get3A_1112, %get3A_1113, %get3A_1114] {strides = array<i32>} : memref<2x512x64xf32, #tpu.memory_space<vmem>>, vector<16xf32>,
      %mul3A_1116 = arith.constant 8.000000e+00 : f32
      %mul3A_1117 = vector.broadcast %mul3A_1116 : f32 to vector<16xf32>
      %mul3A_1118 = arith.mulf %get3A_1115, %mul3A_1117 : vector<16xf32>
      tpu.vector_store_idx %arg7[%add3A_1108, %broadcast_in_dim3A_1067, %rem3A_4, %add3A_1065], %mul3A_1118 : memref<8x4x8x129xf32, #tpu.memory_space<vmem>>[vector<16xi32>, vector<16xi32>, vector<16xi32>, vector<16xi32>], vector<16xf32>,
      %broadcast_in_dim3A_1119 = arith.constant 1 : i32
      %broadcast_in_dim3A_1120 = vector.broadcast %broadcast_in_dim3A_1119 : i32 to vector<16xi32>
      %add3A_1121 = arith.constant 0 : i32
      %add3A_1122 = vector.broadcast %add3A_1121 : i32 to vector<16xi32>
      %add3A_1123 = arith.addi %div3A_6, %add3A_1122 : vector<16xi32>
      %add3A_1124 = arith.constant 128 : i32
      %add3A_1125 = arith.addi %add3A_1124, %add3A_1062 : i32
      %get3A_1126 = arith.constant 1 : i32
      %get3A_1127 = arith.index_cast %get3A_1126 : i32 to index
      %get3A_1128 = arith.index_cast %add3A_1125 : i32 to index
      %get3A_1129 = arith.constant 0 : index
      %get3A_1130 = tpu.vector_load %arg6[%get3A_1127, %get3A_1128, %get3A_1129] {strides = array<i32>} : memref<2x512x64xf32, #tpu.memory_space<vmem>>, vector<16xf32>,
      %mul3A_1131 = arith.constant 8.000000e+00 : f32
      %mul3A_1132 = vector.broadcast %mul3A_1131 : f32 to vector<16xf32>
      %mul3A_1133 = arith.mulf %get3A_1130, %mul3A_1132 : vector<16xf32>
      tpu.vector_store_idx %arg7[%add3A_1123, %broadcast_in_dim3A_1120, %rem3A_4, %add3A_1065], %mul3A_1133 : memref<8x4x8x129xf32, #tpu.memory_space<vmem>>[vector<16xi32>, vector<16xi32>, vector<16xi32>, vector<16xi32>], vector<16xf32>,
      %add3A_1134 = arith.constant 2 : i32
      %add3A_1135 = vector.broadcast %add3A_1134 : i32 to vector<16xi32>
      %add3A_1136 = arith.addi %div3A_6, %add3A_1135 : vector<16xi32>
      %add3A_1137 = arith.constant 128 : i32
      %add3A_1138 = arith.addi %add3A_1137, %add3A_1062 : i32
      %get3A_1139 = arith.constant 1 : i32
      %get3A_1140 = arith.index_cast %get3A_1139 : i32 to index
      %get3A_1141 = arith.index_cast %add3A_1138 : i32 to index
      %get3A_1142 = arith.constant 16 : index
      %get3A_1143 = tpu.vector_load %arg6[%get3A_1140, %get3A_1141, %get3A_1142] {strides = array<i32>} : memref<2x512x64xf32, #tpu.memory_space<vmem>>, vector<16xf32>,
      %mul3A_1144 = arith.constant 8.000000e+00 : f32
      %mul3A_1145 = vector.broadcast %mul3A_1144 : f32 to vector<16xf32>
      %mul3A_1146 = arith.mulf %get3A_1143, %mul3A_1145 : vector<16xf32>
      tpu.vector_store_idx %arg7[%add3A_1136, %broadcast_in_dim3A_1120, %rem3A_4, %add3A_1065], %mul3A_1146 : memref<8x4x8x129xf32, #tpu.memory_space<vmem>>[vector<16xi32>, vector<16xi32>, vector<16xi32>, vector<16xi32>], vector<16xf32>,
      %add3A_1147 = arith.constant 4 : i32
      %add3A_1148 = vector.broadcast %add3A_1147 : i32 to vector<16xi32>
      %add3A_1149 = arith.addi %div3A_6, %add3A_1148 : vector<16xi32>
      %add3A_1150 = arith.constant 128 : i32
      %add3A_1151 = arith.addi %add3A_1150, %add3A_1062 : i32
      %get3A_1152 = arith.constant 1 : i32
      %get3A_1153 = arith.index_cast %get3A_1152 : i32 to index
      %get3A_1154 = arith.index_cast %add3A_1151 : i32 to index
      %get3A_1155 = arith.constant 32 : index
      %get3A_1156 = tpu.vector_load %arg6[%get3A_1153, %get3A_1154, %get3A_1155] {strides = array<i32>} : memref<2x512x64xf32, #tpu.memory_space<vmem>>, vector<16xf32>,
      %mul3A_1157 = arith.constant 8.000000e+00 : f32
      %mul3A_1158 = vector.broadcast %mul3A_1157 : f32 to vector<16xf32>
      %mul3A_1159 = arith.mulf %get3A_1156, %mul3A_1158 : vector<16xf32>
      tpu.vector_store_idx %arg7[%add3A_1149, %broadcast_in_dim3A_1120, %rem3A_4, %add3A_1065], %mul3A_1159 : memref<8x4x8x129xf32, #tpu.memory_space<vmem>>[vector<16xi32>, vector<16xi32>, vector<16xi32>, vector<16xi32>], vector<16xf32>,
      %add3A_1160 = arith.constant 6 : i32
      %add3A_1161 = vector.broadcast %add3A_1160 : i32 to vector<16xi32>
      %add3A_1162 = arith.addi %div3A_6, %add3A_1161 : vector<16xi32>
      %add3A_1163 = arith.constant 128 : i32
      %add3A_1164 = arith.addi %add3A_1163, %add3A_1062 : i32
      %get3A_1165 = arith.constant 1 : i32
      %get3A_1166 = arith.index_cast %get3A_1165 : i32 to index
      %get3A_1167 = arith.index_cast %add3A_1164 : i32 to index
      %get3A_1168 = arith.constant 48 : index
      %get3A_1169 = tpu.vector_load %arg6[%get3A_1166, %get3A_1167, %get3A_1168] {strides = array<i32>} : memref<2x512x64xf32, #tpu.memory_space<vmem>>, vector<16xf32>,
      %mul3A_1170 = arith.constant 8.000000e+00 : f32
      %mul3A_1171 = vector.broadcast %mul3A_1170 : f32 to vector<16xf32>
      %mul3A_1172 = arith.mulf %get3A_1169, %mul3A_1171 : vector<16xf32>
      tpu.vector_store_idx %arg7[%add3A_1162, %broadcast_in_dim3A_1120, %rem3A_4, %add3A_1065], %mul3A_1172 : memref<8x4x8x129xf32, #tpu.memory_space<vmem>>[vector<16xi32>, vector<16xi32>, vector<16xi32>, vector<16xi32>], vector<16xf32>,
      %broadcast_in_dim3A_1173 = arith.constant 2 : i32
      %broadcast_in_dim3A_1174 = vector.broadcast %broadcast_in_dim3A_1173 : i32 to vector<16xi32>
      %add3A_1175 = arith.constant 0 : i32
      %add3A_1176 = vector.broadcast %add3A_1175 : i32 to vector<16xi32>
      %add3A_1177 = arith.addi %div3A_6, %add3A_1176 : vector<16xi32>
      %add3A_1178 = arith.constant 256 : i32
      %add3A_1179 = arith.addi %add3A_1178, %add3A_1062 : i32
      %get3A_1180 = arith.constant 1 : i32
      %get3A_1181 = arith.index_cast %get3A_1180 : i32 to index
      %get3A_1182 = arith.index_cast %add3A_1179 : i32 to index
      %get3A_1183 = arith.constant 0 : index
      %get3A_1184 = tpu.vector_load %arg6[%get3A_1181, %get3A_1182, %get3A_1183] {strides = array<i32>} : memref<2x512x64xf32, #tpu.memory_space<vmem>>, vector<16xf32>,
      %mul3A_1185 = arith.constant 8.000000e+00 : f32
      %mul3A_1186 = vector.broadcast %mul3A_1185 : f32 to vector<16xf32>
      %mul3A_1187 = arith.mulf %get3A_1184, %mul3A_1186 : vector<16xf32>
      tpu.vector_store_idx %arg7[%add3A_1177, %broadcast_in_dim3A_1174, %rem3A_4, %add3A_1065], %mul3A_1187 : memref<8x4x8x129xf32, #tpu.memory_space<vmem>>[vector<16xi32>, vector<16xi32>, vector<16xi32>, vector<16xi32>], vector<16xf32>,
      %add3A_1188 = arith.constant 2 : i32
      %add3A_1189 = vector.broadcast %add3A_1188 : i32 to vector<16xi32>
      %add3A_1190 = arith.addi %div3A_6, %add3A_1189 : vector<16xi32>
      %add3A_1191 = arith.constant 256 : i32
      %add3A_1192 = arith.addi %add3A_1191, %add3A_1062 : i32
      %get3A_1193 = arith.constant 1 : i32
      %get3A_1194 = arith.index_cast %get3A_1193 : i32 to index
      %get3A_1195 = arith.index_cast %add3A_1192 : i32 to index
      %get3A_1196 = arith.constant 16 : index
      %get3A_1197 = tpu.vector_load %arg6[%get3A_1194, %get3A_1195, %get3A_1196] {strides = array<i32>} : memref<2x512x64xf32, #tpu.memory_space<vmem>>, vector<16xf32>,
      %mul3A_1198 = arith.constant 8.000000e+00 : f32
      %mul3A_1199 = vector.broadcast %mul3A_1198 : f32 to vector<16xf32>
      %mul3A_1200 = arith.mulf %get3A_1197, %mul3A_1199 : vector<16xf32>
      tpu.vector_store_idx %arg7[%add3A_1190, %broadcast_in_dim3A_1174, %rem3A_4, %add3A_1065], %mul3A_1200 : memref<8x4x8x129xf32, #tpu.memory_space<vmem>>[vector<16xi32>, vector<16xi32>, vector<16xi32>, vector<16xi32>], vector<16xf32>,
      %add3A_1201 = arith.constant 4 : i32
      %add3A_1202 = vector.broadcast %add3A_1201 : i32 to vector<16xi32>
      %add3A_1203 = arith.addi %div3A_6, %add3A_1202 : vector<16xi32>
      %add3A_1204 = arith.constant 256 : i32
      %add3A_1205 = arith.addi %add3A_1204, %add3A_1062 : i32
      %get3A_1206 = arith.constant 1 : i32
      %get3A_1207 = arith.index_cast %get3A_1206 : i32 to index
      %get3A_1208 = arith.index_cast %add3A_1205 : i32 to index
      %get3A_1209 = arith.constant 32 : index
      %get3A_1210 = tpu.vector_load %arg6[%get3A_1207, %get3A_1208, %get3A_1209] {strides = array<i32>} : memref<2x512x64xf32, #tpu.memory_space<vmem>>, vector<16xf32>,
      %mul3A_1211 = arith.constant 8.000000e+00 : f32
      %mul3A_1212 = vector.broadcast %mul3A_1211 : f32 to vector<16xf32>
      %mul3A_1213 = arith.mulf %get3A_1210, %mul3A_1212 : vector<16xf32>
      tpu.vector_store_idx %arg7[%add3A_1203, %broadcast_in_dim3A_1174, %rem3A_4, %add3A_1065], %mul3A_1213 : memref<8x4x8x129xf32, #tpu.memory_space<vmem>>[vector<16xi32>, vector<16xi32>, vector<16xi32>, vector<16xi32>], vector<16xf32>,
      %add3A_1214 = arith.constant 6 : i32
      %add3A_1215 = vector.broadcast %add3A_1214 : i32 to vector<16xi32>
      %add3A_1216 = arith.addi %div3A_6, %add3A_1215 : vector<16xi32>
      %add3A_1217 = arith.constant 256 : i32
      %add3A_1218 = arith.addi %add3A_1217, %add3A_1062 : i32
      %get3A_1219 = arith.constant 1 : i32
      %get3A_1220 = arith.index_cast %get3A_1219 : i32 to index
      %get3A_1221 = arith.index_cast %add3A_1218 : i32 to index
      %get3A_1222 = arith.constant 48 : index
      %get3A_1223 = tpu.vector_load %arg6[%get3A_1220, %get3A_1221, %get3A_1222] {strides = array<i32>} : memref<2x512x64xf32, #tpu.memory_space<vmem>>, vector<16xf32>,
      %mul3A_1224 = arith.constant 8.000000e+00 : f32
      %mul3A_1225 = vector.broadcast %mul3A_1224 : f32 to vector<16xf32>
      %mul3A_1226 = arith.mulf %get3A_1223, %mul3A_1225 : vector<16xf32>
      tpu.vector_store_idx %arg7[%add3A_1216, %broadcast_in_dim3A_1174, %rem3A_4, %add3A_1065], %mul3A_1226 : memref<8x4x8x129xf32, #tpu.memory_space<vmem>>[vector<16xi32>, vector<16xi32>, vector<16xi32>, vector<16xi32>], vector<16xf32>,
      %broadcast_in_dim3A_1227 = arith.constant 3 : i32
      %broadcast_in_dim3A_1228 = vector.broadcast %broadcast_in_dim3A_1227 : i32 to vector<16xi32>
      %add3A_1229 = arith.constant 0 : i32
      %add3A_1230 = vector.broadcast %add3A_1229 : i32 to vector<16xi32>
      %add3A_1231 = arith.addi %div3A_6, %add3A_1230 : vector<16xi32>
      %add3A_1232 = arith.constant 384 : i32
      %add3A_1233 = arith.addi %add3A_1232, %add3A_1062 : i32
      %get3A_1234 = arith.constant 1 : i32
      %get3A_1235 = arith.index_cast %get3A_1234 : i32 to index
      %get3A_1236 = arith.index_cast %add3A_1233 : i32 to index
      %get3A_1237 = arith.constant 0 : index
      %get3A_1238 = tpu.vector_load %arg6[%get3A_1235, %get3A_1236, %get3A_1237] {strides = array<i32>} : memref<2x512x64xf32, #tpu.memory_space<vmem>>, vector<16xf32>,
      %mul3A_1239 = arith.constant 8.000000e+00 : f32
      %mul3A_1240 = vector.broadcast %mul3A_1239 : f32 to vector<16xf32>
      %mul3A_1241 = arith.mulf %get3A_1238, %mul3A_1240 : vector<16xf32>
      tpu.vector_store_idx %arg7[%add3A_1231, %broadcast_in_dim3A_1228, %rem3A_4, %add3A_1065], %mul3A_1241 : memref<8x4x8x129xf32, #tpu.memory_space<vmem>>[vector<16xi32>, vector<16xi32>, vector<16xi32>, vector<16xi32>], vector<16xf32>,
      %add3A_1242 = arith.constant 2 : i32
      %add3A_1243 = vector.broadcast %add3A_1242 : i32 to vector<16xi32>
      %add3A_1244 = arith.addi %div3A_6, %add3A_1243 : vector<16xi32>
      %add3A_1245 = arith.constant 384 : i32
      %add3A_1246 = arith.addi %add3A_1245, %add3A_1062 : i32
      %get3A_1247 = arith.constant 1 : i32
      %get3A_1248 = arith.index_cast %get3A_1247 : i32 to index
      %get3A_1249 = arith.index_cast %add3A_1246 : i32 to index
      %get3A_1250 = arith.constant 16 : index
      %get3A_1251 = tpu.vector_load %arg6[%get3A_1248, %get3A_1249, %get3A_1250] {strides = array<i32>} : memref<2x512x64xf32, #tpu.memory_space<vmem>>, vector<16xf32>,
      %mul3A_1252 = arith.constant 8.000000e+00 : f32
      %mul3A_1253 = vector.broadcast %mul3A_1252 : f32 to vector<16xf32>
      %mul3A_1254 = arith.mulf %get3A_1251, %mul3A_1253 : vector<16xf32>
      tpu.vector_store_idx %arg7[%add3A_1244, %broadcast_in_dim3A_1228, %rem3A_4, %add3A_1065], %mul3A_1254 : memref<8x4x8x129xf32, #tpu.memory_space<vmem>>[vector<16xi32>, vector<16xi32>, vector<16xi32>, vector<16xi32>], vector<16xf32>,
      %add3A_1255 = arith.constant 4 : i32
      %add3A_1256 = vector.broadcast %add3A_1255 : i32 to vector<16xi32>
      %add3A_1257 = arith.addi %div3A_6, %add3A_1256 : vector<16xi32>
      %add3A_1258 = arith.constant 384 : i32
      %add3A_1259 = arith.addi %add3A_1258, %add3A_1062 : i32
      %get3A_1260 = arith.constant 1 : i32
      %get3A_1261 = arith.index_cast %get3A_1260 : i32 to index
      %get3A_1262 = arith.index_cast %add3A_1259 : i32 to index
      %get3A_1263 = arith.constant 32 : index
      %get3A_1264 = tpu.vector_load %arg6[%get3A_1261, %get3A_1262, %get3A_1263] {strides = array<i32>} : memref<2x512x64xf32, #tpu.memory_space<vmem>>, vector<16xf32>,
      %mul3A_1265 = arith.constant 8.000000e+00 : f32
      %mul3A_1266 = vector.broadcast %mul3A_1265 : f32 to vector<16xf32>
      %mul3A_1267 = arith.mulf %get3A_1264, %mul3A_1266 : vector<16xf32>
      tpu.vector_store_idx %arg7[%add3A_1257, %broadcast_in_dim3A_1228, %rem3A_4, %add3A_1065], %mul3A_1267 : memref<8x4x8x129xf32, #tpu.memory_space<vmem>>[vector<16xi32>, vector<16xi32>, vector<16xi32>, vector<16xi32>], vector<16xf32>,
      %add3A_1268 = arith.constant 6 : i32
      %add3A_1269 = vector.broadcast %add3A_1268 : i32 to vector<16xi32>
      %add3A_1270 = arith.addi %div3A_6, %add3A_1269 : vector<16xi32>
      %add3A_1271 = arith.constant 384 : i32
      %add3A_1272 = arith.addi %add3A_1271, %add3A_1062 : i32
      %get3A_1273 = arith.constant 1 : i32
      %get3A_1274 = arith.index_cast %get3A_1273 : i32 to index
      %get3A_1275 = arith.index_cast %add3A_1272 : i32 to index
      %get3A_1276 = arith.constant 48 : index
      %get3A_1277 = tpu.vector_load %arg6[%get3A_1274, %get3A_1275, %get3A_1276] {strides = array<i32>} : memref<2x512x64xf32, #tpu.memory_space<vmem>>, vector<16xf32>,
      %mul3A_1278 = arith.constant 8.000000e+00 : f32
      %mul3A_1279 = vector.broadcast %mul3A_1278 : f32 to vector<16xf32>
      %mul3A_1280 = arith.mulf %get3A_1277, %mul3A_1279 : vector<16xf32>
      tpu.vector_store_idx %arg7[%add3A_1270, %broadcast_in_dim3A_1228, %rem3A_4, %add3A_1065], %mul3A_1280 : memref<8x4x8x129xf32, #tpu.memory_space<vmem>>[vector<16xi32>, vector<16xi32>, vector<16xi32>, vector<16xi32>], vector<16xf32>,
    }
    %scan3A_419 = arith.constant 128 : i32
    %add3A_420 = arith.constant 1 : i32
    %add3A_421 = arith.addi %mul3A_2, %add3A_420 : i32
    %shift_right_logical3A_422 = arith.constant 5 : i32
    %shift_right_logical3A_423 = arith.shrui %add3A_421, %shift_right_logical3A_422 : i32
    %and3A_424 = arith.constant 31 : i32
    %and3A_425 = arith.andi %add3A_421, %and3A_424 : i32
    %mul3A_426 = arith.constant 4 : i32
    %mul3A_427 = arith.muli %and3A_425, %mul3A_426 : i32
    %multiple_of3A_428 = tpu.assume_multiple %mul3A_427, 4 : i32
    %dma_start3A_429 = arith.constant 0 : i32
    %dma_start3A_430 = arith.constant 0 : i32
    %dma_start3A_431 = arith.constant 0 : i32
    %dma_start3A_432 = arith.constant 0 : i32
    %dma_start3A_433 = arith.constant 0 : i32
    %dma_start3A_434 = tpu.memref_slice %arg7[%dma_start3A_429, %dma_start3A_431, %dma_start3A_432, %dma_start3A_433] : memref<8x4x8x129xf32, #tpu.memory_space<vmem>> -> memref<1x4x8x128xf32, #tpu.memory_space<vmem>>
    %dma_start3A_435 = tpu.memref_squeeze %dma_start3A_434 : memref<1x4x8x128xf32, #tpu.memory_space<vmem>> -> memref<4x8x128xf32, #tpu.memory_space<vmem>>
    %dma_start3A_436 = arith.constant 0 : i32
    %dma_start3A_437 = arith.constant 0 : i32
    %dma_start3A_438 = tpu.memref_slice %arg4[%shift_right_logical3A_423, %dma_start3A_430, %multiple_of3A_428, %dma_start3A_436, %dma_start3A_437] : memref<50x8x128x8x128xf32, #tpu.memory_space<hbm>> -> memref<1x1x4x8x128xf32, #tpu.memory_space<hbm>>
    %dma_start3A_439 = tpu.memref_squeeze %dma_start3A_438 : memref<1x1x4x8x128xf32, #tpu.memory_space<hbm>> -> memref<4x8x128xf32, #tpu.memory_space<hbm>>
    %dma_start3A_440 = arith.constant 0 : i32
    %dma_start3A_441 = arith.constant 0 : i32
    %dma_start3A_442 = tpu.memref_slice %arg4[%shift_right_logical3A_423, %dma_start3A_430, %multiple_of3A_428, %dma_start3A_440, %dma_start3A_441] : memref<50x8x128x8x128xf32, #tpu.memory_space<hbm>> -> memref<1x1x4x8x128xf32, #tpu.memory_space<hbm>>
    %dma_start3A_443 = tpu.memref_squeeze %dma_start3A_442 : memref<1x1x4x8x128xf32, #tpu.memory_space<hbm>> -> memref<4x8x128xf32, #tpu.memory_space<hbm>>
    %dma_start3A_444 = arith.constant 0 : i32
    %dma_start3A_445 = arith.constant 0 : i32
    %dma_start3A_446 = arith.constant 0 : i32
    %dma_start3A_447 = tpu.memref_slice %arg7[%dma_start3A_429, %dma_start3A_444, %dma_start3A_445, %dma_start3A_446] : memref<8x4x8x129xf32, #tpu.memory_space<vmem>> -> memref<1x4x8x128xf32, #tpu.memory_space<vmem>>
    %dma_start3A_448 = tpu.memref_squeeze %dma_start3A_447 : memref<1x4x8x128xf32, #tpu.memory_space<vmem>> -> memref<4x8x128xf32, #tpu.memory_space<vmem>>
    tpu.enqueue_dma source(%dma_start3A_448 : memref<4x8x128xf32, #tpu.memory_space<vmem>>) target(%dma_start3A_443 : memref<4x8x128xf32, #tpu.memory_space<hbm>>) target_semaphore(%arg10 : memref<!tpu.dma_semaphore, #tpu.memory_space<semaphore_mem>>)
    %dma_start3A_449 = arith.constant 1 : i32
    %dma_start3A_450 = arith.constant 1 : i32
    %dma_start3A_451 = arith.constant 0 : i32
    %dma_start3A_452 = arith.constant 0 : i32
    %dma_start3A_453 = arith.constant 0 : i32
    %dma_start3A_454 = tpu.memref_slice %arg7[%dma_start3A_449, %dma_start3A_451, %dma_start3A_452, %dma_start3A_453] : memref<8x4x8x129xf32, #tpu.memory_space<vmem>> -> memref<1x4x8x128xf32, #tpu.memory_space<vmem>>
    %dma_start3A_455 = tpu.memref_squeeze %dma_start3A_454 : memref<1x4x8x128xf32, #tpu.memory_space<vmem>> -> memref<4x8x128xf32, #tpu.memory_space<vmem>>
    %dma_start3A_456 = arith.constant 0 : i32
    %dma_start3A_457 = arith.constant 0 : i32
    %dma_start3A_458 = tpu.memref_slice %arg4[%shift_right_logical3A_423, %dma_start3A_450, %multiple_of3A_428, %dma_start3A_456, %dma_start3A_457] : memref<50x8x128x8x128xf32, #tpu.memory_space<hbm>> -> memref<1x1x4x8x128xf32, #tpu.memory_space<hbm>>
    %dma_start3A_459 = tpu.memref_squeeze %dma_start3A_458 : memref<1x1x4x8x128xf32, #tpu.memory_space<hbm>> -> memref<4x8x128xf32, #tpu.memory_space<hbm>>
    %dma_start3A_460 = arith.constant 0 : i32
    %dma_start3A_461 = arith.constant 0 : i32
    %dma_start3A_462 = tpu.memref_slice %arg4[%shift_right_logical3A_423, %dma_start3A_450, %multiple_of3A_428, %dma_start3A_460, %dma_start3A_461] : memref<50x8x128x8x128xf32, #tpu.memory_space<hbm>> -> memref<1x1x4x8x128xf32, #tpu.memory_space<hbm>>
    %dma_start3A_463 = tpu.memref_squeeze %dma_start3A_462 : memref<1x1x4x8x128xf32, #tpu.memory_space<hbm>> -> memref<4x8x128xf32, #tpu.memory_space<hbm>>
    %dma_start3A_464 = arith.constant 0 : i32
    %dma_start3A_465 = arith.constant 0 : i32
    %dma_start3A_466 = arith.constant 0 : i32
    %dma_start3A_467 = tpu.memref_slice %arg7[%dma_start3A_449, %dma_start3A_464, %dma_start3A_465, %dma_start3A_466] : memref<8x4x8x129xf32, #tpu.memory_space<vmem>> -> memref<1x4x8x128xf32, #tpu.memory_space<vmem>>
    %dma_start3A_468 = tpu.memref_squeeze %dma_start3A_467 : memref<1x4x8x128xf32, #tpu.memory_space<vmem>> -> memref<4x8x128xf32, #tpu.memory_space<vmem>>
    tpu.enqueue_dma source(%dma_start3A_468 : memref<4x8x128xf32, #tpu.memory_space<vmem>>) target(%dma_start3A_463 : memref<4x8x128xf32, #tpu.memory_space<hbm>>) target_semaphore(%arg10 : memref<!tpu.dma_semaphore, #tpu.memory_space<semaphore_mem>>)
    %dma_start3A_469 = arith.constant 2 : i32
    %dma_start3A_470 = arith.constant 2 : i32
    %dma_start3A_471 = arith.constant 0 : i32
    %dma_start3A_472 = arith.constant 0 : i32
    %dma_start3A_473 = arith.constant 0 : i32
    %dma_start3A_474 = tpu.memref_slice %arg7[%dma_start3A_469, %dma_start3A_471, %dma_start3A_472, %dma_start3A_473] : memref<8x4x8x129xf32, #tpu.memory_space<vmem>> -> memref<1x4x8x128xf32, #tpu.memory_space<vmem>>
    %dma_start3A_475 = tpu.memref_squeeze %dma_start3A_474 : memref<1x4x8x128xf32, #tpu.memory_space<vmem>> -> memref<4x8x128xf32, #tpu.memory_space<vmem>>
    %dma_start3A_476 = arith.constant 0 : i32
    %dma_start3A_477 = arith.constant 0 : i32
    %dma_start3A_478 = tpu.memref_slice %arg4[%shift_right_logical3A_423, %dma_start3A_470, %multiple_of3A_428, %dma_start3A_476, %dma_start3A_477] : memref<50x8x128x8x128xf32, #tpu.memory_space<hbm>> -> memref<1x1x4x8x128xf32, #tpu.memory_space<hbm>>
    %dma_start3A_479 = tpu.memref_squeeze %dma_start3A_478 : memref<1x1x4x8x128xf32, #tpu.memory_space<hbm>> -> memref<4x8x128xf32, #tpu.memory_space<hbm>>
    %dma_start3A_480 = arith.constant 0 : i32
    %dma_start3A_481 = arith.constant 0 : i32
    %dma_start3A_482 = tpu.memref_slice %arg4[%shift_right_logical3A_423, %dma_start3A_470, %multiple_of3A_428, %dma_start3A_480, %dma_start3A_481] : memref<50x8x128x8x128xf32, #tpu.memory_space<hbm>> -> memref<1x1x4x8x128xf32, #tpu.memory_space<hbm>>
    %dma_start3A_483 = tpu.memref_squeeze %dma_start3A_482 : memref<1x1x4x8x128xf32, #tpu.memory_space<hbm>> -> memref<4x8x128xf32, #tpu.memory_space<hbm>>
    %dma_start3A_484 = arith.constant 0 : i32
    %dma_start3A_485 = arith.constant 0 : i32
    %dma_start3A_486 = arith.constant 0 : i32
    %dma_start3A_487 = tpu.memref_slice %arg7[%dma_start3A_469, %dma_start3A_484, %dma_start3A_485, %dma_start3A_486] : memref<8x4x8x129xf32, #tpu.memory_space<vmem>> -> memref<1x4x8x128xf32, #tpu.memory_space<vmem>>
    %dma_start3A_488 = tpu.memref_squeeze %dma_start3A_487 : memref<1x4x8x128xf32, #tpu.memory_space<vmem>> -> memref<4x8x128xf32, #tpu.memory_space<vmem>>
    tpu.enqueue_dma source(%dma_start3A_488 : memref<4x8x128xf32, #tpu.memory_space<vmem>>) target(%dma_start3A_483 : memref<4x8x128xf32, #tpu.memory_space<hbm>>) target_semaphore(%arg10 : memref<!tpu.dma_semaphore, #tpu.memory_space<semaphore_mem>>)
    %dma_start3A_489 = arith.constant 3 : i32
    %dma_start3A_490 = arith.constant 3 : i32
    %dma_start3A_491 = arith.constant 0 : i32
    %dma_start3A_492 = arith.constant 0 : i32
    %dma_start3A_493 = arith.constant 0 : i32
    %dma_start3A_494 = tpu.memref_slice %arg7[%dma_start3A_489, %dma_start3A_491, %dma_start3A_492, %dma_start3A_493] : memref<8x4x8x129xf32, #tpu.memory_space<vmem>> -> memref<1x4x8x128xf32, #tpu.memory_space<vmem>>
    %dma_start3A_495 = tpu.memref_squeeze %dma_start3A_494 : memref<1x4x8x128xf32, #tpu.memory_space<vmem>> -> memref<4x8x128xf32, #tpu.memory_space<vmem>>
    %dma_start3A_496 = arith.constant 0 : i32
    %dma_start3A_497 = arith.constant 0 : i32
    %dma_start3A_498 = tpu.memref_slice %arg4[%shift_right_logical3A_423, %dma_start3A_490, %multiple_of3A_428, %dma_start3A_496, %dma_start3A_497] : memref<50x8x128x8x128xf32, #tpu.memory_space<hbm>> -> memref<1x1x4x8x128xf32, #tpu.memory_space<hbm>>
    %dma_start3A_499 = tpu.memref_squeeze %dma_start3A_498 : memref<1x1x4x8x128xf32, #tpu.memory_space<hbm>> -> memref<4x8x128xf32, #tpu.memory_space<hbm>>
    %dma_start3A_500 = arith.constant 0 : i32
    %dma_start3A_501 = arith.constant 0 : i32
    %dma_start3A_502 = tpu.memref_slice %arg4[%shift_right_logical3A_423, %dma_start3A_490, %multiple_of3A_428, %dma_start3A_500, %dma_start3A_501] : memref<50x8x128x8x128xf32, #tpu.memory_space<hbm>> -> memref<1x1x4x8x128xf32, #tpu.memory_space<hbm>>
    %dma_start3A_503 = tpu.memref_squeeze %dma_start3A_502 : memref<1x1x4x8x128xf32, #tpu.memory_space<hbm>> -> memref<4x8x128xf32, #tpu.memory_space<hbm>>
    %dma_start3A_504 = arith.constant 0 : i32
    %dma_start3A_505 = arith.constant 0 : i32
    %dma_start3A_506 = arith.constant 0 : i32
    %dma_start3A_507 = tpu.memref_slice %arg7[%dma_start3A_489, %dma_start3A_504, %dma_start3A_505, %dma_start3A_506] : memref<8x4x8x129xf32, #tpu.memory_space<vmem>> -> memref<1x4x8x128xf32, #tpu.memory_space<vmem>>
    %dma_start3A_508 = tpu.memref_squeeze %dma_start3A_507 : memref<1x4x8x128xf32, #tpu.memory_space<vmem>> -> memref<4x8x128xf32, #tpu.memory_space<vmem>>
    tpu.enqueue_dma source(%dma_start3A_508 : memref<4x8x128xf32, #tpu.memory_space<vmem>>) target(%dma_start3A_503 : memref<4x8x128xf32, #tpu.memory_space<hbm>>) target_semaphore(%arg10 : memref<!tpu.dma_semaphore, #tpu.memory_space<semaphore_mem>>)
    %dma_start3A_509 = arith.constant 4 : i32
    %dma_start3A_510 = arith.constant 4 : i32
    %dma_start3A_511 = arith.constant 0 : i32
    %dma_start3A_512 = arith.constant 0 : i32
    %dma_start3A_513 = arith.constant 0 : i32
    %dma_start3A_514 = tpu.memref_slice %arg7[%dma_start3A_509, %dma_start3A_511, %dma_start3A_512, %dma_start3A_513] : memref<8x4x8x129xf32, #tpu.memory_space<vmem>> -> memref<1x4x8x128xf32, #tpu.memory_space<vmem>>
    %dma_start3A_515 = tpu.memref_squeeze %dma_start3A_514 : memref<1x4x8x128xf32, #tpu.memory_space<vmem>> -> memref<4x8x128xf32, #tpu.memory_space<vmem>>
    %dma_start3A_516 = arith.constant 0 : i32
    %dma_start3A_517 = arith.constant 0 : i32
    %dma_start3A_518 = tpu.memref_slice %arg4[%shift_right_logical3A_423, %dma_start3A_510, %multiple_of3A_428, %dma_start3A_516, %dma_start3A_517] : memref<50x8x128x8x128xf32, #tpu.memory_space<hbm>> -> memref<1x1x4x8x128xf32, #tpu.memory_space<hbm>>
    %dma_start3A_519 = tpu.memref_squeeze %dma_start3A_518 : memref<1x1x4x8x128xf32, #tpu.memory_space<hbm>> -> memref<4x8x128xf32, #tpu.memory_space<hbm>>
    %dma_start3A_520 = arith.constant 0 : i32
    %dma_start3A_521 = arith.constant 0 : i32
    %dma_start3A_522 = tpu.memref_slice %arg4[%shift_right_logical3A_423, %dma_start3A_510, %multiple_of3A_428, %dma_start3A_520, %dma_start3A_521] : memref<50x8x128x8x128xf32, #tpu.memory_space<hbm>> -> memref<1x1x4x8x128xf32, #tpu.memory_space<hbm>>
    %dma_start3A_523 = tpu.memref_squeeze %dma_start3A_522 : memref<1x1x4x8x128xf32, #tpu.memory_space<hbm>> -> memref<4x8x128xf32, #tpu.memory_space<hbm>>
    %dma_start3A_524 = arith.constant 0 : i32
    %dma_start3A_525 = arith.constant 0 : i32
    %dma_start3A_526 = arith.constant 0 : i32
    %dma_start3A_527 = tpu.memref_slice %arg7[%dma_start3A_509, %dma_start3A_524, %dma_start3A_525, %dma_start3A_526] : memref<8x4x8x129xf32, #tpu.memory_space<vmem>> -> memref<1x4x8x128xf32, #tpu.memory_space<vmem>>
    %dma_start3A_528 = tpu.memref_squeeze %dma_start3A_527 : memref<1x4x8x128xf32, #tpu.memory_space<vmem>> -> memref<4x8x128xf32, #tpu.memory_space<vmem>>
    tpu.enqueue_dma source(%dma_start3A_528 : memref<4x8x128xf32, #tpu.memory_space<vmem>>) target(%dma_start3A_523 : memref<4x8x128xf32, #tpu.memory_space<hbm>>) target_semaphore(%arg10 : memref<!tpu.dma_semaphore, #tpu.memory_space<semaphore_mem>>)
    %dma_start3A_529 = arith.constant 5 : i32
    %dma_start3A_530 = arith.constant 5 : i32
    %dma_start3A_531 = arith.constant 0 : i32
    %dma_start3A_532 = arith.constant 0 : i32
    %dma_start3A_533 = arith.constant 0 : i32
    %dma_start3A_534 = tpu.memref_slice %arg7[%dma_start3A_529, %dma_start3A_531, %dma_start3A_532, %dma_start3A_533] : memref<8x4x8x129xf32, #tpu.memory_space<vmem>> -> memref<1x4x8x128xf32, #tpu.memory_space<vmem>>
    %dma_start3A_535 = tpu.memref_squeeze %dma_start3A_534 : memref<1x4x8x128xf32, #tpu.memory_space<vmem>> -> memref<4x8x128xf32, #tpu.memory_space<vmem>>
    %dma_start3A_536 = arith.constant 0 : i32
    %dma_start3A_537 = arith.constant 0 : i32
    %dma_start3A_538 = tpu.memref_slice %arg4[%shift_right_logical3A_423, %dma_start3A_530, %multiple_of3A_428, %dma_start3A_536, %dma_start3A_537] : memref<50x8x128x8x128xf32, #tpu.memory_space<hbm>> -> memref<1x1x4x8x128xf32, #tpu.memory_space<hbm>>
    %dma_start3A_539 = tpu.memref_squeeze %dma_start3A_538 : memref<1x1x4x8x128xf32, #tpu.memory_space<hbm>> -> memref<4x8x128xf32, #tpu.memory_space<hbm>>
    %dma_start3A_540 = arith.constant 0 : i32
    %dma_start3A_541 = arith.constant 0 : i32
    %dma_start3A_542 = tpu.memref_slice %arg4[%shift_right_logical3A_423, %dma_start3A_530, %multiple_of3A_428, %dma_start3A_540, %dma_start3A_541] : memref<50x8x128x8x128xf32, #tpu.memory_space<hbm>> -> memref<1x1x4x8x128xf32, #tpu.memory_space<hbm>>
    %dma_start3A_543 = tpu.memref_squeeze %dma_start3A_542 : memref<1x1x4x8x128xf32, #tpu.memory_space<hbm>> -> memref<4x8x128xf32, #tpu.memory_space<hbm>>
    %dma_start3A_544 = arith.constant 0 : i32
    %dma_start3A_545 = arith.constant 0 : i32
    %dma_start3A_546 = arith.constant 0 : i32
    %dma_start3A_547 = tpu.memref_slice %arg7[%dma_start3A_529, %dma_start3A_544, %dma_start3A_545, %dma_start3A_546] : memref<8x4x8x129xf32, #tpu.memory_space<vmem>> -> memref<1x4x8x128xf32, #tpu.memory_space<vmem>>
    %dma_start3A_548 = tpu.memref_squeeze %dma_start3A_547 : memref<1x4x8x128xf32, #tpu.memory_space<vmem>> -> memref<4x8x128xf32, #tpu.memory_space<vmem>>
    tpu.enqueue_dma source(%dma_start3A_548 : memref<4x8x128xf32, #tpu.memory_space<vmem>>) target(%dma_start3A_543 : memref<4x8x128xf32, #tpu.memory_space<hbm>>) target_semaphore(%arg10 : memref<!tpu.dma_semaphore, #tpu.memory_space<semaphore_mem>>)
    %dma_start3A_549 = arith.constant 6 : i32
    %dma_start3A_550 = arith.constant 6 : i32
    %dma_start3A_551 = arith.constant 0 : i32
    %dma_start3A_552 = arith.constant 0 : i32
    %dma_start3A_553 = arith.constant 0 : i32
    %dma_start3A_554 = tpu.memref_slice %arg7[%dma_start3A_549, %dma_start3A_551, %dma_start3A_552, %dma_start3A_553] : memref<8x4x8x129xf32, #tpu.memory_space<vmem>> -> memref<1x4x8x128xf32, #tpu.memory_space<vmem>>
    %dma_start3A_555 = tpu.memref_squeeze %dma_start3A_554 : memref<1x4x8x128xf32, #tpu.memory_space<vmem>> -> memref<4x8x128xf32, #tpu.memory_space<vmem>>
    %dma_start3A_556 = arith.constant 0 : i32
    %dma_start3A_557 = arith.constant 0 : i32
    %dma_start3A_558 = tpu.memref_slice %arg4[%shift_right_logical3A_423, %dma_start3A_550, %multiple_of3A_428, %dma_start3A_556, %dma_start3A_557] : memref<50x8x128x8x128xf32, #tpu.memory_space<hbm>> -> memref<1x1x4x8x128xf32, #tpu.memory_space<hbm>>
    %dma_start3A_559 = tpu.memref_squeeze %dma_start3A_558 : memref<1x1x4x8x128xf32, #tpu.memory_space<hbm>> -> memref<4x8x128xf32, #tpu.memory_space<hbm>>
    %dma_start3A_560 = arith.constant 0 : i32
    %dma_start3A_561 = arith.constant 0 : i32
    %dma_start3A_562 = tpu.memref_slice %arg4[%shift_right_logical3A_423, %dma_start3A_550, %multiple_of3A_428, %dma_start3A_560, %dma_start3A_561] : memref<50x8x128x8x128xf32, #tpu.memory_space<hbm>> -> memref<1x1x4x8x128xf32, #tpu.memory_space<hbm>>
    %dma_start3A_563 = tpu.memref_squeeze %dma_start3A_562 : memref<1x1x4x8x128xf32, #tpu.memory_space<hbm>> -> memref<4x8x128xf32, #tpu.memory_space<hbm>>
    %dma_start3A_564 = arith.constant 0 : i32
    %dma_start3A_565 = arith.constant 0 : i32
    %dma_start3A_566 = arith.constant 0 : i32
    %dma_start3A_567 = tpu.memref_slice %arg7[%dma_start3A_549, %dma_start3A_564, %dma_start3A_565, %dma_start3A_566] : memref<8x4x8x129xf32, #tpu.memory_space<vmem>> -> memref<1x4x8x128xf32, #tpu.memory_space<vmem>>
    %dma_start3A_568 = tpu.memref_squeeze %dma_start3A_567 : memref<1x4x8x128xf32, #tpu.memory_space<vmem>> -> memref<4x8x128xf32, #tpu.memory_space<vmem>>
    tpu.enqueue_dma source(%dma_start3A_568 : memref<4x8x128xf32, #tpu.memory_space<vmem>>) target(%dma_start3A_563 : memref<4x8x128xf32, #tpu.memory_space<hbm>>) target_semaphore(%arg10 : memref<!tpu.dma_semaphore, #tpu.memory_space<semaphore_mem>>)
    %dma_start3A_569 = arith.constant 7 : i32
    %dma_start3A_570 = arith.constant 7 : i32
    %dma_start3A_571 = arith.constant 0 : i32
    %dma_start3A_572 = arith.constant 0 : i32
    %dma_start3A_573 = arith.constant 0 : i32
    %dma_start3A_574 = tpu.memref_slice %arg7[%dma_start3A_569, %dma_start3A_571, %dma_start3A_572, %dma_start3A_573] : memref<8x4x8x129xf32, #tpu.memory_space<vmem>> -> memref<1x4x8x128xf32, #tpu.memory_space<vmem>>
    %dma_start3A_575 = tpu.memref_squeeze %dma_start3A_574 : memref<1x4x8x128xf32, #tpu.memory_space<vmem>> -> memref<4x8x128xf32, #tpu.memory_space<vmem>>
    %dma_start3A_576 = arith.constant 0 : i32
    %dma_start3A_577 = arith.constant 0 : i32
    %dma_start3A_578 = tpu.memref_slice %arg4[%shift_right_logical3A_423, %dma_start3A_570, %multiple_of3A_428, %dma_start3A_576, %dma_start3A_577] : memref<50x8x128x8x128xf32, #tpu.memory_space<hbm>> -> memref<1x1x4x8x128xf32, #tpu.memory_space<hbm>>
    %dma_start3A_579 = tpu.memref_squeeze %dma_start3A_578 : memref<1x1x4x8x128xf32, #tpu.memory_space<hbm>> -> memref<4x8x128xf32, #tpu.memory_space<hbm>>
    %dma_start3A_580 = arith.constant 0 : i32
    %dma_start3A_581 = arith.constant 0 : i32
    %dma_start3A_582 = tpu.memref_slice %arg4[%shift_right_logical3A_423, %dma_start3A_570, %multiple_of3A_428, %dma_start3A_580, %dma_start3A_581] : memref<50x8x128x8x128xf32, #tpu.memory_space<hbm>> -> memref<1x1x4x8x128xf32, #tpu.memory_space<hbm>>
    %dma_start3A_583 = tpu.memref_squeeze %dma_start3A_582 : memref<1x1x4x8x128xf32, #tpu.memory_space<hbm>> -> memref<4x8x128xf32, #tpu.memory_space<hbm>>
    %dma_start3A_584 = arith.constant 0 : i32
    %dma_start3A_585 = arith.constant 0 : i32
    %dma_start3A_586 = arith.constant 0 : i32
    %dma_start3A_587 = tpu.memref_slice %arg7[%dma_start3A_569, %dma_start3A_584, %dma_start3A_585, %dma_start3A_586] : memref<8x4x8x129xf32, #tpu.memory_space<vmem>> -> memref<1x4x8x128xf32, #tpu.memory_space<vmem>>
    %dma_start3A_588 = tpu.memref_squeeze %dma_start3A_587 : memref<1x4x8x128xf32, #tpu.memory_space<vmem>> -> memref<4x8x128xf32, #tpu.memory_space<vmem>>
    tpu.enqueue_dma source(%dma_start3A_588 : memref<4x8x128xf32, #tpu.memory_space<vmem>>) target(%dma_start3A_583 : memref<4x8x128xf32, #tpu.memory_space<hbm>>) target_semaphore(%arg10 : memref<!tpu.dma_semaphore, #tpu.memory_space<semaphore_mem>>)
    %scan3A_589 = arith.constant 0 : i32
    %scan3A_590 = arith.constant 23 : i32
    %scan3A_591 = arith.addi %scan3A_589, %scan3A_590 : i32
    %scan3A_592 = arith.constant 1 : i32
    scf.for %scan3A_1058 = %scan3A_589 to %scan3A_591 step %scan3A_592  : i32 {
      %mul3A_1059 = arith.constant 2 : i32
      %mul3A_1060 = arith.muli %scan3A_1058, %mul3A_1059 : i32
      %add3A_1061 = arith.constant 2 : i32
      %add3A_1062 = arith.addi %add3A_1061, %mul3A_1060 : i32
      %add3A_1063 = arith.constant 0 : i32
      %add3A_1064 = arith.addi %add3A_1062, %add3A_1063 : i32
      %dma_wait3A_1065 = arith.constant 1 : i32
      %dma_wait3A_1066 = arith.constant 0 : i32
      %dma_wait3A_1067 = arith.constant 0 : i32
      %dma_wait3A_1068 = tpu.memref_slice %arg5[%dma_wait3A_1065, %dma_wait3A_1066, %dma_wait3A_1067] : memref<2x2x256xi32, #tpu.memory_space<vmem>> -> memref<1x2x256xi32, #tpu.memory_space<vmem>>
      %dma_wait3A_1069 = tpu.memref_squeeze %dma_wait3A_1068 : memref<1x2x256xi32, #tpu.memory_space<vmem>> -> memref<2x256xi32, #tpu.memory_space<vmem>>
      %dma_wait3A_1070 = arith.constant 0 : i32
      %dma_wait3A_1071 = arith.constant 0 : i32
      %dma_wait3A_1072 = tpu.memref_slice %arg3[%dma_wait3A_1070, %dma_wait3A_1071] : memref<3200x256xi32, #tpu.memory_space<hbm>> -> memref<2x256xi32, #tpu.memory_space<hbm>>
      %dma_wait3A_1073 = arith.constant 0 : i32
      %dma_wait3A_1074 = arith.constant 0 : i32
      %dma_wait3A_1075 = tpu.memref_slice %arg5[%dma_wait3A_1065, %dma_wait3A_1073, %dma_wait3A_1074] : memref<2x2x256xi32, #tpu.memory_space<vmem>> -> memref<1x2x256xi32, #tpu.memory_space<vmem>>
      %dma_wait3A_1076 = tpu.memref_squeeze %dma_wait3A_1075 : memref<1x2x256xi32, #tpu.memory_space<vmem>> -> memref<2x256xi32, #tpu.memory_space<vmem>>
      %dma_wait3A_1077 = arith.constant 0 : i32
      %dma_wait3A_1078 = arith.constant 0 : i32
      %dma_wait3A_1079 = tpu.memref_slice %arg3[%dma_wait3A_1077, %dma_wait3A_1078] : memref<3200x256xi32, #tpu.memory_space<hbm>> -> memref<2x256xi32, #tpu.memory_space<hbm>>
      tpu.wait_dma2 semaphore(%arg11 : memref<!tpu.dma_semaphore, #tpu.memory_space<semaphore_mem>>) src(%dma_wait3A_1079 : memref<2x256xi32, #tpu.memory_space<hbm>>) dst(%dma_wait3A_1076 : memref<2x256xi32, #tpu.memory_space<vmem>>)
      %dma_start3A_1080 = arith.constant 1 : i32
      %dma_start3A_1081 = arith.constant 0 : i32
      %dma_start3A_1082 = arith.constant 1 : i32
      %dma_start3A_1083 = arith.constant 0 : i32
      %dma_start3A_1084 = arith.constant 0 : i32
      %dma_start3A_1085 = tpu.memref_slice %arg6[%dma_start3A_1082, %dma_start3A_1083, %dma_start3A_1084] : memref<2x512x64xf32, #tpu.memory_space<vmem>> -> memref<1x256x64xf32, #tpu.memory_space<vmem>>
      %dma_start3A_1086 = tpu.memref_squeeze %dma_start3A_1085 : memref<1x256x64xf32, #tpu.memory_space<vmem>> -> memref<256x64xf32, #tpu.memory_space<vmem>>
      %dma_start3A_1087 = arith.constant 0 : i32
      %dma_start3A_1088 = tpu.memref_slice %arg5[%dma_start3A_1080, %dma_start3A_1081, %dma_start3A_1087] : memref<2x2x256xi32, #tpu.memory_space<vmem>> -> memref<1x1x256xi32, #tpu.memory_space<vmem>>
      %dma_start3A_1089 = tpu.memref_squeeze %dma_start3A_1088 : memref<1x1x256xi32, #tpu.memory_space<vmem>> -> memref<256xi32, #tpu.memory_space<vmem>>
      %dma_start3A_1090 = arith.constant 0 : i32
      %dma_start3A_1091 = arith.constant 0 : i32
      %dma_start3A_1092 = tpu.memref_slice %arg2[%dma_start3A_1090, %dma_start3A_1091] : memref<1000000x64xf32, #tpu.memory_space<hbm>> -> memref<1000000x64xf32, #tpu.memory_space<hbm>>
      tpu.enqueue_indirect_dma source(%dma_start3A_1092 : memref<1000000x64xf32, #tpu.memory_space<hbm>>) target(%dma_start3A_1086 : memref<256x64xf32, #tpu.memory_space<vmem>>) offsets(%dma_start3A_1089 : memref<256xi32, #tpu.memory_space<vmem>>) semaphore(%arg9 : memref<!tpu.dma_semaphore, #tpu.memory_space<semaphore_mem>>)
      %dma_start3A_1093 = arith.constant 1 : i32
      %dma_start3A_1094 = arith.constant 1 : i32
      %dma_start3A_1095 = arith.constant 1 : i32
      %dma_start3A_1096 = arith.constant 256 : i32
      %dma_start3A_1097 = arith.constant 0 : i32
      %dma_start3A_1098 = tpu.memref_slice %arg6[%dma_start3A_1095, %dma_start3A_1096, %dma_start3A_1097] : memref<2x512x64xf32, #tpu.memory_space<vmem>> -> memref<1x256x64xf32, #tpu.memory_space<vmem>>
      %dma_start3A_1099 = tpu.memref_squeeze %dma_start3A_1098 : memref<1x256x64xf32, #tpu.memory_space<vmem>> -> memref<256x64xf32, #tpu.memory_space<vmem>>
      %dma_start3A_1100 = arith.constant 0 : i32
      %dma_start3A_1101 = tpu.memref_slice %arg5[%dma_start3A_1093, %dma_start3A_1094, %dma_start3A_1100] : memref<2x2x256xi32, #tpu.memory_space<vmem>> -> memref<1x1x256xi32, #tpu.memory_space<vmem>>
      %dma_start3A_1102 = tpu.memref_squeeze %dma_start3A_1101 : memref<1x1x256xi32, #tpu.memory_space<vmem>> -> memref<256xi32, #tpu.memory_space<vmem>>
      %dma_start3A_1103 = arith.constant 0 : i32
      %dma_start3A_1104 = arith.constant 0 : i32
      %dma_start3A_1105 = tpu.memref_slice %arg2[%dma_start3A_1103, %dma_start3A_1104] : memref<1000000x64xf32, #tpu.memory_space<hbm>> -> memref<1000000x64xf32, #tpu.memory_space<hbm>>
      tpu.enqueue_indirect_dma source(%dma_start3A_1105 : memref<1000000x64xf32, #tpu.memory_space<hbm>>) target(%dma_start3A_1099 : memref<256x64xf32, #tpu.memory_space<vmem>>) offsets(%dma_start3A_1102 : memref<256xi32, #tpu.memory_space<vmem>>) semaphore(%arg9 : memref<!tpu.dma_semaphore, #tpu.memory_space<semaphore_mem>>)
      %dma_wait3A_1106 = arith.constant 0 : i32
      %dma_wait3A_1107 = arith.constant 0 : i32
      %dma_wait3A_1108 = arith.constant 0 : i32
      %dma_wait3A_1109 = tpu.memref_slice %arg6[%dma_wait3A_1106, %dma_wait3A_1107, %dma_wait3A_1108] : memref<2x512x64xf32, #tpu.memory_space<vmem>> -> memref<1x512x64xf32, #tpu.memory_space<vmem>>
      %dma_wait3A_1110 = tpu.memref_squeeze %dma_wait3A_1109 : memref<1x512x64xf32, #tpu.memory_space<vmem>> -> memref<512x64xf32, #tpu.memory_space<vmem>>
      %dma_wait3A_1111 = arith.constant 0 : i32
      %dma_wait3A_1112 = arith.constant 0 : i32
      %dma_wait3A_1113 = tpu.memref_slice %arg2[%dma_wait3A_1111, %dma_wait3A_1112] : memref<1000000x64xf32, #tpu.memory_space<hbm>> -> memref<512x64xf32, #tpu.memory_space<hbm>>
      %dma_wait3A_1114 = arith.constant 0 : i32
      %dma_wait3A_1115 = arith.constant 0 : i32
      %dma_wait3A_1116 = tpu.memref_slice %arg6[%dma_wait3A_1106, %dma_wait3A_1114, %dma_wait3A_1115] : memref<2x512x64xf32, #tpu.memory_space<vmem>> -> memref<1x512x64xf32, #tpu.memory_space<vmem>>
      %dma_wait3A_1117 = tpu.memref_squeeze %dma_wait3A_1116 : memref<1x512x64xf32, #tpu.memory_space<vmem>> -> memref<512x64xf32, #tpu.memory_space<vmem>>
      %dma_wait3A_1118 = arith.constant 0 : i32
      %dma_wait3A_1119 = arith.constant 0 : i32
      %dma_wait3A_1120 = tpu.memref_slice %arg2[%dma_wait3A_1118, %dma_wait3A_1119] : memref<1000000x64xf32, #tpu.memory_space<hbm>> -> memref<512x64xf32, #tpu.memory_space<hbm>>
      tpu.wait_dma2 semaphore(%arg8 : memref<!tpu.dma_semaphore, #tpu.memory_space<semaphore_mem>>) src(%dma_wait3A_1120 : memref<512x64xf32, #tpu.memory_space<hbm>>) dst(%dma_wait3A_1117 : memref<512x64xf32, #tpu.memory_space<vmem>>)
      %add3A_1121 = arith.constant 2 : i32
      %add3A_1122 = arith.addi %add3A_1064, %add3A_1121 : i32
      %add3A_1123 = arith.addi %mul3A_2, %add3A_1122 : i32
      %mul3A_1124 = arith.constant 2 : i32
      %mul3A_1125 = arith.muli %add3A_1123, %mul3A_1124 : i32
      %multiple_of3A_1126 = tpu.assume_multiple %mul3A_1125, 2 : i32
      %dma_start3A_1127 = arith.constant 0 : i32
      %dma_start3A_1128 = arith.constant 0 : i32
      %dma_start3A_1129 = arith.constant 0 : i32
      %dma_start3A_1130 = tpu.memref_slice %arg5[%dma_start3A_1127, %dma_start3A_1128, %dma_start3A_1129] : memref<2x2x256xi32, #tpu.memory_space<vmem>> -> memref<1x2x256xi32, #tpu.memory_space<vmem>>
      %dma_start3A_1131 = tpu.memref_squeeze %dma_start3A_1130 : memref<1x2x256xi32, #tpu.memory_space<vmem>> -> memref<2x256xi32, #tpu.memory_space<vmem>>
      %dma_start3A_1132 = arith.constant 0 : i32
      %dma_start3A_1133 = tpu.memref_slice %arg3[%multiple_of3A_1126, %dma_start3A_1132] : memref<3200x256xi32, #tpu.memory_space<hbm>> -> memref<2x256xi32, #tpu.memory_space<hbm>>
      %dma_start3A_1134 = arith.constant 0 : i32
      %dma_start3A_1135 = arith.constant 0 : i32
      %dma_start3A_1136 = tpu.memref_slice %arg5[%dma_start3A_1127, %dma_start3A_1134, %dma_start3A_1135] : memref<2x2x256xi32, #tpu.memory_space<vmem>> -> memref<1x2x256xi32, #tpu.memory_space<vmem>>
      %dma_start3A_1137 = tpu.memref_squeeze %dma_start3A_1136 : memref<1x2x256xi32, #tpu.memory_space<vmem>> -> memref<2x256xi32, #tpu.memory_space<vmem>>
      %dma_start3A_1138 = arith.constant 0 : i32
      %dma_start3A_1139 = tpu.memref_slice %arg3[%multiple_of3A_1126, %dma_start3A_1138] : memref<3200x256xi32, #tpu.memory_space<hbm>> -> memref<2x256xi32, #tpu.memory_space<hbm>>
      tpu.enqueue_dma source(%dma_start3A_1139 : memref<2x256xi32, #tpu.memory_space<hbm>>) target(%dma_start3A_1137 : memref<2x256xi32, #tpu.memory_space<vmem>>) target_semaphore(%arg11 : memref<!tpu.dma_semaphore, #tpu.memory_space<semaphore_mem>>)
      %dma_wait3A_1140 = arith.constant 0 : i32
      %dma_wait3A_1141 = arith.constant 0 : i32
      %dma_wait3A_1142 = arith.constant 0 : i32
      %dma_wait3A_1143 = tpu.memref_slice %arg6[%dma_wait3A_1140, %dma_wait3A_1141, %dma_wait3A_1142] : memref<2x512x64xf32, #tpu.memory_space<vmem>> -> memref<1x512x64xf32, #tpu.memory_space<vmem>>
      %dma_wait3A_1144 = tpu.memref_squeeze %dma_wait3A_1143 : memref<1x512x64xf32, #tpu.memory_space<vmem>> -> memref<512x64xf32, #tpu.memory_space<vmem>>
      %dma_wait3A_1145 = arith.constant 0 : i32
      %dma_wait3A_1146 = arith.constant 0 : i32
      %dma_wait3A_1147 = tpu.memref_slice %arg2[%dma_wait3A_1145, %dma_wait3A_1146] : memref<1000000x64xf32, #tpu.memory_space<hbm>> -> memref<512x64xf32, #tpu.memory_space<hbm>>
      %dma_wait3A_1148 = arith.constant 0 : i32
      %dma_wait3A_1149 = arith.constant 0 : i32
      %dma_wait3A_1150 = tpu.memref_slice %arg6[%dma_wait3A_1140, %dma_wait3A_1148, %dma_wait3A_1149] : memref<2x512x64xf32, #tpu.memory_space<vmem>> -> memref<1x512x64xf32, #tpu.memory_space<vmem>>
      %dma_wait3A_1151 = tpu.memref_squeeze %dma_wait3A_1150 : memref<1x512x64xf32, #tpu.memory_space<vmem>> -> memref<512x64xf32, #tpu.memory_space<vmem>>
      %dma_wait3A_1152 = arith.constant 0 : i32
      %dma_wait3A_1153 = arith.constant 0 : i32
      %dma_wait3A_1154 = tpu.memref_slice %arg2[%dma_wait3A_1152, %dma_wait3A_1153] : memref<1000000x64xf32, #tpu.memory_space<hbm>> -> memref<512x64xf32, #tpu.memory_space<hbm>>
      tpu.wait_dma2 semaphore(%arg10 : memref<!tpu.dma_semaphore, #tpu.memory_space<semaphore_mem>>) src(%dma_wait3A_1154 : memref<512x64xf32, #tpu.memory_space<hbm>>) dst(%dma_wait3A_1151 : memref<512x64xf32, #tpu.memory_space<vmem>>)
      %scan3A_1155 = arith.constant 0 : i32
      %scan3A_1156 = arith.constant 128 : i32
      %scan3A_1157 = arith.addi %scan3A_1155, %scan3A_1156 : i32
      %scan3A_1158 = arith.constant 1 : i32
      scf.for %scan3A_1593 = %scan3A_1155 to %scan3A_1157 step %scan3A_1158  : i32 {
        %mul3A_1594 = arith.constant 1 : i32
        %mul3A_1595 = arith.muli %scan3A_1593, %mul3A_1594 : i32
        %add3A_1596 = arith.constant 0 : i32
        %add3A_1597 = arith.addi %add3A_1596, %mul3A_1595 : i32
        %broadcast_in_dim3A = arith.constant 0 : i32
        %broadcast_in_dim3A_1598 = vector.broadcast %broadcast_in_dim3A : i32 to vector<16xi32>
        %add3A_1599 = vector.broadcast %add3A_1597 : i32 to vector<16xi32>
        %add3A_1600 = arith.addi %broadcast_in_dim3A_1598, %add3A_1599 : vector<16xi32>
        %broadcast_in_dim3A_1601 = arith.constant 0 : i32
        %broadcast_in_dim3A_1602 = vector.broadcast %broadcast_in_dim3A_1601 : i32 to vector<16xi32>
        %add3A_1603 = arith.constant 0 : i32
        %add3A_1604 = vector.broadcast %add3A_1603 : i32 to vector<16xi32>
        %add3A_1605 = arith.addi %div3A_6, %add3A_1604 : vector<16xi32>
        %add3A_1606 = arith.constant 0 : i32
        %add3A_1607 = arith.addi %add3A_1606, %add3A_1597 : i32
        %get3A = arith.constant 0 : i32
        %get3A_1608 = arith.index_cast %get3A : i32 to index
        %get3A_1609 = arith.index_cast %add3A_1607 : i32 to index
        %get3A_1610 = arith.constant 0 : index
        %get3A_1611 = tpu.vector_load %arg6[%get3A_1608, %get3A_1609, %get3A_1610] {strides = array<i32>} : memref<2x512x64xf32, #tpu.memory_space<vmem>>, vector<16xf32>,
        %mul3A_1612 = arith.constant 8.000000e+00 : f32
        %mul3A_1613 = vector.broadcast %mul3A_1612 : f32 to vector<16xf32>
        %mul3A_1614 = arith.mulf %get3A_1611, %mul3A_1613 : vector<16xf32>
        tpu.vector_store_idx %arg7[%add3A_1605, %broadcast_in_dim3A_1602, %rem3A_4, %add3A_1600], %mul3A_1614 : memref<8x4x8x129xf32, #tpu.memory_space<vmem>>[vector<16xi32>, vector<16xi32>, vector<16xi32>, vector<16xi32>], vector<16xf32>,
        %add3A_1615 = arith.constant 2 : i32
        %add3A_1616 = vector.broadcast %add3A_1615 : i32 to vector<16xi32>
        %add3A_1617 = arith.addi %div3A_6, %add3A_1616 : vector<16xi32>
        %add3A_1618 = arith.constant 0 : i32
        %add3A_1619 = arith.addi %add3A_1618, %add3A_1597 : i32
        %get3A_1620 = arith.constant 0 : i32
        %get3A_1621 = arith.index_cast %get3A_1620 : i32 to index
        %get3A_1622 = arith.index_cast %add3A_1619 : i32 to index
        %get3A_1623 = arith.constant 16 : index
        %get3A_1624 = tpu.vector_load %arg6[%get3A_1621, %get3A_1622, %get3A_1623] {strides = array<i32>} : memref<2x512x64xf32, #tpu.memory_space<vmem>>, vector<16xf32>,
        %mul3A_1625 = arith.constant 8.000000e+00 : f32
        %mul3A_1626 = vector.broadcast %mul3A_1625 : f32 to vector<16xf32>
        %mul3A_1627 = arith.mulf %get3A_1624, %mul3A_1626 : vector<16xf32>
        tpu.vector_store_idx %arg7[%add3A_1617, %broadcast_in_dim3A_1602, %rem3A_4, %add3A_1600], %mul3A_1627 : memref<8x4x8x129xf32, #tpu.memory_space<vmem>>[vector<16xi32>, vector<16xi32>, vector<16xi32>, vector<16xi32>], vector<16xf32>,
        %add3A_1628 = arith.constant 4 : i32
        %add3A_1629 = vector.broadcast %add3A_1628 : i32 to vector<16xi32>
        %add3A_1630 = arith.addi %div3A_6, %add3A_1629 : vector<16xi32>
        %add3A_1631 = arith.constant 0 : i32
        %add3A_1632 = arith.addi %add3A_1631, %add3A_1597 : i32
        %get3A_1633 = arith.constant 0 : i32
        %get3A_1634 = arith.index_cast %get3A_1633 : i32 to index
        %get3A_1635 = arith.index_cast %add3A_1632 : i32 to index
        %get3A_1636 = arith.constant 32 : index
        %get3A_1637 = tpu.vector_load %arg6[%get3A_1634, %get3A_1635, %get3A_1636] {strides = array<i32>} : memref<2x512x64xf32, #tpu.memory_space<vmem>>, vector<16xf32>,
        %mul3A_1638 = arith.constant 8.000000e+00 : f32
        %mul3A_1639 = vector.broadcast %mul3A_1638 : f32 to vector<16xf32>
        %mul3A_1640 = arith.mulf %get3A_1637, %mul3A_1639 : vector<16xf32>
        tpu.vector_store_idx %arg7[%add3A_1630, %broadcast_in_dim3A_1602, %rem3A_4, %add3A_1600], %mul3A_1640 : memref<8x4x8x129xf32, #tpu.memory_space<vmem>>[vector<16xi32>, vector<16xi32>, vector<16xi32>, vector<16xi32>], vector<16xf32>,
        %add3A_1641 = arith.constant 6 : i32
        %add3A_1642 = vector.broadcast %add3A_1641 : i32 to vector<16xi32>
        %add3A_1643 = arith.addi %div3A_6, %add3A_1642 : vector<16xi32>
        %add3A_1644 = arith.constant 0 : i32
        %add3A_1645 = arith.addi %add3A_1644, %add3A_1597 : i32
        %get3A_1646 = arith.constant 0 : i32
        %get3A_1647 = arith.index_cast %get3A_1646 : i32 to index
        %get3A_1648 = arith.index_cast %add3A_1645 : i32 to index
        %get3A_1649 = arith.constant 48 : index
        %get3A_1650 = tpu.vector_load %arg6[%get3A_1647, %get3A_1648, %get3A_1649] {strides = array<i32>} : memref<2x512x64xf32, #tpu.memory_space<vmem>>, vector<16xf32>,
        %mul3A_1651 = arith.constant 8.000000e+00 : f32
        %mul3A_1652 = vector.broadcast %mul3A_1651 : f32 to vector<16xf32>
        %mul3A_1653 = arith.mulf %get3A_1650, %mul3A_1652 : vector<16xf32>
        tpu.vector_store_idx %arg7[%add3A_1643, %broadcast_in_dim3A_1602, %rem3A_4, %add3A_1600], %mul3A_1653 : memref<8x4x8x129xf32, #tpu.memory_space<vmem>>[vector<16xi32>, vector<16xi32>, vector<16xi32>, vector<16xi32>], vector<16xf32>,
        %broadcast_in_dim3A_1654 = arith.constant 1 : i32
        %broadcast_in_dim3A_1655 = vector.broadcast %broadcast_in_dim3A_1654 : i32 to vector<16xi32>
        %add3A_1656 = arith.constant 0 : i32
        %add3A_1657 = vector.broadcast %add3A_1656 : i32 to vector<16xi32>
        %add3A_1658 = arith.addi %div3A_6, %add3A_1657 : vector<16xi32>
        %add3A_1659 = arith.constant 128 : i32
        %add3A_1660 = arith.addi %add3A_1659, %add3A_1597 : i32
        %get3A_1661 = arith.constant 0 : i32
        %get3A_1662 = arith.index_cast %get3A_1661 : i32 to index
        %get3A_1663 = arith.index_cast %add3A_1660 : i32 to index
        %get3A_1664 = arith.constant 0 : index
        %get3A_1665 = tpu.vector_load %arg6[%get3A_1662, %get3A_1663, %get3A_1664] {strides = array<i32>} : memref<2x512x64xf32, #tpu.memory_space<vmem>>, vector<16xf32>,
        %mul3A_1666 = arith.constant 8.000000e+00 : f32
        %mul3A_1667 = vector.broadcast %mul3A_1666 : f32 to vector<16xf32>
        %mul3A_1668 = arith.mulf %get3A_1665, %mul3A_1667 : vector<16xf32>
        tpu.vector_store_idx %arg7[%add3A_1658, %broadcast_in_dim3A_1655, %rem3A_4, %add3A_1600], %mul3A_1668 : memref<8x4x8x129xf32, #tpu.memory_space<vmem>>[vector<16xi32>, vector<16xi32>, vector<16xi32>, vector<16xi32>], vector<16xf32>,
        %add3A_1669 = arith.constant 2 : i32
        %add3A_1670 = vector.broadcast %add3A_1669 : i32 to vector<16xi32>
        %add3A_1671 = arith.addi %div3A_6, %add3A_1670 : vector<16xi32>
        %add3A_1672 = arith.constant 128 : i32
        %add3A_1673 = arith.addi %add3A_1672, %add3A_1597 : i32
        %get3A_1674 = arith.constant 0 : i32
        %get3A_1675 = arith.index_cast %get3A_1674 : i32 to index
        %get3A_1676 = arith.index_cast %add3A_1673 : i32 to index
        %get3A_1677 = arith.constant 16 : index
        %get3A_1678 = tpu.vector_load %arg6[%get3A_1675, %get3A_1676, %get3A_1677] {strides = array<i32>} : memref<2x512x64xf32, #tpu.memory_space<vmem>>, vector<16xf32>,
        %mul3A_1679 = arith.constant 8.000000e+00 : f32
        %mul3A_1680 = vector.broadcast %mul3A_1679 : f32 to vector<16xf32>
        %mul3A_1681 = arith.mulf %get3A_1678, %mul3A_1680 : vector<16xf32>
        tpu.vector_store_idx %arg7[%add3A_1671, %broadcast_in_dim3A_1655, %rem3A_4, %add3A_1600], %mul3A_1681 : memref<8x4x8x129xf32, #tpu.memory_space<vmem>>[vector<16xi32>, vector<16xi32>, vector<16xi32>, vector<16xi32>], vector<16xf32>,
        %add3A_1682 = arith.constant 4 : i32
        %add3A_1683 = vector.broadcast %add3A_1682 : i32 to vector<16xi32>
        %add3A_1684 = arith.addi %div3A_6, %add3A_1683 : vector<16xi32>
        %add3A_1685 = arith.constant 128 : i32
        %add3A_1686 = arith.addi %add3A_1685, %add3A_1597 : i32
        %get3A_1687 = arith.constant 0 : i32
        %get3A_1688 = arith.index_cast %get3A_1687 : i32 to index
        %get3A_1689 = arith.index_cast %add3A_1686 : i32 to index
        %get3A_1690 = arith.constant 32 : index
        %get3A_1691 = tpu.vector_load %arg6[%get3A_1688, %get3A_1689, %get3A_1690] {strides = array<i32>} : memref<2x512x64xf32, #tpu.memory_space<vmem>>, vector<16xf32>,
        %mul3A_1692 = arith.constant 8.000000e+00 : f32
        %mul3A_1693 = vector.broadcast %mul3A_1692 : f32 to vector<16xf32>
        %mul3A_1694 = arith.mulf %get3A_1691, %mul3A_1693 : vector<16xf32>
        tpu.vector_store_idx %arg7[%add3A_1684, %broadcast_in_dim3A_1655, %rem3A_4, %add3A_1600], %mul3A_1694 : memref<8x4x8x129xf32, #tpu.memory_space<vmem>>[vector<16xi32>, vector<16xi32>, vector<16xi32>, vector<16xi32>], vector<16xf32>,
        %add3A_1695 = arith.constant 6 : i32
        %add3A_1696 = vector.broadcast %add3A_1695 : i32 to vector<16xi32>
        %add3A_1697 = arith.addi %div3A_6, %add3A_1696 : vector<16xi32>
        %add3A_1698 = arith.constant 128 : i32
        %add3A_1699 = arith.addi %add3A_1698, %add3A_1597 : i32
        %get3A_1700 = arith.constant 0 : i32
        %get3A_1701 = arith.index_cast %get3A_1700 : i32 to index
        %get3A_1702 = arith.index_cast %add3A_1699 : i32 to index
        %get3A_1703 = arith.constant 48 : index
        %get3A_1704 = tpu.vector_load %arg6[%get3A_1701, %get3A_1702, %get3A_1703] {strides = array<i32>} : memref<2x512x64xf32, #tpu.memory_space<vmem>>, vector<16xf32>,
        %mul3A_1705 = arith.constant 8.000000e+00 : f32
        %mul3A_1706 = vector.broadcast %mul3A_1705 : f32 to vector<16xf32>
        %mul3A_1707 = arith.mulf %get3A_1704, %mul3A_1706 : vector<16xf32>
        tpu.vector_store_idx %arg7[%add3A_1697, %broadcast_in_dim3A_1655, %rem3A_4, %add3A_1600], %mul3A_1707 : memref<8x4x8x129xf32, #tpu.memory_space<vmem>>[vector<16xi32>, vector<16xi32>, vector<16xi32>, vector<16xi32>], vector<16xf32>,
        %broadcast_in_dim3A_1708 = arith.constant 2 : i32
        %broadcast_in_dim3A_1709 = vector.broadcast %broadcast_in_dim3A_1708 : i32 to vector<16xi32>
        %add3A_1710 = arith.constant 0 : i32
        %add3A_1711 = vector.broadcast %add3A_1710 : i32 to vector<16xi32>
        %add3A_1712 = arith.addi %div3A_6, %add3A_1711 : vector<16xi32>
        %add3A_1713 = arith.constant 256 : i32
        %add3A_1714 = arith.addi %add3A_1713, %add3A_1597 : i32
        %get3A_1715 = arith.constant 0 : i32
        %get3A_1716 = arith.index_cast %get3A_1715 : i32 to index
        %get3A_1717 = arith.index_cast %add3A_1714 : i32 to index
        %get3A_1718 = arith.constant 0 : index
        %get3A_1719 = tpu.vector_load %arg6[%get3A_1716, %get3A_1717, %get3A_1718] {strides = array<i32>} : memref<2x512x64xf32, #tpu.memory_space<vmem>>, vector<16xf32>,
        %mul3A_1720 = arith.constant 8.000000e+00 : f32
        %mul3A_1721 = vector.broadcast %mul3A_1720 : f32 to vector<16xf32>
        %mul3A_1722 = arith.mulf %get3A_1719, %mul3A_1721 : vector<16xf32>
        tpu.vector_store_idx %arg7[%add3A_1712, %broadcast_in_dim3A_1709, %rem3A_4, %add3A_1600], %mul3A_1722 : memref<8x4x8x129xf32, #tpu.memory_space<vmem>>[vector<16xi32>, vector<16xi32>, vector<16xi32>, vector<16xi32>], vector<16xf32>,
        %add3A_1723 = arith.constant 2 : i32
        %add3A_1724 = vector.broadcast %add3A_1723 : i32 to vector<16xi32>
        %add3A_1725 = arith.addi %div3A_6, %add3A_1724 : vector<16xi32>
        %add3A_1726 = arith.constant 256 : i32
        %add3A_1727 = arith.addi %add3A_1726, %add3A_1597 : i32
        %get3A_1728 = arith.constant 0 : i32
        %get3A_1729 = arith.index_cast %get3A_1728 : i32 to index
        %get3A_1730 = arith.index_cast %add3A_1727 : i32 to index
        %get3A_1731 = arith.constant 16 : index
        %get3A_1732 = tpu.vector_load %arg6[%get3A_1729, %get3A_1730, %get3A_1731] {strides = array<i32>} : memref<2x512x64xf32, #tpu.memory_space<vmem>>, vector<16xf32>,
        %mul3A_1733 = arith.constant 8.000000e+00 : f32
        %mul3A_1734 = vector.broadcast %mul3A_1733 : f32 to vector<16xf32>
        %mul3A_1735 = arith.mulf %get3A_1732, %mul3A_1734 : vector<16xf32>
        tpu.vector_store_idx %arg7[%add3A_1725, %broadcast_in_dim3A_1709, %rem3A_4, %add3A_1600], %mul3A_1735 : memref<8x4x8x129xf32, #tpu.memory_space<vmem>>[vector<16xi32>, vector<16xi32>, vector<16xi32>, vector<16xi32>], vector<16xf32>,
        %add3A_1736 = arith.constant 4 : i32
        %add3A_1737 = vector.broadcast %add3A_1736 : i32 to vector<16xi32>
        %add3A_1738 = arith.addi %div3A_6, %add3A_1737 : vector<16xi32>
        %add3A_1739 = arith.constant 256 : i32
        %add3A_1740 = arith.addi %add3A_1739, %add3A_1597 : i32
        %get3A_1741 = arith.constant 0 : i32
        %get3A_1742 = arith.index_cast %get3A_1741 : i32 to index
        %get3A_1743 = arith.index_cast %add3A_1740 : i32 to index
        %get3A_1744 = arith.constant 32 : index
        %get3A_1745 = tpu.vector_load %arg6[%get3A_1742, %get3A_1743, %get3A_1744] {strides = array<i32>} : memref<2x512x64xf32, #tpu.memory_space<vmem>>, vector<16xf32>,
        %mul3A_1746 = arith.constant 8.000000e+00 : f32
        %mul3A_1747 = vector.broadcast %mul3A_1746 : f32 to vector<16xf32>
        %mul3A_1748 = arith.mulf %get3A_1745, %mul3A_1747 : vector<16xf32>
        tpu.vector_store_idx %arg7[%add3A_1738, %broadcast_in_dim3A_1709, %rem3A_4, %add3A_1600], %mul3A_1748 : memref<8x4x8x129xf32, #tpu.memory_space<vmem>>[vector<16xi32>, vector<16xi32>, vector<16xi32>, vector<16xi32>], vector<16xf32>,
        %add3A_1749 = arith.constant 6 : i32
        %add3A_1750 = vector.broadcast %add3A_1749 : i32 to vector<16xi32>
        %add3A_1751 = arith.addi %div3A_6, %add3A_1750 : vector<16xi32>
        %add3A_1752 = arith.constant 256 : i32
        %add3A_1753 = arith.addi %add3A_1752, %add3A_1597 : i32
        %get3A_1754 = arith.constant 0 : i32
        %get3A_1755 = arith.index_cast %get3A_1754 : i32 to index
        %get3A_1756 = arith.index_cast %add3A_1753 : i32 to index
        %get3A_1757 = arith.constant 48 : index
        %get3A_1758 = tpu.vector_load %arg6[%get3A_1755, %get3A_1756, %get3A_1757] {strides = array<i32>} : memref<2x512x64xf32, #tpu.memory_space<vmem>>, vector<16xf32>,
        %mul3A_1759 = arith.constant 8.000000e+00 : f32
        %mul3A_1760 = vector.broadcast %mul3A_1759 : f32 to vector<16xf32>
        %mul3A_1761 = arith.mulf %get3A_1758, %mul3A_1760 : vector<16xf32>
        tpu.vector_store_idx %arg7[%add3A_1751, %broadcast_in_dim3A_1709, %rem3A_4, %add3A_1600], %mul3A_1761 : memref<8x4x8x129xf32, #tpu.memory_space<vmem>>[vector<16xi32>, vector<16xi32>, vector<16xi32>, vector<16xi32>], vector<16xf32>,
        %broadcast_in_dim3A_1762 = arith.constant 3 : i32
        %broadcast_in_dim3A_1763 = vector.broadcast %broadcast_in_dim3A_1762 : i32 to vector<16xi32>
        %add3A_1764 = arith.constant 0 : i32
        %add3A_1765 = vector.broadcast %add3A_1764 : i32 to vector<16xi32>
        %add3A_1766 = arith.addi %div3A_6, %add3A_1765 : vector<16xi32>
        %add3A_1767 = arith.constant 384 : i32
        %add3A_1768 = arith.addi %add3A_1767, %add3A_1597 : i32
        %get3A_1769 = arith.constant 0 : i32
        %get3A_1770 = arith.index_cast %get3A_1769 : i32 to index
        %get3A_1771 = arith.index_cast %add3A_1768 : i32 to index
        %get3A_1772 = arith.constant 0 : index
        %get3A_1773 = tpu.vector_load %arg6[%get3A_1770, %get3A_1771, %get3A_1772] {strides = array<i32>} : memref<2x512x64xf32, #tpu.memory_space<vmem>>, vector<16xf32>,
        %mul3A_1774 = arith.constant 8.000000e+00 : f32
        %mul3A_1775 = vector.broadcast %mul3A_1774 : f32 to vector<16xf32>
        %mul3A_1776 = arith.mulf %get3A_1773, %mul3A_1775 : vector<16xf32>
        tpu.vector_store_idx %arg7[%add3A_1766, %broadcast_in_dim3A_1763, %rem3A_4, %add3A_1600], %mul3A_1776 : memref<8x4x8x129xf32, #tpu.memory_space<vmem>>[vector<16xi32>, vector<16xi32>, vector<16xi32>, vector<16xi32>], vector<16xf32>,
        %add3A_1777 = arith.constant 2 : i32
        %add3A_1778 = vector.broadcast %add3A_1777 : i32 to vector<16xi32>
        %add3A_1779 = arith.addi %div3A_6, %add3A_1778 : vector<16xi32>
        %add3A_1780 = arith.constant 384 : i32
        %add3A_1781 = arith.addi %add3A_1780, %add3A_1597 : i32
        %get3A_1782 = arith.constant 0 : i32
        %get3A_1783 = arith.index_cast %get3A_1782 : i32 to index
        %get3A_1784 = arith.index_cast %add3A_1781 : i32 to index
        %get3A_1785 = arith.constant 16 : index
        %get3A_1786 = tpu.vector_load %arg6[%get3A_1783, %get3A_1784, %get3A_1785] {strides = array<i32>} : memref<2x512x64xf32, #tpu.memory_space<vmem>>, vector<16xf32>,
        %mul3A_1787 = arith.constant 8.000000e+00 : f32
        %mul3A_1788 = vector.broadcast %mul3A_1787 : f32 to vector<16xf32>
        %mul3A_1789 = arith.mulf %get3A_1786, %mul3A_1788 : vector<16xf32>
        tpu.vector_store_idx %arg7[%add3A_1779, %broadcast_in_dim3A_1763, %rem3A_4, %add3A_1600], %mul3A_1789 : memref<8x4x8x129xf32, #tpu.memory_space<vmem>>[vector<16xi32>, vector<16xi32>, vector<16xi32>, vector<16xi32>], vector<16xf32>,
        %add3A_1790 = arith.constant 4 : i32
        %add3A_1791 = vector.broadcast %add3A_1790 : i32 to vector<16xi32>
        %add3A_1792 = arith.addi %div3A_6, %add3A_1791 : vector<16xi32>
        %add3A_1793 = arith.constant 384 : i32
        %add3A_1794 = arith.addi %add3A_1793, %add3A_1597 : i32
        %get3A_1795 = arith.constant 0 : i32
        %get3A_1796 = arith.index_cast %get3A_1795 : i32 to index
        %get3A_1797 = arith.index_cast %add3A_1794 : i32 to index
        %get3A_1798 = arith.constant 32 : index
        %get3A_1799 = tpu.vector_load %arg6[%get3A_1796, %get3A_1797, %get3A_1798] {strides = array<i32>} : memref<2x512x64xf32, #tpu.memory_space<vmem>>, vector<16xf32>,
        %mul3A_1800 = arith.constant 8.000000e+00 : f32
        %mul3A_1801 = vector.broadcast %mul3A_1800 : f32 to vector<16xf32>
        %mul3A_1802 = arith.mulf %get3A_1799, %mul3A_1801 : vector<16xf32>
        tpu.vector_store_idx %arg7[%add3A_1792, %broadcast_in_dim3A_1763, %rem3A_4, %add3A_1600], %mul3A_1802 : memref<8x4x8x129xf32, #tpu.memory_space<vmem>>[vector<16xi32>, vector<16xi32>, vector<16xi32>, vector<16xi32>], vector<16xf32>,
        %add3A_1803 = arith.constant 6 : i32
        %add3A_1804 = vector.broadcast %add3A_1803 : i32 to vector<16xi32>
        %add3A_1805 = arith.addi %div3A_6, %add3A_1804 : vector<16xi32>
        %add3A_1806 = arith.constant 384 : i32
        %add3A_1807 = arith.addi %add3A_1806, %add3A_1597 : i32
        %get3A_1808 = arith.constant 0 : i32
        %get3A_1809 = arith.index_cast %get3A_1808 : i32 to index
        %get3A_1810 = arith.index_cast %add3A_1807 : i32 to index
        %get3A_1811 = arith.constant 48 : index
        %get3A_1812 = tpu.vector_load %arg6[%get3A_1809, %get3A_1810, %get3A_1811] {strides = array<i32>} : memref<2x512x64xf32, #tpu.memory_space<vmem>>, vector<16xf32>,
        %mul3A_1813 = arith.constant 8.000000e+00 : f32
        %mul3A_1814 = vector.broadcast %mul3A_1813 : f32 to vector<16xf32>
        %mul3A_1815 = arith.mulf %get3A_1812, %mul3A_1814 : vector<16xf32>
        tpu.vector_store_idx %arg7[%add3A_1805, %broadcast_in_dim3A_1763, %rem3A_4, %add3A_1600], %mul3A_1815 : memref<8x4x8x129xf32, #tpu.memory_space<vmem>>[vector<16xi32>, vector<16xi32>, vector<16xi32>, vector<16xi32>], vector<16xf32>,
      }
      %scan3A_1159 = arith.constant 128 : i32
      %add3A_1160 = arith.addi %mul3A_2, %add3A_1064 : i32
      %shift_right_logical3A_1161 = arith.constant 5 : i32
      %shift_right_logical3A_1162 = arith.shrui %add3A_1160, %shift_right_logical3A_1161 : i32
      %and3A_1163 = arith.constant 31 : i32
      %and3A_1164 = arith.andi %add3A_1160, %and3A_1163 : i32
      %mul3A_1165 = arith.constant 4 : i32
      %mul3A_1166 = arith.muli %and3A_1164, %mul3A_1165 : i32
      %multiple_of3A_1167 = tpu.assume_multiple %mul3A_1166, 4 : i32
      %dma_start3A_1168 = arith.constant 0 : i32
      %dma_start3A_1169 = arith.constant 0 : i32
      %dma_start3A_1170 = arith.constant 0 : i32
      %dma_start3A_1171 = arith.constant 0 : i32
      %dma_start3A_1172 = arith.constant 0 : i32
      %dma_start3A_1173 = tpu.memref_slice %arg7[%dma_start3A_1168, %dma_start3A_1170, %dma_start3A_1171, %dma_start3A_1172] : memref<8x4x8x129xf32, #tpu.memory_space<vmem>> -> memref<1x4x8x128xf32, #tpu.memory_space<vmem>>
      %dma_start3A_1174 = tpu.memref_squeeze %dma_start3A_1173 : memref<1x4x8x128xf32, #tpu.memory_space<vmem>> -> memref<4x8x128xf32, #tpu.memory_space<vmem>>
      %dma_start3A_1175 = arith.constant 0 : i32
      %dma_start3A_1176 = arith.constant 0 : i32
      %dma_start3A_1177 = tpu.memref_slice %arg4[%shift_right_logical3A_1162, %dma_start3A_1169, %multiple_of3A_1167, %dma_start3A_1175, %dma_start3A_1176] : memref<50x8x128x8x128xf32, #tpu.memory_space<hbm>> -> memref<1x1x4x8x128xf32, #tpu.memory_space<hbm>>
      %dma_start3A_1178 = tpu.memref_squeeze %dma_start3A_1177 : memref<1x1x4x8x128xf32, #tpu.memory_space<hbm>> -> memref<4x8x128xf32, #tpu.memory_space<hbm>>
      %dma_start3A_1179 = arith.constant 0 : i32
      %dma_start3A_1180 = arith.constant 0 : i32
      %dma_start3A_1181 = tpu.memref_slice %arg4[%shift_right_logical3A_1162, %dma_start3A_1169, %multiple_of3A_1167, %dma_start3A_1179, %dma_start3A_1180] : memref<50x8x128x8x128xf32, #tpu.memory_space<hbm>> -> memref<1x1x4x8x128xf32, #tpu.memory_space<hbm>>
      %dma_start3A_1182 = tpu.memref_squeeze %dma_start3A_1181 : memref<1x1x4x8x128xf32, #tpu.memory_space<hbm>> -> memref<4x8x128xf32, #tpu.memory_space<hbm>>
      %dma_start3A_1183 = arith.constant 0 : i32
      %dma_start3A_1184 = arith.constant 0 : i32
      %dma_start3A_1185 = arith.constant 0 : i32
      %dma_start3A_1186 = tpu.memref_slice %arg7[%dma_start3A_1168, %dma_start3A_1183, %dma_start3A_1184, %dma_start3A_1185] : memref<8x4x8x129xf32, #tpu.memory_space<vmem>> -> memref<1x4x8x128xf32, #tpu.memory_space<vmem>>
      %dma_start3A_1187 = tpu.memref_squeeze %dma_start3A_1186 : memref<1x4x8x128xf32, #tpu.memory_space<vmem>> -> memref<4x8x128xf32, #tpu.memory_space<vmem>>
      tpu.enqueue_dma source(%dma_start3A_1187 : memref<4x8x128xf32, #tpu.memory_space<vmem>>) target(%dma_start3A_1182 : memref<4x8x128xf32, #tpu.memory_space<hbm>>) target_semaphore(%arg10 : memref<!tpu.dma_semaphore, #tpu.memory_space<semaphore_mem>>)
      %dma_start3A_1188 = arith.constant 1 : i32
      %dma_start3A_1189 = arith.constant 1 : i32
      %dma_start3A_1190 = arith.constant 0 : i32
      %dma_start3A_1191 = arith.constant 0 : i32
      %dma_start3A_1192 = arith.constant 0 : i32
      %dma_start3A_1193 = tpu.memref_slice %arg7[%dma_start3A_1188, %dma_start3A_1190, %dma_start3A_1191, %dma_start3A_1192] : memref<8x4x8x129xf32, #tpu.memory_space<vmem>> -> memref<1x4x8x128xf32, #tpu.memory_space<vmem>>
      %dma_start3A_1194 = tpu.memref_squeeze %dma_start3A_1193 : memref<1x4x8x128xf32, #tpu.memory_space<vmem>> -> memref<4x8x128xf32, #tpu.memory_space<vmem>>
      %dma_start3A_1195 = arith.constant 0 : i32
      %dma_start3A_1196 = arith.constant 0 : i32
      %dma_start3A_1197 = tpu.memref_slice %arg4[%shift_right_logical3A_1162, %dma_start3A_1189, %multiple_of3A_1167, %dma_start3A_1195, %dma_start3A_1196] : memref<50x8x128x8x128xf32, #tpu.memory_space<hbm>> -> memref<1x1x4x8x128xf32, #tpu.memory_space<hbm>>
      %dma_start3A_1198 = tpu.memref_squeeze %dma_start3A_1197 : memref<1x1x4x8x128xf32, #tpu.memory_space<hbm>> -> memref<4x8x128xf32, #tpu.memory_space<hbm>>
      %dma_start3A_1199 = arith.constant 0 : i32
      %dma_start3A_1200 = arith.constant 0 : i32
      %dma_start3A_1201 = tpu.memref_slice %arg4[%shift_right_logical3A_1162, %dma_start3A_1189, %multiple_of3A_1167, %dma_start3A_1199, %dma_start3A_1200] : memref<50x8x128x8x128xf32, #tpu.memory_space<hbm>> -> memref<1x1x4x8x128xf32, #tpu.memory_space<hbm>>
      %dma_start3A_1202 = tpu.memref_squeeze %dma_start3A_1201 : memref<1x1x4x8x128xf32, #tpu.memory_space<hbm>> -> memref<4x8x128xf32, #tpu.memory_space<hbm>>
      %dma_start3A_1203 = arith.constant 0 : i32
      %dma_start3A_1204 = arith.constant 0 : i32
      %dma_start3A_1205 = arith.constant 0 : i32
      %dma_start3A_1206 = tpu.memref_slice %arg7[%dma_start3A_1188, %dma_start3A_1203, %dma_start3A_1204, %dma_start3A_1205] : memref<8x4x8x129xf32, #tpu.memory_space<vmem>> -> memref<1x4x8x128xf32, #tpu.memory_space<vmem>>
      %dma_start3A_1207 = tpu.memref_squeeze %dma_start3A_1206 : memref<1x4x8x128xf32, #tpu.memory_space<vmem>> -> memref<4x8x128xf32, #tpu.memory_space<vmem>>
      tpu.enqueue_dma source(%dma_start3A_1207 : memref<4x8x128xf32, #tpu.memory_space<vmem>>) target(%dma_start3A_1202 : memref<4x8x128xf32, #tpu.memory_space<hbm>>) target_semaphore(%arg10 : memref<!tpu.dma_semaphore, #tpu.memory_space<semaphore_mem>>)
      %dma_start3A_1208 = arith.constant 2 : i32
      %dma_start3A_1209 = arith.constant 2 : i32
      %dma_start3A_1210 = arith.constant 0 : i32
      %dma_start3A_1211 = arith.constant 0 : i32
      %dma_start3A_1212 = arith.constant 0 : i32
      %dma_start3A_1213 = tpu.memref_slice %arg7[%dma_start3A_1208, %dma_start3A_1210, %dma_start3A_1211, %dma_start3A_1212] : memref<8x4x8x129xf32, #tpu.memory_space<vmem>> -> memref<1x4x8x128xf32, #tpu.memory_space<vmem>>
      %dma_start3A_1214 = tpu.memref_squeeze %dma_start3A_1213 : memref<1x4x8x128xf32, #tpu.memory_space<vmem>> -> memref<4x8x128xf32, #tpu.memory_space<vmem>>
      %dma_start3A_1215 = arith.constant 0 : i32
      %dma_start3A_1216 = arith.constant 0 : i32
      %dma_start3A_1217 = tpu.memref_slice %arg4[%shift_right_logical3A_1162, %dma_start3A_1209, %multiple_of3A_1167, %dma_start3A_1215, %dma_start3A_1216] : memref<50x8x128x8x128xf32, #tpu.memory_space<hbm>> -> memref<1x1x4x8x128xf32, #tpu.memory_space<hbm>>
      %dma_start3A_1218 = tpu.memref_squeeze %dma_start3A_1217 : memref<1x1x4x8x128xf32, #tpu.memory_space<hbm>> -> memref<4x8x128xf32, #tpu.memory_space<hbm>>
      %dma_start3A_1219 = arith.constant 0 : i32
      %dma_start3A_1220 = arith.constant 0 : i32
      %dma_start3A_1221 = tpu.memref_slice %arg4[%shift_right_logical3A_1162, %dma_start3A_1209, %multiple_of3A_1167, %dma_start3A_1219, %dma_start3A_1220] : memref<50x8x128x8x128xf32, #tpu.memory_space<hbm>> -> memref<1x1x4x8x128xf32, #tpu.memory_space<hbm>>
      %dma_start3A_1222 = tpu.memref_squeeze %dma_start3A_1221 : memref<1x1x4x8x128xf32, #tpu.memory_space<hbm>> -> memref<4x8x128xf32, #tpu.memory_space<hbm>>
      %dma_start3A_1223 = arith.constant 0 : i32
      %dma_start3A_1224 = arith.constant 0 : i32
      %dma_start3A_1225 = arith.constant 0 : i32
      %dma_start3A_1226 = tpu.memref_slice %arg7[%dma_start3A_1208, %dma_start3A_1223, %dma_start3A_1224, %dma_start3A_1225] : memref<8x4x8x129xf32, #tpu.memory_space<vmem>> -> memref<1x4x8x128xf32, #tpu.memory_space<vmem>>
      %dma_start3A_1227 = tpu.memref_squeeze %dma_start3A_1226 : memref<1x4x8x128xf32, #tpu.memory_space<vmem>> -> memref<4x8x128xf32, #tpu.memory_space<vmem>>
      tpu.enqueue_dma source(%dma_start3A_1227 : memref<4x8x128xf32, #tpu.memory_space<vmem>>) target(%dma_start3A_1222 : memref<4x8x128xf32, #tpu.memory_space<hbm>>) target_semaphore(%arg10 : memref<!tpu.dma_semaphore, #tpu.memory_space<semaphore_mem>>)
      %dma_start3A_1228 = arith.constant 3 : i32
      %dma_start3A_1229 = arith.constant 3 : i32
      %dma_start3A_1230 = arith.constant 0 : i32
      %dma_start3A_1231 = arith.constant 0 : i32
      %dma_start3A_1232 = arith.constant 0 : i32
      %dma_start3A_1233 = tpu.memref_slice %arg7[%dma_start3A_1228, %dma_start3A_1230, %dma_start3A_1231, %dma_start3A_1232] : memref<8x4x8x129xf32, #tpu.memory_space<vmem>> -> memref<1x4x8x128xf32, #tpu.memory_space<vmem>>
      %dma_start3A_1234 = tpu.memref_squeeze %dma_start3A_1233 : memref<1x4x8x128xf32, #tpu.memory_space<vmem>> -> memref<4x8x128xf32, #tpu.memory_space<vmem>>
      %dma_start3A_1235 = arith.constant 0 : i32
      %dma_start3A_1236 = arith.constant 0 : i32
      %dma_start3A_1237 = tpu.memref_slice %arg4[%shift_right_logical3A_1162, %dma_start3A_1229, %multiple_of3A_1167, %dma_start3A_1235, %dma_start3A_1236] : memref<50x8x128x8x128xf32, #tpu.memory_space<hbm>> -> memref<1x1x4x8x128xf32, #tpu.memory_space<hbm>>
      %dma_start3A_1238 = tpu.memref_squeeze %dma_start3A_1237 : memref<1x1x4x8x128xf32, #tpu.memory_space<hbm>> -> memref<4x8x128xf32, #tpu.memory_space<hbm>>
      %dma_start3A_1239 = arith.constant 0 : i32
      %dma_start3A_1240 = arith.constant 0 : i32
      %dma_start3A_1241 = tpu.memref_slice %arg4[%shift_right_logical3A_1162, %dma_start3A_1229, %multiple_of3A_1167, %dma_start3A_1239, %dma_start3A_1240] : memref<50x8x128x8x128xf32, #tpu.memory_space<hbm>> -> memref<1x1x4x8x128xf32, #tpu.memory_space<hbm>>
      %dma_start3A_1242 = tpu.memref_squeeze %dma_start3A_1241 : memref<1x1x4x8x128xf32, #tpu.memory_space<hbm>> -> memref<4x8x128xf32, #tpu.memory_space<hbm>>
      %dma_start3A_1243 = arith.constant 0 : i32
      %dma_start3A_1244 = arith.constant 0 : i32
      %dma_start3A_1245 = arith.constant 0 : i32
      %dma_start3A_1246 = tpu.memref_slice %arg7[%dma_start3A_1228, %dma_start3A_1243, %dma_start3A_1244, %dma_start3A_1245] : memref<8x4x8x129xf32, #tpu.memory_space<vmem>> -> memref<1x4x8x128xf32, #tpu.memory_space<vmem>>
      %dma_start3A_1247 = tpu.memref_squeeze %dma_start3A_1246 : memref<1x4x8x128xf32, #tpu.memory_space<vmem>> -> memref<4x8x128xf32, #tpu.memory_space<vmem>>
      tpu.enqueue_dma source(%dma_start3A_1247 : memref<4x8x128xf32, #tpu.memory_space<vmem>>) target(%dma_start3A_1242 : memref<4x8x128xf32, #tpu.memory_space<hbm>>) target_semaphore(%arg10 : memref<!tpu.dma_semaphore, #tpu.memory_space<semaphore_mem>>)
      %dma_start3A_1248 = arith.constant 4 : i32
      %dma_start3A_1249 = arith.constant 4 : i32
      %dma_start3A_1250 = arith.constant 0 : i32
      %dma_start3A_1251 = arith.constant 0 : i32
      %dma_start3A_1252 = arith.constant 0 : i32
      %dma_start3A_1253 = tpu.memref_slice %arg7[%dma_start3A_1248, %dma_start3A_1250, %dma_start3A_1251, %dma_start3A_1252] : memref<8x4x8x129xf32, #tpu.memory_space<vmem>> -> memref<1x4x8x128xf32, #tpu.memory_space<vmem>>
      %dma_start3A_1254 = tpu.memref_squeeze %dma_start3A_1253 : memref<1x4x8x128xf32, #tpu.memory_space<vmem>> -> memref<4x8x128xf32, #tpu.memory_space<vmem>>
      %dma_start3A_1255 = arith.constant 0 : i32
      %dma_start3A_1256 = arith.constant 0 : i32
      %dma_start3A_1257 = tpu.memref_slice %arg4[%shift_right_logical3A_1162, %dma_start3A_1249, %multiple_of3A_1167, %dma_start3A_1255, %dma_start3A_1256] : memref<50x8x128x8x128xf32, #tpu.memory_space<hbm>> -> memref<1x1x4x8x128xf32, #tpu.memory_space<hbm>>
      %dma_start3A_1258 = tpu.memref_squeeze %dma_start3A_1257 : memref<1x1x4x8x128xf32, #tpu.memory_space<hbm>> -> memref<4x8x128xf32, #tpu.memory_space<hbm>>
      %dma_start3A_1259 = arith.constant 0 : i32
      %dma_start3A_1260 = arith.constant 0 : i32
      %dma_start3A_1261 = tpu.memref_slice %arg4[%shift_right_logical3A_1162, %dma_start3A_1249, %multiple_of3A_1167, %dma_start3A_1259, %dma_start3A_1260] : memref<50x8x128x8x128xf32, #tpu.memory_space<hbm>> -> memref<1x1x4x8x128xf32, #tpu.memory_space<hbm>>
      %dma_start3A_1262 = tpu.memref_squeeze %dma_start3A_1261 : memref<1x1x4x8x128xf32, #tpu.memory_space<hbm>> -> memref<4x8x128xf32, #tpu.memory_space<hbm>>
      %dma_start3A_1263 = arith.constant 0 : i32
      %dma_start3A_1264 = arith.constant 0 : i32
      %dma_start3A_1265 = arith.constant 0 : i32
      %dma_start3A_1266 = tpu.memref_slice %arg7[%dma_start3A_1248, %dma_start3A_1263, %dma_start3A_1264, %dma_start3A_1265] : memref<8x4x8x129xf32, #tpu.memory_space<vmem>> -> memref<1x4x8x128xf32, #tpu.memory_space<vmem>>
      %dma_start3A_1267 = tpu.memref_squeeze %dma_start3A_1266 : memref<1x4x8x128xf32, #tpu.memory_space<vmem>> -> memref<4x8x128xf32, #tpu.memory_space<vmem>>
      tpu.enqueue_dma source(%dma_start3A_1267 : memref<4x8x128xf32, #tpu.memory_space<vmem>>) target(%dma_start3A_1262 : memref<4x8x128xf32, #tpu.memory_space<hbm>>) target_semaphore(%arg10 : memref<!tpu.dma_semaphore, #tpu.memory_space<semaphore_mem>>)
      %dma_start3A_1268 = arith.constant 5 : i32
      %dma_start3A_1269 = arith.constant 5 : i32
      %dma_start3A_1270 = arith.constant 0 : i32
      %dma_start3A_1271 = arith.constant 0 : i32
      %dma_start3A_1272 = arith.constant 0 : i32
      %dma_start3A_1273 = tpu.memref_slice %arg7[%dma_start3A_1268, %dma_start3A_1270, %dma_start3A_1271, %dma_start3A_1272] : memref<8x4x8x129xf32, #tpu.memory_space<vmem>> -> memref<1x4x8x128xf32, #tpu.memory_space<vmem>>
      %dma_start3A_1274 = tpu.memref_squeeze %dma_start3A_1273 : memref<1x4x8x128xf32, #tpu.memory_space<vmem>> -> memref<4x8x128xf32, #tpu.memory_space<vmem>>
      %dma_start3A_1275 = arith.constant 0 : i32
      %dma_start3A_1276 = arith.constant 0 : i32
      %dma_start3A_1277 = tpu.memref_slice %arg4[%shift_right_logical3A_1162, %dma_start3A_1269, %multiple_of3A_1167, %dma_start3A_1275, %dma_start3A_1276] : memref<50x8x128x8x128xf32, #tpu.memory_space<hbm>> -> memref<1x1x4x8x128xf32, #tpu.memory_space<hbm>>
      %dma_start3A_1278 = tpu.memref_squeeze %dma_start3A_1277 : memref<1x1x4x8x128xf32, #tpu.memory_space<hbm>> -> memref<4x8x128xf32, #tpu.memory_space<hbm>>
      %dma_start3A_1279 = arith.constant 0 : i32
      %dma_start3A_1280 = arith.constant 0 : i32
      %dma_start3A_1281 = tpu.memref_slice %arg4[%shift_right_logical3A_1162, %dma_start3A_1269, %multiple_of3A_1167, %dma_start3A_1279, %dma_start3A_1280] : memref<50x8x128x8x128xf32, #tpu.memory_space<hbm>> -> memref<1x1x4x8x128xf32, #tpu.memory_space<hbm>>
      %dma_start3A_1282 = tpu.memref_squeeze %dma_start3A_1281 : memref<1x1x4x8x128xf32, #tpu.memory_space<hbm>> -> memref<4x8x128xf32, #tpu.memory_space<hbm>>
      %dma_start3A_1283 = arith.constant 0 : i32
      %dma_start3A_1284 = arith.constant 0 : i32
      %dma_start3A_1285 = arith.constant 0 : i32
      %dma_start3A_1286 = tpu.memref_slice %arg7[%dma_start3A_1268, %dma_start3A_1283, %dma_start3A_1284, %dma_start3A_1285] : memref<8x4x8x129xf32, #tpu.memory_space<vmem>> -> memref<1x4x8x128xf32, #tpu.memory_space<vmem>>
      %dma_start3A_1287 = tpu.memref_squeeze %dma_start3A_1286 : memref<1x4x8x128xf32, #tpu.memory_space<vmem>> -> memref<4x8x128xf32, #tpu.memory_space<vmem>>
      tpu.enqueue_dma source(%dma_start3A_1287 : memref<4x8x128xf32, #tpu.memory_space<vmem>>) target(%dma_start3A_1282 : memref<4x8x128xf32, #tpu.memory_space<hbm>>) target_semaphore(%arg10 : memref<!tpu.dma_semaphore, #tpu.memory_space<semaphore_mem>>)
      %dma_start3A_1288 = arith.constant 6 : i32
      %dma_start3A_1289 = arith.constant 6 : i32
      %dma_start3A_1290 = arith.constant 0 : i32
      %dma_start3A_1291 = arith.constant 0 : i32
      %dma_start3A_1292 = arith.constant 0 : i32
      %dma_start3A_1293 = tpu.memref_slice %arg7[%dma_start3A_1288, %dma_start3A_1290, %dma_start3A_1291, %dma_start3A_1292] : memref<8x4x8x129xf32, #tpu.memory_space<vmem>> -> memref<1x4x8x128xf32, #tpu.memory_space<vmem>>
      %dma_start3A_1294 = tpu.memref_squeeze %dma_start3A_1293 : memref<1x4x8x128xf32, #tpu.memory_space<vmem>> -> memref<4x8x128xf32, #tpu.memory_space<vmem>>
      %dma_start3A_1295 = arith.constant 0 : i32
      %dma_start3A_1296 = arith.constant 0 : i32
      %dma_start3A_1297 = tpu.memref_slice %arg4[%shift_right_logical3A_1162, %dma_start3A_1289, %multiple_of3A_1167, %dma_start3A_1295, %dma_start3A_1296] : memref<50x8x128x8x128xf32, #tpu.memory_space<hbm>> -> memref<1x1x4x8x128xf32, #tpu.memory_space<hbm>>
      %dma_start3A_1298 = tpu.memref_squeeze %dma_start3A_1297 : memref<1x1x4x8x128xf32, #tpu.memory_space<hbm>> -> memref<4x8x128xf32, #tpu.memory_space<hbm>>
      %dma_start3A_1299 = arith.constant 0 : i32
      %dma_start3A_1300 = arith.constant 0 : i32
      %dma_start3A_1301 = tpu.memref_slice %arg4[%shift_right_logical3A_1162, %dma_start3A_1289, %multiple_of3A_1167, %dma_start3A_1299, %dma_start3A_1300] : memref<50x8x128x8x128xf32, #tpu.memory_space<hbm>> -> memref<1x1x4x8x128xf32, #tpu.memory_space<hbm>>
      %dma_start3A_1302 = tpu.memref_squeeze %dma_start3A_1301 : memref<1x1x4x8x128xf32, #tpu.memory_space<hbm>> -> memref<4x8x128xf32, #tpu.memory_space<hbm>>
      %dma_start3A_1303 = arith.constant 0 : i32
      %dma_start3A_1304 = arith.constant 0 : i32
      %dma_start3A_1305 = arith.constant 0 : i32
      %dma_start3A_1306 = tpu.memref_slice %arg7[%dma_start3A_1288, %dma_start3A_1303, %dma_start3A_1304, %dma_start3A_1305] : memref<8x4x8x129xf32, #tpu.memory_space<vmem>> -> memref<1x4x8x128xf32, #tpu.memory_space<vmem>>
      %dma_start3A_1307 = tpu.memref_squeeze %dma_start3A_1306 : memref<1x4x8x128xf32, #tpu.memory_space<vmem>> -> memref<4x8x128xf32, #tpu.memory_space<vmem>>
      tpu.enqueue_dma source(%dma_start3A_1307 : memref<4x8x128xf32, #tpu.memory_space<vmem>>) target(%dma_start3A_1302 : memref<4x8x128xf32, #tpu.memory_space<hbm>>) target_semaphore(%arg10 : memref<!tpu.dma_semaphore, #tpu.memory_space<semaphore_mem>>)
      %dma_start3A_1308 = arith.constant 7 : i32
      %dma_start3A_1309 = arith.constant 7 : i32
      %dma_start3A_1310 = arith.constant 0 : i32
      %dma_start3A_1311 = arith.constant 0 : i32
      %dma_start3A_1312 = arith.constant 0 : i32
      %dma_start3A_1313 = tpu.memref_slice %arg7[%dma_start3A_1308, %dma_start3A_1310, %dma_start3A_1311, %dma_start3A_1312] : memref<8x4x8x129xf32, #tpu.memory_space<vmem>> -> memref<1x4x8x128xf32, #tpu.memory_space<vmem>>
      %dma_start3A_1314 = tpu.memref_squeeze %dma_start3A_1313 : memref<1x4x8x128xf32, #tpu.memory_space<vmem>> -> memref<4x8x128xf32, #tpu.memory_space<vmem>>
      %dma_start3A_1315 = arith.constant 0 : i32
      %dma_start3A_1316 = arith.constant 0 : i32
      %dma_start3A_1317 = tpu.memref_slice %arg4[%shift_right_logical3A_1162, %dma_start3A_1309, %multiple_of3A_1167, %dma_start3A_1315, %dma_start3A_1316] : memref<50x8x128x8x128xf32, #tpu.memory_space<hbm>> -> memref<1x1x4x8x128xf32, #tpu.memory_space<hbm>>
      %dma_start3A_1318 = tpu.memref_squeeze %dma_start3A_1317 : memref<1x1x4x8x128xf32, #tpu.memory_space<hbm>> -> memref<4x8x128xf32, #tpu.memory_space<hbm>>
      %dma_start3A_1319 = arith.constant 0 : i32
      %dma_start3A_1320 = arith.constant 0 : i32
      %dma_start3A_1321 = tpu.memref_slice %arg4[%shift_right_logical3A_1162, %dma_start3A_1309, %multiple_of3A_1167, %dma_start3A_1319, %dma_start3A_1320] : memref<50x8x128x8x128xf32, #tpu.memory_space<hbm>> -> memref<1x1x4x8x128xf32, #tpu.memory_space<hbm>>
      %dma_start3A_1322 = tpu.memref_squeeze %dma_start3A_1321 : memref<1x1x4x8x128xf32, #tpu.memory_space<hbm>> -> memref<4x8x128xf32, #tpu.memory_space<hbm>>
      %dma_start3A_1323 = arith.constant 0 : i32
      %dma_start3A_1324 = arith.constant 0 : i32
      %dma_start3A_1325 = arith.constant 0 : i32
      %dma_start3A_1326 = tpu.memref_slice %arg7[%dma_start3A_1308, %dma_start3A_1323, %dma_start3A_1324, %dma_start3A_1325] : memref<8x4x8x129xf32, #tpu.memory_space<vmem>> -> memref<1x4x8x128xf32, #tpu.memory_space<vmem>>
      %dma_start3A_1327 = tpu.memref_squeeze %dma_start3A_1326 : memref<1x4x8x128xf32, #tpu.memory_space<vmem>> -> memref<4x8x128xf32, #tpu.memory_space<vmem>>
      tpu.enqueue_dma source(%dma_start3A_1327 : memref<4x8x128xf32, #tpu.memory_space<vmem>>) target(%dma_start3A_1322 : memref<4x8x128xf32, #tpu.memory_space<hbm>>) target_semaphore(%arg10 : memref<!tpu.dma_semaphore, #tpu.memory_space<semaphore_mem>>)
      %add3A_1328 = arith.constant 1 : i32
      %add3A_1329 = arith.addi %add3A_1062, %add3A_1328 : i32
      %dma_wait3A_1330 = arith.constant 0 : i32
      %dma_wait3A_1331 = arith.constant 0 : i32
      %dma_wait3A_1332 = arith.constant 0 : i32
      %dma_wait3A_1333 = tpu.memref_slice %arg5[%dma_wait3A_1330, %dma_wait3A_1331, %dma_wait3A_1332] : memref<2x2x256xi32, #tpu.memory_space<vmem>> -> memref<1x2x256xi32, #tpu.memory_space<vmem>>
      %dma_wait3A_1334 = tpu.memref_squeeze %dma_wait3A_1333 : memref<1x2x256xi32, #tpu.memory_space<vmem>> -> memref<2x256xi32, #tpu.memory_space<vmem>>
      %dma_wait3A_1335 = arith.constant 0 : i32
      %dma_wait3A_1336 = arith.constant 0 : i32
      %dma_wait3A_1337 = tpu.memref_slice %arg3[%dma_wait3A_1335, %dma_wait3A_1336] : memref<3200x256xi32, #tpu.memory_space<hbm>> -> memref<2x256xi32, #tpu.memory_space<hbm>>
      %dma_wait3A_1338 = arith.constant 0 : i32
      %dma_wait3A_1339 = arith.constant 0 : i32
      %dma_wait3A_1340 = tpu.memref_slice %arg5[%dma_wait3A_1330, %dma_wait3A_1338, %dma_wait3A_1339] : memref<2x2x256xi32, #tpu.memory_space<vmem>> -> memref<1x2x256xi32, #tpu.memory_space<vmem>>
      %dma_wait3A_1341 = tpu.memref_squeeze %dma_wait3A_1340 : memref<1x2x256xi32, #tpu.memory_space<vmem>> -> memref<2x256xi32, #tpu.memory_space<vmem>>
      %dma_wait3A_1342 = arith.constant 0 : i32
      %dma_wait3A_1343 = arith.constant 0 : i32
      %dma_wait3A_1344 = tpu.memref_slice %arg3[%dma_wait3A_1342, %dma_wait3A_1343] : memref<3200x256xi32, #tpu.memory_space<hbm>> -> memref<2x256xi32, #tpu.memory_space<hbm>>
      tpu.wait_dma2 semaphore(%arg11 : memref<!tpu.dma_semaphore, #tpu.memory_space<semaphore_mem>>) src(%dma_wait3A_1344 : memref<2x256xi32, #tpu.memory_space<hbm>>) dst(%dma_wait3A_1341 : memref<2x256xi32, #tpu.memory_space<vmem>>)
      %dma_start3A_1345 = arith.constant 0 : i32
      %dma_start3A_1346 = arith.constant 0 : i32
      %dma_start3A_1347 = arith.constant 0 : i32
      %dma_start3A_1348 = arith.constant 0 : i32
      %dma_start3A_1349 = arith.constant 0 : i32
      %dma_start3A_1350 = tpu.memref_slice %arg6[%dma_start3A_1347, %dma_start3A_1348, %dma_start3A_1349] : memref<2x512x64xf32, #tpu.memory_space<vmem>> -> memref<1x256x64xf32, #tpu.memory_space<vmem>>
      %dma_start3A_1351 = tpu.memref_squeeze %dma_start3A_1350 : memref<1x256x64xf32, #tpu.memory_space<vmem>> -> memref<256x64xf32, #tpu.memory_space<vmem>>
      %dma_start3A_1352 = arith.constant 0 : i32
      %dma_start3A_1353 = tpu.memref_slice %arg5[%dma_start3A_1345, %dma_start3A_1346, %dma_start3A_1352] : memref<2x2x256xi32, #tpu.memory_space<vmem>> -> memref<1x1x256xi32, #tpu.memory_space<vmem>>
      %dma_start3A_1354 = tpu.memref_squeeze %dma_start3A_1353 : memref<1x1x256xi32, #tpu.memory_space<vmem>> -> memref<256xi32, #tpu.memory_space<vmem>>
      %dma_start3A_1355 = arith.constant 0 : i32
      %dma_start3A_1356 = arith.constant 0 : i32
      %dma_start3A_1357 = tpu.memref_slice %arg2[%dma_start3A_1355, %dma_start3A_1356] : memref<1000000x64xf32, #tpu.memory_space<hbm>> -> memref<1000000x64xf32, #tpu.memory_space<hbm>>
      tpu.enqueue_indirect_dma source(%dma_start3A_1357 : memref<1000000x64xf32, #tpu.memory_space<hbm>>) target(%dma_start3A_1351 : memref<256x64xf32, #tpu.memory_space<vmem>>) offsets(%dma_start3A_1354 : memref<256xi32, #tpu.memory_space<vmem>>) semaphore(%arg8 : memref<!tpu.dma_semaphore, #tpu.memory_space<semaphore_mem>>)
      %dma_start3A_1358 = arith.constant 0 : i32
      %dma_start3A_1359 = arith.constant 1 : i32
      %dma_start3A_1360 = arith.constant 0 : i32
      %dma_start3A_1361 = arith.constant 256 : i32
      %dma_start3A_1362 = arith.constant 0 : i32
      %dma_start3A_1363 = tpu.memref_slice %arg6[%dma_start3A_1360, %dma_start3A_1361, %dma_start3A_1362] : memref<2x512x64xf32, #tpu.memory_space<vmem>> -> memref<1x256x64xf32, #tpu.memory_space<vmem>>
      %dma_start3A_1364 = tpu.memref_squeeze %dma_start3A_1363 : memref<1x256x64xf32, #tpu.memory_space<vmem>> -> memref<256x64xf32, #tpu.memory_space<vmem>>
      %dma_start3A_1365 = arith.constant 0 : i32
      %dma_start3A_1366 = tpu.memref_slice %arg5[%dma_start3A_1358, %dma_start3A_1359, %dma_start3A_1365] : memref<2x2x256xi32, #tpu.memory_space<vmem>> -> memref<1x1x256xi32, #tpu.memory_space<vmem>>
      %dma_start3A_1367 = tpu.memref_squeeze %dma_start3A_1366 : memref<1x1x256xi32, #tpu.memory_space<vmem>> -> memref<256xi32, #tpu.memory_space<vmem>>
      %dma_start3A_1368 = arith.constant 0 : i32
      %dma_start3A_1369 = arith.constant 0 : i32
      %dma_start3A_1370 = tpu.memref_slice %arg2[%dma_start3A_1368, %dma_start3A_1369] : memref<1000000x64xf32, #tpu.memory_space<hbm>> -> memref<1000000x64xf32, #tpu.memory_space<hbm>>
      tpu.enqueue_indirect_dma source(%dma_start3A_1370 : memref<1000000x64xf32, #tpu.memory_space<hbm>>) target(%dma_start3A_1364 : memref<256x64xf32, #tpu.memory_space<vmem>>) offsets(%dma_start3A_1367 : memref<256xi32, #tpu.memory_space<vmem>>) semaphore(%arg8 : memref<!tpu.dma_semaphore, #tpu.memory_space<semaphore_mem>>)
      %dma_wait3A_1371 = arith.constant 1 : i32
      %dma_wait3A_1372 = arith.constant 0 : i32
      %dma_wait3A_1373 = arith.constant 0 : i32
      %dma_wait3A_1374 = tpu.memref_slice %arg6[%dma_wait3A_1371, %dma_wait3A_1372, %dma_wait3A_1373] : memref<2x512x64xf32, #tpu.memory_space<vmem>> -> memref<1x512x64xf32, #tpu.memory_space<vmem>>
      %dma_wait3A_1375 = tpu.memref_squeeze %dma_wait3A_1374 : memref<1x512x64xf32, #tpu.memory_space<vmem>> -> memref<512x64xf32, #tpu.memory_space<vmem>>
      %dma_wait3A_1376 = arith.constant 0 : i32
      %dma_wait3A_1377 = arith.constant 0 : i32
      %dma_wait3A_1378 = tpu.memref_slice %arg2[%dma_wait3A_1376, %dma_wait3A_1377] : memref<1000000x64xf32, #tpu.memory_space<hbm>> -> memref<512x64xf32, #tpu.memory_space<hbm>>
      %dma_wait3A_1379 = arith.constant 0 : i32
      %dma_wait3A_1380 = arith.constant 0 : i32
      %dma_wait3A_1381 = tpu.memref_slice %arg6[%dma_wait3A_1371, %dma_wait3A_1379, %dma_wait3A_1380] : memref<2x512x64xf32, #tpu.memory_space<vmem>> -> memref<1x512x64xf32, #tpu.memory_space<vmem>>
      %dma_wait3A_1382 = tpu.memref_squeeze %dma_wait3A_1381 : memref<1x512x64xf32, #tpu.memory_space<vmem>> -> memref<512x64xf32, #tpu.memory_space<vmem>>
      %dma_wait3A_1383 = arith.constant 0 : i32
      %dma_wait3A_1384 = arith.constant 0 : i32
      %dma_wait3A_1385 = tpu.memref_slice %arg2[%dma_wait3A_1383, %dma_wait3A_1384] : memref<1000000x64xf32, #tpu.memory_space<hbm>> -> memref<512x64xf32, #tpu.memory_space<hbm>>
      tpu.wait_dma2 semaphore(%arg9 : memref<!tpu.dma_semaphore, #tpu.memory_space<semaphore_mem>>) src(%dma_wait3A_1385 : memref<512x64xf32, #tpu.memory_space<hbm>>) dst(%dma_wait3A_1382 : memref<512x64xf32, #tpu.memory_space<vmem>>)
      %add3A_1386 = arith.constant 2 : i32
      %add3A_1387 = arith.addi %add3A_1329, %add3A_1386 : i32
      %add3A_1388 = arith.addi %mul3A_2, %add3A_1387 : i32
      %mul3A_1389 = arith.constant 2 : i32
      %mul3A_1390 = arith.muli %add3A_1388, %mul3A_1389 : i32
      %multiple_of3A_1391 = tpu.assume_multiple %mul3A_1390, 2 : i32
      %dma_start3A_1392 = arith.constant 1 : i32
      %dma_start3A_1393 = arith.constant 0 : i32
      %dma_start3A_1394 = arith.constant 0 : i32
      %dma_start3A_1395 = tpu.memref_slice %arg5[%dma_start3A_1392, %dma_start3A_1393, %dma_start3A_1394] : memref<2x2x256xi32, #tpu.memory_space<vmem>> -> memref<1x2x256xi32, #tpu.memory_space<vmem>>
      %dma_start3A_1396 = tpu.memref_squeeze %dma_start3A_1395 : memref<1x2x256xi32, #tpu.memory_space<vmem>> -> memref<2x256xi32, #tpu.memory_space<vmem>>
      %dma_start3A_1397 = arith.constant 0 : i32
      %dma_start3A_1398 = tpu.memref_slice %arg3[%multiple_of3A_1391, %dma_start3A_1397] : memref<3200x256xi32, #tpu.memory_space<hbm>> -> memref<2x256xi32, #tpu.memory_space<hbm>>
      %dma_start3A_1399 = arith.constant 0 : i32
      %dma_start3A_1400 = arith.constant 0 : i32
      %dma_start3A_1401 = tpu.memref_slice %arg5[%dma_start3A_1392, %dma_start3A_1399, %dma_start3A_1400] : memref<2x2x256xi32, #tpu.memory_space<vmem>> -> memref<1x2x256xi32, #tpu.memory_space<vmem>>
      %dma_start3A_1402 = tpu.memref_squeeze %dma_start3A_1401 : memref<1x2x256xi32, #tpu.memory_space<vmem>> -> memref<2x256xi32, #tpu.memory_space<vmem>>
      %dma_start3A_1403 = arith.constant 0 : i32
      %dma_start3A_1404 = tpu.memref_slice %arg3[%multiple_of3A_1391, %dma_start3A_1403] : memref<3200x256xi32, #tpu.memory_space<hbm>> -> memref<2x256xi32, #tpu.memory_space<hbm>>
      tpu.enqueue_dma source(%dma_start3A_1404 : memref<2x256xi32, #tpu.memory_space<hbm>>) target(%dma_start3A_1402 : memref<2x256xi32, #tpu.memory_space<vmem>>) target_semaphore(%arg11 : memref<!tpu.dma_semaphore, #tpu.memory_space<semaphore_mem>>)
      %dma_wait3A_1405 = arith.constant 0 : i32
      %dma_wait3A_1406 = arith.constant 0 : i32
      %dma_wait3A_1407 = arith.constant 0 : i32
      %dma_wait3A_1408 = tpu.memref_slice %arg6[%dma_wait3A_1405, %dma_wait3A_1406, %dma_wait3A_1407] : memref<2x512x64xf32, #tpu.memory_space<vmem>> -> memref<1x512x64xf32, #tpu.memory_space<vmem>>
      %dma_wait3A_1409 = tpu.memref_squeeze %dma_wait3A_1408 : memref<1x512x64xf32, #tpu.memory_space<vmem>> -> memref<512x64xf32, #tpu.memory_space<vmem>>
      %dma_wait3A_1410 = arith.constant 0 : i32
      %dma_wait3A_1411 = arith.constant 0 : i32
      %dma_wait3A_1412 = tpu.memref_slice %arg2[%dma_wait3A_1410, %dma_wait3A_1411] : memref<1000000x64xf32, #tpu.memory_space<hbm>> -> memref<512x64xf32, #tpu.memory_space<hbm>>
      %dma_wait3A_1413 = arith.constant 0 : i32
      %dma_wait3A_1414 = arith.constant 0 : i32
      %dma_wait3A_1415 = tpu.memref_slice %arg6[%dma_wait3A_1405, %dma_wait3A_1413, %dma_wait3A_1414] : memref<2x512x64xf32, #tpu.memory_space<vmem>> -> memref<1x512x64xf32, #tpu.memory_space<vmem>>
      %dma_wait3A_1416 = tpu.memref_squeeze %dma_wait3A_1415 : memref<1x512x64xf32, #tpu.memory_space<vmem>> -> memref<512x64xf32, #tpu.memory_space<vmem>>
      %dma_wait3A_1417 = arith.constant 0 : i32
      %dma_wait3A_1418 = arith.constant 0 : i32
      %dma_wait3A_1419 = tpu.memref_slice %arg2[%dma_wait3A_1417, %dma_wait3A_1418] : memref<1000000x64xf32, #tpu.memory_space<hbm>> -> memref<512x64xf32, #tpu.memory_space<hbm>>
      tpu.wait_dma2 semaphore(%arg10 : memref<!tpu.dma_semaphore, #tpu.memory_space<semaphore_mem>>) src(%dma_wait3A_1419 : memref<512x64xf32, #tpu.memory_space<hbm>>) dst(%dma_wait3A_1416 : memref<512x64xf32, #tpu.memory_space<vmem>>)
      %scan3A_1420 = arith.constant 0 : i32
      %scan3A_1421 = arith.constant 128 : i32
      %scan3A_1422 = arith.addi %scan3A_1420, %scan3A_1421 : i32
      %scan3A_1423 = arith.constant 1 : i32
      scf.for %scan3A_1593 = %scan3A_1420 to %scan3A_1422 step %scan3A_1423  : i32 {
        %mul3A_1594 = arith.constant 1 : i32
        %mul3A_1595 = arith.muli %scan3A_1593, %mul3A_1594 : i32
        %add3A_1596 = arith.constant 0 : i32
        %add3A_1597 = arith.addi %add3A_1596, %mul3A_1595 : i32
        %broadcast_in_dim3A = arith.constant 0 : i32
        %broadcast_in_dim3A_1598 = vector.broadcast %broadcast_in_dim3A : i32 to vector<16xi32>
        %add3A_1599 = vector.broadcast %add3A_1597 : i32 to vector<16xi32>
        %add3A_1600 = arith.addi %broadcast_in_dim3A_1598, %add3A_1599 : vector<16xi32>
        %broadcast_in_dim3A_1601 = arith.constant 0 : i32
        %broadcast_in_dim3A_1602 = vector.broadcast %broadcast_in_dim3A_1601 : i32 to vector<16xi32>
        %add3A_1603 = arith.constant 0 : i32
        %add3A_1604 = vector.broadcast %add3A_1603 : i32 to vector<16xi32>
        %add3A_1605 = arith.addi %div3A_6, %add3A_1604 : vector<16xi32>
        %add3A_1606 = arith.constant 0 : i32
        %add3A_1607 = arith.addi %add3A_1606, %add3A_1597 : i32
        %get3A = arith.constant 1 : i32
        %get3A_1608 = arith.index_cast %get3A : i32 to index
        %get3A_1609 = arith.index_cast %add3A_1607 : i32 to index
        %get3A_1610 = arith.constant 0 : index
        %get3A_1611 = tpu.vector_load %arg6[%get3A_1608, %get3A_1609, %get3A_1610] {strides = array<i32>} : memref<2x512x64xf32, #tpu.memory_space<vmem>>, vector<16xf32>,
        %mul3A_1612 = arith.constant 8.000000e+00 : f32
        %mul3A_1613 = vector.broadcast %mul3A_1612 : f32 to vector<16xf32>
        %mul3A_1614 = arith.mulf %get3A_1611, %mul3A_1613 : vector<16xf32>
        tpu.vector_store_idx %arg7[%add3A_1605, %broadcast_in_dim3A_1602, %rem3A_4, %add3A_1600], %mul3A_1614 : memref<8x4x8x129xf32, #tpu.memory_space<vmem>>[vector<16xi32>, vector<16xi32>, vector<16xi32>, vector<16xi32>], vector<16xf32>,
        %add3A_1615 = arith.constant 2 : i32
        %add3A_1616 = vector.broadcast %add3A_1615 : i32 to vector<16xi32>
        %add3A_1617 = arith.addi %div3A_6, %add3A_1616 : vector<16xi32>
        %add3A_1618 = arith.constant 0 : i32
        %add3A_1619 = arith.addi %add3A_1618, %add3A_1597 : i32
        %get3A_1620 = arith.constant 1 : i32
        %get3A_1621 = arith.index_cast %get3A_1620 : i32 to index
        %get3A_1622 = arith.index_cast %add3A_1619 : i32 to index
        %get3A_1623 = arith.constant 16 : index
        %get3A_1624 = tpu.vector_load %arg6[%get3A_1621, %get3A_1622, %get3A_1623] {strides = array<i32>} : memref<2x512x64xf32, #tpu.memory_space<vmem>>, vector<16xf32>,
        %mul3A_1625 = arith.constant 8.000000e+00 : f32
        %mul3A_1626 = vector.broadcast %mul3A_1625 : f32 to vector<16xf32>
        %mul3A_1627 = arith.mulf %get3A_1624, %mul3A_1626 : vector<16xf32>
        tpu.vector_store_idx %arg7[%add3A_1617, %broadcast_in_dim3A_1602, %rem3A_4, %add3A_1600], %mul3A_1627 : memref<8x4x8x129xf32, #tpu.memory_space<vmem>>[vector<16xi32>, vector<16xi32>, vector<16xi32>, vector<16xi32>], vector<16xf32>,
        %add3A_1628 = arith.constant 4 : i32
        %add3A_1629 = vector.broadcast %add3A_1628 : i32 to vector<16xi32>
        %add3A_1630 = arith.addi %div3A_6, %add3A_1629 : vector<16xi32>
        %add3A_1631 = arith.constant 0 : i32
        %add3A_1632 = arith.addi %add3A_1631, %add3A_1597 : i32
        %get3A_1633 = arith.constant 1 : i32
        %get3A_1634 = arith.index_cast %get3A_1633 : i32 to index
        %get3A_1635 = arith.index_cast %add3A_1632 : i32 to index
        %get3A_1636 = arith.constant 32 : index
        %get3A_1637 = tpu.vector_load %arg6[%get3A_1634, %get3A_1635, %get3A_1636] {strides = array<i32>} : memref<2x512x64xf32, #tpu.memory_space<vmem>>, vector<16xf32>,
        %mul3A_1638 = arith.constant 8.000000e+00 : f32
        %mul3A_1639 = vector.broadcast %mul3A_1638 : f32 to vector<16xf32>
        %mul3A_1640 = arith.mulf %get3A_1637, %mul3A_1639 : vector<16xf32>
        tpu.vector_store_idx %arg7[%add3A_1630, %broadcast_in_dim3A_1602, %rem3A_4, %add3A_1600], %mul3A_1640 : memref<8x4x8x129xf32, #tpu.memory_space<vmem>>[vector<16xi32>, vector<16xi32>, vector<16xi32>, vector<16xi32>], vector<16xf32>,
        %add3A_1641 = arith.constant 6 : i32
        %add3A_1642 = vector.broadcast %add3A_1641 : i32 to vector<16xi32>
        %add3A_1643 = arith.addi %div3A_6, %add3A_1642 : vector<16xi32>
        %add3A_1644 = arith.constant 0 : i32
        %add3A_1645 = arith.addi %add3A_1644, %add3A_1597 : i32
        %get3A_1646 = arith.constant 1 : i32
        %get3A_1647 = arith.index_cast %get3A_1646 : i32 to index
        %get3A_1648 = arith.index_cast %add3A_1645 : i32 to index
        %get3A_1649 = arith.constant 48 : index
        %get3A_1650 = tpu.vector_load %arg6[%get3A_1647, %get3A_1648, %get3A_1649] {strides = array<i32>} : memref<2x512x64xf32, #tpu.memory_space<vmem>>, vector<16xf32>,
        %mul3A_1651 = arith.constant 8.000000e+00 : f32
        %mul3A_1652 = vector.broadcast %mul3A_1651 : f32 to vector<16xf32>
        %mul3A_1653 = arith.mulf %get3A_1650, %mul3A_1652 : vector<16xf32>
        tpu.vector_store_idx %arg7[%add3A_1643, %broadcast_in_dim3A_1602, %rem3A_4, %add3A_1600], %mul3A_1653 : memref<8x4x8x129xf32, #tpu.memory_space<vmem>>[vector<16xi32>, vector<16xi32>, vector<16xi32>, vector<16xi32>], vector<16xf32>,
        %broadcast_in_dim3A_1654 = arith.constant 1 : i32
        %broadcast_in_dim3A_1655 = vector.broadcast %broadcast_in_dim3A_1654 : i32 to vector<16xi32>
        %add3A_1656 = arith.constant 0 : i32
        %add3A_1657 = vector.broadcast %add3A_1656 : i32 to vector<16xi32>
        %add3A_1658 = arith.addi %div3A_6, %add3A_1657 : vector<16xi32>
        %add3A_1659 = arith.constant 128 : i32
        %add3A_1660 = arith.addi %add3A_1659, %add3A_1597 : i32
        %get3A_1661 = arith.constant 1 : i32
        %get3A_1662 = arith.index_cast %get3A_1661 : i32 to index
        %get3A_1663 = arith.index_cast %add3A_1660 : i32 to index
        %get3A_1664 = arith.constant 0 : index
        %get3A_1665 = tpu.vector_load %arg6[%get3A_1662, %get3A_1663, %get3A_1664] {strides = array<i32>} : memref<2x512x64xf32, #tpu.memory_space<vmem>>, vector<16xf32>,
        %mul3A_1666 = arith.constant 8.000000e+00 : f32
        %mul3A_1667 = vector.broadcast %mul3A_1666 : f32 to vector<16xf32>
        %mul3A_1668 = arith.mulf %get3A_1665, %mul3A_1667 : vector<16xf32>
        tpu.vector_store_idx %arg7[%add3A_1658, %broadcast_in_dim3A_1655, %rem3A_4, %add3A_1600], %mul3A_1668 : memref<8x4x8x129xf32, #tpu.memory_space<vmem>>[vector<16xi32>, vector<16xi32>, vector<16xi32>, vector<16xi32>], vector<16xf32>,
        %add3A_1669 = arith.constant 2 : i32
        %add3A_1670 = vector.broadcast %add3A_1669 : i32 to vector<16xi32>
        %add3A_1671 = arith.addi %div3A_6, %add3A_1670 : vector<16xi32>
        %add3A_1672 = arith.constant 128 : i32
        %add3A_1673 = arith.addi %add3A_1672, %add3A_1597 : i32
        %get3A_1674 = arith.constant 1 : i32
        %get3A_1675 = arith.index_cast %get3A_1674 : i32 to index
        %get3A_1676 = arith.index_cast %add3A_1673 : i32 to index
        %get3A_1677 = arith.constant 16 : index
        %get3A_1678 = tpu.vector_load %arg6[%get3A_1675, %get3A_1676, %get3A_1677] {strides = array<i32>} : memref<2x512x64xf32, #tpu.memory_space<vmem>>, vector<16xf32>,
        %mul3A_1679 = arith.constant 8.000000e+00 : f32
        %mul3A_1680 = vector.broadcast %mul3A_1679 : f32 to vector<16xf32>
        %mul3A_1681 = arith.mulf %get3A_1678, %mul3A_1680 : vector<16xf32>
        tpu.vector_store_idx %arg7[%add3A_1671, %broadcast_in_dim3A_1655, %rem3A_4, %add3A_1600], %mul3A_1681 : memref<8x4x8x129xf32, #tpu.memory_space<vmem>>[vector<16xi32>, vector<16xi32>, vector<16xi32>, vector<16xi32>], vector<16xf32>,
        %add3A_1682 = arith.constant 4 : i32
        %add3A_1683 = vector.broadcast %add3A_1682 : i32 to vector<16xi32>
        %add3A_1684 = arith.addi %div3A_6, %add3A_1683 : vector<16xi32>
        %add3A_1685 = arith.constant 128 : i32
        %add3A_1686 = arith.addi %add3A_1685, %add3A_1597 : i32
        %get3A_1687 = arith.constant 1 : i32
        %get3A_1688 = arith.index_cast %get3A_1687 : i32 to index
        %get3A_1689 = arith.index_cast %add3A_1686 : i32 to index
        %get3A_1690 = arith.constant 32 : index
        %get3A_1691 = tpu.vector_load %arg6[%get3A_1688, %get3A_1689, %get3A_1690] {strides = array<i32>} : memref<2x512x64xf32, #tpu.memory_space<vmem>>, vector<16xf32>,
        %mul3A_1692 = arith.constant 8.000000e+00 : f32
        %mul3A_1693 = vector.broadcast %mul3A_1692 : f32 to vector<16xf32>
        %mul3A_1694 = arith.mulf %get3A_1691, %mul3A_1693 : vector<16xf32>
        tpu.vector_store_idx %arg7[%add3A_1684, %broadcast_in_dim3A_1655, %rem3A_4, %add3A_1600], %mul3A_1694 : memref<8x4x8x129xf32, #tpu.memory_space<vmem>>[vector<16xi32>, vector<16xi32>, vector<16xi32>, vector<16xi32>], vector<16xf32>,
        %add3A_1695 = arith.constant 6 : i32
        %add3A_1696 = vector.broadcast %add3A_1695 : i32 to vector<16xi32>
        %add3A_1697 = arith.addi %div3A_6, %add3A_1696 : vector<16xi32>
        %add3A_1698 = arith.constant 128 : i32
        %add3A_1699 = arith.addi %add3A_1698, %add3A_1597 : i32
        %get3A_1700 = arith.constant 1 : i32
        %get3A_1701 = arith.index_cast %get3A_1700 : i32 to index
        %get3A_1702 = arith.index_cast %add3A_1699 : i32 to index
        %get3A_1703 = arith.constant 48 : index
        %get3A_1704 = tpu.vector_load %arg6[%get3A_1701, %get3A_1702, %get3A_1703] {strides = array<i32>} : memref<2x512x64xf32, #tpu.memory_space<vmem>>, vector<16xf32>,
        %mul3A_1705 = arith.constant 8.000000e+00 : f32
        %mul3A_1706 = vector.broadcast %mul3A_1705 : f32 to vector<16xf32>
        %mul3A_1707 = arith.mulf %get3A_1704, %mul3A_1706 : vector<16xf32>
        tpu.vector_store_idx %arg7[%add3A_1697, %broadcast_in_dim3A_1655, %rem3A_4, %add3A_1600], %mul3A_1707 : memref<8x4x8x129xf32, #tpu.memory_space<vmem>>[vector<16xi32>, vector<16xi32>, vector<16xi32>, vector<16xi32>], vector<16xf32>,
        %broadcast_in_dim3A_1708 = arith.constant 2 : i32
        %broadcast_in_dim3A_1709 = vector.broadcast %broadcast_in_dim3A_1708 : i32 to vector<16xi32>
        %add3A_1710 = arith.constant 0 : i32
        %add3A_1711 = vector.broadcast %add3A_1710 : i32 to vector<16xi32>
        %add3A_1712 = arith.addi %div3A_6, %add3A_1711 : vector<16xi32>
        %add3A_1713 = arith.constant 256 : i32
        %add3A_1714 = arith.addi %add3A_1713, %add3A_1597 : i32
        %get3A_1715 = arith.constant 1 : i32
        %get3A_1716 = arith.index_cast %get3A_1715 : i32 to index
        %get3A_1717 = arith.index_cast %add3A_1714 : i32 to index
        %get3A_1718 = arith.constant 0 : index
        %get3A_1719 = tpu.vector_load %arg6[%get3A_1716, %get3A_1717, %get3A_1718] {strides = array<i32>} : memref<2x512x64xf32, #tpu.memory_space<vmem>>, vector<16xf32>,
        %mul3A_1720 = arith.constant 8.000000e+00 : f32
        %mul3A_1721 = vector.broadcast %mul3A_1720 : f32 to vector<16xf32>
        %mul3A_1722 = arith.mulf %get3A_1719, %mul3A_1721 : vector<16xf32>
        tpu.vector_store_idx %arg7[%add3A_1712, %broadcast_in_dim3A_1709, %rem3A_4, %add3A_1600], %mul3A_1722 : memref<8x4x8x129xf32, #tpu.memory_space<vmem>>[vector<16xi32>, vector<16xi32>, vector<16xi32>, vector<16xi32>], vector<16xf32>,
        %add3A_1723 = arith.constant 2 : i32
        %add3A_1724 = vector.broadcast %add3A_1723 : i32 to vector<16xi32>
        %add3A_1725 = arith.addi %div3A_6, %add3A_1724 : vector<16xi32>
        %add3A_1726 = arith.constant 256 : i32
        %add3A_1727 = arith.addi %add3A_1726, %add3A_1597 : i32
        %get3A_1728 = arith.constant 1 : i32
        %get3A_1729 = arith.index_cast %get3A_1728 : i32 to index
        %get3A_1730 = arith.index_cast %add3A_1727 : i32 to index
        %get3A_1731 = arith.constant 16 : index
        %get3A_1732 = tpu.vector_load %arg6[%get3A_1729, %get3A_1730, %get3A_1731] {strides = array<i32>} : memref<2x512x64xf32, #tpu.memory_space<vmem>>, vector<16xf32>,
        %mul3A_1733 = arith.constant 8.000000e+00 : f32
        %mul3A_1734 = vector.broadcast %mul3A_1733 : f32 to vector<16xf32>
        %mul3A_1735 = arith.mulf %get3A_1732, %mul3A_1734 : vector<16xf32>
        tpu.vector_store_idx %arg7[%add3A_1725, %broadcast_in_dim3A_1709, %rem3A_4, %add3A_1600], %mul3A_1735 : memref<8x4x8x129xf32, #tpu.memory_space<vmem>>[vector<16xi32>, vector<16xi32>, vector<16xi32>, vector<16xi32>], vector<16xf32>,
        %add3A_1736 = arith.constant 4 : i32
        %add3A_1737 = vector.broadcast %add3A_1736 : i32 to vector<16xi32>
        %add3A_1738 = arith.addi %div3A_6, %add3A_1737 : vector<16xi32>
        %add3A_1739 = arith.constant 256 : i32
        %add3A_1740 = arith.addi %add3A_1739, %add3A_1597 : i32
        %get3A_1741 = arith.constant 1 : i32
        %get3A_1742 = arith.index_cast %get3A_1741 : i32 to index
        %get3A_1743 = arith.index_cast %add3A_1740 : i32 to index
        %get3A_1744 = arith.constant 32 : index
        %get3A_1745 = tpu.vector_load %arg6[%get3A_1742, %get3A_1743, %get3A_1744] {strides = array<i32>} : memref<2x512x64xf32, #tpu.memory_space<vmem>>, vector<16xf32>,
        %mul3A_1746 = arith.constant 8.000000e+00 : f32
        %mul3A_1747 = vector.broadcast %mul3A_1746 : f32 to vector<16xf32>
        %mul3A_1748 = arith.mulf %get3A_1745, %mul3A_1747 : vector<16xf32>
        tpu.vector_store_idx %arg7[%add3A_1738, %broadcast_in_dim3A_1709, %rem3A_4, %add3A_1600], %mul3A_1748 : memref<8x4x8x129xf32, #tpu.memory_space<vmem>>[vector<16xi32>, vector<16xi32>, vector<16xi32>, vector<16xi32>], vector<16xf32>,
        %add3A_1749 = arith.constant 6 : i32
        %add3A_1750 = vector.broadcast %add3A_1749 : i32 to vector<16xi32>
        %add3A_1751 = arith.addi %div3A_6, %add3A_1750 : vector<16xi32>
        %add3A_1752 = arith.constant 256 : i32
        %add3A_1753 = arith.addi %add3A_1752, %add3A_1597 : i32
        %get3A_1754 = arith.constant 1 : i32
        %get3A_1755 = arith.index_cast %get3A_1754 : i32 to index
        %get3A_1756 = arith.index_cast %add3A_1753 : i32 to index
        %get3A_1757 = arith.constant 48 : index
        %get3A_1758 = tpu.vector_load %arg6[%get3A_1755, %get3A_1756, %get3A_1757] {strides = array<i32>} : memref<2x512x64xf32, #tpu.memory_space<vmem>>, vector<16xf32>,
        %mul3A_1759 = arith.constant 8.000000e+00 : f32
        %mul3A_1760 = vector.broadcast %mul3A_1759 : f32 to vector<16xf32>
        %mul3A_1761 = arith.mulf %get3A_1758, %mul3A_1760 : vector<16xf32>
        tpu.vector_store_idx %arg7[%add3A_1751, %broadcast_in_dim3A_1709, %rem3A_4, %add3A_1600], %mul3A_1761 : memref<8x4x8x129xf32, #tpu.memory_space<vmem>>[vector<16xi32>, vector<16xi32>, vector<16xi32>, vector<16xi32>], vector<16xf32>,
        %broadcast_in_dim3A_1762 = arith.constant 3 : i32
        %broadcast_in_dim3A_1763 = vector.broadcast %broadcast_in_dim3A_1762 : i32 to vector<16xi32>
        %add3A_1764 = arith.constant 0 : i32
        %add3A_1765 = vector.broadcast %add3A_1764 : i32 to vector<16xi32>
        %add3A_1766 = arith.addi %div3A_6, %add3A_1765 : vector<16xi32>
        %add3A_1767 = arith.constant 384 : i32
        %add3A_1768 = arith.addi %add3A_1767, %add3A_1597 : i32
        %get3A_1769 = arith.constant 1 : i32
        %get3A_1770 = arith.index_cast %get3A_1769 : i32 to index
        %get3A_1771 = arith.index_cast %add3A_1768 : i32 to index
        %get3A_1772 = arith.constant 0 : index
        %get3A_1773 = tpu.vector_load %arg6[%get3A_1770, %get3A_1771, %get3A_1772] {strides = array<i32>} : memref<2x512x64xf32, #tpu.memory_space<vmem>>, vector<16xf32>,
        %mul3A_1774 = arith.constant 8.000000e+00 : f32
        %mul3A_1775 = vector.broadcast %mul3A_1774 : f32 to vector<16xf32>
        %mul3A_1776 = arith.mulf %get3A_1773, %mul3A_1775 : vector<16xf32>
        tpu.vector_store_idx %arg7[%add3A_1766, %broadcast_in_dim3A_1763, %rem3A_4, %add3A_1600], %mul3A_1776 : memref<8x4x8x129xf32, #tpu.memory_space<vmem>>[vector<16xi32>, vector<16xi32>, vector<16xi32>, vector<16xi32>], vector<16xf32>,
        %add3A_1777 = arith.constant 2 : i32
        %add3A_1778 = vector.broadcast %add3A_1777 : i32 to vector<16xi32>
        %add3A_1779 = arith.addi %div3A_6, %add3A_1778 : vector<16xi32>
        %add3A_1780 = arith.constant 384 : i32
        %add3A_1781 = arith.addi %add3A_1780, %add3A_1597 : i32
        %get3A_1782 = arith.constant 1 : i32
        %get3A_1783 = arith.index_cast %get3A_1782 : i32 to index
        %get3A_1784 = arith.index_cast %add3A_1781 : i32 to index
        %get3A_1785 = arith.constant 16 : index
        %get3A_1786 = tpu.vector_load %arg6[%get3A_1783, %get3A_1784, %get3A_1785] {strides = array<i32>} : memref<2x512x64xf32, #tpu.memory_space<vmem>>, vector<16xf32>,
        %mul3A_1787 = arith.constant 8.000000e+00 : f32
        %mul3A_1788 = vector.broadcast %mul3A_1787 : f32 to vector<16xf32>
        %mul3A_1789 = arith.mulf %get3A_1786, %mul3A_1788 : vector<16xf32>
        tpu.vector_store_idx %arg7[%add3A_1779, %broadcast_in_dim3A_1763, %rem3A_4, %add3A_1600], %mul3A_1789 : memref<8x4x8x129xf32, #tpu.memory_space<vmem>>[vector<16xi32>, vector<16xi32>, vector<16xi32>, vector<16xi32>], vector<16xf32>,
        %add3A_1790 = arith.constant 4 : i32
        %add3A_1791 = vector.broadcast %add3A_1790 : i32 to vector<16xi32>
        %add3A_1792 = arith.addi %div3A_6, %add3A_1791 : vector<16xi32>
        %add3A_1793 = arith.constant 384 : i32
        %add3A_1794 = arith.addi %add3A_1793, %add3A_1597 : i32
        %get3A_1795 = arith.constant 1 : i32
        %get3A_1796 = arith.index_cast %get3A_1795 : i32 to index
        %get3A_1797 = arith.index_cast %add3A_1794 : i32 to index
        %get3A_1798 = arith.constant 32 : index
        %get3A_1799 = tpu.vector_load %arg6[%get3A_1796, %get3A_1797, %get3A_1798] {strides = array<i32>} : memref<2x512x64xf32, #tpu.memory_space<vmem>>, vector<16xf32>,
        %mul3A_1800 = arith.constant 8.000000e+00 : f32
        %mul3A_1801 = vector.broadcast %mul3A_1800 : f32 to vector<16xf32>
        %mul3A_1802 = arith.mulf %get3A_1799, %mul3A_1801 : vector<16xf32>
        tpu.vector_store_idx %arg7[%add3A_1792, %broadcast_in_dim3A_1763, %rem3A_4, %add3A_1600], %mul3A_1802 : memref<8x4x8x129xf32, #tpu.memory_space<vmem>>[vector<16xi32>, vector<16xi32>, vector<16xi32>, vector<16xi32>], vector<16xf32>,
        %add3A_1803 = arith.constant 6 : i32
        %add3A_1804 = vector.broadcast %add3A_1803 : i32 to vector<16xi32>
        %add3A_1805 = arith.addi %div3A_6, %add3A_1804 : vector<16xi32>
        %add3A_1806 = arith.constant 384 : i32
        %add3A_1807 = arith.addi %add3A_1806, %add3A_1597 : i32
        %get3A_1808 = arith.constant 1 : i32
        %get3A_1809 = arith.index_cast %get3A_1808 : i32 to index
        %get3A_1810 = arith.index_cast %add3A_1807 : i32 to index
        %get3A_1811 = arith.constant 48 : index
        %get3A_1812 = tpu.vector_load %arg6[%get3A_1809, %get3A_1810, %get3A_1811] {strides = array<i32>} : memref<2x512x64xf32, #tpu.memory_space<vmem>>, vector<16xf32>,
        %mul3A_1813 = arith.constant 8.000000e+00 : f32
        %mul3A_1814 = vector.broadcast %mul3A_1813 : f32 to vector<16xf32>
        %mul3A_1815 = arith.mulf %get3A_1812, %mul3A_1814 : vector<16xf32>
        tpu.vector_store_idx %arg7[%add3A_1805, %broadcast_in_dim3A_1763, %rem3A_4, %add3A_1600], %mul3A_1815 : memref<8x4x8x129xf32, #tpu.memory_space<vmem>>[vector<16xi32>, vector<16xi32>, vector<16xi32>, vector<16xi32>], vector<16xf32>,
      }
      %scan3A_1424 = arith.constant 128 : i32
      %add3A_1425 = arith.addi %mul3A_2, %add3A_1329 : i32
      %shift_right_logical3A_1426 = arith.constant 5 : i32
      %shift_right_logical3A_1427 = arith.shrui %add3A_1425, %shift_right_logical3A_1426 : i32
      %and3A_1428 = arith.constant 31 : i32
      %and3A_1429 = arith.andi %add3A_1425, %and3A_1428 : i32
      %mul3A_1430 = arith.constant 4 : i32
      %mul3A_1431 = arith.muli %and3A_1429, %mul3A_1430 : i32
      %multiple_of3A_1432 = tpu.assume_multiple %mul3A_1431, 4 : i32
      %dma_start3A_1433 = arith.constant 0 : i32
      %dma_start3A_1434 = arith.constant 0 : i32
      %dma_start3A_1435 = arith.constant 0 : i32
      %dma_start3A_1436 = arith.constant 0 : i32
      %dma_start3A_1437 = arith.constant 0 : i32
      %dma_start3A_1438 = tpu.memref_slice %arg7[%dma_start3A_1433, %dma_start3A_1435, %dma_start3A_1436, %dma_start3A_1437] : memref<8x4x8x129xf32, #tpu.memory_space<vmem>> -> memref<1x4x8x128xf32, #tpu.memory_space<vmem>>
      %dma_start3A_1439 = tpu.memref_squeeze %dma_start3A_1438 : memref<1x4x8x128xf32, #tpu.memory_space<vmem>> -> memref<4x8x128xf32, #tpu.memory_space<vmem>>
      %dma_start3A_1440 = arith.constant 0 : i32
      %dma_start3A_1441 = arith.constant 0 : i32
      %dma_start3A_1442 = tpu.memref_slice %arg4[%shift_right_logical3A_1427, %dma_start3A_1434, %multiple_of3A_1432, %dma_start3A_1440, %dma_start3A_1441] : memref<50x8x128x8x128xf32, #tpu.memory_space<hbm>> -> memref<1x1x4x8x128xf32, #tpu.memory_space<hbm>>
      %dma_start3A_1443 = tpu.memref_squeeze %dma_start3A_1442 : memref<1x1x4x8x128xf32, #tpu.memory_space<hbm>> -> memref<4x8x128xf32, #tpu.memory_space<hbm>>
      %dma_start3A_1444 = arith.constant 0 : i32
      %dma_start3A_1445 = arith.constant 0 : i32
      %dma_start3A_1446 = tpu.memref_slice %arg4[%shift_right_logical3A_1427, %dma_start3A_1434, %multiple_of3A_1432, %dma_start3A_1444, %dma_start3A_1445] : memref<50x8x128x8x128xf32, #tpu.memory_space<hbm>> -> memref<1x1x4x8x128xf32, #tpu.memory_space<hbm>>
      %dma_start3A_1447 = tpu.memref_squeeze %dma_start3A_1446 : memref<1x1x4x8x128xf32, #tpu.memory_space<hbm>> -> memref<4x8x128xf32, #tpu.memory_space<hbm>>
      %dma_start3A_1448 = arith.constant 0 : i32
      %dma_start3A_1449 = arith.constant 0 : i32
      %dma_start3A_1450 = arith.constant 0 : i32
      %dma_start3A_1451 = tpu.memref_slice %arg7[%dma_start3A_1433, %dma_start3A_1448, %dma_start3A_1449, %dma_start3A_1450] : memref<8x4x8x129xf32, #tpu.memory_space<vmem>> -> memref<1x4x8x128xf32, #tpu.memory_space<vmem>>
      %dma_start3A_1452 = tpu.memref_squeeze %dma_start3A_1451 : memref<1x4x8x128xf32, #tpu.memory_space<vmem>> -> memref<4x8x128xf32, #tpu.memory_space<vmem>>
      tpu.enqueue_dma source(%dma_start3A_1452 : memref<4x8x128xf32, #tpu.memory_space<vmem>>) target(%dma_start3A_1447 : memref<4x8x128xf32, #tpu.memory_space<hbm>>) target_semaphore(%arg10 : memref<!tpu.dma_semaphore, #tpu.memory_space<semaphore_mem>>)
      %dma_start3A_1453 = arith.constant 1 : i32
      %dma_start3A_1454 = arith.constant 1 : i32
      %dma_start3A_1455 = arith.constant 0 : i32
      %dma_start3A_1456 = arith.constant 0 : i32
      %dma_start3A_1457 = arith.constant 0 : i32
      %dma_start3A_1458 = tpu.memref_slice %arg7[%dma_start3A_1453, %dma_start3A_1455, %dma_start3A_1456, %dma_start3A_1457] : memref<8x4x8x129xf32, #tpu.memory_space<vmem>> -> memref<1x4x8x128xf32, #tpu.memory_space<vmem>>
      %dma_start3A_1459 = tpu.memref_squeeze %dma_start3A_1458 : memref<1x4x8x128xf32, #tpu.memory_space<vmem>> -> memref<4x8x128xf32, #tpu.memory_space<vmem>>
      %dma_start3A_1460 = arith.constant 0 : i32
      %dma_start3A_1461 = arith.constant 0 : i32
      %dma_start3A_1462 = tpu.memref_slice %arg4[%shift_right_logical3A_1427, %dma_start3A_1454, %multiple_of3A_1432, %dma_start3A_1460, %dma_start3A_1461] : memref<50x8x128x8x128xf32, #tpu.memory_space<hbm>> -> memref<1x1x4x8x128xf32, #tpu.memory_space<hbm>>
      %dma_start3A_1463 = tpu.memref_squeeze %dma_start3A_1462 : memref<1x1x4x8x128xf32, #tpu.memory_space<hbm>> -> memref<4x8x128xf32, #tpu.memory_space<hbm>>
      %dma_start3A_1464 = arith.constant 0 : i32
      %dma_start3A_1465 = arith.constant 0 : i32
      %dma_start3A_1466 = tpu.memref_slice %arg4[%shift_right_logical3A_1427, %dma_start3A_1454, %multiple_of3A_1432, %dma_start3A_1464, %dma_start3A_1465] : memref<50x8x128x8x128xf32, #tpu.memory_space<hbm>> -> memref<1x1x4x8x128xf32, #tpu.memory_space<hbm>>
      %dma_start3A_1467 = tpu.memref_squeeze %dma_start3A_1466 : memref<1x1x4x8x128xf32, #tpu.memory_space<hbm>> -> memref<4x8x128xf32, #tpu.memory_space<hbm>>
      %dma_start3A_1468 = arith.constant 0 : i32
      %dma_start3A_1469 = arith.constant 0 : i32
      %dma_start3A_1470 = arith.constant 0 : i32
      %dma_start3A_1471 = tpu.memref_slice %arg7[%dma_start3A_1453, %dma_start3A_1468, %dma_start3A_1469, %dma_start3A_1470] : memref<8x4x8x129xf32, #tpu.memory_space<vmem>> -> memref<1x4x8x128xf32, #tpu.memory_space<vmem>>
      %dma_start3A_1472 = tpu.memref_squeeze %dma_start3A_1471 : memref<1x4x8x128xf32, #tpu.memory_space<vmem>> -> memref<4x8x128xf32, #tpu.memory_space<vmem>>
      tpu.enqueue_dma source(%dma_start3A_1472 : memref<4x8x128xf32, #tpu.memory_space<vmem>>) target(%dma_start3A_1467 : memref<4x8x128xf32, #tpu.memory_space<hbm>>) target_semaphore(%arg10 : memref<!tpu.dma_semaphore, #tpu.memory_space<semaphore_mem>>)
      %dma_start3A_1473 = arith.constant 2 : i32
      %dma_start3A_1474 = arith.constant 2 : i32
      %dma_start3A_1475 = arith.constant 0 : i32
      %dma_start3A_1476 = arith.constant 0 : i32
      %dma_start3A_1477 = arith.constant 0 : i32
      %dma_start3A_1478 = tpu.memref_slice %arg7[%dma_start3A_1473, %dma_start3A_1475, %dma_start3A_1476, %dma_start3A_1477] : memref<8x4x8x129xf32, #tpu.memory_space<vmem>> -> memref<1x4x8x128xf32, #tpu.memory_space<vmem>>
      %dma_start3A_1479 = tpu.memref_squeeze %dma_start3A_1478 : memref<1x4x8x128xf32, #tpu.memory_space<vmem>> -> memref<4x8x128xf32, #tpu.memory_space<vmem>>
      %dma_start3A_1480 = arith.constant 0 : i32
      %dma_start3A_1481 = arith.constant 0 : i32
      %dma_start3A_1482 = tpu.memref_slice %arg4[%shift_right_logical3A_1427, %dma_start3A_1474, %multiple_of3A_1432, %dma_start3A_1480, %dma_start3A_1481] : memref<50x8x128x8x128xf32, #tpu.memory_space<hbm>> -> memref<1x1x4x8x128xf32, #tpu.memory_space<hbm>>
      %dma_start3A_1483 = tpu.memref_squeeze %dma_start3A_1482 : memref<1x1x4x8x128xf32, #tpu.memory_space<hbm>> -> memref<4x8x128xf32, #tpu.memory_space<hbm>>
      %dma_start3A_1484 = arith.constant 0 : i32
      %dma_start3A_1485 = arith.constant 0 : i32
      %dma_start3A_1486 = tpu.memref_slice %arg4[%shift_right_logical3A_1427, %dma_start3A_1474, %multiple_of3A_1432, %dma_start3A_1484, %dma_start3A_1485] : memref<50x8x128x8x128xf32, #tpu.memory_space<hbm>> -> memref<1x1x4x8x128xf32, #tpu.memory_space<hbm>>
      %dma_start3A_1487 = tpu.memref_squeeze %dma_start3A_1486 : memref<1x1x4x8x128xf32, #tpu.memory_space<hbm>> -> memref<4x8x128xf32, #tpu.memory_space<hbm>>
      %dma_start3A_1488 = arith.constant 0 : i32
      %dma_start3A_1489 = arith.constant 0 : i32
      %dma_start3A_1490 = arith.constant 0 : i32
      %dma_start3A_1491 = tpu.memref_slice %arg7[%dma_start3A_1473, %dma_start3A_1488, %dma_start3A_1489, %dma_start3A_1490] : memref<8x4x8x129xf32, #tpu.memory_space<vmem>> -> memref<1x4x8x128xf32, #tpu.memory_space<vmem>>
      %dma_start3A_1492 = tpu.memref_squeeze %dma_start3A_1491 : memref<1x4x8x128xf32, #tpu.memory_space<vmem>> -> memref<4x8x128xf32, #tpu.memory_space<vmem>>
      tpu.enqueue_dma source(%dma_start3A_1492 : memref<4x8x128xf32, #tpu.memory_space<vmem>>) target(%dma_start3A_1487 : memref<4x8x128xf32, #tpu.memory_space<hbm>>) target_semaphore(%arg10 : memref<!tpu.dma_semaphore, #tpu.memory_space<semaphore_mem>>)
      %dma_start3A_1493 = arith.constant 3 : i32
      %dma_start3A_1494 = arith.constant 3 : i32
      %dma_start3A_1495 = arith.constant 0 : i32
      %dma_start3A_1496 = arith.constant 0 : i32
      %dma_start3A_1497 = arith.constant 0 : i32
      %dma_start3A_1498 = tpu.memref_slice %arg7[%dma_start3A_1493, %dma_start3A_1495, %dma_start3A_1496, %dma_start3A_1497] : memref<8x4x8x129xf32, #tpu.memory_space<vmem>> -> memref<1x4x8x128xf32, #tpu.memory_space<vmem>>
      %dma_start3A_1499 = tpu.memref_squeeze %dma_start3A_1498 : memref<1x4x8x128xf32, #tpu.memory_space<vmem>> -> memref<4x8x128xf32, #tpu.memory_space<vmem>>
      %dma_start3A_1500 = arith.constant 0 : i32
      %dma_start3A_1501 = arith.constant 0 : i32
      %dma_start3A_1502 = tpu.memref_slice %arg4[%shift_right_logical3A_1427, %dma_start3A_1494, %multiple_of3A_1432, %dma_start3A_1500, %dma_start3A_1501] : memref<50x8x128x8x128xf32, #tpu.memory_space<hbm>> -> memref<1x1x4x8x128xf32, #tpu.memory_space<hbm>>
      %dma_start3A_1503 = tpu.memref_squeeze %dma_start3A_1502 : memref<1x1x4x8x128xf32, #tpu.memory_space<hbm>> -> memref<4x8x128xf32, #tpu.memory_space<hbm>>
      %dma_start3A_1504 = arith.constant 0 : i32
      %dma_start3A_1505 = arith.constant 0 : i32
      %dma_start3A_1506 = tpu.memref_slice %arg4[%shift_right_logical3A_1427, %dma_start3A_1494, %multiple_of3A_1432, %dma_start3A_1504, %dma_start3A_1505] : memref<50x8x128x8x128xf32, #tpu.memory_space<hbm>> -> memref<1x1x4x8x128xf32, #tpu.memory_space<hbm>>
      %dma_start3A_1507 = tpu.memref_squeeze %dma_start3A_1506 : memref<1x1x4x8x128xf32, #tpu.memory_space<hbm>> -> memref<4x8x128xf32, #tpu.memory_space<hbm>>
      %dma_start3A_1508 = arith.constant 0 : i32
      %dma_start3A_1509 = arith.constant 0 : i32
      %dma_start3A_1510 = arith.constant 0 : i32
      %dma_start3A_1511 = tpu.memref_slice %arg7[%dma_start3A_1493, %dma_start3A_1508, %dma_start3A_1509, %dma_start3A_1510] : memref<8x4x8x129xf32, #tpu.memory_space<vmem>> -> memref<1x4x8x128xf32, #tpu.memory_space<vmem>>
      %dma_start3A_1512 = tpu.memref_squeeze %dma_start3A_1511 : memref<1x4x8x128xf32, #tpu.memory_space<vmem>> -> memref<4x8x128xf32, #tpu.memory_space<vmem>>
      tpu.enqueue_dma source(%dma_start3A_1512 : memref<4x8x128xf32, #tpu.memory_space<vmem>>) target(%dma_start3A_1507 : memref<4x8x128xf32, #tpu.memory_space<hbm>>) target_semaphore(%arg10 : memref<!tpu.dma_semaphore, #tpu.memory_space<semaphore_mem>>)
      %dma_start3A_1513 = arith.constant 4 : i32
      %dma_start3A_1514 = arith.constant 4 : i32
      %dma_start3A_1515 = arith.constant 0 : i32
      %dma_start3A_1516 = arith.constant 0 : i32
      %dma_start3A_1517 = arith.constant 0 : i32
      %dma_start3A_1518 = tpu.memref_slice %arg7[%dma_start3A_1513, %dma_start3A_1515, %dma_start3A_1516, %dma_start3A_1517] : memref<8x4x8x129xf32, #tpu.memory_space<vmem>> -> memref<1x4x8x128xf32, #tpu.memory_space<vmem>>
      %dma_start3A_1519 = tpu.memref_squeeze %dma_start3A_1518 : memref<1x4x8x128xf32, #tpu.memory_space<vmem>> -> memref<4x8x128xf32, #tpu.memory_space<vmem>>
      %dma_start3A_1520 = arith.constant 0 : i32
      %dma_start3A_1521 = arith.constant 0 : i32
      %dma_start3A_1522 = tpu.memref_slice %arg4[%shift_right_logical3A_1427, %dma_start3A_1514, %multiple_of3A_1432, %dma_start3A_1520, %dma_start3A_1521] : memref<50x8x128x8x128xf32, #tpu.memory_space<hbm>> -> memref<1x1x4x8x128xf32, #tpu.memory_space<hbm>>
      %dma_start3A_1523 = tpu.memref_squeeze %dma_start3A_1522 : memref<1x1x4x8x128xf32, #tpu.memory_space<hbm>> -> memref<4x8x128xf32, #tpu.memory_space<hbm>>
      %dma_start3A_1524 = arith.constant 0 : i32
      %dma_start3A_1525 = arith.constant 0 : i32
      %dma_start3A_1526 = tpu.memref_slice %arg4[%shift_right_logical3A_1427, %dma_start3A_1514, %multiple_of3A_1432, %dma_start3A_1524, %dma_start3A_1525] : memref<50x8x128x8x128xf32, #tpu.memory_space<hbm>> -> memref<1x1x4x8x128xf32, #tpu.memory_space<hbm>>
      %dma_start3A_1527 = tpu.memref_squeeze %dma_start3A_1526 : memref<1x1x4x8x128xf32, #tpu.memory_space<hbm>> -> memref<4x8x128xf32, #tpu.memory_space<hbm>>
      %dma_start3A_1528 = arith.constant 0 : i32
      %dma_start3A_1529 = arith.constant 0 : i32
      %dma_start3A_1530 = arith.constant 0 : i32
      %dma_start3A_1531 = tpu.memref_slice %arg7[%dma_start3A_1513, %dma_start3A_1528, %dma_start3A_1529, %dma_start3A_1530] : memref<8x4x8x129xf32, #tpu.memory_space<vmem>> -> memref<1x4x8x128xf32, #tpu.memory_space<vmem>>
      %dma_start3A_1532 = tpu.memref_squeeze %dma_start3A_1531 : memref<1x4x8x128xf32, #tpu.memory_space<vmem>> -> memref<4x8x128xf32, #tpu.memory_space<vmem>>
      tpu.enqueue_dma source(%dma_start3A_1532 : memref<4x8x128xf32, #tpu.memory_space<vmem>>) target(%dma_start3A_1527 : memref<4x8x128xf32, #tpu.memory_space<hbm>>) target_semaphore(%arg10 : memref<!tpu.dma_semaphore, #tpu.memory_space<semaphore_mem>>)
      %dma_start3A_1533 = arith.constant 5 : i32
      %dma_start3A_1534 = arith.constant 5 : i32
      %dma_start3A_1535 = arith.constant 0 : i32
      %dma_start3A_1536 = arith.constant 0 : i32
      %dma_start3A_1537 = arith.constant 0 : i32
      %dma_start3A_1538 = tpu.memref_slice %arg7[%dma_start3A_1533, %dma_start3A_1535, %dma_start3A_1536, %dma_start3A_1537] : memref<8x4x8x129xf32, #tpu.memory_space<vmem>> -> memref<1x4x8x128xf32, #tpu.memory_space<vmem>>
      %dma_start3A_1539 = tpu.memref_squeeze %dma_start3A_1538 : memref<1x4x8x128xf32, #tpu.memory_space<vmem>> -> memref<4x8x128xf32, #tpu.memory_space<vmem>>
      %dma_start3A_1540 = arith.constant 0 : i32
      %dma_start3A_1541 = arith.constant 0 : i32
      %dma_start3A_1542 = tpu.memref_slice %arg4[%shift_right_logical3A_1427, %dma_start3A_1534, %multiple_of3A_1432, %dma_start3A_1540, %dma_start3A_1541] : memref<50x8x128x8x128xf32, #tpu.memory_space<hbm>> -> memref<1x1x4x8x128xf32, #tpu.memory_space<hbm>>
      %dma_start3A_1543 = tpu.memref_squeeze %dma_start3A_1542 : memref<1x1x4x8x128xf32, #tpu.memory_space<hbm>> -> memref<4x8x128xf32, #tpu.memory_space<hbm>>
      %dma_start3A_1544 = arith.constant 0 : i32
      %dma_start3A_1545 = arith.constant 0 : i32
      %dma_start3A_1546 = tpu.memref_slice %arg4[%shift_right_logical3A_1427, %dma_start3A_1534, %multiple_of3A_1432, %dma_start3A_1544, %dma_start3A_1545] : memref<50x8x128x8x128xf32, #tpu.memory_space<hbm>> -> memref<1x1x4x8x128xf32, #tpu.memory_space<hbm>>
      %dma_start3A_1547 = tpu.memref_squeeze %dma_start3A_1546 : memref<1x1x4x8x128xf32, #tpu.memory_space<hbm>> -> memref<4x8x128xf32, #tpu.memory_space<hbm>>
      %dma_start3A_1548 = arith.constant 0 : i32
      %dma_start3A_1549 = arith.constant 0 : i32
      %dma_start3A_1550 = arith.constant 0 : i32
      %dma_start3A_1551 = tpu.memref_slice %arg7[%dma_start3A_1533, %dma_start3A_1548, %dma_start3A_1549, %dma_start3A_1550] : memref<8x4x8x129xf32, #tpu.memory_space<vmem>> -> memref<1x4x8x128xf32, #tpu.memory_space<vmem>>
      %dma_start3A_1552 = tpu.memref_squeeze %dma_start3A_1551 : memref<1x4x8x128xf32, #tpu.memory_space<vmem>> -> memref<4x8x128xf32, #tpu.memory_space<vmem>>
      tpu.enqueue_dma source(%dma_start3A_1552 : memref<4x8x128xf32, #tpu.memory_space<vmem>>) target(%dma_start3A_1547 : memref<4x8x128xf32, #tpu.memory_space<hbm>>) target_semaphore(%arg10 : memref<!tpu.dma_semaphore, #tpu.memory_space<semaphore_mem>>)
      %dma_start3A_1553 = arith.constant 6 : i32
      %dma_start3A_1554 = arith.constant 6 : i32
      %dma_start3A_1555 = arith.constant 0 : i32
      %dma_start3A_1556 = arith.constant 0 : i32
      %dma_start3A_1557 = arith.constant 0 : i32
      %dma_start3A_1558 = tpu.memref_slice %arg7[%dma_start3A_1553, %dma_start3A_1555, %dma_start3A_1556, %dma_start3A_1557] : memref<8x4x8x129xf32, #tpu.memory_space<vmem>> -> memref<1x4x8x128xf32, #tpu.memory_space<vmem>>
      %dma_start3A_1559 = tpu.memref_squeeze %dma_start3A_1558 : memref<1x4x8x128xf32, #tpu.memory_space<vmem>> -> memref<4x8x128xf32, #tpu.memory_space<vmem>>
      %dma_start3A_1560 = arith.constant 0 : i32
      %dma_start3A_1561 = arith.constant 0 : i32
      %dma_start3A_1562 = tpu.memref_slice %arg4[%shift_right_logical3A_1427, %dma_start3A_1554, %multiple_of3A_1432, %dma_start3A_1560, %dma_start3A_1561] : memref<50x8x128x8x128xf32, #tpu.memory_space<hbm>> -> memref<1x1x4x8x128xf32, #tpu.memory_space<hbm>>
      %dma_start3A_1563 = tpu.memref_squeeze %dma_start3A_1562 : memref<1x1x4x8x128xf32, #tpu.memory_space<hbm>> -> memref<4x8x128xf32, #tpu.memory_space<hbm>>
      %dma_start3A_1564 = arith.constant 0 : i32
      %dma_start3A_1565 = arith.constant 0 : i32
      %dma_start3A_1566 = tpu.memref_slice %arg4[%shift_right_logical3A_1427, %dma_start3A_1554, %multiple_of3A_1432, %dma_start3A_1564, %dma_start3A_1565] : memref<50x8x128x8x128xf32, #tpu.memory_space<hbm>> -> memref<1x1x4x8x128xf32, #tpu.memory_space<hbm>>
      %dma_start3A_1567 = tpu.memref_squeeze %dma_start3A_1566 : memref<1x1x4x8x128xf32, #tpu.memory_space<hbm>> -> memref<4x8x128xf32, #tpu.memory_space<hbm>>
      %dma_start3A_1568 = arith.constant 0 : i32
      %dma_start3A_1569 = arith.constant 0 : i32
      %dma_start3A_1570 = arith.constant 0 : i32
      %dma_start3A_1571 = tpu.memref_slice %arg7[%dma_start3A_1553, %dma_start3A_1568, %dma_start3A_1569, %dma_start3A_1570] : memref<8x4x8x129xf32, #tpu.memory_space<vmem>> -> memref<1x4x8x128xf32, #tpu.memory_space<vmem>>
      %dma_start3A_1572 = tpu.memref_squeeze %dma_start3A_1571 : memref<1x4x8x128xf32, #tpu.memory_space<vmem>> -> memref<4x8x128xf32, #tpu.memory_space<vmem>>
      tpu.enqueue_dma source(%dma_start3A_1572 : memref<4x8x128xf32, #tpu.memory_space<vmem>>) target(%dma_start3A_1567 : memref<4x8x128xf32, #tpu.memory_space<hbm>>) target_semaphore(%arg10 : memref<!tpu.dma_semaphore, #tpu.memory_space<semaphore_mem>>)
      %dma_start3A_1573 = arith.constant 7 : i32
      %dma_start3A_1574 = arith.constant 7 : i32
      %dma_start3A_1575 = arith.constant 0 : i32
      %dma_start3A_1576 = arith.constant 0 : i32
      %dma_start3A_1577 = arith.constant 0 : i32
      %dma_start3A_1578 = tpu.memref_slice %arg7[%dma_start3A_1573, %dma_start3A_1575, %dma_start3A_1576, %dma_start3A_1577] : memref<8x4x8x129xf32, #tpu.memory_space<vmem>> -> memref<1x4x8x128xf32, #tpu.memory_space<vmem>>
      %dma_start3A_1579 = tpu.memref_squeeze %dma_start3A_1578 : memref<1x4x8x128xf32, #tpu.memory_space<vmem>> -> memref<4x8x128xf32, #tpu.memory_space<vmem>>
      %dma_start3A_1580 = arith.constant 0 : i32
      %dma_start3A_1581 = arith.constant 0 : i32
      %dma_start3A_1582 = tpu.memref_slice %arg4[%shift_right_logical3A_1427, %dma_start3A_1574, %multiple_of3A_1432, %dma_start3A_1580, %dma_start3A_1581] : memref<50x8x128x8x128xf32, #tpu.memory_space<hbm>> -> memref<1x1x4x8x128xf32, #tpu.memory_space<hbm>>
      %dma_start3A_1583 = tpu.memref_squeeze %dma_start3A_1582 : memref<1x1x4x8x128xf32, #tpu.memory_space<hbm>> -> memref<4x8x128xf32, #tpu.memory_space<hbm>>
      %dma_start3A_1584 = arith.constant 0 : i32
      %dma_start3A_1585 = arith.constant 0 : i32
      %dma_start3A_1586 = tpu.memref_slice %arg4[%shift_right_logical3A_1427, %dma_start3A_1574, %multiple_of3A_1432, %dma_start3A_1584, %dma_start3A_1585] : memref<50x8x128x8x128xf32, #tpu.memory_space<hbm>> -> memref<1x1x4x8x128xf32, #tpu.memory_space<hbm>>
      %dma_start3A_1587 = tpu.memref_squeeze %dma_start3A_1586 : memref<1x1x4x8x128xf32, #tpu.memory_space<hbm>> -> memref<4x8x128xf32, #tpu.memory_space<hbm>>
      %dma_start3A_1588 = arith.constant 0 : i32
      %dma_start3A_1589 = arith.constant 0 : i32
      %dma_start3A_1590 = arith.constant 0 : i32
      %dma_start3A_1591 = tpu.memref_slice %arg7[%dma_start3A_1573, %dma_start3A_1588, %dma_start3A_1589, %dma_start3A_1590] : memref<8x4x8x129xf32, #tpu.memory_space<vmem>> -> memref<1x4x8x128xf32, #tpu.memory_space<vmem>>
      %dma_start3A_1592 = tpu.memref_squeeze %dma_start3A_1591 : memref<1x4x8x128xf32, #tpu.memory_space<vmem>> -> memref<4x8x128xf32, #tpu.memory_space<vmem>>
      tpu.enqueue_dma source(%dma_start3A_1592 : memref<4x8x128xf32, #tpu.memory_space<vmem>>) target(%dma_start3A_1587 : memref<4x8x128xf32, #tpu.memory_space<hbm>>) target_semaphore(%arg10 : memref<!tpu.dma_semaphore, #tpu.memory_space<semaphore_mem>>)
    }
    %scan3A_593 = arith.constant 23 : i32
    %dma_wait3A_594 = arith.constant 1 : i32
    %dma_wait3A_595 = arith.constant 0 : i32
    %dma_wait3A_596 = arith.constant 0 : i32
    %dma_wait3A_597 = tpu.memref_slice %arg5[%dma_wait3A_594, %dma_wait3A_595, %dma_wait3A_596] : memref<2x2x256xi32, #tpu.memory_space<vmem>> -> memref<1x2x256xi32, #tpu.memory_space<vmem>>
    %dma_wait3A_598 = tpu.memref_squeeze %dma_wait3A_597 : memref<1x2x256xi32, #tpu.memory_space<vmem>> -> memref<2x256xi32, #tpu.memory_space<vmem>>
    %dma_wait3A_599 = arith.constant 0 : i32
    %dma_wait3A_600 = arith.constant 0 : i32
    %dma_wait3A_601 = tpu.memref_slice %arg3[%dma_wait3A_599, %dma_wait3A_600] : memref<3200x256xi32, #tpu.memory_space<hbm>> -> memref<2x256xi32, #tpu.memory_space<hbm>>
    %dma_wait3A_602 = arith.constant 0 : i32
    %dma_wait3A_603 = arith.constant 0 : i32
    %dma_wait3A_604 = tpu.memref_slice %arg5[%dma_wait3A_594, %dma_wait3A_602, %dma_wait3A_603] : memref<2x2x256xi32, #tpu.memory_space<vmem>> -> memref<1x2x256xi32, #tpu.memory_space<vmem>>
    %dma_wait3A_605 = tpu.memref_squeeze %dma_wait3A_604 : memref<1x2x256xi32, #tpu.memory_space<vmem>> -> memref<2x256xi32, #tpu.memory_space<vmem>>
    %dma_wait3A_606 = arith.constant 0 : i32
    %dma_wait3A_607 = arith.constant 0 : i32
    %dma_wait3A_608 = tpu.memref_slice %arg3[%dma_wait3A_606, %dma_wait3A_607] : memref<3200x256xi32, #tpu.memory_space<hbm>> -> memref<2x256xi32, #tpu.memory_space<hbm>>
    tpu.wait_dma2 semaphore(%arg11 : memref<!tpu.dma_semaphore, #tpu.memory_space<semaphore_mem>>) src(%dma_wait3A_608 : memref<2x256xi32, #tpu.memory_space<hbm>>) dst(%dma_wait3A_605 : memref<2x256xi32, #tpu.memory_space<vmem>>)
    %dma_start3A_609 = arith.constant 1 : i32
    %dma_start3A_610 = arith.constant 0 : i32
    %dma_start3A_611 = arith.constant 1 : i32
    %dma_start3A_612 = arith.constant 0 : i32
    %dma_start3A_613 = arith.constant 0 : i32
    %dma_start3A_614 = tpu.memref_slice %arg6[%dma_start3A_611, %dma_start3A_612, %dma_start3A_613] : memref<2x512x64xf32, #tpu.memory_space<vmem>> -> memref<1x256x64xf32, #tpu.memory_space<vmem>>
    %dma_start3A_615 = tpu.memref_squeeze %dma_start3A_614 : memref<1x256x64xf32, #tpu.memory_space<vmem>> -> memref<256x64xf32, #tpu.memory_space<vmem>>
    %dma_start3A_616 = arith.constant 0 : i32
    %dma_start3A_617 = tpu.memref_slice %arg5[%dma_start3A_609, %dma_start3A_610, %dma_start3A_616] : memref<2x2x256xi32, #tpu.memory_space<vmem>> -> memref<1x1x256xi32, #tpu.memory_space<vmem>>
    %dma_start3A_618 = tpu.memref_squeeze %dma_start3A_617 : memref<1x1x256xi32, #tpu.memory_space<vmem>> -> memref<256xi32, #tpu.memory_space<vmem>>
    %dma_start3A_619 = arith.constant 0 : i32
    %dma_start3A_620 = arith.constant 0 : i32
    %dma_start3A_621 = tpu.memref_slice %arg2[%dma_start3A_619, %dma_start3A_620] : memref<1000000x64xf32, #tpu.memory_space<hbm>> -> memref<1000000x64xf32, #tpu.memory_space<hbm>>
    tpu.enqueue_indirect_dma source(%dma_start3A_621 : memref<1000000x64xf32, #tpu.memory_space<hbm>>) target(%dma_start3A_615 : memref<256x64xf32, #tpu.memory_space<vmem>>) offsets(%dma_start3A_618 : memref<256xi32, #tpu.memory_space<vmem>>) semaphore(%arg9 : memref<!tpu.dma_semaphore, #tpu.memory_space<semaphore_mem>>)
    %dma_start3A_622 = arith.constant 1 : i32
    %dma_start3A_623 = arith.constant 1 : i32
    %dma_start3A_624 = arith.constant 1 : i32
    %dma_start3A_625 = arith.constant 256 : i32
    %dma_start3A_626 = arith.constant 0 : i32
    %dma_start3A_627 = tpu.memref_slice %arg6[%dma_start3A_624, %dma_start3A_625, %dma_start3A_626] : memref<2x512x64xf32, #tpu.memory_space<vmem>> -> memref<1x256x64xf32, #tpu.memory_space<vmem>>
    %dma_start3A_628 = tpu.memref_squeeze %dma_start3A_627 : memref<1x256x64xf32, #tpu.memory_space<vmem>> -> memref<256x64xf32, #tpu.memory_space<vmem>>
    %dma_start3A_629 = arith.constant 0 : i32
    %dma_start3A_630 = tpu.memref_slice %arg5[%dma_start3A_622, %dma_start3A_623, %dma_start3A_629] : memref<2x2x256xi32, #tpu.memory_space<vmem>> -> memref<1x1x256xi32, #tpu.memory_space<vmem>>
    %dma_start3A_631 = tpu.memref_squeeze %dma_start3A_630 : memref<1x1x256xi32, #tpu.memory_space<vmem>> -> memref<256xi32, #tpu.memory_space<vmem>>
    %dma_start3A_632 = arith.constant 0 : i32
    %dma_start3A_633 = arith.constant 0 : i32
    %dma_start3A_634 = tpu.memref_slice %arg2[%dma_start3A_632, %dma_start3A_633] : memref<1000000x64xf32, #tpu.memory_space<hbm>> -> memref<1000000x64xf32, #tpu.memory_space<hbm>>
    tpu.enqueue_indirect_dma source(%dma_start3A_634 : memref<1000000x64xf32, #tpu.memory_space<hbm>>) target(%dma_start3A_628 : memref<256x64xf32, #tpu.memory_space<vmem>>) offsets(%dma_start3A_631 : memref<256xi32, #tpu.memory_space<vmem>>) semaphore(%arg9 : memref<!tpu.dma_semaphore, #tpu.memory_space<semaphore_mem>>)
    %dma_wait3A_635 = arith.constant 0 : i32
    %dma_wait3A_636 = arith.constant 0 : i32
    %dma_wait3A_637 = arith.constant 0 : i32
    %dma_wait3A_638 = tpu.memref_slice %arg6[%dma_wait3A_635, %dma_wait3A_636, %dma_wait3A_637] : memref<2x512x64xf32, #tpu.memory_space<vmem>> -> memref<1x512x64xf32, #tpu.memory_space<vmem>>
    %dma_wait3A_639 = tpu.memref_squeeze %dma_wait3A_638 : memref<1x512x64xf32, #tpu.memory_space<vmem>> -> memref<512x64xf32, #tpu.memory_space<vmem>>
    %dma_wait3A_640 = arith.constant 0 : i32
    %dma_wait3A_641 = arith.constant 0 : i32
    %dma_wait3A_642 = tpu.memref_slice %arg2[%dma_wait3A_640, %dma_wait3A_641] : memref<1000000x64xf32, #tpu.memory_space<hbm>> -> memref<512x64xf32, #tpu.memory_space<hbm>>
    %dma_wait3A_643 = arith.constant 0 : i32
    %dma_wait3A_644 = arith.constant 0 : i32
    %dma_wait3A_645 = tpu.memref_slice %arg6[%dma_wait3A_635, %dma_wait3A_643, %dma_wait3A_644] : memref<2x512x64xf32, #tpu.memory_space<vmem>> -> memref<1x512x64xf32, #tpu.memory_space<vmem>>
    %dma_wait3A_646 = tpu.memref_squeeze %dma_wait3A_645 : memref<1x512x64xf32, #tpu.memory_space<vmem>> -> memref<512x64xf32, #tpu.memory_space<vmem>>
    %dma_wait3A_647 = arith.constant 0 : i32
    %dma_wait3A_648 = arith.constant 0 : i32
    %dma_wait3A_649 = tpu.memref_slice %arg2[%dma_wait3A_647, %dma_wait3A_648] : memref<1000000x64xf32, #tpu.memory_space<hbm>> -> memref<512x64xf32, #tpu.memory_space<hbm>>
    tpu.wait_dma2 semaphore(%arg8 : memref<!tpu.dma_semaphore, #tpu.memory_space<semaphore_mem>>) src(%dma_wait3A_649 : memref<512x64xf32, #tpu.memory_space<hbm>>) dst(%dma_wait3A_646 : memref<512x64xf32, #tpu.memory_space<vmem>>)
    %dma_wait3A_650 = arith.constant 0 : i32
    %dma_wait3A_651 = arith.constant 0 : i32
    %dma_wait3A_652 = arith.constant 0 : i32
    %dma_wait3A_653 = tpu.memref_slice %arg6[%dma_wait3A_650, %dma_wait3A_651, %dma_wait3A_652] : memref<2x512x64xf32, #tpu.memory_space<vmem>> -> memref<1x512x64xf32, #tpu.memory_space<vmem>>
    %dma_wait3A_654 = tpu.memref_squeeze %dma_wait3A_653 : memref<1x512x64xf32, #tpu.memory_space<vmem>> -> memref<512x64xf32, #tpu.memory_space<vmem>>
    %dma_wait3A_655 = arith.constant 0 : i32
    %dma_wait3A_656 = arith.constant 0 : i32
    %dma_wait3A_657 = tpu.memref_slice %arg2[%dma_wait3A_655, %dma_wait3A_656] : memref<1000000x64xf32, #tpu.memory_space<hbm>> -> memref<512x64xf32, #tpu.memory_space<hbm>>
    %dma_wait3A_658 = arith.constant 0 : i32
    %dma_wait3A_659 = arith.constant 0 : i32
    %dma_wait3A_660 = tpu.memref_slice %arg6[%dma_wait3A_650, %dma_wait3A_658, %dma_wait3A_659] : memref<2x512x64xf32, #tpu.memory_space<vmem>> -> memref<1x512x64xf32, #tpu.memory_space<vmem>>
    %dma_wait3A_661 = tpu.memref_squeeze %dma_wait3A_660 : memref<1x512x64xf32, #tpu.memory_space<vmem>> -> memref<512x64xf32, #tpu.memory_space<vmem>>
    %dma_wait3A_662 = arith.constant 0 : i32
    %dma_wait3A_663 = arith.constant 0 : i32
    %dma_wait3A_664 = tpu.memref_slice %arg2[%dma_wait3A_662, %dma_wait3A_663] : memref<1000000x64xf32, #tpu.memory_space<hbm>> -> memref<512x64xf32, #tpu.memory_space<hbm>>
    tpu.wait_dma2 semaphore(%arg10 : memref<!tpu.dma_semaphore, #tpu.memory_space<semaphore_mem>>) src(%dma_wait3A_664 : memref<512x64xf32, #tpu.memory_space<hbm>>) dst(%dma_wait3A_661 : memref<512x64xf32, #tpu.memory_space<vmem>>)
    %scan3A_665 = arith.constant 0 : i32
    %scan3A_666 = arith.constant 128 : i32
    %scan3A_667 = arith.addi %scan3A_665, %scan3A_666 : i32
    %scan3A_668 = arith.constant 1 : i32
    scf.for %scan3A_1058 = %scan3A_665 to %scan3A_667 step %scan3A_668  : i32 {
      %mul3A_1059 = arith.constant 1 : i32
      %mul3A_1060 = arith.muli %scan3A_1058, %mul3A_1059 : i32
      %add3A_1061 = arith.constant 0 : i32
      %add3A_1062 = arith.addi %add3A_1061, %mul3A_1060 : i32
      %broadcast_in_dim3A = arith.constant 0 : i32
      %broadcast_in_dim3A_1063 = vector.broadcast %broadcast_in_dim3A : i32 to vector<16xi32>
      %add3A_1064 = vector.broadcast %add3A_1062 : i32 to vector<16xi32>
      %add3A_1065 = arith.addi %broadcast_in_dim3A_1063, %add3A_1064 : vector<16xi32>
      %broadcast_in_dim3A_1066 = arith.constant 0 : i32
      %broadcast_in_dim3A_1067 = vector.broadcast %broadcast_in_dim3A_1066 : i32 to vector<16xi32>
      %add3A_1068 = arith.constant 0 : i32
      %add3A_1069 = vector.broadcast %add3A_1068 : i32 to vector<16xi32>
      %add3A_1070 = arith.addi %div3A_6, %add3A_1069 : vector<16xi32>
      %add3A_1071 = arith.constant 0 : i32
      %add3A_1072 = arith.addi %add3A_1071, %add3A_1062 : i32
      %get3A = arith.constant 0 : i32
      %get3A_1073 = arith.index_cast %get3A : i32 to index
      %get3A_1074 = arith.index_cast %add3A_1072 : i32 to index
      %get3A_1075 = arith.constant 0 : index
      %get3A_1076 = tpu.vector_load %arg6[%get3A_1073, %get3A_1074, %get3A_1075] {strides = array<i32>} : memref<2x512x64xf32, #tpu.memory_space<vmem>>, vector<16xf32>,
      %mul3A_1077 = arith.constant 8.000000e+00 : f32
      %mul3A_1078 = vector.broadcast %mul3A_1077 : f32 to vector<16xf32>
      %mul3A_1079 = arith.mulf %get3A_1076, %mul3A_1078 : vector<16xf32>
      tpu.vector_store_idx %arg7[%add3A_1070, %broadcast_in_dim3A_1067, %rem3A_4, %add3A_1065], %mul3A_1079 : memref<8x4x8x129xf32, #tpu.memory_space<vmem>>[vector<16xi32>, vector<16xi32>, vector<16xi32>, vector<16xi32>], vector<16xf32>,
      %add3A_1080 = arith.constant 2 : i32
      %add3A_1081 = vector.broadcast %add3A_1080 : i32 to vector<16xi32>
      %add3A_1082 = arith.addi %div3A_6, %add3A_1081 : vector<16xi32>
      %add3A_1083 = arith.constant 0 : i32
      %add3A_1084 = arith.addi %add3A_1083, %add3A_1062 : i32
      %get3A_1085 = arith.constant 0 : i32
      %get3A_1086 = arith.index_cast %get3A_1085 : i32 to index
      %get3A_1087 = arith.index_cast %add3A_1084 : i32 to index
      %get3A_1088 = arith.constant 16 : index
      %get3A_1089 = tpu.vector_load %arg6[%get3A_1086, %get3A_1087, %get3A_1088] {strides = array<i32>} : memref<2x512x64xf32, #tpu.memory_space<vmem>>, vector<16xf32>,
      %mul3A_1090 = arith.constant 8.000000e+00 : f32
      %mul3A_1091 = vector.broadcast %mul3A_1090 : f32 to vector<16xf32>
      %mul3A_1092 = arith.mulf %get3A_1089, %mul3A_1091 : vector<16xf32>
      tpu.vector_store_idx %arg7[%add3A_1082, %broadcast_in_dim3A_1067, %rem3A_4, %add3A_1065], %mul3A_1092 : memref<8x4x8x129xf32, #tpu.memory_space<vmem>>[vector<16xi32>, vector<16xi32>, vector<16xi32>, vector<16xi32>], vector<16xf32>,
      %add3A_1093 = arith.constant 4 : i32
      %add3A_1094 = vector.broadcast %add3A_1093 : i32 to vector<16xi32>
      %add3A_1095 = arith.addi %div3A_6, %add3A_1094 : vector<16xi32>
      %add3A_1096 = arith.constant 0 : i32
      %add3A_1097 = arith.addi %add3A_1096, %add3A_1062 : i32
      %get3A_1098 = arith.constant 0 : i32
      %get3A_1099 = arith.index_cast %get3A_1098 : i32 to index
      %get3A_1100 = arith.index_cast %add3A_1097 : i32 to index
      %get3A_1101 = arith.constant 32 : index
      %get3A_1102 = tpu.vector_load %arg6[%get3A_1099, %get3A_1100, %get3A_1101] {strides = array<i32>} : memref<2x512x64xf32, #tpu.memory_space<vmem>>, vector<16xf32>,
      %mul3A_1103 = arith.constant 8.000000e+00 : f32
      %mul3A_1104 = vector.broadcast %mul3A_1103 : f32 to vector<16xf32>
      %mul3A_1105 = arith.mulf %get3A_1102, %mul3A_1104 : vector<16xf32>
      tpu.vector_store_idx %arg7[%add3A_1095, %broadcast_in_dim3A_1067, %rem3A_4, %add3A_1065], %mul3A_1105 : memref<8x4x8x129xf32, #tpu.memory_space<vmem>>[vector<16xi32>, vector<16xi32>, vector<16xi32>, vector<16xi32>], vector<16xf32>,
      %add3A_1106 = arith.constant 6 : i32
      %add3A_1107 = vector.broadcast %add3A_1106 : i32 to vector<16xi32>
      %add3A_1108 = arith.addi %div3A_6, %add3A_1107 : vector<16xi32>
      %add3A_1109 = arith.constant 0 : i32
      %add3A_1110 = arith.addi %add3A_1109, %add3A_1062 : i32
      %get3A_1111 = arith.constant 0 : i32
      %get3A_1112 = arith.index_cast %get3A_1111 : i32 to index
      %get3A_1113 = arith.index_cast %add3A_1110 : i32 to index
      %get3A_1114 = arith.constant 48 : index
      %get3A_1115 = tpu.vector_load %arg6[%get3A_1112, %get3A_1113, %get3A_1114] {strides = array<i32>} : memref<2x512x64xf32, #tpu.memory_space<vmem>>, vector<16xf32>,
      %mul3A_1116 = arith.constant 8.000000e+00 : f32
      %mul3A_1117 = vector.broadcast %mul3A_1116 : f32 to vector<16xf32>
      %mul3A_1118 = arith.mulf %get3A_1115, %mul3A_1117 : vector<16xf32>
      tpu.vector_store_idx %arg7[%add3A_1108, %broadcast_in_dim3A_1067, %rem3A_4, %add3A_1065], %mul3A_1118 : memref<8x4x8x129xf32, #tpu.memory_space<vmem>>[vector<16xi32>, vector<16xi32>, vector<16xi32>, vector<16xi32>], vector<16xf32>,
      %broadcast_in_dim3A_1119 = arith.constant 1 : i32
      %broadcast_in_dim3A_1120 = vector.broadcast %broadcast_in_dim3A_1119 : i32 to vector<16xi32>
      %add3A_1121 = arith.constant 0 : i32
      %add3A_1122 = vector.broadcast %add3A_1121 : i32 to vector<16xi32>
      %add3A_1123 = arith.addi %div3A_6, %add3A_1122 : vector<16xi32>
      %add3A_1124 = arith.constant 128 : i32
      %add3A_1125 = arith.addi %add3A_1124, %add3A_1062 : i32
      %get3A_1126 = arith.constant 0 : i32
      %get3A_1127 = arith.index_cast %get3A_1126 : i32 to index
      %get3A_1128 = arith.index_cast %add3A_1125 : i32 to index
      %get3A_1129 = arith.constant 0 : index
      %get3A_1130 = tpu.vector_load %arg6[%get3A_1127, %get3A_1128, %get3A_1129] {strides = array<i32>} : memref<2x512x64xf32, #tpu.memory_space<vmem>>, vector<16xf32>,
      %mul3A_1131 = arith.constant 8.000000e+00 : f32
      %mul3A_1132 = vector.broadcast %mul3A_1131 : f32 to vector<16xf32>
      %mul3A_1133 = arith.mulf %get3A_1130, %mul3A_1132 : vector<16xf32>
      tpu.vector_store_idx %arg7[%add3A_1123, %broadcast_in_dim3A_1120, %rem3A_4, %add3A_1065], %mul3A_1133 : memref<8x4x8x129xf32, #tpu.memory_space<vmem>>[vector<16xi32>, vector<16xi32>, vector<16xi32>, vector<16xi32>], vector<16xf32>,
      %add3A_1134 = arith.constant 2 : i32
      %add3A_1135 = vector.broadcast %add3A_1134 : i32 to vector<16xi32>
      %add3A_1136 = arith.addi %div3A_6, %add3A_1135 : vector<16xi32>
      %add3A_1137 = arith.constant 128 : i32
      %add3A_1138 = arith.addi %add3A_1137, %add3A_1062 : i32
      %get3A_1139 = arith.constant 0 : i32
      %get3A_1140 = arith.index_cast %get3A_1139 : i32 to index
      %get3A_1141 = arith.index_cast %add3A_1138 : i32 to index
      %get3A_1142 = arith.constant 16 : index
      %get3A_1143 = tpu.vector_load %arg6[%get3A_1140, %get3A_1141, %get3A_1142] {strides = array<i32>} : memref<2x512x64xf32, #tpu.memory_space<vmem>>, vector<16xf32>,
      %mul3A_1144 = arith.constant 8.000000e+00 : f32
      %mul3A_1145 = vector.broadcast %mul3A_1144 : f32 to vector<16xf32>
      %mul3A_1146 = arith.mulf %get3A_1143, %mul3A_1145 : vector<16xf32>
      tpu.vector_store_idx %arg7[%add3A_1136, %broadcast_in_dim3A_1120, %rem3A_4, %add3A_1065], %mul3A_1146 : memref<8x4x8x129xf32, #tpu.memory_space<vmem>>[vector<16xi32>, vector<16xi32>, vector<16xi32>, vector<16xi32>], vector<16xf32>,
      %add3A_1147 = arith.constant 4 : i32
      %add3A_1148 = vector.broadcast %add3A_1147 : i32 to vector<16xi32>
      %add3A_1149 = arith.addi %div3A_6, %add3A_1148 : vector<16xi32>
      %add3A_1150 = arith.constant 128 : i32
      %add3A_1151 = arith.addi %add3A_1150, %add3A_1062 : i32
      %get3A_1152 = arith.constant 0 : i32
      %get3A_1153 = arith.index_cast %get3A_1152 : i32 to index
      %get3A_1154 = arith.index_cast %add3A_1151 : i32 to index
      %get3A_1155 = arith.constant 32 : index
      %get3A_1156 = tpu.vector_load %arg6[%get3A_1153, %get3A_1154, %get3A_1155] {strides = array<i32>} : memref<2x512x64xf32, #tpu.memory_space<vmem>>, vector<16xf32>,
      %mul3A_1157 = arith.constant 8.000000e+00 : f32
      %mul3A_1158 = vector.broadcast %mul3A_1157 : f32 to vector<16xf32>
      %mul3A_1159 = arith.mulf %get3A_1156, %mul3A_1158 : vector<16xf32>
      tpu.vector_store_idx %arg7[%add3A_1149, %broadcast_in_dim3A_1120, %rem3A_4, %add3A_1065], %mul3A_1159 : memref<8x4x8x129xf32, #tpu.memory_space<vmem>>[vector<16xi32>, vector<16xi32>, vector<16xi32>, vector<16xi32>], vector<16xf32>,
      %add3A_1160 = arith.constant 6 : i32
      %add3A_1161 = vector.broadcast %add3A_1160 : i32 to vector<16xi32>
      %add3A_1162 = arith.addi %div3A_6, %add3A_1161 : vector<16xi32>
      %add3A_1163 = arith.constant 128 : i32
      %add3A_1164 = arith.addi %add3A_1163, %add3A_1062 : i32
      %get3A_1165 = arith.constant 0 : i32
      %get3A_1166 = arith.index_cast %get3A_1165 : i32 to index
      %get3A_1167 = arith.index_cast %add3A_1164 : i32 to index
      %get3A_1168 = arith.constant 48 : index
      %get3A_1169 = tpu.vector_load %arg6[%get3A_1166, %get3A_1167, %get3A_1168] {strides = array<i32>} : memref<2x512x64xf32, #tpu.memory_space<vmem>>, vector<16xf32>,
      %mul3A_1170 = arith.constant 8.000000e+00 : f32
      %mul3A_1171 = vector.broadcast %mul3A_1170 : f32 to vector<16xf32>
      %mul3A_1172 = arith.mulf %get3A_1169, %mul3A_1171 : vector<16xf32>
      tpu.vector_store_idx %arg7[%add3A_1162, %broadcast_in_dim3A_1120, %rem3A_4, %add3A_1065], %mul3A_1172 : memref<8x4x8x129xf32, #tpu.memory_space<vmem>>[vector<16xi32>, vector<16xi32>, vector<16xi32>, vector<16xi32>], vector<16xf32>,
      %broadcast_in_dim3A_1173 = arith.constant 2 : i32
      %broadcast_in_dim3A_1174 = vector.broadcast %broadcast_in_dim3A_1173 : i32 to vector<16xi32>
      %add3A_1175 = arith.constant 0 : i32
      %add3A_1176 = vector.broadcast %add3A_1175 : i32 to vector<16xi32>
      %add3A_1177 = arith.addi %div3A_6, %add3A_1176 : vector<16xi32>
      %add3A_1178 = arith.constant 256 : i32
      %add3A_1179 = arith.addi %add3A_1178, %add3A_1062 : i32
      %get3A_1180 = arith.constant 0 : i32
      %get3A_1181 = arith.index_cast %get3A_1180 : i32 to index
      %get3A_1182 = arith.index_cast %add3A_1179 : i32 to index
      %get3A_1183 = arith.constant 0 : index
      %get3A_1184 = tpu.vector_load %arg6[%get3A_1181, %get3A_1182, %get3A_1183] {strides = array<i32>} : memref<2x512x64xf32, #tpu.memory_space<vmem>>, vector<16xf32>,
      %mul3A_1185 = arith.constant 8.000000e+00 : f32
      %mul3A_1186 = vector.broadcast %mul3A_1185 : f32 to vector<16xf32>
      %mul3A_1187 = arith.mulf %get3A_1184, %mul3A_1186 : vector<16xf32>
      tpu.vector_store_idx %arg7[%add3A_1177, %broadcast_in_dim3A_1174, %rem3A_4, %add3A_1065], %mul3A_1187 : memref<8x4x8x129xf32, #tpu.memory_space<vmem>>[vector<16xi32>, vector<16xi32>, vector<16xi32>, vector<16xi32>], vector<16xf32>,
      %add3A_1188 = arith.constant 2 : i32
      %add3A_1189 = vector.broadcast %add3A_1188 : i32 to vector<16xi32>
      %add3A_1190 = arith.addi %div3A_6, %add3A_1189 : vector<16xi32>
      %add3A_1191 = arith.constant 256 : i32
      %add3A_1192 = arith.addi %add3A_1191, %add3A_1062 : i32
      %get3A_1193 = arith.constant 0 : i32
      %get3A_1194 = arith.index_cast %get3A_1193 : i32 to index
      %get3A_1195 = arith.index_cast %add3A_1192 : i32 to index
      %get3A_1196 = arith.constant 16 : index
      %get3A_1197 = tpu.vector_load %arg6[%get3A_1194, %get3A_1195, %get3A_1196] {strides = array<i32>} : memref<2x512x64xf32, #tpu.memory_space<vmem>>, vector<16xf32>,
      %mul3A_1198 = arith.constant 8.000000e+00 : f32
      %mul3A_1199 = vector.broadcast %mul3A_1198 : f32 to vector<16xf32>
      %mul3A_1200 = arith.mulf %get3A_1197, %mul3A_1199 : vector<16xf32>
      tpu.vector_store_idx %arg7[%add3A_1190, %broadcast_in_dim3A_1174, %rem3A_4, %add3A_1065], %mul3A_1200 : memref<8x4x8x129xf32, #tpu.memory_space<vmem>>[vector<16xi32>, vector<16xi32>, vector<16xi32>, vector<16xi32>], vector<16xf32>,
      %add3A_1201 = arith.constant 4 : i32
      %add3A_1202 = vector.broadcast %add3A_1201 : i32 to vector<16xi32>
      %add3A_1203 = arith.addi %div3A_6, %add3A_1202 : vector<16xi32>
      %add3A_1204 = arith.constant 256 : i32
      %add3A_1205 = arith.addi %add3A_1204, %add3A_1062 : i32
      %get3A_1206 = arith.constant 0 : i32
      %get3A_1207 = arith.index_cast %get3A_1206 : i32 to index
      %get3A_1208 = arith.index_cast %add3A_1205 : i32 to index
      %get3A_1209 = arith.constant 32 : index
      %get3A_1210 = tpu.vector_load %arg6[%get3A_1207, %get3A_1208, %get3A_1209] {strides = array<i32>} : memref<2x512x64xf32, #tpu.memory_space<vmem>>, vector<16xf32>,
      %mul3A_1211 = arith.constant 8.000000e+00 : f32
      %mul3A_1212 = vector.broadcast %mul3A_1211 : f32 to vector<16xf32>
      %mul3A_1213 = arith.mulf %get3A_1210, %mul3A_1212 : vector<16xf32>
      tpu.vector_store_idx %arg7[%add3A_1203, %broadcast_in_dim3A_1174, %rem3A_4, %add3A_1065], %mul3A_1213 : memref<8x4x8x129xf32, #tpu.memory_space<vmem>>[vector<16xi32>, vector<16xi32>, vector<16xi32>, vector<16xi32>], vector<16xf32>,
      %add3A_1214 = arith.constant 6 : i32
      %add3A_1215 = vector.broadcast %add3A_1214 : i32 to vector<16xi32>
      %add3A_1216 = arith.addi %div3A_6, %add3A_1215 : vector<16xi32>
      %add3A_1217 = arith.constant 256 : i32
      %add3A_1218 = arith.addi %add3A_1217, %add3A_1062 : i32
      %get3A_1219 = arith.constant 0 : i32
      %get3A_1220 = arith.index_cast %get3A_1219 : i32 to index
      %get3A_1221 = arith.index_cast %add3A_1218 : i32 to index
      %get3A_1222 = arith.constant 48 : index
      %get3A_1223 = tpu.vector_load %arg6[%get3A_1220, %get3A_1221, %get3A_1222] {strides = array<i32>} : memref<2x512x64xf32, #tpu.memory_space<vmem>>, vector<16xf32>,
      %mul3A_1224 = arith.constant 8.000000e+00 : f32
      %mul3A_1225 = vector.broadcast %mul3A_1224 : f32 to vector<16xf32>
      %mul3A_1226 = arith.mulf %get3A_1223, %mul3A_1225 : vector<16xf32>
      tpu.vector_store_idx %arg7[%add3A_1216, %broadcast_in_dim3A_1174, %rem3A_4, %add3A_1065], %mul3A_1226 : memref<8x4x8x129xf32, #tpu.memory_space<vmem>>[vector<16xi32>, vector<16xi32>, vector<16xi32>, vector<16xi32>], vector<16xf32>,
      %broadcast_in_dim3A_1227 = arith.constant 3 : i32
      %broadcast_in_dim3A_1228 = vector.broadcast %broadcast_in_dim3A_1227 : i32 to vector<16xi32>
      %add3A_1229 = arith.constant 0 : i32
      %add3A_1230 = vector.broadcast %add3A_1229 : i32 to vector<16xi32>
      %add3A_1231 = arith.addi %div3A_6, %add3A_1230 : vector<16xi32>
      %add3A_1232 = arith.constant 384 : i32
      %add3A_1233 = arith.addi %add3A_1232, %add3A_1062 : i32
      %get3A_1234 = arith.constant 0 : i32
      %get3A_1235 = arith.index_cast %get3A_1234 : i32 to index
      %get3A_1236 = arith.index_cast %add3A_1233 : i32 to index
      %get3A_1237 = arith.constant 0 : index
      %get3A_1238 = tpu.vector_load %arg6[%get3A_1235, %get3A_1236, %get3A_1237] {strides = array<i32>} : memref<2x512x64xf32, #tpu.memory_space<vmem>>, vector<16xf32>,
      %mul3A_1239 = arith.constant 8.000000e+00 : f32
      %mul3A_1240 = vector.broadcast %mul3A_1239 : f32 to vector<16xf32>
      %mul3A_1241 = arith.mulf %get3A_1238, %mul3A_1240 : vector<16xf32>
      tpu.vector_store_idx %arg7[%add3A_1231, %broadcast_in_dim3A_1228, %rem3A_4, %add3A_1065], %mul3A_1241 : memref<8x4x8x129xf32, #tpu.memory_space<vmem>>[vector<16xi32>, vector<16xi32>, vector<16xi32>, vector<16xi32>], vector<16xf32>,
      %add3A_1242 = arith.constant 2 : i32
      %add3A_1243 = vector.broadcast %add3A_1242 : i32 to vector<16xi32>
      %add3A_1244 = arith.addi %div3A_6, %add3A_1243 : vector<16xi32>
      %add3A_1245 = arith.constant 384 : i32
      %add3A_1246 = arith.addi %add3A_1245, %add3A_1062 : i32
      %get3A_1247 = arith.constant 0 : i32
      %get3A_1248 = arith.index_cast %get3A_1247 : i32 to index
      %get3A_1249 = arith.index_cast %add3A_1246 : i32 to index
      %get3A_1250 = arith.constant 16 : index
      %get3A_1251 = tpu.vector_load %arg6[%get3A_1248, %get3A_1249, %get3A_1250] {strides = array<i32>} : memref<2x512x64xf32, #tpu.memory_space<vmem>>, vector<16xf32>,
      %mul3A_1252 = arith.constant 8.000000e+00 : f32
      %mul3A_1253 = vector.broadcast %mul3A_1252 : f32 to vector<16xf32>
      %mul3A_1254 = arith.mulf %get3A_1251, %mul3A_1253 : vector<16xf32>
      tpu.vector_store_idx %arg7[%add3A_1244, %broadcast_in_dim3A_1228, %rem3A_4, %add3A_1065], %mul3A_1254 : memref<8x4x8x129xf32, #tpu.memory_space<vmem>>[vector<16xi32>, vector<16xi32>, vector<16xi32>, vector<16xi32>], vector<16xf32>,
      %add3A_1255 = arith.constant 4 : i32
      %add3A_1256 = vector.broadcast %add3A_1255 : i32 to vector<16xi32>
      %add3A_1257 = arith.addi %div3A_6, %add3A_1256 : vector<16xi32>
      %add3A_1258 = arith.constant 384 : i32
      %add3A_1259 = arith.addi %add3A_1258, %add3A_1062 : i32
      %get3A_1260 = arith.constant 0 : i32
      %get3A_1261 = arith.index_cast %get3A_1260 : i32 to index
      %get3A_1262 = arith.index_cast %add3A_1259 : i32 to index
      %get3A_1263 = arith.constant 32 : index
      %get3A_1264 = tpu.vector_load %arg6[%get3A_1261, %get3A_1262, %get3A_1263] {strides = array<i32>} : memref<2x512x64xf32, #tpu.memory_space<vmem>>, vector<16xf32>,
      %mul3A_1265 = arith.constant 8.000000e+00 : f32
      %mul3A_1266 = vector.broadcast %mul3A_1265 : f32 to vector<16xf32>
      %mul3A_1267 = arith.mulf %get3A_1264, %mul3A_1266 : vector<16xf32>
      tpu.vector_store_idx %arg7[%add3A_1257, %broadcast_in_dim3A_1228, %rem3A_4, %add3A_1065], %mul3A_1267 : memref<8x4x8x129xf32, #tpu.memory_space<vmem>>[vector<16xi32>, vector<16xi32>, vector<16xi32>, vector<16xi32>], vector<16xf32>,
      %add3A_1268 = arith.constant 6 : i32
      %add3A_1269 = vector.broadcast %add3A_1268 : i32 to vector<16xi32>
      %add3A_1270 = arith.addi %div3A_6, %add3A_1269 : vector<16xi32>
      %add3A_1271 = arith.constant 384 : i32
      %add3A_1272 = arith.addi %add3A_1271, %add3A_1062 : i32
      %get3A_1273 = arith.constant 0 : i32
      %get3A_1274 = arith.index_cast %get3A_1273 : i32 to index
      %get3A_1275 = arith.index_cast %add3A_1272 : i32 to index
      %get3A_1276 = arith.constant 48 : index
      %get3A_1277 = tpu.vector_load %arg6[%get3A_1274, %get3A_1275, %get3A_1276] {strides = array<i32>} : memref<2x512x64xf32, #tpu.memory_space<vmem>>, vector<16xf32>,
      %mul3A_1278 = arith.constant 8.000000e+00 : f32
      %mul3A_1279 = vector.broadcast %mul3A_1278 : f32 to vector<16xf32>
      %mul3A_1280 = arith.mulf %get3A_1277, %mul3A_1279 : vector<16xf32>
      tpu.vector_store_idx %arg7[%add3A_1270, %broadcast_in_dim3A_1228, %rem3A_4, %add3A_1065], %mul3A_1280 : memref<8x4x8x129xf32, #tpu.memory_space<vmem>>[vector<16xi32>, vector<16xi32>, vector<16xi32>, vector<16xi32>], vector<16xf32>,
    }
    %scan3A_669 = arith.constant 128 : i32
    %add3A_670 = arith.constant 48 : i32
    %add3A_671 = arith.addi %mul3A_2, %add3A_670 : i32
    %shift_right_logical3A_672 = arith.constant 5 : i32
    %shift_right_logical3A_673 = arith.shrui %add3A_671, %shift_right_logical3A_672 : i32
    %and3A_674 = arith.constant 31 : i32
    %and3A_675 = arith.andi %add3A_671, %and3A_674 : i32
    %mul3A_676 = arith.constant 4 : i32
    %mul3A_677 = arith.muli %and3A_675, %mul3A_676 : i32
    %multiple_of3A_678 = tpu.assume_multiple %mul3A_677, 4 : i32
    %dma_start3A_679 = arith.constant 0 : i32
    %dma_start3A_680 = arith.constant 0 : i32
    %dma_start3A_681 = arith.constant 0 : i32
    %dma_start3A_682 = arith.constant 0 : i32
    %dma_start3A_683 = arith.constant 0 : i32
    %dma_start3A_684 = tpu.memref_slice %arg7[%dma_start3A_679, %dma_start3A_681, %dma_start3A_682, %dma_start3A_683] : memref<8x4x8x129xf32, #tpu.memory_space<vmem>> -> memref<1x4x8x128xf32, #tpu.memory_space<vmem>>
    %dma_start3A_685 = tpu.memref_squeeze %dma_start3A_684 : memref<1x4x8x128xf32, #tpu.memory_space<vmem>> -> memref<4x8x128xf32, #tpu.memory_space<vmem>>
    %dma_start3A_686 = arith.constant 0 : i32
    %dma_start3A_687 = arith.constant 0 : i32
    %dma_start3A_688 = tpu.memref_slice %arg4[%shift_right_logical3A_673, %dma_start3A_680, %multiple_of3A_678, %dma_start3A_686, %dma_start3A_687] : memref<50x8x128x8x128xf32, #tpu.memory_space<hbm>> -> memref<1x1x4x8x128xf32, #tpu.memory_space<hbm>>
    %dma_start3A_689 = tpu.memref_squeeze %dma_start3A_688 : memref<1x1x4x8x128xf32, #tpu.memory_space<hbm>> -> memref<4x8x128xf32, #tpu.memory_space<hbm>>
    %dma_start3A_690 = arith.constant 0 : i32
    %dma_start3A_691 = arith.constant 0 : i32
    %dma_start3A_692 = tpu.memref_slice %arg4[%shift_right_logical3A_673, %dma_start3A_680, %multiple_of3A_678, %dma_start3A_690, %dma_start3A_691] : memref<50x8x128x8x128xf32, #tpu.memory_space<hbm>> -> memref<1x1x4x8x128xf32, #tpu.memory_space<hbm>>
    %dma_start3A_693 = tpu.memref_squeeze %dma_start3A_692 : memref<1x1x4x8x128xf32, #tpu.memory_space<hbm>> -> memref<4x8x128xf32, #tpu.memory_space<hbm>>
    %dma_start3A_694 = arith.constant 0 : i32
    %dma_start3A_695 = arith.constant 0 : i32
    %dma_start3A_696 = arith.constant 0 : i32
    %dma_start3A_697 = tpu.memref_slice %arg7[%dma_start3A_679, %dma_start3A_694, %dma_start3A_695, %dma_start3A_696] : memref<8x4x8x129xf32, #tpu.memory_space<vmem>> -> memref<1x4x8x128xf32, #tpu.memory_space<vmem>>
    %dma_start3A_698 = tpu.memref_squeeze %dma_start3A_697 : memref<1x4x8x128xf32, #tpu.memory_space<vmem>> -> memref<4x8x128xf32, #tpu.memory_space<vmem>>
    tpu.enqueue_dma source(%dma_start3A_698 : memref<4x8x128xf32, #tpu.memory_space<vmem>>) target(%dma_start3A_693 : memref<4x8x128xf32, #tpu.memory_space<hbm>>) target_semaphore(%arg10 : memref<!tpu.dma_semaphore, #tpu.memory_space<semaphore_mem>>)
    %dma_start3A_699 = arith.constant 1 : i32
    %dma_start3A_700 = arith.constant 1 : i32
    %dma_start3A_701 = arith.constant 0 : i32
    %dma_start3A_702 = arith.constant 0 : i32
    %dma_start3A_703 = arith.constant 0 : i32
    %dma_start3A_704 = tpu.memref_slice %arg7[%dma_start3A_699, %dma_start3A_701, %dma_start3A_702, %dma_start3A_703] : memref<8x4x8x129xf32, #tpu.memory_space<vmem>> -> memref<1x4x8x128xf32, #tpu.memory_space<vmem>>
    %dma_start3A_705 = tpu.memref_squeeze %dma_start3A_704 : memref<1x4x8x128xf32, #tpu.memory_space<vmem>> -> memref<4x8x128xf32, #tpu.memory_space<vmem>>
    %dma_start3A_706 = arith.constant 0 : i32
    %dma_start3A_707 = arith.constant 0 : i32
    %dma_start3A_708 = tpu.memref_slice %arg4[%shift_right_logical3A_673, %dma_start3A_700, %multiple_of3A_678, %dma_start3A_706, %dma_start3A_707] : memref<50x8x128x8x128xf32, #tpu.memory_space<hbm>> -> memref<1x1x4x8x128xf32, #tpu.memory_space<hbm>>
    %dma_start3A_709 = tpu.memref_squeeze %dma_start3A_708 : memref<1x1x4x8x128xf32, #tpu.memory_space<hbm>> -> memref<4x8x128xf32, #tpu.memory_space<hbm>>
    %dma_start3A_710 = arith.constant 0 : i32
    %dma_start3A_711 = arith.constant 0 : i32
    %dma_start3A_712 = tpu.memref_slice %arg4[%shift_right_logical3A_673, %dma_start3A_700, %multiple_of3A_678, %dma_start3A_710, %dma_start3A_711] : memref<50x8x128x8x128xf32, #tpu.memory_space<hbm>> -> memref<1x1x4x8x128xf32, #tpu.memory_space<hbm>>
    %dma_start3A_713 = tpu.memref_squeeze %dma_start3A_712 : memref<1x1x4x8x128xf32, #tpu.memory_space<hbm>> -> memref<4x8x128xf32, #tpu.memory_space<hbm>>
    %dma_start3A_714 = arith.constant 0 : i32
    %dma_start3A_715 = arith.constant 0 : i32
    %dma_start3A_716 = arith.constant 0 : i32
    %dma_start3A_717 = tpu.memref_slice %arg7[%dma_start3A_699, %dma_start3A_714, %dma_start3A_715, %dma_start3A_716] : memref<8x4x8x129xf32, #tpu.memory_space<vmem>> -> memref<1x4x8x128xf32, #tpu.memory_space<vmem>>
    %dma_start3A_718 = tpu.memref_squeeze %dma_start3A_717 : memref<1x4x8x128xf32, #tpu.memory_space<vmem>> -> memref<4x8x128xf32, #tpu.memory_space<vmem>>
    tpu.enqueue_dma source(%dma_start3A_718 : memref<4x8x128xf32, #tpu.memory_space<vmem>>) target(%dma_start3A_713 : memref<4x8x128xf32, #tpu.memory_space<hbm>>) target_semaphore(%arg10 : memref<!tpu.dma_semaphore, #tpu.memory_space<semaphore_mem>>)
    %dma_start3A_719 = arith.constant 2 : i32
    %dma_start3A_720 = arith.constant 2 : i32
    %dma_start3A_721 = arith.constant 0 : i32
    %dma_start3A_722 = arith.constant 0 : i32
    %dma_start3A_723 = arith.constant 0 : i32
    %dma_start3A_724 = tpu.memref_slice %arg7[%dma_start3A_719, %dma_start3A_721, %dma_start3A_722, %dma_start3A_723] : memref<8x4x8x129xf32, #tpu.memory_space<vmem>> -> memref<1x4x8x128xf32, #tpu.memory_space<vmem>>
    %dma_start3A_725 = tpu.memref_squeeze %dma_start3A_724 : memref<1x4x8x128xf32, #tpu.memory_space<vmem>> -> memref<4x8x128xf32, #tpu.memory_space<vmem>>
    %dma_start3A_726 = arith.constant 0 : i32
    %dma_start3A_727 = arith.constant 0 : i32
    %dma_start3A_728 = tpu.memref_slice %arg4[%shift_right_logical3A_673, %dma_start3A_720, %multiple_of3A_678, %dma_start3A_726, %dma_start3A_727] : memref<50x8x128x8x128xf32, #tpu.memory_space<hbm>> -> memref<1x1x4x8x128xf32, #tpu.memory_space<hbm>>
    %dma_start3A_729 = tpu.memref_squeeze %dma_start3A_728 : memref<1x1x4x8x128xf32, #tpu.memory_space<hbm>> -> memref<4x8x128xf32, #tpu.memory_space<hbm>>
    %dma_start3A_730 = arith.constant 0 : i32
    %dma_start3A_731 = arith.constant 0 : i32
    %dma_start3A_732 = tpu.memref_slice %arg4[%shift_right_logical3A_673, %dma_start3A_720, %multiple_of3A_678, %dma_start3A_730, %dma_start3A_731] : memref<50x8x128x8x128xf32, #tpu.memory_space<hbm>> -> memref<1x1x4x8x128xf32, #tpu.memory_space<hbm>>
    %dma_start3A_733 = tpu.memref_squeeze %dma_start3A_732 : memref<1x1x4x8x128xf32, #tpu.memory_space<hbm>> -> memref<4x8x128xf32, #tpu.memory_space<hbm>>
    %dma_start3A_734 = arith.constant 0 : i32
    %dma_start3A_735 = arith.constant 0 : i32
    %dma_start3A_736 = arith.constant 0 : i32
    %dma_start3A_737 = tpu.memref_slice %arg7[%dma_start3A_719, %dma_start3A_734, %dma_start3A_735, %dma_start3A_736] : memref<8x4x8x129xf32, #tpu.memory_space<vmem>> -> memref<1x4x8x128xf32, #tpu.memory_space<vmem>>
    %dma_start3A_738 = tpu.memref_squeeze %dma_start3A_737 : memref<1x4x8x128xf32, #tpu.memory_space<vmem>> -> memref<4x8x128xf32, #tpu.memory_space<vmem>>
    tpu.enqueue_dma source(%dma_start3A_738 : memref<4x8x128xf32, #tpu.memory_space<vmem>>) target(%dma_start3A_733 : memref<4x8x128xf32, #tpu.memory_space<hbm>>) target_semaphore(%arg10 : memref<!tpu.dma_semaphore, #tpu.memory_space<semaphore_mem>>)
    %dma_start3A_739 = arith.constant 3 : i32
    %dma_start3A_740 = arith.constant 3 : i32
    %dma_start3A_741 = arith.constant 0 : i32
    %dma_start3A_742 = arith.constant 0 : i32
    %dma_start3A_743 = arith.constant 0 : i32
    %dma_start3A_744 = tpu.memref_slice %arg7[%dma_start3A_739, %dma_start3A_741, %dma_start3A_742, %dma_start3A_743] : memref<8x4x8x129xf32, #tpu.memory_space<vmem>> -> memref<1x4x8x128xf32, #tpu.memory_space<vmem>>
    %dma_start3A_745 = tpu.memref_squeeze %dma_start3A_744 : memref<1x4x8x128xf32, #tpu.memory_space<vmem>> -> memref<4x8x128xf32, #tpu.memory_space<vmem>>
    %dma_start3A_746 = arith.constant 0 : i32
    %dma_start3A_747 = arith.constant 0 : i32
    %dma_start3A_748 = tpu.memref_slice %arg4[%shift_right_logical3A_673, %dma_start3A_740, %multiple_of3A_678, %dma_start3A_746, %dma_start3A_747] : memref<50x8x128x8x128xf32, #tpu.memory_space<hbm>> -> memref<1x1x4x8x128xf32, #tpu.memory_space<hbm>>
    %dma_start3A_749 = tpu.memref_squeeze %dma_start3A_748 : memref<1x1x4x8x128xf32, #tpu.memory_space<hbm>> -> memref<4x8x128xf32, #tpu.memory_space<hbm>>
    %dma_start3A_750 = arith.constant 0 : i32
    %dma_start3A_751 = arith.constant 0 : i32
    %dma_start3A_752 = tpu.memref_slice %arg4[%shift_right_logical3A_673, %dma_start3A_740, %multiple_of3A_678, %dma_start3A_750, %dma_start3A_751] : memref<50x8x128x8x128xf32, #tpu.memory_space<hbm>> -> memref<1x1x4x8x128xf32, #tpu.memory_space<hbm>>
    %dma_start3A_753 = tpu.memref_squeeze %dma_start3A_752 : memref<1x1x4x8x128xf32, #tpu.memory_space<hbm>> -> memref<4x8x128xf32, #tpu.memory_space<hbm>>
    %dma_start3A_754 = arith.constant 0 : i32
    %dma_start3A_755 = arith.constant 0 : i32
    %dma_start3A_756 = arith.constant 0 : i32
    %dma_start3A_757 = tpu.memref_slice %arg7[%dma_start3A_739, %dma_start3A_754, %dma_start3A_755, %dma_start3A_756] : memref<8x4x8x129xf32, #tpu.memory_space<vmem>> -> memref<1x4x8x128xf32, #tpu.memory_space<vmem>>
    %dma_start3A_758 = tpu.memref_squeeze %dma_start3A_757 : memref<1x4x8x128xf32, #tpu.memory_space<vmem>> -> memref<4x8x128xf32, #tpu.memory_space<vmem>>
    tpu.enqueue_dma source(%dma_start3A_758 : memref<4x8x128xf32, #tpu.memory_space<vmem>>) target(%dma_start3A_753 : memref<4x8x128xf32, #tpu.memory_space<hbm>>) target_semaphore(%arg10 : memref<!tpu.dma_semaphore, #tpu.memory_space<semaphore_mem>>)
    %dma_start3A_759 = arith.constant 4 : i32
    %dma_start3A_760 = arith.constant 4 : i32
    %dma_start3A_761 = arith.constant 0 : i32
    %dma_start3A_762 = arith.constant 0 : i32
    %dma_start3A_763 = arith.constant 0 : i32
    %dma_start3A_764 = tpu.memref_slice %arg7[%dma_start3A_759, %dma_start3A_761, %dma_start3A_762, %dma_start3A_763] : memref<8x4x8x129xf32, #tpu.memory_space<vmem>> -> memref<1x4x8x128xf32, #tpu.memory_space<vmem>>
    %dma_start3A_765 = tpu.memref_squeeze %dma_start3A_764 : memref<1x4x8x128xf32, #tpu.memory_space<vmem>> -> memref<4x8x128xf32, #tpu.memory_space<vmem>>
    %dma_start3A_766 = arith.constant 0 : i32
    %dma_start3A_767 = arith.constant 0 : i32
    %dma_start3A_768 = tpu.memref_slice %arg4[%shift_right_logical3A_673, %dma_start3A_760, %multiple_of3A_678, %dma_start3A_766, %dma_start3A_767] : memref<50x8x128x8x128xf32, #tpu.memory_space<hbm>> -> memref<1x1x4x8x128xf32, #tpu.memory_space<hbm>>
    %dma_start3A_769 = tpu.memref_squeeze %dma_start3A_768 : memref<1x1x4x8x128xf32, #tpu.memory_space<hbm>> -> memref<4x8x128xf32, #tpu.memory_space<hbm>>
    %dma_start3A_770 = arith.constant 0 : i32
    %dma_start3A_771 = arith.constant 0 : i32
    %dma_start3A_772 = tpu.memref_slice %arg4[%shift_right_logical3A_673, %dma_start3A_760, %multiple_of3A_678, %dma_start3A_770, %dma_start3A_771] : memref<50x8x128x8x128xf32, #tpu.memory_space<hbm>> -> memref<1x1x4x8x128xf32, #tpu.memory_space<hbm>>
    %dma_start3A_773 = tpu.memref_squeeze %dma_start3A_772 : memref<1x1x4x8x128xf32, #tpu.memory_space<hbm>> -> memref<4x8x128xf32, #tpu.memory_space<hbm>>
    %dma_start3A_774 = arith.constant 0 : i32
    %dma_start3A_775 = arith.constant 0 : i32
    %dma_start3A_776 = arith.constant 0 : i32
    %dma_start3A_777 = tpu.memref_slice %arg7[%dma_start3A_759, %dma_start3A_774, %dma_start3A_775, %dma_start3A_776] : memref<8x4x8x129xf32, #tpu.memory_space<vmem>> -> memref<1x4x8x128xf32, #tpu.memory_space<vmem>>
    %dma_start3A_778 = tpu.memref_squeeze %dma_start3A_777 : memref<1x4x8x128xf32, #tpu.memory_space<vmem>> -> memref<4x8x128xf32, #tpu.memory_space<vmem>>
    tpu.enqueue_dma source(%dma_start3A_778 : memref<4x8x128xf32, #tpu.memory_space<vmem>>) target(%dma_start3A_773 : memref<4x8x128xf32, #tpu.memory_space<hbm>>) target_semaphore(%arg10 : memref<!tpu.dma_semaphore, #tpu.memory_space<semaphore_mem>>)
    %dma_start3A_779 = arith.constant 5 : i32
    %dma_start3A_780 = arith.constant 5 : i32
    %dma_start3A_781 = arith.constant 0 : i32
    %dma_start3A_782 = arith.constant 0 : i32
    %dma_start3A_783 = arith.constant 0 : i32
    %dma_start3A_784 = tpu.memref_slice %arg7[%dma_start3A_779, %dma_start3A_781, %dma_start3A_782, %dma_start3A_783] : memref<8x4x8x129xf32, #tpu.memory_space<vmem>> -> memref<1x4x8x128xf32, #tpu.memory_space<vmem>>
    %dma_start3A_785 = tpu.memref_squeeze %dma_start3A_784 : memref<1x4x8x128xf32, #tpu.memory_space<vmem>> -> memref<4x8x128xf32, #tpu.memory_space<vmem>>
    %dma_start3A_786 = arith.constant 0 : i32
    %dma_start3A_787 = arith.constant 0 : i32
    %dma_start3A_788 = tpu.memref_slice %arg4[%shift_right_logical3A_673, %dma_start3A_780, %multiple_of3A_678, %dma_start3A_786, %dma_start3A_787] : memref<50x8x128x8x128xf32, #tpu.memory_space<hbm>> -> memref<1x1x4x8x128xf32, #tpu.memory_space<hbm>>
    %dma_start3A_789 = tpu.memref_squeeze %dma_start3A_788 : memref<1x1x4x8x128xf32, #tpu.memory_space<hbm>> -> memref<4x8x128xf32, #tpu.memory_space<hbm>>
    %dma_start3A_790 = arith.constant 0 : i32
    %dma_start3A_791 = arith.constant 0 : i32
    %dma_start3A_792 = tpu.memref_slice %arg4[%shift_right_logical3A_673, %dma_start3A_780, %multiple_of3A_678, %dma_start3A_790, %dma_start3A_791] : memref<50x8x128x8x128xf32, #tpu.memory_space<hbm>> -> memref<1x1x4x8x128xf32, #tpu.memory_space<hbm>>
    %dma_start3A_793 = tpu.memref_squeeze %dma_start3A_792 : memref<1x1x4x8x128xf32, #tpu.memory_space<hbm>> -> memref<4x8x128xf32, #tpu.memory_space<hbm>>
    %dma_start3A_794 = arith.constant 0 : i32
    %dma_start3A_795 = arith.constant 0 : i32
    %dma_start3A_796 = arith.constant 0 : i32
    %dma_start3A_797 = tpu.memref_slice %arg7[%dma_start3A_779, %dma_start3A_794, %dma_start3A_795, %dma_start3A_796] : memref<8x4x8x129xf32, #tpu.memory_space<vmem>> -> memref<1x4x8x128xf32, #tpu.memory_space<vmem>>
    %dma_start3A_798 = tpu.memref_squeeze %dma_start3A_797 : memref<1x4x8x128xf32, #tpu.memory_space<vmem>> -> memref<4x8x128xf32, #tpu.memory_space<vmem>>
    tpu.enqueue_dma source(%dma_start3A_798 : memref<4x8x128xf32, #tpu.memory_space<vmem>>) target(%dma_start3A_793 : memref<4x8x128xf32, #tpu.memory_space<hbm>>) target_semaphore(%arg10 : memref<!tpu.dma_semaphore, #tpu.memory_space<semaphore_mem>>)
    %dma_start3A_799 = arith.constant 6 : i32
    %dma_start3A_800 = arith.constant 6 : i32
    %dma_start3A_801 = arith.constant 0 : i32
    %dma_start3A_802 = arith.constant 0 : i32
    %dma_start3A_803 = arith.constant 0 : i32
    %dma_start3A_804 = tpu.memref_slice %arg7[%dma_start3A_799, %dma_start3A_801, %dma_start3A_802, %dma_start3A_803] : memref<8x4x8x129xf32, #tpu.memory_space<vmem>> -> memref<1x4x8x128xf32, #tpu.memory_space<vmem>>
    %dma_start3A_805 = tpu.memref_squeeze %dma_start3A_804 : memref<1x4x8x128xf32, #tpu.memory_space<vmem>> -> memref<4x8x128xf32, #tpu.memory_space<vmem>>
    %dma_start3A_806 = arith.constant 0 : i32
    %dma_start3A_807 = arith.constant 0 : i32
    %dma_start3A_808 = tpu.memref_slice %arg4[%shift_right_logical3A_673, %dma_start3A_800, %multiple_of3A_678, %dma_start3A_806, %dma_start3A_807] : memref<50x8x128x8x128xf32, #tpu.memory_space<hbm>> -> memref<1x1x4x8x128xf32, #tpu.memory_space<hbm>>
    %dma_start3A_809 = tpu.memref_squeeze %dma_start3A_808 : memref<1x1x4x8x128xf32, #tpu.memory_space<hbm>> -> memref<4x8x128xf32, #tpu.memory_space<hbm>>
    %dma_start3A_810 = arith.constant 0 : i32
    %dma_start3A_811 = arith.constant 0 : i32
    %dma_start3A_812 = tpu.memref_slice %arg4[%shift_right_logical3A_673, %dma_start3A_800, %multiple_of3A_678, %dma_start3A_810, %dma_start3A_811] : memref<50x8x128x8x128xf32, #tpu.memory_space<hbm>> -> memref<1x1x4x8x128xf32, #tpu.memory_space<hbm>>
    %dma_start3A_813 = tpu.memref_squeeze %dma_start3A_812 : memref<1x1x4x8x128xf32, #tpu.memory_space<hbm>> -> memref<4x8x128xf32, #tpu.memory_space<hbm>>
    %dma_start3A_814 = arith.constant 0 : i32
    %dma_start3A_815 = arith.constant 0 : i32
    %dma_start3A_816 = arith.constant 0 : i32
    %dma_start3A_817 = tpu.memref_slice %arg7[%dma_start3A_799, %dma_start3A_814, %dma_start3A_815, %dma_start3A_816] : memref<8x4x8x129xf32, #tpu.memory_space<vmem>> -> memref<1x4x8x128xf32, #tpu.memory_space<vmem>>
    %dma_start3A_818 = tpu.memref_squeeze %dma_start3A_817 : memref<1x4x8x128xf32, #tpu.memory_space<vmem>> -> memref<4x8x128xf32, #tpu.memory_space<vmem>>
    tpu.enqueue_dma source(%dma_start3A_818 : memref<4x8x128xf32, #tpu.memory_space<vmem>>) target(%dma_start3A_813 : memref<4x8x128xf32, #tpu.memory_space<hbm>>) target_semaphore(%arg10 : memref<!tpu.dma_semaphore, #tpu.memory_space<semaphore_mem>>)
    %dma_start3A_819 = arith.constant 7 : i32
    %dma_start3A_820 = arith.constant 7 : i32
    %dma_start3A_821 = arith.constant 0 : i32
    %dma_start3A_822 = arith.constant 0 : i32
    %dma_start3A_823 = arith.constant 0 : i32
    %dma_start3A_824 = tpu.memref_slice %arg7[%dma_start3A_819, %dma_start3A_821, %dma_start3A_822, %dma_start3A_823] : memref<8x4x8x129xf32, #tpu.memory_space<vmem>> -> memref<1x4x8x128xf32, #tpu.memory_space<vmem>>
    %dma_start3A_825 = tpu.memref_squeeze %dma_start3A_824 : memref<1x4x8x128xf32, #tpu.memory_space<vmem>> -> memref<4x8x128xf32, #tpu.memory_space<vmem>>
    %dma_start3A_826 = arith.constant 0 : i32
    %dma_start3A_827 = arith.constant 0 : i32
    %dma_start3A_828 = tpu.memref_slice %arg4[%shift_right_logical3A_673, %dma_start3A_820, %multiple_of3A_678, %dma_start3A_826, %dma_start3A_827] : memref<50x8x128x8x128xf32, #tpu.memory_space<hbm>> -> memref<1x1x4x8x128xf32, #tpu.memory_space<hbm>>
    %dma_start3A_829 = tpu.memref_squeeze %dma_start3A_828 : memref<1x1x4x8x128xf32, #tpu.memory_space<hbm>> -> memref<4x8x128xf32, #tpu.memory_space<hbm>>
    %dma_start3A_830 = arith.constant 0 : i32
    %dma_start3A_831 = arith.constant 0 : i32
    %dma_start3A_832 = tpu.memref_slice %arg4[%shift_right_logical3A_673, %dma_start3A_820, %multiple_of3A_678, %dma_start3A_830, %dma_start3A_831] : memref<50x8x128x8x128xf32, #tpu.memory_space<hbm>> -> memref<1x1x4x8x128xf32, #tpu.memory_space<hbm>>
    %dma_start3A_833 = tpu.memref_squeeze %dma_start3A_832 : memref<1x1x4x8x128xf32, #tpu.memory_space<hbm>> -> memref<4x8x128xf32, #tpu.memory_space<hbm>>
    %dma_start3A_834 = arith.constant 0 : i32
    %dma_start3A_835 = arith.constant 0 : i32
    %dma_start3A_836 = arith.constant 0 : i32
    %dma_start3A_837 = tpu.memref_slice %arg7[%dma_start3A_819, %dma_start3A_834, %dma_start3A_835, %dma_start3A_836] : memref<8x4x8x129xf32, #tpu.memory_space<vmem>> -> memref<1x4x8x128xf32, #tpu.memory_space<vmem>>
    %dma_start3A_838 = tpu.memref_squeeze %dma_start3A_837 : memref<1x4x8x128xf32, #tpu.memory_space<vmem>> -> memref<4x8x128xf32, #tpu.memory_space<vmem>>
    tpu.enqueue_dma source(%dma_start3A_838 : memref<4x8x128xf32, #tpu.memory_space<vmem>>) target(%dma_start3A_833 : memref<4x8x128xf32, #tpu.memory_space<hbm>>) target_semaphore(%arg10 : memref<!tpu.dma_semaphore, #tpu.memory_space<semaphore_mem>>)
    %dma_wait3A_839 = arith.constant 1 : i32
    %dma_wait3A_840 = arith.constant 0 : i32
    %dma_wait3A_841 = arith.constant 0 : i32
    %dma_wait3A_842 = tpu.memref_slice %arg6[%dma_wait3A_839, %dma_wait3A_840, %dma_wait3A_841] : memref<2x512x64xf32, #tpu.memory_space<vmem>> -> memref<1x512x64xf32, #tpu.memory_space<vmem>>
    %dma_wait3A_843 = tpu.memref_squeeze %dma_wait3A_842 : memref<1x512x64xf32, #tpu.memory_space<vmem>> -> memref<512x64xf32, #tpu.memory_space<vmem>>
    %dma_wait3A_844 = arith.constant 0 : i32
    %dma_wait3A_845 = arith.constant 0 : i32
    %dma_wait3A_846 = tpu.memref_slice %arg2[%dma_wait3A_844, %dma_wait3A_845] : memref<1000000x64xf32, #tpu.memory_space<hbm>> -> memref<512x64xf32, #tpu.memory_space<hbm>>
    %dma_wait3A_847 = arith.constant 0 : i32
    %dma_wait3A_848 = arith.constant 0 : i32
    %dma_wait3A_849 = tpu.memref_slice %arg6[%dma_wait3A_839, %dma_wait3A_847, %dma_wait3A_848] : memref<2x512x64xf32, #tpu.memory_space<vmem>> -> memref<1x512x64xf32, #tpu.memory_space<vmem>>
    %dma_wait3A_850 = tpu.memref_squeeze %dma_wait3A_849 : memref<1x512x64xf32, #tpu.memory_space<vmem>> -> memref<512x64xf32, #tpu.memory_space<vmem>>
    %dma_wait3A_851 = arith.constant 0 : i32
    %dma_wait3A_852 = arith.constant 0 : i32
    %dma_wait3A_853 = tpu.memref_slice %arg2[%dma_wait3A_851, %dma_wait3A_852] : memref<1000000x64xf32, #tpu.memory_space<hbm>> -> memref<512x64xf32, #tpu.memory_space<hbm>>
    tpu.wait_dma2 semaphore(%arg9 : memref<!tpu.dma_semaphore, #tpu.memory_space<semaphore_mem>>) src(%dma_wait3A_853 : memref<512x64xf32, #tpu.memory_space<hbm>>) dst(%dma_wait3A_850 : memref<512x64xf32, #tpu.memory_space<vmem>>)
    %dma_wait3A_854 = arith.constant 0 : i32
    %dma_wait3A_855 = arith.constant 0 : i32
    %dma_wait3A_856 = arith.constant 0 : i32
    %dma_wait3A_857 = tpu.memref_slice %arg6[%dma_wait3A_854, %dma_wait3A_855, %dma_wait3A_856] : memref<2x512x64xf32, #tpu.memory_space<vmem>> -> memref<1x512x64xf32, #tpu.memory_space<vmem>>
    %dma_wait3A_858 = tpu.memref_squeeze %dma_wait3A_857 : memref<1x512x64xf32, #tpu.memory_space<vmem>> -> memref<512x64xf32, #tpu.memory_space<vmem>>
    %dma_wait3A_859 = arith.constant 0 : i32
    %dma_wait3A_860 = arith.constant 0 : i32
    %dma_wait3A_861 = tpu.memref_slice %arg2[%dma_wait3A_859, %dma_wait3A_860] : memref<1000000x64xf32, #tpu.memory_space<hbm>> -> memref<512x64xf32, #tpu.memory_space<hbm>>
    %dma_wait3A_862 = arith.constant 0 : i32
    %dma_wait3A_863 = arith.constant 0 : i32
    %dma_wait3A_864 = tpu.memref_slice %arg6[%dma_wait3A_854, %dma_wait3A_862, %dma_wait3A_863] : memref<2x512x64xf32, #tpu.memory_space<vmem>> -> memref<1x512x64xf32, #tpu.memory_space<vmem>>
    %dma_wait3A_865 = tpu.memref_squeeze %dma_wait3A_864 : memref<1x512x64xf32, #tpu.memory_space<vmem>> -> memref<512x64xf32, #tpu.memory_space<vmem>>
    %dma_wait3A_866 = arith.constant 0 : i32
    %dma_wait3A_867 = arith.constant 0 : i32
    %dma_wait3A_868 = tpu.memref_slice %arg2[%dma_wait3A_866, %dma_wait3A_867] : memref<1000000x64xf32, #tpu.memory_space<hbm>> -> memref<512x64xf32, #tpu.memory_space<hbm>>
    tpu.wait_dma2 semaphore(%arg10 : memref<!tpu.dma_semaphore, #tpu.memory_space<semaphore_mem>>) src(%dma_wait3A_868 : memref<512x64xf32, #tpu.memory_space<hbm>>) dst(%dma_wait3A_865 : memref<512x64xf32, #tpu.memory_space<vmem>>)
    %scan3A_869 = arith.constant 0 : i32
    %scan3A_870 = arith.constant 128 : i32
    %scan3A_871 = arith.addi %scan3A_869, %scan3A_870 : i32
    %scan3A_872 = arith.constant 1 : i32
    scf.for %scan3A_1058 = %scan3A_869 to %scan3A_871 step %scan3A_872  : i32 {
      %mul3A_1059 = arith.constant 1 : i32
      %mul3A_1060 = arith.muli %scan3A_1058, %mul3A_1059 : i32
      %add3A_1061 = arith.constant 0 : i32
      %add3A_1062 = arith.addi %add3A_1061, %mul3A_1060 : i32
      %broadcast_in_dim3A = arith.constant 0 : i32
      %broadcast_in_dim3A_1063 = vector.broadcast %broadcast_in_dim3A : i32 to vector<16xi32>
      %add3A_1064 = vector.broadcast %add3A_1062 : i32 to vector<16xi32>
      %add3A_1065 = arith.addi %broadcast_in_dim3A_1063, %add3A_1064 : vector<16xi32>
      %broadcast_in_dim3A_1066 = arith.constant 0 : i32
      %broadcast_in_dim3A_1067 = vector.broadcast %broadcast_in_dim3A_1066 : i32 to vector<16xi32>
      %add3A_1068 = arith.constant 0 : i32
      %add3A_1069 = vector.broadcast %add3A_1068 : i32 to vector<16xi32>
      %add3A_1070 = arith.addi %div3A_6, %add3A_1069 : vector<16xi32>
      %add3A_1071 = arith.constant 0 : i32
      %add3A_1072 = arith.addi %add3A_1071, %add3A_1062 : i32
      %get3A = arith.constant 1 : i32
      %get3A_1073 = arith.index_cast %get3A : i32 to index
      %get3A_1074 = arith.index_cast %add3A_1072 : i32 to index
      %get3A_1075 = arith.constant 0 : index
      %get3A_1076 = tpu.vector_load %arg6[%get3A_1073, %get3A_1074, %get3A_1075] {strides = array<i32>} : memref<2x512x64xf32, #tpu.memory_space<vmem>>, vector<16xf32>,
      %mul3A_1077 = arith.constant 8.000000e+00 : f32
      %mul3A_1078 = vector.broadcast %mul3A_1077 : f32 to vector<16xf32>
      %mul3A_1079 = arith.mulf %get3A_1076, %mul3A_1078 : vector<16xf32>
      tpu.vector_store_idx %arg7[%add3A_1070, %broadcast_in_dim3A_1067, %rem3A_4, %add3A_1065], %mul3A_1079 : memref<8x4x8x129xf32, #tpu.memory_space<vmem>>[vector<16xi32>, vector<16xi32>, vector<16xi32>, vector<16xi32>], vector<16xf32>,
      %add3A_1080 = arith.constant 2 : i32
      %add3A_1081 = vector.broadcast %add3A_1080 : i32 to vector<16xi32>
      %add3A_1082 = arith.addi %div3A_6, %add3A_1081 : vector<16xi32>
      %add3A_1083 = arith.constant 0 : i32
      %add3A_1084 = arith.addi %add3A_1083, %add3A_1062 : i32
      %get3A_1085 = arith.constant 1 : i32
      %get3A_1086 = arith.index_cast %get3A_1085 : i32 to index
      %get3A_1087 = arith.index_cast %add3A_1084 : i32 to index
      %get3A_1088 = arith.constant 16 : index
      %get3A_1089 = tpu.vector_load %arg6[%get3A_1086, %get3A_1087, %get3A_1088] {strides = array<i32>} : memref<2x512x64xf32, #tpu.memory_space<vmem>>, vector<16xf32>,
      %mul3A_1090 = arith.constant 8.000000e+00 : f32
      %mul3A_1091 = vector.broadcast %mul3A_1090 : f32 to vector<16xf32>
      %mul3A_1092 = arith.mulf %get3A_1089, %mul3A_1091 : vector<16xf32>
      tpu.vector_store_idx %arg7[%add3A_1082, %broadcast_in_dim3A_1067, %rem3A_4, %add3A_1065], %mul3A_1092 : memref<8x4x8x129xf32, #tpu.memory_space<vmem>>[vector<16xi32>, vector<16xi32>, vector<16xi32>, vector<16xi32>], vector<16xf32>,
      %add3A_1093 = arith.constant 4 : i32
      %add3A_1094 = vector.broadcast %add3A_1093 : i32 to vector<16xi32>
      %add3A_1095 = arith.addi %div3A_6, %add3A_1094 : vector<16xi32>
      %add3A_1096 = arith.constant 0 : i32
      %add3A_1097 = arith.addi %add3A_1096, %add3A_1062 : i32
      %get3A_1098 = arith.constant 1 : i32
      %get3A_1099 = arith.index_cast %get3A_1098 : i32 to index
      %get3A_1100 = arith.index_cast %add3A_1097 : i32 to index
      %get3A_1101 = arith.constant 32 : index
      %get3A_1102 = tpu.vector_load %arg6[%get3A_1099, %get3A_1100, %get3A_1101] {strides = array<i32>} : memref<2x512x64xf32, #tpu.memory_space<vmem>>, vector<16xf32>,
      %mul3A_1103 = arith.constant 8.000000e+00 : f32
      %mul3A_1104 = vector.broadcast %mul3A_1103 : f32 to vector<16xf32>
      %mul3A_1105 = arith.mulf %get3A_1102, %mul3A_1104 : vector<16xf32>
      tpu.vector_store_idx %arg7[%add3A_1095, %broadcast_in_dim3A_1067, %rem3A_4, %add3A_1065], %mul3A_1105 : memref<8x4x8x129xf32, #tpu.memory_space<vmem>>[vector<16xi32>, vector<16xi32>, vector<16xi32>, vector<16xi32>], vector<16xf32>,
      %add3A_1106 = arith.constant 6 : i32
      %add3A_1107 = vector.broadcast %add3A_1106 : i32 to vector<16xi32>
      %add3A_1108 = arith.addi %div3A_6, %add3A_1107 : vector<16xi32>
      %add3A_1109 = arith.constant 0 : i32
      %add3A_1110 = arith.addi %add3A_1109, %add3A_1062 : i32
      %get3A_1111 = arith.constant 1 : i32
      %get3A_1112 = arith.index_cast %get3A_1111 : i32 to index
      %get3A_1113 = arith.index_cast %add3A_1110 : i32 to index
      %get3A_1114 = arith.constant 48 : index
      %get3A_1115 = tpu.vector_load %arg6[%get3A_1112, %get3A_1113, %get3A_1114] {strides = array<i32>} : memref<2x512x64xf32, #tpu.memory_space<vmem>>, vector<16xf32>,
      %mul3A_1116 = arith.constant 8.000000e+00 : f32
      %mul3A_1117 = vector.broadcast %mul3A_1116 : f32 to vector<16xf32>
      %mul3A_1118 = arith.mulf %get3A_1115, %mul3A_1117 : vector<16xf32>
      tpu.vector_store_idx %arg7[%add3A_1108, %broadcast_in_dim3A_1067, %rem3A_4, %add3A_1065], %mul3A_1118 : memref<8x4x8x129xf32, #tpu.memory_space<vmem>>[vector<16xi32>, vector<16xi32>, vector<16xi32>, vector<16xi32>], vector<16xf32>,
      %broadcast_in_dim3A_1119 = arith.constant 1 : i32
      %broadcast_in_dim3A_1120 = vector.broadcast %broadcast_in_dim3A_1119 : i32 to vector<16xi32>
      %add3A_1121 = arith.constant 0 : i32
      %add3A_1122 = vector.broadcast %add3A_1121 : i32 to vector<16xi32>
      %add3A_1123 = arith.addi %div3A_6, %add3A_1122 : vector<16xi32>
      %add3A_1124 = arith.constant 128 : i32
      %add3A_1125 = arith.addi %add3A_1124, %add3A_1062 : i32
      %get3A_1126 = arith.constant 1 : i32
      %get3A_1127 = arith.index_cast %get3A_1126 : i32 to index
      %get3A_1128 = arith.index_cast %add3A_1125 : i32 to index
      %get3A_1129 = arith.constant 0 : index
      %get3A_1130 = tpu.vector_load %arg6[%get3A_1127, %get3A_1128, %get3A_1129] {strides = array<i32>} : memref<2x512x64xf32, #tpu.memory_space<vmem>>, vector<16xf32>,
      %mul3A_1131 = arith.constant 8.000000e+00 : f32
      %mul3A_1132 = vector.broadcast %mul3A_1131 : f32 to vector<16xf32>
      %mul3A_1133 = arith.mulf %get3A_1130, %mul3A_1132 : vector<16xf32>
      tpu.vector_store_idx %arg7[%add3A_1123, %broadcast_in_dim3A_1120, %rem3A_4, %add3A_1065], %mul3A_1133 : memref<8x4x8x129xf32, #tpu.memory_space<vmem>>[vector<16xi32>, vector<16xi32>, vector<16xi32>, vector<16xi32>], vector<16xf32>,
      %add3A_1134 = arith.constant 2 : i32
      %add3A_1135 = vector.broadcast %add3A_1134 : i32 to vector<16xi32>
      %add3A_1136 = arith.addi %div3A_6, %add3A_1135 : vector<16xi32>
      %add3A_1137 = arith.constant 128 : i32
      %add3A_1138 = arith.addi %add3A_1137, %add3A_1062 : i32
      %get3A_1139 = arith.constant 1 : i32
      %get3A_1140 = arith.index_cast %get3A_1139 : i32 to index
      %get3A_1141 = arith.index_cast %add3A_1138 : i32 to index
      %get3A_1142 = arith.constant 16 : index
      %get3A_1143 = tpu.vector_load %arg6[%get3A_1140, %get3A_1141, %get3A_1142] {strides = array<i32>} : memref<2x512x64xf32, #tpu.memory_space<vmem>>, vector<16xf32>,
      %mul3A_1144 = arith.constant 8.000000e+00 : f32
      %mul3A_1145 = vector.broadcast %mul3A_1144 : f32 to vector<16xf32>
      %mul3A_1146 = arith.mulf %get3A_1143, %mul3A_1145 : vector<16xf32>
      tpu.vector_store_idx %arg7[%add3A_1136, %broadcast_in_dim3A_1120, %rem3A_4, %add3A_1065], %mul3A_1146 : memref<8x4x8x129xf32, #tpu.memory_space<vmem>>[vector<16xi32>, vector<16xi32>, vector<16xi32>, vector<16xi32>], vector<16xf32>,
      %add3A_1147 = arith.constant 4 : i32
      %add3A_1148 = vector.broadcast %add3A_1147 : i32 to vector<16xi32>
      %add3A_1149 = arith.addi %div3A_6, %add3A_1148 : vector<16xi32>
      %add3A_1150 = arith.constant 128 : i32
      %add3A_1151 = arith.addi %add3A_1150, %add3A_1062 : i32
      %get3A_1152 = arith.constant 1 : i32
      %get3A_1153 = arith.index_cast %get3A_1152 : i32 to index
      %get3A_1154 = arith.index_cast %add3A_1151 : i32 to index
      %get3A_1155 = arith.constant 32 : index
      %get3A_1156 = tpu.vector_load %arg6[%get3A_1153, %get3A_1154, %get3A_1155] {strides = array<i32>} : memref<2x512x64xf32, #tpu.memory_space<vmem>>, vector<16xf32>,
      %mul3A_1157 = arith.constant 8.000000e+00 : f32
      %mul3A_1158 = vector.broadcast %mul3A_1157 : f32 to vector<16xf32>
      %mul3A_1159 = arith.mulf %get3A_1156, %mul3A_1158 : vector<16xf32>
      tpu.vector_store_idx %arg7[%add3A_1149, %broadcast_in_dim3A_1120, %rem3A_4, %add3A_1065], %mul3A_1159 : memref<8x4x8x129xf32, #tpu.memory_space<vmem>>[vector<16xi32>, vector<16xi32>, vector<16xi32>, vector<16xi32>], vector<16xf32>,
      %add3A_1160 = arith.constant 6 : i32
      %add3A_1161 = vector.broadcast %add3A_1160 : i32 to vector<16xi32>
      %add3A_1162 = arith.addi %div3A_6, %add3A_1161 : vector<16xi32>
      %add3A_1163 = arith.constant 128 : i32
      %add3A_1164 = arith.addi %add3A_1163, %add3A_1062 : i32
      %get3A_1165 = arith.constant 1 : i32
      %get3A_1166 = arith.index_cast %get3A_1165 : i32 to index
      %get3A_1167 = arith.index_cast %add3A_1164 : i32 to index
      %get3A_1168 = arith.constant 48 : index
      %get3A_1169 = tpu.vector_load %arg6[%get3A_1166, %get3A_1167, %get3A_1168] {strides = array<i32>} : memref<2x512x64xf32, #tpu.memory_space<vmem>>, vector<16xf32>,
      %mul3A_1170 = arith.constant 8.000000e+00 : f32
      %mul3A_1171 = vector.broadcast %mul3A_1170 : f32 to vector<16xf32>
      %mul3A_1172 = arith.mulf %get3A_1169, %mul3A_1171 : vector<16xf32>
      tpu.vector_store_idx %arg7[%add3A_1162, %broadcast_in_dim3A_1120, %rem3A_4, %add3A_1065], %mul3A_1172 : memref<8x4x8x129xf32, #tpu.memory_space<vmem>>[vector<16xi32>, vector<16xi32>, vector<16xi32>, vector<16xi32>], vector<16xf32>,
      %broadcast_in_dim3A_1173 = arith.constant 2 : i32
      %broadcast_in_dim3A_1174 = vector.broadcast %broadcast_in_dim3A_1173 : i32 to vector<16xi32>
      %add3A_1175 = arith.constant 0 : i32
      %add3A_1176 = vector.broadcast %add3A_1175 : i32 to vector<16xi32>
      %add3A_1177 = arith.addi %div3A_6, %add3A_1176 : vector<16xi32>
      %add3A_1178 = arith.constant 256 : i32
      %add3A_1179 = arith.addi %add3A_1178, %add3A_1062 : i32
      %get3A_1180 = arith.constant 1 : i32
      %get3A_1181 = arith.index_cast %get3A_1180 : i32 to index
      %get3A_1182 = arith.index_cast %add3A_1179 : i32 to index
      %get3A_1183 = arith.constant 0 : index
      %get3A_1184 = tpu.vector_load %arg6[%get3A_1181, %get3A_1182, %get3A_1183] {strides = array<i32>} : memref<2x512x64xf32, #tpu.memory_space<vmem>>, vector<16xf32>,
      %mul3A_1185 = arith.constant 8.000000e+00 : f32
      %mul3A_1186 = vector.broadcast %mul3A_1185 : f32 to vector<16xf32>
      %mul3A_1187 = arith.mulf %get3A_1184, %mul3A_1186 : vector<16xf32>
      tpu.vector_store_idx %arg7[%add3A_1177, %broadcast_in_dim3A_1174, %rem3A_4, %add3A_1065], %mul3A_1187 : memref<8x4x8x129xf32, #tpu.memory_space<vmem>>[vector<16xi32>, vector<16xi32>, vector<16xi32>, vector<16xi32>], vector<16xf32>,
      %add3A_1188 = arith.constant 2 : i32
      %add3A_1189 = vector.broadcast %add3A_1188 : i32 to vector<16xi32>
      %add3A_1190 = arith.addi %div3A_6, %add3A_1189 : vector<16xi32>
      %add3A_1191 = arith.constant 256 : i32
      %add3A_1192 = arith.addi %add3A_1191, %add3A_1062 : i32
      %get3A_1193 = arith.constant 1 : i32
      %get3A_1194 = arith.index_cast %get3A_1193 : i32 to index
      %get3A_1195 = arith.index_cast %add3A_1192 : i32 to index
      %get3A_1196 = arith.constant 16 : index
      %get3A_1197 = tpu.vector_load %arg6[%get3A_1194, %get3A_1195, %get3A_1196] {strides = array<i32>} : memref<2x512x64xf32, #tpu.memory_space<vmem>>, vector<16xf32>,
      %mul3A_1198 = arith.constant 8.000000e+00 : f32
      %mul3A_1199 = vector.broadcast %mul3A_1198 : f32 to vector<16xf32>
      %mul3A_1200 = arith.mulf %get3A_1197, %mul3A_1199 : vector<16xf32>
      tpu.vector_store_idx %arg7[%add3A_1190, %broadcast_in_dim3A_1174, %rem3A_4, %add3A_1065], %mul3A_1200 : memref<8x4x8x129xf32, #tpu.memory_space<vmem>>[vector<16xi32>, vector<16xi32>, vector<16xi32>, vector<16xi32>], vector<16xf32>,
      %add3A_1201 = arith.constant 4 : i32
      %add3A_1202 = vector.broadcast %add3A_1201 : i32 to vector<16xi32>
      %add3A_1203 = arith.addi %div3A_6, %add3A_1202 : vector<16xi32>
      %add3A_1204 = arith.constant 256 : i32
      %add3A_1205 = arith.addi %add3A_1204, %add3A_1062 : i32
      %get3A_1206 = arith.constant 1 : i32
      %get3A_1207 = arith.index_cast %get3A_1206 : i32 to index
      %get3A_1208 = arith.index_cast %add3A_1205 : i32 to index
      %get3A_1209 = arith.constant 32 : index
      %get3A_1210 = tpu.vector_load %arg6[%get3A_1207, %get3A_1208, %get3A_1209] {strides = array<i32>} : memref<2x512x64xf32, #tpu.memory_space<vmem>>, vector<16xf32>,
      %mul3A_1211 = arith.constant 8.000000e+00 : f32
      %mul3A_1212 = vector.broadcast %mul3A_1211 : f32 to vector<16xf32>
      %mul3A_1213 = arith.mulf %get3A_1210, %mul3A_1212 : vector<16xf32>
      tpu.vector_store_idx %arg7[%add3A_1203, %broadcast_in_dim3A_1174, %rem3A_4, %add3A_1065], %mul3A_1213 : memref<8x4x8x129xf32, #tpu.memory_space<vmem>>[vector<16xi32>, vector<16xi32>, vector<16xi32>, vector<16xi32>], vector<16xf32>,
      %add3A_1214 = arith.constant 6 : i32
      %add3A_1215 = vector.broadcast %add3A_1214 : i32 to vector<16xi32>
      %add3A_1216 = arith.addi %div3A_6, %add3A_1215 : vector<16xi32>
      %add3A_1217 = arith.constant 256 : i32
      %add3A_1218 = arith.addi %add3A_1217, %add3A_1062 : i32
      %get3A_1219 = arith.constant 1 : i32
      %get3A_1220 = arith.index_cast %get3A_1219 : i32 to index
      %get3A_1221 = arith.index_cast %add3A_1218 : i32 to index
      %get3A_1222 = arith.constant 48 : index
      %get3A_1223 = tpu.vector_load %arg6[%get3A_1220, %get3A_1221, %get3A_1222] {strides = array<i32>} : memref<2x512x64xf32, #tpu.memory_space<vmem>>, vector<16xf32>,
      %mul3A_1224 = arith.constant 8.000000e+00 : f32
      %mul3A_1225 = vector.broadcast %mul3A_1224 : f32 to vector<16xf32>
      %mul3A_1226 = arith.mulf %get3A_1223, %mul3A_1225 : vector<16xf32>
      tpu.vector_store_idx %arg7[%add3A_1216, %broadcast_in_dim3A_1174, %rem3A_4, %add3A_1065], %mul3A_1226 : memref<8x4x8x129xf32, #tpu.memory_space<vmem>>[vector<16xi32>, vector<16xi32>, vector<16xi32>, vector<16xi32>], vector<16xf32>,
      %broadcast_in_dim3A_1227 = arith.constant 3 : i32
      %broadcast_in_dim3A_1228 = vector.broadcast %broadcast_in_dim3A_1227 : i32 to vector<16xi32>
      %add3A_1229 = arith.constant 0 : i32
      %add3A_1230 = vector.broadcast %add3A_1229 : i32 to vector<16xi32>
      %add3A_1231 = arith.addi %div3A_6, %add3A_1230 : vector<16xi32>
      %add3A_1232 = arith.constant 384 : i32
      %add3A_1233 = arith.addi %add3A_1232, %add3A_1062 : i32
      %get3A_1234 = arith.constant 1 : i32
      %get3A_1235 = arith.index_cast %get3A_1234 : i32 to index
      %get3A_1236 = arith.index_cast %add3A_1233 : i32 to index
      %get3A_1237 = arith.constant 0 : index
      %get3A_1238 = tpu.vector_load %arg6[%get3A_1235, %get3A_1236, %get3A_1237] {strides = array<i32>} : memref<2x512x64xf32, #tpu.memory_space<vmem>>, vector<16xf32>,
      %mul3A_1239 = arith.constant 8.000000e+00 : f32
      %mul3A_1240 = vector.broadcast %mul3A_1239 : f32 to vector<16xf32>
      %mul3A_1241 = arith.mulf %get3A_1238, %mul3A_1240 : vector<16xf32>
      tpu.vector_store_idx %arg7[%add3A_1231, %broadcast_in_dim3A_1228, %rem3A_4, %add3A_1065], %mul3A_1241 : memref<8x4x8x129xf32, #tpu.memory_space<vmem>>[vector<16xi32>, vector<16xi32>, vector<16xi32>, vector<16xi32>], vector<16xf32>,
      %add3A_1242 = arith.constant 2 : i32
      %add3A_1243 = vector.broadcast %add3A_1242 : i32 to vector<16xi32>
      %add3A_1244 = arith.addi %div3A_6, %add3A_1243 : vector<16xi32>
      %add3A_1245 = arith.constant 384 : i32
      %add3A_1246 = arith.addi %add3A_1245, %add3A_1062 : i32
      %get3A_1247 = arith.constant 1 : i32
      %get3A_1248 = arith.index_cast %get3A_1247 : i32 to index
      %get3A_1249 = arith.index_cast %add3A_1246 : i32 to index
      %get3A_1250 = arith.constant 16 : index
      %get3A_1251 = tpu.vector_load %arg6[%get3A_1248, %get3A_1249, %get3A_1250] {strides = array<i32>} : memref<2x512x64xf32, #tpu.memory_space<vmem>>, vector<16xf32>,
      %mul3A_1252 = arith.constant 8.000000e+00 : f32
      %mul3A_1253 = vector.broadcast %mul3A_1252 : f32 to vector<16xf32>
      %mul3A_1254 = arith.mulf %get3A_1251, %mul3A_1253 : vector<16xf32>
      tpu.vector_store_idx %arg7[%add3A_1244, %broadcast_in_dim3A_1228, %rem3A_4, %add3A_1065], %mul3A_1254 : memref<8x4x8x129xf32, #tpu.memory_space<vmem>>[vector<16xi32>, vector<16xi32>, vector<16xi32>, vector<16xi32>], vector<16xf32>,
      %add3A_1255 = arith.constant 4 : i32
      %add3A_1256 = vector.broadcast %add3A_1255 : i32 to vector<16xi32>
      %add3A_1257 = arith.addi %div3A_6, %add3A_1256 : vector<16xi32>
      %add3A_1258 = arith.constant 384 : i32
      %add3A_1259 = arith.addi %add3A_1258, %add3A_1062 : i32
      %get3A_1260 = arith.constant 1 : i32
      %get3A_1261 = arith.index_cast %get3A_1260 : i32 to index
      %get3A_1262 = arith.index_cast %add3A_1259 : i32 to index
      %get3A_1263 = arith.constant 32 : index
      %get3A_1264 = tpu.vector_load %arg6[%get3A_1261, %get3A_1262, %get3A_1263] {strides = array<i32>} : memref<2x512x64xf32, #tpu.memory_space<vmem>>, vector<16xf32>,
      %mul3A_1265 = arith.constant 8.000000e+00 : f32
      %mul3A_1266 = vector.broadcast %mul3A_1265 : f32 to vector<16xf32>
      %mul3A_1267 = arith.mulf %get3A_1264, %mul3A_1266 : vector<16xf32>
      tpu.vector_store_idx %arg7[%add3A_1257, %broadcast_in_dim3A_1228, %rem3A_4, %add3A_1065], %mul3A_1267 : memref<8x4x8x129xf32, #tpu.memory_space<vmem>>[vector<16xi32>, vector<16xi32>, vector<16xi32>, vector<16xi32>], vector<16xf32>,
      %add3A_1268 = arith.constant 6 : i32
      %add3A_1269 = vector.broadcast %add3A_1268 : i32 to vector<16xi32>
      %add3A_1270 = arith.addi %div3A_6, %add3A_1269 : vector<16xi32>
      %add3A_1271 = arith.constant 384 : i32
      %add3A_1272 = arith.addi %add3A_1271, %add3A_1062 : i32
      %get3A_1273 = arith.constant 1 : i32
      %get3A_1274 = arith.index_cast %get3A_1273 : i32 to index
      %get3A_1275 = arith.index_cast %add3A_1272 : i32 to index
      %get3A_1276 = arith.constant 48 : index
      %get3A_1277 = tpu.vector_load %arg6[%get3A_1274, %get3A_1275, %get3A_1276] {strides = array<i32>} : memref<2x512x64xf32, #tpu.memory_space<vmem>>, vector<16xf32>,
      %mul3A_1278 = arith.constant 8.000000e+00 : f32
      %mul3A_1279 = vector.broadcast %mul3A_1278 : f32 to vector<16xf32>
      %mul3A_1280 = arith.mulf %get3A_1277, %mul3A_1279 : vector<16xf32>
      tpu.vector_store_idx %arg7[%add3A_1270, %broadcast_in_dim3A_1228, %rem3A_4, %add3A_1065], %mul3A_1280 : memref<8x4x8x129xf32, #tpu.memory_space<vmem>>[vector<16xi32>, vector<16xi32>, vector<16xi32>, vector<16xi32>], vector<16xf32>,
    }
    %scan3A_873 = arith.constant 128 : i32
    %add3A_874 = arith.constant 49 : i32
    %add3A_875 = arith.addi %mul3A_2, %add3A_874 : i32
    %shift_right_logical3A_876 = arith.constant 5 : i32
    %shift_right_logical3A_877 = arith.shrui %add3A_875, %shift_right_logical3A_876 : i32
    %and3A_878 = arith.constant 31 : i32
    %and3A_879 = arith.andi %add3A_875, %and3A_878 : i32
    %mul3A_880 = arith.constant 4 : i32
    %mul3A_881 = arith.muli %and3A_879, %mul3A_880 : i32
    %multiple_of3A_882 = tpu.assume_multiple %mul3A_881, 4 : i32
    %dma_start3A_883 = arith.constant 0 : i32
    %dma_start3A_884 = arith.constant 0 : i32
    %dma_start3A_885 = arith.constant 0 : i32
    %dma_start3A_886 = arith.constant 0 : i32
    %dma_start3A_887 = arith.constant 0 : i32
    %dma_start3A_888 = tpu.memref_slice %arg7[%dma_start3A_883, %dma_start3A_885, %dma_start3A_886, %dma_start3A_887] : memref<8x4x8x129xf32, #tpu.memory_space<vmem>> -> memref<1x4x8x128xf32, #tpu.memory_space<vmem>>
    %dma_start3A_889 = tpu.memref_squeeze %dma_start3A_888 : memref<1x4x8x128xf32, #tpu.memory_space<vmem>> -> memref<4x8x128xf32, #tpu.memory_space<vmem>>
    %dma_start3A_890 = arith.constant 0 : i32
    %dma_start3A_891 = arith.constant 0 : i32
    %dma_start3A_892 = tpu.memref_slice %arg4[%shift_right_logical3A_877, %dma_start3A_884, %multiple_of3A_882, %dma_start3A_890, %dma_start3A_891] : memref<50x8x128x8x128xf32, #tpu.memory_space<hbm>> -> memref<1x1x4x8x128xf32, #tpu.memory_space<hbm>>
    %dma_start3A_893 = tpu.memref_squeeze %dma_start3A_892 : memref<1x1x4x8x128xf32, #tpu.memory_space<hbm>> -> memref<4x8x128xf32, #tpu.memory_space<hbm>>
    %dma_start3A_894 = arith.constant 0 : i32
    %dma_start3A_895 = arith.constant 0 : i32
    %dma_start3A_896 = tpu.memref_slice %arg4[%shift_right_logical3A_877, %dma_start3A_884, %multiple_of3A_882, %dma_start3A_894, %dma_start3A_895] : memref<50x8x128x8x128xf32, #tpu.memory_space<hbm>> -> memref<1x1x4x8x128xf32, #tpu.memory_space<hbm>>
    %dma_start3A_897 = tpu.memref_squeeze %dma_start3A_896 : memref<1x1x4x8x128xf32, #tpu.memory_space<hbm>> -> memref<4x8x128xf32, #tpu.memory_space<hbm>>
    %dma_start3A_898 = arith.constant 0 : i32
    %dma_start3A_899 = arith.constant 0 : i32
    %dma_start3A_900 = arith.constant 0 : i32
    %dma_start3A_901 = tpu.memref_slice %arg7[%dma_start3A_883, %dma_start3A_898, %dma_start3A_899, %dma_start3A_900] : memref<8x4x8x129xf32, #tpu.memory_space<vmem>> -> memref<1x4x8x128xf32, #tpu.memory_space<vmem>>
    %dma_start3A_902 = tpu.memref_squeeze %dma_start3A_901 : memref<1x4x8x128xf32, #tpu.memory_space<vmem>> -> memref<4x8x128xf32, #tpu.memory_space<vmem>>
    tpu.enqueue_dma source(%dma_start3A_902 : memref<4x8x128xf32, #tpu.memory_space<vmem>>) target(%dma_start3A_897 : memref<4x8x128xf32, #tpu.memory_space<hbm>>) target_semaphore(%arg10 : memref<!tpu.dma_semaphore, #tpu.memory_space<semaphore_mem>>)
    %dma_start3A_903 = arith.constant 1 : i32
    %dma_start3A_904 = arith.constant 1 : i32
    %dma_start3A_905 = arith.constant 0 : i32
    %dma_start3A_906 = arith.constant 0 : i32
    %dma_start3A_907 = arith.constant 0 : i32
    %dma_start3A_908 = tpu.memref_slice %arg7[%dma_start3A_903, %dma_start3A_905, %dma_start3A_906, %dma_start3A_907] : memref<8x4x8x129xf32, #tpu.memory_space<vmem>> -> memref<1x4x8x128xf32, #tpu.memory_space<vmem>>
    %dma_start3A_909 = tpu.memref_squeeze %dma_start3A_908 : memref<1x4x8x128xf32, #tpu.memory_space<vmem>> -> memref<4x8x128xf32, #tpu.memory_space<vmem>>
    %dma_start3A_910 = arith.constant 0 : i32
    %dma_start3A_911 = arith.constant 0 : i32
    %dma_start3A_912 = tpu.memref_slice %arg4[%shift_right_logical3A_877, %dma_start3A_904, %multiple_of3A_882, %dma_start3A_910, %dma_start3A_911] : memref<50x8x128x8x128xf32, #tpu.memory_space<hbm>> -> memref<1x1x4x8x128xf32, #tpu.memory_space<hbm>>
    %dma_start3A_913 = tpu.memref_squeeze %dma_start3A_912 : memref<1x1x4x8x128xf32, #tpu.memory_space<hbm>> -> memref<4x8x128xf32, #tpu.memory_space<hbm>>
    %dma_start3A_914 = arith.constant 0 : i32
    %dma_start3A_915 = arith.constant 0 : i32
    %dma_start3A_916 = tpu.memref_slice %arg4[%shift_right_logical3A_877, %dma_start3A_904, %multiple_of3A_882, %dma_start3A_914, %dma_start3A_915] : memref<50x8x128x8x128xf32, #tpu.memory_space<hbm>> -> memref<1x1x4x8x128xf32, #tpu.memory_space<hbm>>
    %dma_start3A_917 = tpu.memref_squeeze %dma_start3A_916 : memref<1x1x4x8x128xf32, #tpu.memory_space<hbm>> -> memref<4x8x128xf32, #tpu.memory_space<hbm>>
    %dma_start3A_918 = arith.constant 0 : i32
    %dma_start3A_919 = arith.constant 0 : i32
    %dma_start3A_920 = arith.constant 0 : i32
    %dma_start3A_921 = tpu.memref_slice %arg7[%dma_start3A_903, %dma_start3A_918, %dma_start3A_919, %dma_start3A_920] : memref<8x4x8x129xf32, #tpu.memory_space<vmem>> -> memref<1x4x8x128xf32, #tpu.memory_space<vmem>>
    %dma_start3A_922 = tpu.memref_squeeze %dma_start3A_921 : memref<1x4x8x128xf32, #tpu.memory_space<vmem>> -> memref<4x8x128xf32, #tpu.memory_space<vmem>>
    tpu.enqueue_dma source(%dma_start3A_922 : memref<4x8x128xf32, #tpu.memory_space<vmem>>) target(%dma_start3A_917 : memref<4x8x128xf32, #tpu.memory_space<hbm>>) target_semaphore(%arg10 : memref<!tpu.dma_semaphore, #tpu.memory_space<semaphore_mem>>)
    %dma_start3A_923 = arith.constant 2 : i32
    %dma_start3A_924 = arith.constant 2 : i32
    %dma_start3A_925 = arith.constant 0 : i32
    %dma_start3A_926 = arith.constant 0 : i32
    %dma_start3A_927 = arith.constant 0 : i32
    %dma_start3A_928 = tpu.memref_slice %arg7[%dma_start3A_923, %dma_start3A_925, %dma_start3A_926, %dma_start3A_927] : memref<8x4x8x129xf32, #tpu.memory_space<vmem>> -> memref<1x4x8x128xf32, #tpu.memory_space<vmem>>
    %dma_start3A_929 = tpu.memref_squeeze %dma_start3A_928 : memref<1x4x8x128xf32, #tpu.memory_space<vmem>> -> memref<4x8x128xf32, #tpu.memory_space<vmem>>
    %dma_start3A_930 = arith.constant 0 : i32
    %dma_start3A_931 = arith.constant 0 : i32
    %dma_start3A_932 = tpu.memref_slice %arg4[%shift_right_logical3A_877, %dma_start3A_924, %multiple_of3A_882, %dma_start3A_930, %dma_start3A_931] : memref<50x8x128x8x128xf32, #tpu.memory_space<hbm>> -> memref<1x1x4x8x128xf32, #tpu.memory_space<hbm>>
    %dma_start3A_933 = tpu.memref_squeeze %dma_start3A_932 : memref<1x1x4x8x128xf32, #tpu.memory_space<hbm>> -> memref<4x8x128xf32, #tpu.memory_space<hbm>>
    %dma_start3A_934 = arith.constant 0 : i32
    %dma_start3A_935 = arith.constant 0 : i32
    %dma_start3A_936 = tpu.memref_slice %arg4[%shift_right_logical3A_877, %dma_start3A_924, %multiple_of3A_882, %dma_start3A_934, %dma_start3A_935] : memref<50x8x128x8x128xf32, #tpu.memory_space<hbm>> -> memref<1x1x4x8x128xf32, #tpu.memory_space<hbm>>
    %dma_start3A_937 = tpu.memref_squeeze %dma_start3A_936 : memref<1x1x4x8x128xf32, #tpu.memory_space<hbm>> -> memref<4x8x128xf32, #tpu.memory_space<hbm>>
    %dma_start3A_938 = arith.constant 0 : i32
    %dma_start3A_939 = arith.constant 0 : i32
    %dma_start3A_940 = arith.constant 0 : i32
    %dma_start3A_941 = tpu.memref_slice %arg7[%dma_start3A_923, %dma_start3A_938, %dma_start3A_939, %dma_start3A_940] : memref<8x4x8x129xf32, #tpu.memory_space<vmem>> -> memref<1x4x8x128xf32, #tpu.memory_space<vmem>>
    %dma_start3A_942 = tpu.memref_squeeze %dma_start3A_941 : memref<1x4x8x128xf32, #tpu.memory_space<vmem>> -> memref<4x8x128xf32, #tpu.memory_space<vmem>>
    tpu.enqueue_dma source(%dma_start3A_942 : memref<4x8x128xf32, #tpu.memory_space<vmem>>) target(%dma_start3A_937 : memref<4x8x128xf32, #tpu.memory_space<hbm>>) target_semaphore(%arg10 : memref<!tpu.dma_semaphore, #tpu.memory_space<semaphore_mem>>)
    %dma_start3A_943 = arith.constant 3 : i32
    %dma_start3A_944 = arith.constant 3 : i32
    %dma_start3A_945 = arith.constant 0 : i32
    %dma_start3A_946 = arith.constant 0 : i32
    %dma_start3A_947 = arith.constant 0 : i32
    %dma_start3A_948 = tpu.memref_slice %arg7[%dma_start3A_943, %dma_start3A_945, %dma_start3A_946, %dma_start3A_947] : memref<8x4x8x129xf32, #tpu.memory_space<vmem>> -> memref<1x4x8x128xf32, #tpu.memory_space<vmem>>
    %dma_start3A_949 = tpu.memref_squeeze %dma_start3A_948 : memref<1x4x8x128xf32, #tpu.memory_space<vmem>> -> memref<4x8x128xf32, #tpu.memory_space<vmem>>
    %dma_start3A_950 = arith.constant 0 : i32
    %dma_start3A_951 = arith.constant 0 : i32
    %dma_start3A_952 = tpu.memref_slice %arg4[%shift_right_logical3A_877, %dma_start3A_944, %multiple_of3A_882, %dma_start3A_950, %dma_start3A_951] : memref<50x8x128x8x128xf32, #tpu.memory_space<hbm>> -> memref<1x1x4x8x128xf32, #tpu.memory_space<hbm>>
    %dma_start3A_953 = tpu.memref_squeeze %dma_start3A_952 : memref<1x1x4x8x128xf32, #tpu.memory_space<hbm>> -> memref<4x8x128xf32, #tpu.memory_space<hbm>>
    %dma_start3A_954 = arith.constant 0 : i32
    %dma_start3A_955 = arith.constant 0 : i32
    %dma_start3A_956 = tpu.memref_slice %arg4[%shift_right_logical3A_877, %dma_start3A_944, %multiple_of3A_882, %dma_start3A_954, %dma_start3A_955] : memref<50x8x128x8x128xf32, #tpu.memory_space<hbm>> -> memref<1x1x4x8x128xf32, #tpu.memory_space<hbm>>
    %dma_start3A_957 = tpu.memref_squeeze %dma_start3A_956 : memref<1x1x4x8x128xf32, #tpu.memory_space<hbm>> -> memref<4x8x128xf32, #tpu.memory_space<hbm>>
    %dma_start3A_958 = arith.constant 0 : i32
    %dma_start3A_959 = arith.constant 0 : i32
    %dma_start3A_960 = arith.constant 0 : i32
    %dma_start3A_961 = tpu.memref_slice %arg7[%dma_start3A_943, %dma_start3A_958, %dma_start3A_959, %dma_start3A_960] : memref<8x4x8x129xf32, #tpu.memory_space<vmem>> -> memref<1x4x8x128xf32, #tpu.memory_space<vmem>>
    %dma_start3A_962 = tpu.memref_squeeze %dma_start3A_961 : memref<1x4x8x128xf32, #tpu.memory_space<vmem>> -> memref<4x8x128xf32, #tpu.memory_space<vmem>>
    tpu.enqueue_dma source(%dma_start3A_962 : memref<4x8x128xf32, #tpu.memory_space<vmem>>) target(%dma_start3A_957 : memref<4x8x128xf32, #tpu.memory_space<hbm>>) target_semaphore(%arg10 : memref<!tpu.dma_semaphore, #tpu.memory_space<semaphore_mem>>)
    %dma_start3A_963 = arith.constant 4 : i32
    %dma_start3A_964 = arith.constant 4 : i32
    %dma_start3A_965 = arith.constant 0 : i32
    %dma_start3A_966 = arith.constant 0 : i32
    %dma_start3A_967 = arith.constant 0 : i32
    %dma_start3A_968 = tpu.memref_slice %arg7[%dma_start3A_963, %dma_start3A_965, %dma_start3A_966, %dma_start3A_967] : memref<8x4x8x129xf32, #tpu.memory_space<vmem>> -> memref<1x4x8x128xf32, #tpu.memory_space<vmem>>
    %dma_start3A_969 = tpu.memref_squeeze %dma_start3A_968 : memref<1x4x8x128xf32, #tpu.memory_space<vmem>> -> memref<4x8x128xf32, #tpu.memory_space<vmem>>
    %dma_start3A_970 = arith.constant 0 : i32
    %dma_start3A_971 = arith.constant 0 : i32
    %dma_start3A_972 = tpu.memref_slice %arg4[%shift_right_logical3A_877, %dma_start3A_964, %multiple_of3A_882, %dma_start3A_970, %dma_start3A_971] : memref<50x8x128x8x128xf32, #tpu.memory_space<hbm>> -> memref<1x1x4x8x128xf32, #tpu.memory_space<hbm>>
    %dma_start3A_973 = tpu.memref_squeeze %dma_start3A_972 : memref<1x1x4x8x128xf32, #tpu.memory_space<hbm>> -> memref<4x8x128xf32, #tpu.memory_space<hbm>>
    %dma_start3A_974 = arith.constant 0 : i32
    %dma_start3A_975 = arith.constant 0 : i32
    %dma_start3A_976 = tpu.memref_slice %arg4[%shift_right_logical3A_877, %dma_start3A_964, %multiple_of3A_882, %dma_start3A_974, %dma_start3A_975] : memref<50x8x128x8x128xf32, #tpu.memory_space<hbm>> -> memref<1x1x4x8x128xf32, #tpu.memory_space<hbm>>
    %dma_start3A_977 = tpu.memref_squeeze %dma_start3A_976 : memref<1x1x4x8x128xf32, #tpu.memory_space<hbm>> -> memref<4x8x128xf32, #tpu.memory_space<hbm>>
    %dma_start3A_978 = arith.constant 0 : i32
    %dma_start3A_979 = arith.constant 0 : i32
    %dma_start3A_980 = arith.constant 0 : i32
    %dma_start3A_981 = tpu.memref_slice %arg7[%dma_start3A_963, %dma_start3A_978, %dma_start3A_979, %dma_start3A_980] : memref<8x4x8x129xf32, #tpu.memory_space<vmem>> -> memref<1x4x8x128xf32, #tpu.memory_space<vmem>>
    %dma_start3A_982 = tpu.memref_squeeze %dma_start3A_981 : memref<1x4x8x128xf32, #tpu.memory_space<vmem>> -> memref<4x8x128xf32, #tpu.memory_space<vmem>>
    tpu.enqueue_dma source(%dma_start3A_982 : memref<4x8x128xf32, #tpu.memory_space<vmem>>) target(%dma_start3A_977 : memref<4x8x128xf32, #tpu.memory_space<hbm>>) target_semaphore(%arg10 : memref<!tpu.dma_semaphore, #tpu.memory_space<semaphore_mem>>)
    %dma_start3A_983 = arith.constant 5 : i32
    %dma_start3A_984 = arith.constant 5 : i32
    %dma_start3A_985 = arith.constant 0 : i32
    %dma_start3A_986 = arith.constant 0 : i32
    %dma_start3A_987 = arith.constant 0 : i32
    %dma_start3A_988 = tpu.memref_slice %arg7[%dma_start3A_983, %dma_start3A_985, %dma_start3A_986, %dma_start3A_987] : memref<8x4x8x129xf32, #tpu.memory_space<vmem>> -> memref<1x4x8x128xf32, #tpu.memory_space<vmem>>
    %dma_start3A_989 = tpu.memref_squeeze %dma_start3A_988 : memref<1x4x8x128xf32, #tpu.memory_space<vmem>> -> memref<4x8x128xf32, #tpu.memory_space<vmem>>
    %dma_start3A_990 = arith.constant 0 : i32
    %dma_start3A_991 = arith.constant 0 : i32
    %dma_start3A_992 = tpu.memref_slice %arg4[%shift_right_logical3A_877, %dma_start3A_984, %multiple_of3A_882, %dma_start3A_990, %dma_start3A_991] : memref<50x8x128x8x128xf32, #tpu.memory_space<hbm>> -> memref<1x1x4x8x128xf32, #tpu.memory_space<hbm>>
    %dma_start3A_993 = tpu.memref_squeeze %dma_start3A_992 : memref<1x1x4x8x128xf32, #tpu.memory_space<hbm>> -> memref<4x8x128xf32, #tpu.memory_space<hbm>>
    %dma_start3A_994 = arith.constant 0 : i32
    %dma_start3A_995 = arith.constant 0 : i32
    %dma_start3A_996 = tpu.memref_slice %arg4[%shift_right_logical3A_877, %dma_start3A_984, %multiple_of3A_882, %dma_start3A_994, %dma_start3A_995] : memref<50x8x128x8x128xf32, #tpu.memory_space<hbm>> -> memref<1x1x4x8x128xf32, #tpu.memory_space<hbm>>
    %dma_start3A_997 = tpu.memref_squeeze %dma_start3A_996 : memref<1x1x4x8x128xf32, #tpu.memory_space<hbm>> -> memref<4x8x128xf32, #tpu.memory_space<hbm>>
    %dma_start3A_998 = arith.constant 0 : i32
    %dma_start3A_999 = arith.constant 0 : i32
    %dma_start3A_1000 = arith.constant 0 : i32
    %dma_start3A_1001 = tpu.memref_slice %arg7[%dma_start3A_983, %dma_start3A_998, %dma_start3A_999, %dma_start3A_1000] : memref<8x4x8x129xf32, #tpu.memory_space<vmem>> -> memref<1x4x8x128xf32, #tpu.memory_space<vmem>>
    %dma_start3A_1002 = tpu.memref_squeeze %dma_start3A_1001 : memref<1x4x8x128xf32, #tpu.memory_space<vmem>> -> memref<4x8x128xf32, #tpu.memory_space<vmem>>
    tpu.enqueue_dma source(%dma_start3A_1002 : memref<4x8x128xf32, #tpu.memory_space<vmem>>) target(%dma_start3A_997 : memref<4x8x128xf32, #tpu.memory_space<hbm>>) target_semaphore(%arg10 : memref<!tpu.dma_semaphore, #tpu.memory_space<semaphore_mem>>)
    %dma_start3A_1003 = arith.constant 6 : i32
    %dma_start3A_1004 = arith.constant 6 : i32
    %dma_start3A_1005 = arith.constant 0 : i32
    %dma_start3A_1006 = arith.constant 0 : i32
    %dma_start3A_1007 = arith.constant 0 : i32
    %dma_start3A_1008 = tpu.memref_slice %arg7[%dma_start3A_1003, %dma_start3A_1005, %dma_start3A_1006, %dma_start3A_1007] : memref<8x4x8x129xf32, #tpu.memory_space<vmem>> -> memref<1x4x8x128xf32, #tpu.memory_space<vmem>>
    %dma_start3A_1009 = tpu.memref_squeeze %dma_start3A_1008 : memref<1x4x8x128xf32, #tpu.memory_space<vmem>> -> memref<4x8x128xf32, #tpu.memory_space<vmem>>
    %dma_start3A_1010 = arith.constant 0 : i32
    %dma_start3A_1011 = arith.constant 0 : i32
    %dma_start3A_1012 = tpu.memref_slice %arg4[%shift_right_logical3A_877, %dma_start3A_1004, %multiple_of3A_882, %dma_start3A_1010, %dma_start3A_1011] : memref<50x8x128x8x128xf32, #tpu.memory_space<hbm>> -> memref<1x1x4x8x128xf32, #tpu.memory_space<hbm>>
    %dma_start3A_1013 = tpu.memref_squeeze %dma_start3A_1012 : memref<1x1x4x8x128xf32, #tpu.memory_space<hbm>> -> memref<4x8x128xf32, #tpu.memory_space<hbm>>
    %dma_start3A_1014 = arith.constant 0 : i32
    %dma_start3A_1015 = arith.constant 0 : i32
    %dma_start3A_1016 = tpu.memref_slice %arg4[%shift_right_logical3A_877, %dma_start3A_1004, %multiple_of3A_882, %dma_start3A_1014, %dma_start3A_1015] : memref<50x8x128x8x128xf32, #tpu.memory_space<hbm>> -> memref<1x1x4x8x128xf32, #tpu.memory_space<hbm>>
    %dma_start3A_1017 = tpu.memref_squeeze %dma_start3A_1016 : memref<1x1x4x8x128xf32, #tpu.memory_space<hbm>> -> memref<4x8x128xf32, #tpu.memory_space<hbm>>
    %dma_start3A_1018 = arith.constant 0 : i32
    %dma_start3A_1019 = arith.constant 0 : i32
    %dma_start3A_1020 = arith.constant 0 : i32
    %dma_start3A_1021 = tpu.memref_slice %arg7[%dma_start3A_1003, %dma_start3A_1018, %dma_start3A_1019, %dma_start3A_1020] : memref<8x4x8x129xf32, #tpu.memory_space<vmem>> -> memref<1x4x8x128xf32, #tpu.memory_space<vmem>>
    %dma_start3A_1022 = tpu.memref_squeeze %dma_start3A_1021 : memref<1x4x8x128xf32, #tpu.memory_space<vmem>> -> memref<4x8x128xf32, #tpu.memory_space<vmem>>
    tpu.enqueue_dma source(%dma_start3A_1022 : memref<4x8x128xf32, #tpu.memory_space<vmem>>) target(%dma_start3A_1017 : memref<4x8x128xf32, #tpu.memory_space<hbm>>) target_semaphore(%arg10 : memref<!tpu.dma_semaphore, #tpu.memory_space<semaphore_mem>>)
    %dma_start3A_1023 = arith.constant 7 : i32
    %dma_start3A_1024 = arith.constant 7 : i32
    %dma_start3A_1025 = arith.constant 0 : i32
    %dma_start3A_1026 = arith.constant 0 : i32
    %dma_start3A_1027 = arith.constant 0 : i32
    %dma_start3A_1028 = tpu.memref_slice %arg7[%dma_start3A_1023, %dma_start3A_1025, %dma_start3A_1026, %dma_start3A_1027] : memref<8x4x8x129xf32, #tpu.memory_space<vmem>> -> memref<1x4x8x128xf32, #tpu.memory_space<vmem>>
    %dma_start3A_1029 = tpu.memref_squeeze %dma_start3A_1028 : memref<1x4x8x128xf32, #tpu.memory_space<vmem>> -> memref<4x8x128xf32, #tpu.memory_space<vmem>>
    %dma_start3A_1030 = arith.constant 0 : i32
    %dma_start3A_1031 = arith.constant 0 : i32
    %dma_start3A_1032 = tpu.memref_slice %arg4[%shift_right_logical3A_877, %dma_start3A_1024, %multiple_of3A_882, %dma_start3A_1030, %dma_start3A_1031] : memref<50x8x128x8x128xf32, #tpu.memory_space<hbm>> -> memref<1x1x4x8x128xf32, #tpu.memory_space<hbm>>
    %dma_start3A_1033 = tpu.memref_squeeze %dma_start3A_1032 : memref<1x1x4x8x128xf32, #tpu.memory_space<hbm>> -> memref<4x8x128xf32, #tpu.memory_space<hbm>>
    %dma_start3A_1034 = arith.constant 0 : i32
    %dma_start3A_1035 = arith.constant 0 : i32
    %dma_start3A_1036 = tpu.memref_slice %arg4[%shift_right_logical3A_877, %dma_start3A_1024, %multiple_of3A_882, %dma_start3A_1034, %dma_start3A_1035] : memref<50x8x128x8x128xf32, #tpu.memory_space<hbm>> -> memref<1x1x4x8x128xf32, #tpu.memory_space<hbm>>
    %dma_start3A_1037 = tpu.memref_squeeze %dma_start3A_1036 : memref<1x1x4x8x128xf32, #tpu.memory_space<hbm>> -> memref<4x8x128xf32, #tpu.memory_space<hbm>>
    %dma_start3A_1038 = arith.constant 0 : i32
    %dma_start3A_1039 = arith.constant 0 : i32
    %dma_start3A_1040 = arith.constant 0 : i32
    %dma_start3A_1041 = tpu.memref_slice %arg7[%dma_start3A_1023, %dma_start3A_1038, %dma_start3A_1039, %dma_start3A_1040] : memref<8x4x8x129xf32, #tpu.memory_space<vmem>> -> memref<1x4x8x128xf32, #tpu.memory_space<vmem>>
    %dma_start3A_1042 = tpu.memref_squeeze %dma_start3A_1041 : memref<1x4x8x128xf32, #tpu.memory_space<vmem>> -> memref<4x8x128xf32, #tpu.memory_space<vmem>>
    tpu.enqueue_dma source(%dma_start3A_1042 : memref<4x8x128xf32, #tpu.memory_space<vmem>>) target(%dma_start3A_1037 : memref<4x8x128xf32, #tpu.memory_space<hbm>>) target_semaphore(%arg10 : memref<!tpu.dma_semaphore, #tpu.memory_space<semaphore_mem>>)
    %dma_wait3A_1043 = arith.constant 0 : i32
    %dma_wait3A_1044 = arith.constant 0 : i32
    %dma_wait3A_1045 = arith.constant 0 : i32
    %dma_wait3A_1046 = tpu.memref_slice %arg6[%dma_wait3A_1043, %dma_wait3A_1044, %dma_wait3A_1045] : memref<2x512x64xf32, #tpu.memory_space<vmem>> -> memref<1x512x64xf32, #tpu.memory_space<vmem>>
    %dma_wait3A_1047 = tpu.memref_squeeze %dma_wait3A_1046 : memref<1x512x64xf32, #tpu.memory_space<vmem>> -> memref<512x64xf32, #tpu.memory_space<vmem>>
    %dma_wait3A_1048 = arith.constant 0 : i32
    %dma_wait3A_1049 = arith.constant 0 : i32
    %dma_wait3A_1050 = tpu.memref_slice %arg2[%dma_wait3A_1048, %dma_wait3A_1049] : memref<1000000x64xf32, #tpu.memory_space<hbm>> -> memref<512x64xf32, #tpu.memory_space<hbm>>
    %dma_wait3A_1051 = arith.constant 0 : i32
    %dma_wait3A_1052 = arith.constant 0 : i32
    %dma_wait3A_1053 = tpu.memref_slice %arg6[%dma_wait3A_1043, %dma_wait3A_1051, %dma_wait3A_1052] : memref<2x512x64xf32, #tpu.memory_space<vmem>> -> memref<1x512x64xf32, #tpu.memory_space<vmem>>
    %dma_wait3A_1054 = tpu.memref_squeeze %dma_wait3A_1053 : memref<1x512x64xf32, #tpu.memory_space<vmem>> -> memref<512x64xf32, #tpu.memory_space<vmem>>
    %dma_wait3A_1055 = arith.constant 0 : i32
    %dma_wait3A_1056 = arith.constant 0 : i32
    %dma_wait3A_1057 = tpu.memref_slice %arg2[%dma_wait3A_1055, %dma_wait3A_1056] : memref<1000000x64xf32, #tpu.memory_space<hbm>> -> memref<512x64xf32, #tpu.memory_space<hbm>>
    tpu.wait_dma2 semaphore(%arg10 : memref<!tpu.dma_semaphore, #tpu.memory_space<semaphore_mem>>) src(%dma_wait3A_1057 : memref<512x64xf32, #tpu.memory_space<hbm>>) dst(%dma_wait3A_1054 : memref<512x64xf32, #tpu.memory_space<vmem>>)
    return
  }
}

</mosaic_0001>

<sc_bundles>
// kernel: _emb.3.cloned.1.call-start
scs
__scs_entry_jumppad:
0x0: {  	(pc) =	sbr.rel $0x88, $3  }
0x1: {  	(tag) =	ssettag $0x0;
	lr =	simm.s32 $0x1  }
0x2: {  	[smem:$0x3F9F] =	sst lr;
	_ =	strace $0xD0000000  }
0x3: {  	_ = 	snop  }
0x4: {  	_ = 	snop  }
0x5: {  	_ = 	snop  }
0x6: {  	_ = 	snop  }
0x7: {  	_ = 	snop  }
__scs_overlays_trampoline_lowered:
0x8: {  	[smem:$0x3FAE] =	sst s0  }
0x9: {  	[smem:$0x3FAF] =	sst s1  }
0xa: {  	[smem:$0x3FB0] =	sst s2  }
0xb: {  	[smem:$0x3FB1] =	sst s3  }
0xc: {  	[smem:$0x3FB2] =	sst s4  }
0xd: {  	[smem:$0x3FB3] =	sst s5  }
0xe: {  	[smem:$0x3FB4] =	sst s6  }
0xf: {  	[smem:$0x3FB5] =	sst s7  }
0x10: {  	[smem:$0x3FB6] =	sst s8  }
0x11: {  	[smem:$0x3FB7] =	sst s9;
	s0 =	simm.s32 @!p0 $0x0  }
0x12: {  	s1 =	sld [smem:$0x3F9D];
	s0 =	simm.s32 @p0 $0x1  }
0x13: {  	[smem:$0x3FB8] =	sst s0;
	s0 =	simm.s32 @!p1 $0x0  }
0x14: {  	s2 =	sld [smem:$0x3F9C];
	s0 =	simm.s32 @p1 $0x1  }
0x15: {  	[smem:$0x3FB9] =	sst s0;
	s0 =	simm.s32 @!p2 $0x0  }
0x16: {  	s3 =	sld [smem:$0x3FDB];
	s0 =	simm.s32 @p2 $0x1  }
0x17: {  	s4 =	simm.s32 $0x1BF5;
	[smem:$0x3FBB] =	sst s0  }
0x18: {  	s0 =	sld [smem:$0x3F9E];
	_ =	swait.ge [sflag:s4], $0x0  }
0x19: {  	s7 =	sld [smem:$0x3F9F]  }
0x1a: {  	s8 =	sadd.s32 $0xFFFFE003, lr  }
0x1b: {  	s9 =	sadd.s32 $0xFFFFFEF7, lr;
	s5 =	simm.s32 $0xFFFFFFFF;
	p2 =	slt.u32 s8, $0xFFFFF086  }
0x1c: {  	p1 =	slt.u32 s9, $0xF7A;
	s5 =	simm.s32 @!p2 $0x0  }
0x1d: {  	s5 =	simm.s32 @p1 $0x1;
	p0 =	seq.s32 s7, s2  }
0x1e: {  	s7 =	smul.u32 @!p0 $0xF7A, s2;
	p2 =	seq.s32 @!p0 s5, $0x0  }
0x1f: {  	s9 =	smul.u32 $0xF7A, s1;
	s8 =	simm.s32 @!p0 $0x1BF5;
	p2 =	por !p2, p0  }
0x20: {  	[sflag:s8] =	ssyncset.s32 @!p0 $0xFFFFF086;
	s6 =	sadd.s32 @!p0 s3, s7;
	s7 =	simm.s32 @!p0 $0x108  }
0x21: {  	s3 =	sadd.s32 s3, s9;
	s6 =	sadd.s32 @!p0 $0x88, s6;
	s7 =	simm.s32 @p2 $0x1082  }
0x22: {  	[simem:s7], [sflag:s8] =	dma.local @!p0 [hbm:s6], $0xF7A  }
0x23: {  	s9 =	sor.u32 $0xD0000000, s2;
	s6 =	simm.s32 $0x108;
	_ =	swait.ge @!p0 [sflag:s8], $0x0  }
0x24: {  	s3 =	sadd.s32 $0x88, s3;
	s6 =	simm.s32 @!p1 $0x1082;
	[sflag:s4] =	ssyncset.s32 $0xFFFFF086  }
0x25: {  	[simem:s6], [sflag:s4] =	dma.local [hbm:s3], $0xF7A  }
0x26: {  	[smem:$0x3F9F] =	sst s1;
	(tag) =	ssettag s2;
	_ =	strace s9  }
0x27: {  	s1 =	sld [smem:$0x3FAF]  }
0x28: {  	s2 =	sld [smem:$0x3FB0]  }
0x29: {  	s4 =	sld [smem:$0x3FB2]  }
0x2a: {  	p0 =	seq.s32 s5, $0x0;
	s5 =	sld [smem:$0x3FB3]  }
0x2b: {  	s6 =	sld [smem:$0x3FB4]  }
0x2c: {  	s7 =	sld [smem:$0x3FB5]  }
0x2d: {  	s3 =	simm.s32 $0x108;
	s8 =	sld [smem:$0x3FB6]  }
0x2e: {  	s3 =	simm.s32 @!p0 $0x1082;
	s9 =	sld [smem:$0x3FB7]  }
0x2f: {  	lr =	sadd.s32 s0, s3;
	s0 =	sld [smem:$0x3FAE]  }
0x30: {  	s3 =	sld [smem:$0x3FB1]  }
0x31: {  	[smem:$0x3FBA] =	sst s10  }
0x32: {  	s10 =	sld [smem:$0x3FB8];
	_ =	sdelay $0x3  }
0x33: {  	p0 =	seq.s32 s10, $0x1;
	s10 =	sld [smem:$0x3FBA];
	_ =	sdelay $0x3  }
0x34: {  	[smem:$0x3FBA] =	sst s10  }
0x35: {  	s10 =	sld [smem:$0x3FB9];
	_ =	sdelay $0x3  }
0x36: {  	p1 =	seq.s32 s10, $0x1;
	s10 =	sld [smem:$0x3FBA];
	_ =	sdelay $0x3  }
0x37: {  	[smem:$0x3FBA] =	sst s10  }
0x38: {  	s10 =	sld [smem:$0x3FBB]  }
0x39: {  	_ = 	snop;
	(pc) =	sbr.ind lr, $3  }
0x3a: {  	_ = 	snop  }
0x3b: {  	_ = 	snop  }
0x3c: {  	p2 =	seq.s32 s10, $0x1;
	s10 =	sld [smem:$0x3FBA]  }
0x3d: {  	_ =	shalt  }
0x3e: {  	_ =	shalt  }
0x3f: {  	_ =	shalt  }
0x40: {  	_ =	shalt  }
0x41: {  	_ =	shalt  }
0x42: {  	_ =	shalt  }
0x43: {  	_ =	shalt  }
0x44: {  	_ =	shalt  }
0x45: {  	_ =	shalt  }
0x46: {  	_ =	shalt  }
0x47: {  	_ =	shalt  }
0x48: {  	_ =	shalt  }
0x49: {  	_ =	shalt  }
0x4a: {  	_ =	shalt  }
0x4b: {  	_ =	shalt  }
0x4c: {  	_ =	shalt  }
0x4d: {  	_ =	shalt  }
0x4e: {  	_ =	shalt  }
0x4f: {  	_ =	shalt  }
0x50: {  	_ =	shalt  }
0x51: {  	_ =	shalt  }
0x52: {  	_ =	shalt  }
0x53: {  	_ =	shalt  }
0x54: {  	_ =	shalt  }
0x55: {  	_ =	shalt  }
0x56: {  	_ =	shalt  }
0x57: {  	_ =	shalt  }
0x58: {  	_ =	shalt  }
0x59: {  	_ =	shalt  }
0x5a: {  	_ =	shalt  }
0x5b: {  	_ =	shalt  }
0x5c: {  	_ =	shalt  }
0x5d: {  	_ =	shalt  }
0x5e: {  	_ =	shalt  }
0x5f: {  	_ =	shalt  }
0x60: {  	_ =	shalt  }
0x61: {  	_ =	shalt  }
0x62: {  	_ =	shalt  }
0x63: {  	_ =	shalt  }
0x64: {  	_ =	shalt  }
0x65: {  	_ =	shalt  }
0x66: {  	_ =	shalt  }
0x67: {  	_ =	shalt  }
0x68: {  	_ =	shalt  }
0x69: {  	_ =	shalt  }
0x6a: {  	_ =	shalt  }
0x6b: {  	_ =	shalt  }
0x6c: {  	_ =	shalt  }
0x6d: {  	_ =	shalt  }
0x6e: {  	_ =	shalt  }
0x6f: {  	_ =	shalt  }
0x70: {  	_ =	shalt  }
0x71: {  	_ =	shalt  }
0x72: {  	_ =	shalt  }
0x73: {  	_ =	shalt  }
0x74: {  	_ =	shalt  }
0x75: {  	_ =	shalt  }
0x76: {  	_ =	shalt  }
0x77: {  	_ =	shalt  }
0x78: {  	_ =	shalt  }
0x79: {  	_ =	shalt  }
0x7a: {  	_ =	shalt  }
0x7b: {  	_ =	shalt  }
0x7c: {  	_ =	shalt  }
0x7d: {  	_ =	shalt  }
0x7e: {  	_ =	shalt  }
0x7f: {  	_ =	shalt  }
0x80: {  	_ =	shalt  }
0x81: {  	_ =	shalt  }
0x82: {  	_ =	shalt  }
0x83: {  	_ =	shalt  }
0x84: {  	_ =	shalt  }
0x85: {  	_ =	shalt  }
0x86: {  	_ =	shalt  }
0x87: {  	_ =	shalt  }
.Lfunc_end0:
.L_simem_size_0:
called_computation_lowered:
.L_overlay_start_0:
0x88: {  	s2 =	sld [smem:$0x3FD9]  }
0x89: {  	s3 =	sld [smem:$0x3FFE];
	_ =	sdelay $0x1  }
0x8a: {  	s1 =	srdreg.scid  }
0x8b: {  	s0 =	sand.u32 $0x1, s1  }
0x8c: {  	s17 =	sshll.u32 s0, $0xA;
	s2 =	sadd.s32 s3, s2  }
0x8d: {  	s2 =	sadd.s32 s2, s17  }
0x8e: {  	[smem:$0x3FC6] =	sst s2  }
0x8f: {  	_ = 	snop  }
0x90: {  	s2 =	sld [smem:$0x3FD0];
	(tm) =	ssettm $0x1  }
0x91: {  	s18 =	sld [smem:$0x3FFB];
	_ =	sdelay $0x3  }
0x92: {  	_ =	strace s18  }
0x93: {  	s3 =	sld [smem:$0x3FFC];
	_ =	sdelay $0x3  }
0x94: {  	_ =	strace s3  }
0x95: {  	s3 =	sld [smem:$0x3FFD];
	_ =	sdelay $0x3  }
0x96: {  	_ =	strace s3  }
0x97: {  	_ =	strace $0x8FFFFFFF  }
0x98: {  	s19 =	sld [smem:$0x3FDB];
	_ =	sdelay $0x1  }
0x99: {  	s4 =	simm.s32 $_scs_section_size  }
0x9a: {  	s5 =	simm.s32 $_size__tile_overlayer_lowered;
	s6 =	simm.s32 $_tile_overlayer_lowered  }
0x9b: {  	s22 =	simm.s32 $0x1BFF;
	s21 =	sshll.u32 s6, $0x1;
	s3 =	sadd.s32 s4, s19  }
0x9c: {  	s7 =	simm.s32 $0x0;
	s20 =	sshll.u32 s5, $0x1;
	s5 =	sadd.s32 s21, s3  }
0x9d: {  	[timem:s7], [sflag:s22] =	dma.local [hbm:s5], s20  }
0x9e: {  	_ =	swait.ge [sflag:s22], s20  }
0x9f: {  	s4 =	ssub.s32 $0x0, s20;
	[sflag:s22] =	ssyncset.done $0x0  }
0xa0: {  	[sflag:s22] =	ssyncadd.s32 s4;
	_ =	sdelay $0x1  }
0xa1: {  	s23 =	simm.s32 $0x1B8B  }
0xa2: {  	_ =	swait.ge [sflag:s23], $0x1  }
0xa3: {  	[sflag:s23] =	ssyncset.done $0x0  }
0xa4: {  	s25 =	simm.s32 $0x1B8E;
	s24 =	sld [smem:$0x3FFE];
	[sflag:s23] =	ssyncadd.s32 $0xFFFFFFFF  }
0xa5: {  	s26 =	simm.s32 $execute0_lowered;
	[smem:$0x3FD2] =	sst s25  }
0xa6: {  	s5 =	sshll.u32 s26, $0x1;
	_ =	strace $0x80000046;
	[dreg:$0x1] =	wrdreg $0xFFFFFFFF  }
0xa7: {  	s28 =	simm.s32 $_size_execute0_lowered;
	s3 =	sadd.s32 s3, s5;
	[dreg:$0x0] =	wrdreg $0x0  }
0xa8: {  	s5 =	sshll.u32 s28, $0x1;
	[dreg:$0x2] =	wrdreg s3  }
0xa9: {  	[dreg:$0x3] =	wrdreg s5  }
0xaa: {  	[dreg:$0x4] =	wrdreg $0xC0  }
0xab: {  	_ =	task [dreg:s7], $0x5FFFF  }
0xac: {  	[dreg:$0x1] =	wrdreg $0xFFFFFFFF  }
0xad: {  	[dreg:$0x0] =	wrdreg $0x60  }
0xae: {  	[dreg:$0x2] =	wrdreg s24  }
0xaf: {  	[dreg:$0x3] =	wrdreg s2  }
0xb0: {  	[dreg:$0x4] =	wrdreg $0x9  }
0xb1: {  	_ =	task.clear_ibuf [dreg:s7], $0x5FFFF;
	_ =	strace $0x90000046  }
0xb2: {  	s29 =	simm.s32 $0x9;
	_ =	strace $0x80000048  }
0xb3: {  	_ =	swait.ge [sflag:s29], $0x1  }
0xb4: {  	[sflag:s29] =	ssyncadd.s32 $0xFFFFFFFF  }
0xb5: {  	_ =	strace $0x90000048  }
0xb6: {  	_ =	sfence  }
0xb7: {  	s30 =	sld [smem:$0x0];
	_ =	sdelay $0x2  }
0xb8: {  	s31 =	sshll.u32 s1, $0xD;
	s1 =	sshrl.u32 s1, $0x2  }
0xb9: {  	s3 =	sand.u32 $0x4000, s31;
	s1 =	sadd.s32 s1, s30  }
0xba: {  	s0 =	sor.u32 s3, s0;
	s1 =	sshll.u32 s1, $0x11  }
0xbb: {  	s0 =	sor.u32 s1, s0  }
0xbc: {  	s0 =	sadd.s32 $0x8F2B, s0  }
0xbd: {  	[sflag:s0] =	ssyncadd.remote.s32 $0x1  }
0xbe: {  	_ =	sfence.sel $0xFFFF  }
0xbf: {  	[dreg:$0x0] =	wrdreg $0xFFFFFFFF;
	(pc) =	sbr.abs _section_cstart, $3  }
0xc0: {  	[dreg:$0x1] =	wrdreg $0xFFFFFFFF  }
0xc1: {  	_ =	task.clear_ibuf [dreg:s7], $0x2FFFF;
	_ =	strace $0x9FFFFFFF  }
0xc2: {  	(tm) =	ssettm $0x7FFFFFFF  }
0xc3: {  	_ =	shalt  }
tec
execute0_lowered:
.L_overlay_start_1:
0x0: {  	(tag) =	ssettag $0x1  }
0x1: {  	v0 =	vimm.s32 $0x14B8  }
0x2: {  	vm14 =	vcmask $0x300;
	vm13 =	vcmask $0x704;
	vm12 =	vcmask $0xB08  }
0x3: {  	vm11 =	vcmask $0xF0C;
	vm10 =	vcmask $0x1310;
	vm9 =	vcmask $0x1714  }
0x4: {  	vm8 =	vcmask $0x1B18;
	vm7 =	vcmask $0x1F1C;
	vm6 =	vcmask $0x2320  }
0x5: {  	vm5 =	vcmask $0x2724;
	vm4 =	vcmask $0x2B28;
	vm3 =	vcmask $0x2F2C  }
0x6: {  	vm2 =	vcmask $0x3330;
	vm1 =	vcmask $0x3734;
	vm0 =	vcmask $0x3B38  }
0x7: {  	v1 =	vimm.s32 $0x36B8;
	v2 =	vimm.s32 $0x58B8;
	v3 =	vimm.s32 $0x7AB8  }
0x8: {  	v4 =	vimm.s32 $0x18F8;
	v5 =	vimm.s32 $0x3AF8;
	v6 =	vimm.s32 $0x5CF8  }
0x9: {  	v7 =	vimm.s32 $0x7EF8;
	v8 =	vimm.s32 $0x1D38;
	v9 =	vimm.s32 $0x3F38  }
0xa: {  	v10 =	vimm.s32 $0x6138;
	v11 =	vimm.s32 $0x8338;
	v12 =	vimm.s32 $0x2178  }
0xb: {  	v13 =	vimm.s32 $0x4378;
	v14 =	vimm.s32 $0x6578;
	v15 =	vimm.s32 $0x8778  }
0xc: {  	v0 =	vsel vm14, $0x0, v0;
	v1 =	vsel vm14, $0x2200, v1;
	v2 =	vsel vm14, $0x4400, v2  }
0xd: {  	v3 =	vsel vm14, $0x6600, v3;
	v4 =	vsel vm14, $0x440, v4;
	v5 =	vsel vm14, $0x2640, v5  }
0xe: {  	v6 =	vsel vm14, $0x4840, v6;
	v7 =	vsel vm14, $0x6A40, v7;
	v8 =	vsel vm14, $0x880, v8  }
0xf: {  	v9 =	vsel vm14, $0x2A80, v9;
	v10 =	vsel vm14, $0x4C80, v10;
	v11 =	vsel vm14, $0x6E80, v11  }
0x10: {  	v12 =	vsel vm14, $0xCC0, v12;
	v13 =	vsel vm14, $0x2EC0, v13;
	v14 =	vsel vm14, $0x50C0, v14  }
0x11: {  	v15 =	vsel vm14, $0x72C0, v15;
	v0 =	vsel vm13, $0x88, v0;
	v1 =	vsel vm13, $0x2288, v1  }
0x12: {  	v2 =	vsel vm13, $0x4488, v2;
	v3 =	vsel vm13, $0x6688, v3;
	v4 =	vsel vm13, $0x4C8, v4  }
0x13: {  	v5 =	vsel vm13, $0x26C8, v5;
	v6 =	vsel vm13, $0x48C8, v6;
	v7 =	vsel vm13, $0x6AC8, v7  }
0x14: {  	v8 =	vsel vm13, $0x908, v8;
	v9 =	vsel vm13, $0x2B08, v9;
	v10 =	vsel vm13, $0x4D08, v10  }
0x15: {  	v11 =	vsel vm13, $0x6F08, v11;
	v12 =	vsel vm13, $0xD48, v12;
	v13 =	vsel vm13, $0x2F48, v13  }
0x16: {  	v14 =	vsel vm13, $0x5148, v14;
	v15 =	vsel vm13, $0x7348, v15;
	v0 =	vsel vm12, $0x110, v0  }
0x17: {  	v1 =	vsel vm12, $0x2310, v1;
	v2 =	vsel vm12, $0x4510, v2;
	v3 =	vsel vm12, $0x6710, v3  }
0x18: {  	v4 =	vsel vm12, $0x550, v4;
	v5 =	vsel vm12, $0x2750, v5;
	v6 =	vsel vm12, $0x4950, v6  }
0x19: {  	v7 =	vsel vm12, $0x6B50, v7;
	v8 =	vsel vm12, $0x990, v8;
	v9 =	vsel vm12, $0x2B90, v9  }
0x1a: {  	v10 =	vsel vm12, $0x4D90, v10;
	v11 =	vsel vm12, $0x6F90, v11;
	v12 =	vsel vm12, $0xDD0, v12  }
0x1b: {  	v13 =	vsel vm12, $0x2FD0, v13;
	v14 =	vsel vm12, $0x51D0, v14;
	v15 =	vsel vm12, $0x73D0, v15  }
0x1c: {  	v0 =	vsel vm11, $0x198, v0;
	v1 =	vsel vm11, $0x2398, v1;
	v2 =	vsel vm11, $0x4598, v2  }
0x1d: {  	v3 =	vsel vm11, $0x6798, v3;
	v4 =	vsel vm11, $0x5D8, v4;
	v5 =	vsel vm11, $0x27D8, v5  }
0x1e: {  	v6 =	vsel vm11, $0x49D8, v6;
	v7 =	vsel vm11, $0x6BD8, v7;
	v8 =	vsel vm11, $0xA18, v8  }
0x1f: {  	v9 =	vsel vm11, $0x2C18, v9;
	v10 =	vsel vm11, $0x4E18, v10;
	v11 =	vsel vm11, $0x7018, v11  }
0x20: {  	v12 =	vsel vm11, $0xE58, v12;
	v13 =	vsel vm11, $0x3058, v13;
	v14 =	vsel vm11, $0x5258, v14  }
0x21: {  	v15 =	vsel vm11, $0x7458, v15;
	v0 =	vsel vm10, $0x220, v0;
	v1 =	vsel vm10, $0x2420, v1  }
0x22: {  	v2 =	vsel vm10, $0x4620, v2;
	v3 =	vsel vm10, $0x6820, v3;
	v4 =	vsel vm10, $0x660, v4  }
0x23: {  	v5 =	vsel vm10, $0x2860, v5;
	v6 =	vsel vm10, $0x4A60, v6;
	v7 =	vsel vm10, $0x6C60, v7  }
0x24: {  	v8 =	vsel vm10, $0xAA0, v8;
	v9 =	vsel vm10, $0x2CA0, v9;
	v10 =	vsel vm10, $0x4EA0, v10  }
0x25: {  	v11 =	vsel vm10, $0x70A0, v11;
	v12 =	vsel vm10, $0xEE0, v12;
	v13 =	vsel vm10, $0x30E0, v13  }
0x26: {  	v14 =	vsel vm10, $0x52E0, v14;
	v15 =	vsel vm10, $0x74E0, v15;
	v0 =	vsel vm9, $0x2A8, v0  }
0x27: {  	v1 =	vsel vm9, $0x24A8, v1;
	v2 =	vsel vm9, $0x46A8, v2;
	v3 =	vsel vm9, $0x68A8, v3  }
0x28: {  	v4 =	vsel vm9, $0x6E8, v4;
	v5 =	vsel vm9, $0x28E8, v5;
	v6 =	vsel vm9, $0x4AE8, v6  }
0x29: {  	v7 =	vsel vm9, $0x6CE8, v7;
	v8 =	vsel vm9, $0xB28, v8;
	v9 =	vsel vm9, $0x2D28, v9  }
0x2a: {  	v10 =	vsel vm9, $0x4F28, v10;
	v11 =	vsel vm9, $0x7128, v11;
	v12 =	vsel vm9, $0xF68, v12  }
0x2b: {  	v13 =	vsel vm9, $0x3168, v13;
	v14 =	vsel vm9, $0x5368, v14;
	v15 =	vsel vm9, $0x7568, v15  }
0x2c: {  	v0 =	vsel vm8, $0x330, v0;
	v1 =	vsel vm8, $0x2530, v1;
	v2 =	vsel vm8, $0x4730, v2  }
0x2d: {  	v3 =	vsel vm8, $0x6930, v3;
	v4 =	vsel vm8, $0x770, v4;
	v5 =	vsel vm8, $0x2970, v5  }
0x2e: {  	v6 =	vsel vm8, $0x4B70, v6;
	v7 =	vsel vm8, $0x6D70, v7;
	v8 =	vsel vm8, $0xBB0, v8  }
0x2f: {  	v9 =	vsel vm8, $0x2DB0, v9;
	v10 =	vsel vm8, $0x4FB0, v10;
	v11 =	vsel vm8, $0x71B0, v11  }
0x30: {  	v12 =	vsel vm8, $0xFF0, v12;
	v13 =	vsel vm8, $0x31F0, v13;
	v14 =	vsel vm8, $0x53F0, v14  }
0x31: {  	v15 =	vsel vm8, $0x75F0, v15;
	v0 =	vsel vm7, $0x3B8, v0;
	v1 =	vsel vm7, $0x25B8, v1  }
0x32: {  	s0 =	rddreg [dreg:$0x0];
	v2 =	vsel vm7, $0x47B8, v2;
	v3 =	vsel vm7, $0x69B8, v3;
	v4 =	vsel vm7, $0x7F8, v4  }
0x33: {  	s1 =	srdreg.scid;
	s2 =	stileid.u32;
	v5 =	vsel vm7, $0x29F8, v5;
	v6 =	vsel vm7, $0x4BF8, v6;
	v7 =	vsel vm7, $0x6DF8, v7  }
0x34: {  	s3 =	simm.s32 $0x0;
	s1 =	sand.u32 $0x1, s1;
	s2 =	sshll.u32 s2, $0x1;
	v8 =	vsel vm7, $0xC38, v8;
	v9 =	vsel vm7, $0x2E38, v9;
	v10 =	vsel vm7, $0x5038, v10  }
0x35: {  	[smem:$0x7FF] =	sst s3;
	s4 =	sor.u32 s1, s2;
	v11 =	vsel vm7, $0x7238, v11;
	v12 =	vsel vm7, $0x1078, v12;
	v13 =	vsel vm7, $0x3278, v13  }
0x36: {  	s8 =	rddreg [dreg:$0x1];
	s6 =	sadd.s32 $0xF42A00, s0;
	s2 =	smul.u32 $0x32, s4;
	v14 =	vsel vm7, $0x5478, v14;
	v15 =	vsel vm7, $0x7678, v15;
	v0 =	vsel vm6, $0x1100, v0  }
0x37: {  	s9 =	sadd.s32 $0x600, s0;
	s14 =	sadd.s32 $0x4000, s8;
	s5 =	smul.u32 $0xC80, s4;
	v1 =	vsel vm6, $0x3300, v1;
	v2 =	vsel vm6, $0x5500, v2;
	v3 =	vsel vm6, $0x7700, v3  }
0x38: {  	_ =	strace $0x80000047;
	[dreg:$0x3] =	wrdreg s6;
	s25 =	smul.u32 $0x190000, s4;
	v4 =	vsel vm6, $0x1540, v4;
	v5 =	vsel vm6, $0x3740, v5;
	v6 =	vsel vm6, $0x5940, v6  }
0x39: {  	s1 =	ssub.s32 $0x2, s1;
	[dreg:$0x4] =	wrdreg s9;
	s7 =	smul.u32 $0x12000, s4;
	v7 =	vsel vm6, $0x7B40, v7;
	v8 =	vsel vm6, $0x1980, v8;
	v9 =	vsel vm6, $0x3B80, v9  }
0x3a: {  	[dreg:$0x8] =	wrdreg s14;
	s26 =	sshrl.u32 s1, $0x1;
	s11 =	smul.u32 $0x6400, s4;
	v10 =	vsel vm6, $0x5D80, v10;
	v11 =	vsel vm6, $0x7F80, v11;
	v12 =	vsel vm6, $0x1DC0, v12  }
0x3b: {  	s12 =	ssub.s32 s1, s26;
	s10 =	sadd.s32 s9, s5;
	s13 =	sor.u32 $0x1, s2;
	v13 =	vsel vm6, $0x3FC0, v13;
	v14 =	vsel vm6, $0x61C0, v14;
	v15 =	vsel vm6, $0x83C0, v15  }
0x3c: {  	s15 =	sand.u32 $0x3F00000, s25;
	s16 =	sand.u32 $0x1E000, s7;
	s0 =	sshrl.u32 s11, $0x3;
	v0 =	vsel vm5, $0x1188, v0;
	v1 =	vsel vm5, $0x3388, v1;
	v2 =	vsel vm5, $0x5588, v2  }
0x3d: {  	s21 =	sadd.s32 $0x30, s2;
	s24 =	sadd.s32 $0x31, s2;
	s12 =	smax.u32 s12, $0x1;
	v3 =	vsel vm5, $0x7788, v3;
	v4 =	vsel vm5, $0x15C8, v4;
	v5 =	vsel vm5, $0x37C8, v5  }
0x3e: {  	[dreg:$0x5] =	wrdreg s10;
	s17 =	sshll.u32 s13, $0x6;
	s5 =	sor.u32 s16, s15;
	v6 =	vsel vm5, $0x59C8, v6;
	v7 =	vsel vm5, $0x7BC8, v7;
	v8 =	vsel vm5, $0x1A08, v8  }
0x3f: {  	s0 =	sadd.s32 s9, s0;
	s16 =	sadd.s32 $0x8000, s8;
	s26 =	sshll.u32 s24, $0x9;
	v9 =	vsel vm5, $0x3C08, v9;
	v10 =	vsel vm5, $0x5E08, v10;
	v11 =	vsel vm5, $0x8008, v11  }
0x40: {  	s7 =	sshll.u32 s24, $0xC;
	s24 =	sadd.s32 $0x5, s2;
	[dreg:$0x1e] =	wrdreg s12;
	v12 =	vsel vm5, $0x1E48, v12;
	v13 =	vsel vm5, $0x4048, v13;
	v14 =	vsel vm5, $0x6248, v14  }
0x41: {  	s1 =	sshll.u32 s13, $0xC;
	s23 =	sshll.u32 s21, $0x9;
	[dreg:$0x1c] =	wrdreg s24;
	v15 =	vsel vm5, $0x8448, v15;
	v0 =	vsel vm4, $0x1210, v0;
	v1 =	vsel vm4, $0x3410, v1  }
0x42: {  	s12 =	simm.s32 $0x10400;
	s6 =	sadd.s32 s9, s17;
	[dreg:$0x9] =	wrdreg s16;
	v2 =	vsel vm4, $0x5610, v2;
	v3 =	vsel vm4, $0x7810, v3;
	v4 =	vsel vm4, $0x1650, v4  }
0x43: {  	s5 =	sshrl.u32 s5, $0x3;
	s10 =	sadd.s32 $0x80, s0;
	[dreg:$0x6] =	wrdreg s6;
	v5 =	vsel vm4, $0x3850, v5;
	v6 =	vsel vm4, $0x5A50, v6;
	v7 =	vsel vm4, $0x7C50, v7  }
0x44: {  	s1 =	sand.u32 $0x1F000, s1;
	s0 =	sadd.s32 $0xC0, s0;
	[dreg:$0x16] =	wrdreg s10;
	v8 =	vsel vm4, $0x1A90, v8;
	v9 =	vsel vm4, $0x3C90, v9;
	v10 =	vsel vm4, $0x5E90, v10  }
0x45: {  	s4 =	sand.u32 $0x3C00, s23;
	s17 =	sadd.s32 $0x4, s2;
	[dreg:$0x17] =	wrdreg s0;
	v11 =	vsel vm4, $0x8090, v11;
	v12 =	vsel vm4, $0x1ED0, v12;
	v13 =	vsel vm4, $0x40D0, v13  }
0x46: {  	s7 =	sand.u32 $0xFE0000, s7;
	s23 =	sadd.s32 $0x2, s2;
	[dreg:$0x1a] =	wrdreg s17;
	v14 =	vsel vm4, $0x62D0, v14;
	v15 =	vsel vm4, $0x84D0, v15;
	v0 =	vsel vm3, $0x1298, v0  }
0x47: {  	s2 =	sadd.s32 $0x3, s2;
	s25 =	sadd.s32 s8, s5;
	[dreg:$0x1b] =	wrdreg s23;
	v1 =	vsel vm3, $0x3498, v1;
	v2 =	vsel vm3, $0x5698, v2;
	v3 =	vsel vm3, $0x7898, v3  }
0x48: {  	s22 =	sadd.s32 s5, s14;
	s18 =	sadd.s32 s5, s16;
	[dreg:$0x1d] =	wrdreg s2;
	v4 =	vsel vm3, $0x16D8, v4;
	v5 =	vsel vm3, $0x38D8, v5;
	v6 =	vsel vm3, $0x5AD8, v6  }
0x49: {  	s6 =	sshll.u32 s21, $0xC;
	s21 =	sadd.s32 $0x18000, s8;
	[dreg:$0xb] =	wrdreg s18;
	v7 =	vsel vm3, $0x7CD8, v7;
	v8 =	vsel vm3, $0x1B18, v8;
	v9 =	vsel vm3, $0x3D18, v9  }
0x4a: {  	s1 =	sor.u32 s15, s1;
	s18 =	sadd.s32 $0xC000, s8;
	[dreg:$0x11] =	wrdreg s21;
	v10 =	vsel vm3, $0x5F18, v10;
	v11 =	vsel vm3, $0x8118, v11;
	v12 =	vsel vm3, $0x1F58, v12  }
0x4b: {  	s6 =	sand.u32 $0xFE0000, s6;
	s9 =	sadd.s32 s5, s21;
	[dreg:$0x7] =	wrdreg s25;
	v13 =	vsel vm3, $0x4158, v13;
	v14 =	vsel vm3, $0x6358, v14;
	v15 =	vsel vm3, $0x8558, v15  }
0x4c: {  	s13 =	sshrl.u32 s1, $0x3;
	[dreg:$0xa] =	wrdreg s22;
	s19 =	sadd.s32 s5, s18;
	v0 =	vsel vm2, $0x1320, v0;
	v1 =	vsel vm2, $0x3520, v1;
	v2 =	vsel vm2, $0x5720, v2  }
0x4d: {  	s4 =	sor.u32 s4, s6;
	s6 =	sand.u32 $0x3E00, s26;
	[dreg:$0x14] =	wrdreg s9;
	v3 =	vsel vm2, $0x7920, v3;
	v4 =	vsel vm2, $0x1760, v4;
	v5 =	vsel vm2, $0x3960, v5  }
0x4e: {  	s26 =	sadd.s32 $0x1C000, s8;
	s1 =	sadd.s32 s8, s13;
	[dreg:$0xc] =	wrdreg s18;
	v6 =	vsel vm2, $0x5B60, v6;
	v7 =	vsel vm2, $0x7D60, v7;
	v8 =	vsel vm2, $0x1BA0, v8  }
0x4f: {  	s15 =	sadd.s32 s13, s14;
	s28 =	sadd.s32 s13, s16;
	[dreg:$0xd] =	wrdreg s19;
	v9 =	vsel vm2, $0x3DA0, v9;
	v10 =	vsel vm2, $0x5FA0, v10;
	v11 =	vsel vm2, $0x81A0, v11  }
0x50: {  	s29 =	sadd.s32 s13, s18;
	s19 =	sadd.s32 $0x10000, s8;
	[dreg:$0x18] =	wrdreg s1;
	v12 =	vsel vm2, $0x1FE0, v12;
	v13 =	vsel vm2, $0x41E0, v13;
	v14 =	vsel vm2, $0x63E0, v14  }
0x51: {  	s11 =	sor.u32 s6, s7;
	[dreg:$0x19] =	wrdreg s15;
	s1 =	sadd.s32 s13, s21;
	v15 =	vsel vm2, $0x85E0, v15;
	v0 =	vsel vm1, $0x13A8, v0;
	v1 =	vsel vm1, $0x35A8, v1  }
0x52: {  	s0 =	sadd.s32 s13, s26;
	s2 =	sadd.s32 s8, s4;
	s6 =	sadd.s32 s4, s14;
	v2 =	vsel vm1, $0x57A8, v2;
	v3 =	vsel vm1, $0x79A8, v3;
	v4 =	vsel vm1, $0x17E8, v4  }
0x53: {  	s23 =	sadd.s32 s4, s18;
	s9 =	sadd.s32 s4, s21;
	s10 =	sadd.s32 s4, s26;
	v5 =	vsel vm1, $0x39E8, v5;
	v6 =	vsel vm1, $0x5BE8, v6;
	v7 =	vsel vm1, $0x7DE8, v7  }
0x54: {  	[dreg:$0x12] =	wrdreg s26;
	s20 =	sadd.s32 s5, s19;
	s30 =	sadd.s32 s13, s19;
	v8 =	vsel vm1, $0x1C28, v8;
	v9 =	vsel vm1, $0x3E28, v9;
	v10 =	vsel vm1, $0x6028, v10  }
0x55: {  	s24 =	sadd.s32 s4, s19;
	s15 =	sadd.s32 s11, s14;
	s17 =	sadd.s32 s11, s16;
	v11 =	vsel vm1, $0x8228, v11;
	v12 =	vsel vm1, $0x2068, v12;
	v13 =	vsel vm1, $0x4268, v13  }
0x56: {  	s18 =	sadd.s32 s11, s18;
	[dreg:$0xf] =	wrdreg s20;
	s20 =	sadd.s32 $0x14000, s8;
	v14 =	vsel vm1, $0x6468, v14;
	v15 =	vsel vm1, $0x8668, v15;
	v0 =	vsel vm0, $0x1430, v0  }
0x57: {  	[dreg:$0xe] =	wrdreg s19;
	s19 =	sadd.s32 s11, s19;
	s7 =	sadd.s32 s5, s20;
	v1 =	vsel vm0, $0x3630, v1;
	v2 =	vsel vm0, $0x5830, v2;
	v3 =	vsel vm0, $0x7A30, v3  }
0x58: {  	s5 =	sadd.s32 s5, s26;
	s31 =	sadd.s32 s13, s20;
	[dreg:$0x10] =	wrdreg s20;
	v4 =	vsel vm0, $0x1870, v4;
	v5 =	vsel vm0, $0x3A70, v5;
	v6 =	vsel vm0, $0x5C70, v6  }
0x59: {  	s13 =	sadd.s32 s8, s11;
	s8 =	sadd.s32 s11, s21;
	v7 =	vsel vm0, $0x7E70, v7;
	v8 =	vsel vm0, $0x1CB0, v8;
	v9 =	vsel vm0, $0x3EB0, v9;
	[dreg:$0x13] =	wrdreg s7  }
0x5a: {  	v10 =	vsel vm0, $0x60B0, v10;
	v11 =	vsel vm0, $0x82B0, v11;
	v12 =	vsel vm0, $0x20F0, v12;
	[dreg:$0x15] =	wrdreg s5;
	s7 =	sadd.s32 s4, s16;
	s5 =	sadd.s32 s4, s20  }
0x5b: {  	s4 =	sadd.s32 s11, s20;
	s11 =	sadd.s32 s11, s26;
	v13 =	vsel vm0, $0x42F0, v13;
	v14 =	vsel vm0, $0x64F0, v14;
	v15 =	vsel vm0, $0x86F0, v15;
	s20 =	simm.s32 $0x0  }
.LBB2_1:
0x5c: {  	[dreg:$0x1f] =	wrdreg s20  }
0x5d: {  	s14 =	rddreg [dreg:$0x5];
	s20 =	simm.s32 $0x4  }
0x5e: {  	[tilespmem:s3], [sflag:$0x4] =	stream.linear.gather [hbm4b:s14+s3], $0x200, $0x38;
	[tilespmem:$0x18C00] =	vst v63  }
0x5f: {  	_ =	swait.ge [sflag:s20], $0x200  }
0x60: {  	s21 =	simm.s32 $0x100;
	[sflag:s20] =	ssyncset.done $0x0  }
0x61: {  	s16 =	simm.s32 $0x400;
	s14 =	rddreg [dreg:$0x3];
	[sflag:s20] =	ssyncadd.s32 $0xFFFFFE00  }
0x62: {  	[tilespmem:s16], [sflag:$0x1] =	stream.indirect.gather [hbm4b:s14+s21], $0x40, s3, s21, $0xb8;
	[tilespmem:$0x18C00] =	vst v63  }
0x63: {  	s22 =	simm.s32 $0x4400  }
0x64: {  	[tilespmem:s22], [sflag:$0x1] =	stream.indirect.gather [hbm4b:s14+s21], $0x40, s21, s21, $0xb8;
	[tilespmem:$0x18C00] =	vst v63  }
0x65: {  	s26 =	rddreg [dreg:$0x6];
	s22 =	simm.s32 $0x200  }
0x66: {  	[tilespmem:s22], [sflag:$0x4] =	stream.linear.gather [hbm4b:s26+s3], $0x200, $0x38;
	[tilespmem:$0x18C00] =	vst v63  }
0x67: {  	_ =	swait.ge [sflag:s20], $0x200  }
0x68: {  	[sflag:s20] =	ssyncset.done $0x0  }
0x69: {  	[sflag:s20] =	ssyncadd.s32 $0xFFFFFE00;
	s20 =	simm.s32 $0x8400  }
0x6a: {  	[tilespmem:s20], [sflag:$0x2] =	stream.indirect.gather [hbm4b:s14+s21], $0x40, s22, s21, $0xb8;
	[tilespmem:$0x18C00] =	vst v63  }
0x6b: {  	s26 =	simm.s32 $0xC400;
	s22 =	simm.s32 $0x300  }
0x6c: {  	[tilespmem:s26], [sflag:$0x2] =	stream.indirect.gather [hbm4b:s14+s21], $0x40, s22, s21, $0xb8;
	[tilespmem:$0x18C00] =	vst v63  }
0x6d: {  	s21 =	simm.s32 $0x1  }
0x6e: {  	_ =	swait.ge [sflag:s21], $0x8000  }
0x6f: {  	[sflag:s21] =	ssyncset.done $0x0  }
0x70: {  	s26 =	simm.s32 $0x0;
	s22 =	rddreg [dreg:$0x16];
	[sflag:s21] =	ssyncadd.s32 $0xFFFF8000  }
0x71: {  	[tilespmem:s3], [sflag:$0x4] =	stream.linear.gather [hbm4b:s22+s3], $0x200, $0x38;
	[tilespmem:$0x18C00] =	vst v63  }
0x72: {  	v16 =	vmov s3;
	v17 =	vld [tilespmem:s26+$0x400]  }
0x73: {  	v16 =	vand.u32 $0x7F, v16  }
0x74: {  	v18 =	vadd.s32 v0, v16;
	_ =	sdelay $0x2  }
0x75: {  	v17 =	vmul.f32 $8.000000000e+00, v17;
	_ =	sdelay $0x1  }
0x76: {  	[tilespmem:v18+s12+$0x0] =	vst.idx.msk $0xffff, v17  }
0x77: {  	v17 =	vld [tilespmem:s26+$0x410];
	_ =	sdelay $0x1  }
0x78: {  	v18 =	vadd.s32 v1, v16;
	_ =	sdelay $0x2  }
0x79: {  	v17 =	vmul.f32 $8.000000000e+00, v17;
	_ =	sdelay $0x1  }
0x7a: {  	[tilespmem:v18+s12+$0x0] =	vst.idx.msk $0xffff, v17  }
0x7b: {  	v17 =	vld [tilespmem:s26+$0x420];
	_ =	sdelay $0x1  }
0x7c: {  	v18 =	vadd.s32 v2, v16;
	_ =	sdelay $0x2  }
0x7d: {  	v17 =	vmul.f32 $8.000000000e+00, v17;
	_ =	sdelay $0x1  }
0x7e: {  	[tilespmem:v18+s12+$0x0] =	vst.idx.msk $0xffff, v17  }
0x7f: {  	v17 =	vld [tilespmem:s26+$0x430];
	_ =	sdelay $0x1  }
0x80: {  	v18 =	vadd.s32 v3, v16;
	_ =	sdelay $0x2  }
0x81: {  	v17 =	vmul.f32 $8.000000000e+00, v17;
	_ =	sdelay $0x1  }
0x82: {  	[tilespmem:v18+s12+$0x0] =	vst.idx.msk $0xffff, v17  }
0x83: {  	v17 =	vld [tilespmem:s26+$0x2400];
	_ =	sdelay $0x1  }
0x84: {  	v18 =	vadd.s32 v4, v16;
	_ =	sdelay $0x2  }
0x85: {  	v17 =	vmul.f32 $8.000000000e+00, v17;
	_ =	sdelay $0x1  }
0x86: {  	[tilespmem:v18+s12+$0x0] =	vst.idx.msk $0xffff, v17  }
0x87: {  	v17 =	vld [tilespmem:s26+$0x2410];
	_ =	sdelay $0x1  }
0x88: {  	v18 =	vadd.s32 v5, v16;
	_ =	sdelay $0x2  }
0x89: {  	v17 =	vmul.f32 $8.000000000e+00, v17;
	_ =	sdelay $0x1  }
0x8a: {  	[tilespmem:v18+s12+$0x0] =	vst.idx.msk $0xffff, v17  }
0x8b: {  	v17 =	vld [tilespmem:s26+$0x2420];
	_ =	sdelay $0x1  }
0x8c: {  	v18 =	vadd.s32 v6, v16;
	_ =	sdelay $0x2  }
0x8d: {  	v17 =	vmul.f32 $8.000000000e+00, v17;
	_ =	sdelay $0x1  }
0x8e: {  	[tilespmem:v18+s12+$0x0] =	vst.idx.msk $0xffff, v17  }
0x8f: {  	v17 =	vld [tilespmem:s26+$0x2430];
	_ =	sdelay $0x1  }
0x90: {  	v18 =	vadd.s32 v7, v16;
	_ =	sdelay $0x2  }
0x91: {  	v17 =	vmul.f32 $8.000000000e+00, v17;
	_ =	sdelay $0x1  }
0x92: {  	[tilespmem:v18+s12+$0x0] =	vst.idx.msk $0xffff, v17  }
0x93: {  	v17 =	vld [tilespmem:s26+$0x4400];
	_ =	sdelay $0x1  }
0x94: {  	v18 =	vadd.s32 v8, v16;
	_ =	sdelay $0x2  }
0x95: {  	v17 =	vmul.f32 $8.000000000e+00, v17;
	_ =	sdelay $0x1  }
0x96: {  	[tilespmem:v18+s12+$0x0] =	vst.idx.msk $0xffff, v17  }
0x97: {  	v17 =	vld [tilespmem:s26+$0x4410];
	_ =	sdelay $0x1  }
0x98: {  	v18 =	vadd.s32 v9, v16;
	_ =	sdelay $0x2  }
0x99: {  	v17 =	vmul.f32 $8.000000000e+00, v17;
	_ =	sdelay $0x1  }
0x9a: {  	[tilespmem:v18+s12+$0x0] =	vst.idx.msk $0xffff, v17  }
0x9b: {  	v17 =	vld [tilespmem:s26+$0x4420];
	_ =	sdelay $0x1  }
0x9c: {  	v18 =	vadd.s32 v10, v16;
	_ =	sdelay $0x2  }
0x9d: {  	v17 =	vmul.f32 $8.000000000e+00, v17;
	_ =	sdelay $0x1  }
0x9e: {  	[tilespmem:v18+s12+$0x0] =	vst.idx.msk $0xffff, v17  }
0x9f: {  	v17 =	vld [tilespmem:s26+$0x4430];
	_ =	sdelay $0x1  }
0xa0: {  	v18 =	vadd.s32 v11, v16;
	_ =	sdelay $0x2  }
0xa1: {  	v17 =	vmul.f32 $8.000000000e+00, v17;
	_ =	sdelay $0x1  }
0xa2: {  	[tilespmem:v18+s12+$0x0] =	vst.idx.msk $0xffff, v17  }
0xa3: {  	v17 =	vld [tilespmem:s26+$0x6400];
	_ =	sdelay $0x1  }
0xa4: {  	v18 =	vadd.s32 v12, v16;
	_ =	sdelay $0x2  }
0xa5: {  	v17 =	vmul.f32 $8.000000000e+00, v17;
	_ =	sdelay $0x1  }
0xa6: {  	[tilespmem:v18+s12+$0x0] =	vst.idx.msk $0xffff, v17  }
0xa7: {  	v17 =	vld [tilespmem:s26+$0x6410];
	_ =	sdelay $0x1  }
0xa8: {  	v18 =	vadd.s32 v13, v16;
	_ =	sdelay $0x2  }
0xa9: {  	v17 =	vmul.f32 $8.000000000e+00, v17;
	_ =	sdelay $0x1  }
0xaa: {  	[tilespmem:v18+s12+$0x0] =	vst.idx.msk $0xffff, v17  }
0xab: {  	v17 =	vld [tilespmem:s26+$0x6420];
	_ =	sdelay $0x1  }
0xac: {  	v18 =	vadd.s32 v14, v16;
	_ =	sdelay $0x2  }
0xad: {  	v17 =	vmul.f32 $8.000000000e+00, v17;
	_ =	sdelay $0x1  }
0xae: {  	[tilespmem:v18+s12+$0x0] =	vst.idx.msk $0xffff, v17  }
0xaf: {  	v17 =	vld [tilespmem:s26+$0x6430];
	_ =	sdelay $0x1  }
0xb0: {  	v16 =	vadd.s32 v15, v16;
	_ =	sdelay $0x2  }
0xb1: {  	s16 =	simm.s32 $0x100;
	s14 =	simm.s32 $0x0;
	s22 =	simm.s32 $0x200;
	v17 =	vmul.f32 $8.000000000e+00, v17  }
.LBB2_2:
0xb2: {  	s21 =	sshra.s32 s16, $0x2  }
0xb3: {  	s14 =	sadd.s32 $0x1, s14;
	s16 =	smov.u32 s22;
	s20 =	sadd.s32 $0x100, s22;
	[tilespmem:v16+s12+$0x0] =	vst.idx.msk $0xffff, v17  }
0xb4: {  	p0 =	sne.s32 s22, $0x7F00;
	v16 =	vmov s14;
	v17 =	vld [tilespmem:s21+$0x400]  }
0xb5: {  	v16 =	vand.u32 $0x7F, v16  }
0xb6: {  	v18 =	vadd.s32 v0, v16;
	_ =	sdelay $0x2  }
0xb7: {  	v17 =	vmul.f32 $8.000000000e+00, v17;
	_ =	sdelay $0x1  }
0xb8: {  	[tilespmem:v18+s12+$0x0] =	vst.idx.msk $0xffff, v17  }
0xb9: {  	v17 =	vld [tilespmem:s21+$0x410];
	_ =	sdelay $0x1  }
0xba: {  	v18 =	vadd.s32 v1, v16;
	_ =	sdelay $0x2  }
0xbb: {  	v17 =	vmul.f32 $8.000000000e+00, v17;
	_ =	sdelay $0x1  }
0xbc: {  	[tilespmem:v18+s12+$0x0] =	vst.idx.msk $0xffff, v17  }
0xbd: {  	v17 =	vld [tilespmem:s21+$0x420];
	_ =	sdelay $0x1  }
0xbe: {  	v18 =	vadd.s32 v2, v16;
	_ =	sdelay $0x2  }
0xbf: {  	v17 =	vmul.f32 $8.000000000e+00, v17;
	_ =	sdelay $0x1  }
0xc0: {  	[tilespmem:v18+s12+$0x0] =	vst.idx.msk $0xffff, v17  }
0xc1: {  	v17 =	vld [tilespmem:s21+$0x430];
	_ =	sdelay $0x1  }
0xc2: {  	v18 =	vadd.s32 v3, v16;
	_ =	sdelay $0x2  }
0xc3: {  	v17 =	vmul.f32 $8.000000000e+00, v17;
	_ =	sdelay $0x1  }
0xc4: {  	[tilespmem:v18+s12+$0x0] =	vst.idx.msk $0xffff, v17  }
0xc5: {  	v17 =	vld [tilespmem:s21+$0x2400];
	_ =	sdelay $0x1  }
0xc6: {  	v18 =	vadd.s32 v4, v16;
	_ =	sdelay $0x2  }
0xc7: {  	v17 =	vmul.f32 $8.000000000e+00, v17;
	_ =	sdelay $0x1  }
0xc8: {  	[tilespmem:v18+s12+$0x0] =	vst.idx.msk $0xffff, v17  }
0xc9: {  	v17 =	vld [tilespmem:s21+$0x2410];
	_ =	sdelay $0x1  }
0xca: {  	v18 =	vadd.s32 v5, v16;
	_ =	sdelay $0x2  }
0xcb: {  	v17 =	vmul.f32 $8.000000000e+00, v17;
	_ =	sdelay $0x1  }
0xcc: {  	[tilespmem:v18+s12+$0x0] =	vst.idx.msk $0xffff, v17  }
0xcd: {  	v17 =	vld [tilespmem:s21+$0x2420];
	_ =	sdelay $0x1  }
0xce: {  	v18 =	vadd.s32 v6, v16;
	_ =	sdelay $0x2  }
0xcf: {  	v17 =	vmul.f32 $8.000000000e+00, v17;
	_ =	sdelay $0x1  }
0xd0: {  	[tilespmem:v18+s12+$0x0] =	vst.idx.msk $0xffff, v17  }
0xd1: {  	v17 =	vld [tilespmem:s21+$0x2430];
	_ =	sdelay $0x1  }
0xd2: {  	v18 =	vadd.s32 v7, v16;
	_ =	sdelay $0x2  }
0xd3: {  	v17 =	vmul.f32 $8.000000000e+00, v17;
	_ =	sdelay $0x1  }
0xd4: {  	[tilespmem:v18+s12+$0x0] =	vst.idx.msk $0xffff, v17  }
0xd5: {  	v17 =	vld [tilespmem:s21+$0x4400];
	_ =	sdelay $0x1  }
0xd6: {  	v18 =	vadd.s32 v8, v16;
	_ =	sdelay $0x2  }
0xd7: {  	v17 =	vmul.f32 $8.000000000e+00, v17;
	_ =	sdelay $0x1  }
0xd8: {  	[tilespmem:v18+s12+$0x0] =	vst.idx.msk $0xffff, v17  }
0xd9: {  	v17 =	vld [tilespmem:s21+$0x4410];
	_ =	sdelay $0x1  }
0xda: {  	v18 =	vadd.s32 v9, v16;
	_ =	sdelay $0x2  }
0xdb: {  	v17 =	vmul.f32 $8.000000000e+00, v17;
	_ =	sdelay $0x1  }
0xdc: {  	[tilespmem:v18+s12+$0x0] =	vst.idx.msk $0xffff, v17  }
0xdd: {  	v17 =	vld [tilespmem:s21+$0x4420];
	_ =	sdelay $0x1  }
0xde: {  	v18 =	vadd.s32 v10, v16;
	_ =	sdelay $0x2  }
0xdf: {  	v17 =	vmul.f32 $8.000000000e+00, v17;
	_ =	sdelay $0x1  }
0xe0: {  	[tilespmem:v18+s12+$0x0] =	vst.idx.msk $0xffff, v17  }
0xe1: {  	v17 =	vld [tilespmem:s21+$0x4430];
	_ =	sdelay $0x1  }
0xe2: {  	v18 =	vadd.s32 v11, v16;
	_ =	sdelay $0x2  }
0xe3: {  	v17 =	vmul.f32 $8.000000000e+00, v17;
	_ =	sdelay $0x1  }
0xe4: {  	[tilespmem:v18+s12+$0x0] =	vst.idx.msk $0xffff, v17  }
0xe5: {  	v17 =	vld [tilespmem:s21+$0x6400];
	_ =	sdelay $0x1  }
0xe6: {  	v18 =	vadd.s32 v12, v16;
	_ =	sdelay $0x2  }
0xe7: {  	v17 =	vmul.f32 $8.000000000e+00, v17;
	_ =	sdelay $0x1  }
0xe8: {  	[tilespmem:v18+s12+$0x0] =	vst.idx.msk $0xffff, v17  }
0xe9: {  	v17 =	vld [tilespmem:s21+$0x6410];
	_ =	sdelay $0x1  }
0xea: {  	v18 =	vadd.s32 v13, v16;
	_ =	sdelay $0x2  }
0xeb: {  	v17 =	vmul.f32 $8.000000000e+00, v17;
	_ =	sdelay $0x1  }
0xec: {  	[tilespmem:v18+s12+$0x0] =	vst.idx.msk $0xffff, v17  }
0xed: {  	v17 =	vld [tilespmem:s21+$0x6420];
	_ =	sdelay $0x1  }
0xee: {  	v18 =	vadd.s32 v14, v16;
	_ =	sdelay $0x2  }
0xef: {  	v17 =	vmul.f32 $8.000000000e+00, v17;
	_ =	sdelay $0x1  }
0xf0: {  	[tilespmem:v18+s12+$0x0] =	vst.idx.msk $0xffff, v17  }
0xf1: {  	v17 =	vld [tilespmem:s21+$0x6430]  }
.Ltmp0:
0xf2: {  	(pc) =	sbr.rel @p0 .LBB2_2-.Ltmp0, $2  }
0xf3: {  	v16 =	vadd.s32 v15, v16;
	_ =	sdelay $0x2  }
0xf4: {  	s22 =	smov.u32 s20;
	v17 =	vmul.f32 $8.000000000e+00, v17  }
0xf5: {  	_ =	sdelay $0x3  }
0xf6: {  	s16 =	sshra.s32 s16, $0x2;
	s14 =	sadd.s32 $0x1, s14;
	[tilespmem:v16+s12+$0x0] =	vst.idx.msk $0xffff, v17  }
0xf7: {  	v16 =	vmov s14;
	v17 =	vld [tilespmem:s16+$0x400]  }
0xf8: {  	v16 =	vand.u32 $0x7F, v16  }
0xf9: {  	v18 =	vadd.s32 v0, v16;
	_ =	sdelay $0x2  }
0xfa: {  	v17 =	vmul.f32 $8.000000000e+00, v17;
	_ =	sdelay $0x1  }
0xfb: {  	[tilespmem:v18+s12+$0x0] =	vst.idx.msk $0xffff, v17  }
0xfc: {  	v17 =	vld [tilespmem:s16+$0x410];
	_ =	sdelay $0x1  }
0xfd: {  	v50 =	vadd.s32 v1, v16;
	_ =	sdelay $0x2  }
0xfe: {  	v17 =	vmul.f32 $8.000000000e+00, v17;
	_ =	sdelay $0x1  }
0xff: {  	[tilespmem:v50+s12+$0x0] =	vst.idx.msk $0xffff, v17  }
0x100: {  	v17 =	vld [tilespmem:s16+$0x420];
	_ =	sdelay $0x1  }
0x101: {  	v51 =	vadd.s32 v2, v16;
	_ =	sdelay $0x2  }
0x102: {  	v17 =	vmul.f32 $8.000000000e+00, v17;
	_ =	sdelay $0x1  }
0x103: {  	[tilespmem:v51+s12+$0x0] =	vst.idx.msk $0xffff, v17  }
0x104: {  	v17 =	vld [tilespmem:s16+$0x430];
	_ =	sdelay $0x1  }
0x105: {  	v52 =	vadd.s32 v3, v16;
	_ =	sdelay $0x2  }
0x106: {  	v17 =	vmul.f32 $8.000000000e+00, v17;
	_ =	sdelay $0x1  }
0x107: {  	[tilespmem:v52+s12+$0x0] =	vst.idx.msk $0xffff, v17  }
0x108: {  	v17 =	vld [tilespmem:s16+$0x2400];
	_ =	sdelay $0x1  }
0x109: {  	v53 =	vadd.s32 v4, v16;
	_ =	sdelay $0x2  }
0x10a: {  	v17 =	vmul.f32 $8.000000000e+00, v17;
	_ =	sdelay $0x1  }
0x10b: {  	[tilespmem:v53+s12+$0x0] =	vst.idx.msk $0xffff, v17  }
0x10c: {  	v17 =	vld [tilespmem:s16+$0x2410];
	_ =	sdelay $0x1  }
0x10d: {  	v54 =	vadd.s32 v5, v16;
	_ =	sdelay $0x2  }
0x10e: {  	v17 =	vmul.f32 $8.000000000e+00, v17;
	_ =	sdelay $0x1  }
0x10f: {  	[tilespmem:v54+s12+$0x0] =	vst.idx.msk $0xffff, v17  }
0x110: {  	v17 =	vld [tilespmem:s16+$0x2420];
	_ =	sdelay $0x1  }
0x111: {  	v55 =	vadd.s32 v6, v16;
	_ =	sdelay $0x2  }
0x112: {  	v17 =	vmul.f32 $8.000000000e+00, v17;
	_ =	sdelay $0x1  }
0x113: {  	[tilespmem:v55+s12+$0x0] =	vst.idx.msk $0xffff, v17  }
0x114: {  	v17 =	vld [tilespmem:s16+$0x2430];
	_ =	sdelay $0x1  }
0x115: {  	v56 =	vadd.s32 v7, v16;
	_ =	sdelay $0x2  }
0x116: {  	v17 =	vmul.f32 $8.000000000e+00, v17;
	_ =	sdelay $0x1  }
0x117: {  	[tilespmem:v56+s12+$0x0] =	vst.idx.msk $0xffff, v17  }
0x118: {  	v17 =	vld [tilespmem:s16+$0x4400];
	_ =	sdelay $0x1  }
0x119: {  	v57 =	vadd.s32 v8, v16;
	_ =	sdelay $0x2  }
0x11a: {  	v17 =	vmul.f32 $8.000000000e+00, v17;
	_ =	sdelay $0x1  }
0x11b: {  	[tilespmem:v57+s12+$0x0] =	vst.idx.msk $0xffff, v17  }
0x11c: {  	v17 =	vld [tilespmem:s16+$0x4410];
	_ =	sdelay $0x1  }
0x11d: {  	v58 =	vadd.s32 v9, v16;
	_ =	sdelay $0x2  }
0x11e: {  	v17 =	vmul.f32 $8.000000000e+00, v17;
	_ =	sdelay $0x1  }
0x11f: {  	[tilespmem:v58+s12+$0x0] =	vst.idx.msk $0xffff, v17  }
0x120: {  	v17 =	vld [tilespmem:s16+$0x4420];
	_ =	sdelay $0x1  }
0x121: {  	v59 =	vadd.s32 v10, v16;
	_ =	sdelay $0x2  }
0x122: {  	v17 =	vmul.f32 $8.000000000e+00, v17;
	_ =	sdelay $0x1  }
0x123: {  	[tilespmem:v59+s12+$0x0] =	vst.idx.msk $0xffff, v17  }
0x124: {  	v17 =	vld [tilespmem:s16+$0x4430];
	_ =	sdelay $0x1  }
0x125: {  	v60 =	vadd.s32 v11, v16;
	_ =	sdelay $0x2  }
0x126: {  	v17 =	vmul.f32 $8.000000000e+00, v17;
	_ =	sdelay $0x1  }
0x127: {  	[tilespmem:v60+s12+$0x0] =	vst.idx.msk $0xffff, v17  }
0x128: {  	v17 =	vld [tilespmem:s16+$0x6400];
	_ =	sdelay $0x1  }
0x129: {  	v61 =	vadd.s32 v12, v16;
	_ =	sdelay $0x2  }
0x12a: {  	v17 =	vmul.f32 $8.000000000e+00, v17;
	_ =	sdelay $0x1  }
0x12b: {  	[tilespmem:v61+s12+$0x0] =	vst.idx.msk $0xffff, v17  }
0x12c: {  	v17 =	vld [tilespmem:s16+$0x6410];
	_ =	sdelay $0x1  }
0x12d: {  	v62 =	vadd.s32 v13, v16;
	_ =	sdelay $0x2  }
0x12e: {  	v17 =	vmul.f32 $8.000000000e+00, v17;
	_ =	sdelay $0x1  }
0x12f: {  	[tilespmem:v62+s12+$0x0] =	vst.idx.msk $0xffff, v17  }
0x130: {  	v17 =	vld [tilespmem:s16+$0x6420];
	_ =	sdelay $0x1  }
0x131: {  	v63 =	vadd.s32 v14, v16;
	_ =	sdelay $0x2  }
0x132: {  	v17 =	vmul.f32 $8.000000000e+00, v17;
	_ =	sdelay $0x1  }
0x133: {  	[tilespmem:v63+s12+$0x0] =	vst.idx.msk $0xffff, v17  }
0x134: {  	v17 =	vld [tilespmem:s16+$0x6430];
	_ =	sdelay $0x1  }
0x135: {  	v16 =	vadd.s32 v15, v16;
	_ =	sdelay $0x2  }
0x136: {  	v17 =	vmul.f32 $8.000000000e+00, v17  }
0x137: {  	s21 =	sadd.s32 $0x0, s25  }
0x138: {  	s20 =	simm.s32 $0x10488;
	s14 =	simm.s32 $0x10400;
	s16 =	simm.s32 $0x10;
	[tilespmem:v16+s12+$0x0] =	vst.idx.msk $0xffff, v17  }
.LBB2_4:
0x139: {  	[hbm4b:s21+s3] =	stream.linear.scatter [tilespmem:s14], [sflag:$0x3], $0x80, $0x38;
	[tilespmem:$0x18C00] =	vst v63  }
0x13a: {  	s21 =	smov.u32 s16;
	s14 =	smov.u32 s20;
	p0 =	sne.s32 s16, $0x1F0  }
.Ltmp1:
0x13b: {  	s16 =	sadd.s32 $0x10, s16;
	(pc) =	sbr.rel @p0 .LBB2_4-.Ltmp1, $2  }
0x13c: {  	_ =	sdelay $0x2  }
0x13d: {  	s20 =	sadd.s32 $0x88, s20;
	s21 =	sadd.s32 s21, s25  }
0x13e: {  	[hbm4b:s21+s3] =	stream.linear.scatter [tilespmem:s14], [sflag:$0x3], $0x80, $0x38;
	[tilespmem:$0x18C00] =	vst v63  }
0x13f: {  	s14 =	simm.s32 $0x11500;
	s22 =	rddreg [dreg:$0xa]  }
0x140: {  	s16 =	simm.s32 $0x10;
	s20 =	simm.s32 $0x11588;
	s21 =	sadd.s32 $0x0, s22  }
.LBB2_6:
0x141: {  	[hbm4b:s21+s3] =	stream.linear.scatter [tilespmem:s14], [sflag:$0x3], $0x80, $0x38;
	[tilespmem:$0x18C00] =	vst v63  }
0x142: {  	s21 =	smov.u32 s16;
	s14 =	smov.u32 s20;
	p0 =	sne.s32 s16, $0x1F0  }
.Ltmp2:
0x143: {  	s16 =	sadd.s32 $0x10, s16;
	(pc) =	sbr.rel @p0 .LBB2_6-.Ltmp2, $2  }
0x144: {  	_ =	sdelay $0x2  }
0x145: {  	s20 =	sadd.s32 $0x88, s20;
	s21 =	sadd.s32 s21, s22  }
0x146: {  	[hbm4b:s21+s3] =	stream.linear.scatter [tilespmem:s14], [sflag:$0x3], $0x80, $0x38;
	[tilespmem:$0x18C00] =	vst v63  }
0x147: {  	s14 =	simm.s32 $0x12600;
	s22 =	rddreg [dreg:$0xb]  }
0x148: {  	s16 =	simm.s32 $0x10;
	s20 =	simm.s32 $0x12688;
	s21 =	sadd.s32 $0x0, s22  }
.LBB2_8:
0x149: {  	[hbm4b:s21+s3] =	stream.linear.scatter [tilespmem:s14], [sflag:$0x3], $0x80, $0x38;
	[tilespmem:$0x18C00] =	vst v63  }
0x14a: {  	s21 =	smov.u32 s16;
	s14 =	smov.u32 s20;
	p0 =	sne.s32 s16, $0x1F0  }
.Ltmp3:
0x14b: {  	s16 =	sadd.s32 $0x10, s16;
	(pc) =	sbr.rel @p0 .LBB2_8-.Ltmp3, $2  }
0x14c: {  	_ =	sdelay $0x2  }
0x14d: {  	s20 =	sadd.s32 $0x88, s20;
	s21 =	sadd.s32 s21, s22  }
0x14e: {  	[hbm4b:s21+s3] =	stream.linear.scatter [tilespmem:s14], [sflag:$0x3], $0x80, $0x38;
	[tilespmem:$0x18C00] =	vst v63  }
0x14f: {  	s14 =	simm.s32 $0x13700;
	s22 =	rddreg [dreg:$0xd]  }
0x150: {  	s16 =	simm.s32 $0x10;
	s20 =	simm.s32 $0x13788;
	s21 =	sadd.s32 $0x0, s22  }
.LBB2_10:
0x151: {  	[hbm4b:s21+s3] =	stream.linear.scatter [tilespmem:s14], [sflag:$0x3], $0x80, $0x38;
	[tilespmem:$0x18C00] =	vst v63  }
0x152: {  	s21 =	smov.u32 s16;
	s14 =	smov.u32 s20;
	p0 =	sne.s32 s16, $0x1F0  }
.Ltmp4:
0x153: {  	s16 =	sadd.s32 $0x10, s16;
	(pc) =	sbr.rel @p0 .LBB2_10-.Ltmp4, $2  }
0x154: {  	_ =	sdelay $0x2  }
0x155: {  	s20 =	sadd.s32 $0x88, s20;
	s21 =	sadd.s32 s21, s22  }
0x156: {  	[hbm4b:s21+s3] =	stream.linear.scatter [tilespmem:s14], [sflag:$0x3], $0x80, $0x38;
	[tilespmem:$0x18C00] =	vst v63  }
0x157: {  	s14 =	simm.s32 $0x14800;
	s22 =	rddreg [dreg:$0xf]  }
0x158: {  	s16 =	simm.s32 $0x10;
	s20 =	simm.s32 $0x14888;
	s21 =	sadd.s32 $0x0, s22  }
.LBB2_12:
0x159: {  	[hbm4b:s21+s3] =	stream.linear.scatter [tilespmem:s14], [sflag:$0x3], $0x80, $0x38;
	[tilespmem:$0x18C00] =	vst v63  }
0x15a: {  	s21 =	smov.u32 s16;
	s14 =	smov.u32 s20;
	p0 =	sne.s32 s16, $0x1F0  }
.Ltmp5:
0x15b: {  	s16 =	sadd.s32 $0x10, s16;
	(pc) =	sbr.rel @p0 .LBB2_12-.Ltmp5, $2  }
0x15c: {  	_ =	sdelay $0x2  }
0x15d: {  	s20 =	sadd.s32 $0x88, s20;
	s21 =	sadd.s32 s21, s22  }
0x15e: {  	[hbm4b:s21+s3] =	stream.linear.scatter [tilespmem:s14], [sflag:$0x3], $0x80, $0x38;
	[tilespmem:$0x18C00] =	vst v63  }
0x15f: {  	s14 =	simm.s32 $0x15900;
	s22 =	rddreg [dreg:$0x13]  }
0x160: {  	s16 =	simm.s32 $0x10;
	s20 =	simm.s32 $0x15988;
	s21 =	sadd.s32 $0x0, s22  }
.LBB2_14:
0x161: {  	[hbm4b:s21+s3] =	stream.linear.scatter [tilespmem:s14], [sflag:$0x3], $0x80, $0x38;
	[tilespmem:$0x18C00] =	vst v63  }
0x162: {  	s21 =	smov.u32 s16;
	s14 =	smov.u32 s20;
	p0 =	sne.s32 s16, $0x1F0  }
.Ltmp6:
0x163: {  	s16 =	sadd.s32 $0x10, s16;
	(pc) =	sbr.rel @p0 .LBB2_14-.Ltmp6, $2  }
0x164: {  	_ =	sdelay $0x2  }
0x165: {  	s20 =	sadd.s32 $0x88, s20;
	s21 =	sadd.s32 s21, s22  }
0x166: {  	[hbm4b:s21+s3] =	stream.linear.scatter [tilespmem:s14], [sflag:$0x3], $0x80, $0x38;
	[tilespmem:$0x18C00] =	vst v63  }
0x167: {  	s14 =	simm.s32 $0x16A00;
	s22 =	rddreg [dreg:$0x14]  }
0x168: {  	s16 =	simm.s32 $0x10;
	s20 =	simm.s32 $0x16A88;
	s21 =	sadd.s32 $0x0, s22  }
.LBB2_16:
0x169: {  	[hbm4b:s21+s3] =	stream.linear.scatter [tilespmem:s14], [sflag:$0x3], $0x80, $0x38;
	[tilespmem:$0x18C00] =	vst v63  }
0x16a: {  	s21 =	smov.u32 s16;
	s14 =	smov.u32 s20;
	p0 =	sne.s32 s16, $0x1F0  }
.Ltmp7:
0x16b: {  	s16 =	sadd.s32 $0x10, s16;
	(pc) =	sbr.rel @p0 .LBB2_16-.Ltmp7, $2  }
0x16c: {  	_ =	sdelay $0x2  }
0x16d: {  	s20 =	sadd.s32 $0x88, s20;
	s21 =	sadd.s32 s21, s22  }
0x16e: {  	[hbm4b:s21+s3] =	stream.linear.scatter [tilespmem:s14], [sflag:$0x3], $0x80, $0x38;
	[tilespmem:$0x18C00] =	vst v63  }
0x16f: {  	s14 =	simm.s32 $0x17B00;
	s22 =	rddreg [dreg:$0x15]  }
0x170: {  	s16 =	simm.s32 $0x10;
	s20 =	simm.s32 $0x17B88;
	s21 =	sadd.s32 $0x0, s22  }
.LBB2_18:
0x171: {  	[hbm4b:s21+s3] =	stream.linear.scatter [tilespmem:s14], [sflag:$0x3], $0x80, $0x38;
	[tilespmem:$0x18C00] =	vst v63  }
0x172: {  	s21 =	smov.u32 s16;
	s14 =	smov.u32 s20;
	p0 =	sne.s32 s16, $0x1F0  }
.Ltmp8:
0x173: {  	s16 =	sadd.s32 $0x10, s16;
	(pc) =	sbr.rel @p0 .LBB2_18-.Ltmp8, $2  }
0x174: {  	_ =	sdelay $0x2  }
0x175: {  	s20 =	sadd.s32 $0x88, s20;
	s21 =	sadd.s32 s21, s22  }
0x176: {  	[hbm4b:s21+s3] =	stream.linear.scatter [tilespmem:s14], [sflag:$0x3], $0x80, $0x38;
	[tilespmem:$0x18C00] =	vst v63  }
0x177: {  	s22 =	simm.s32 $0x4  }
0x178: {  	_ =	swait.ge [sflag:s22], $0x200  }
0x179: {  	s14 =	simm.s32 $0x0;
	s20 =	simm.s32 $0x100;
	[sflag:s22] =	ssyncset.done $0x0  }
0x17a: {  	s25 =	simm.s32 $0x400;
	s16 =	rddreg [dreg:$0x3];
	[sflag:s22] =	ssyncadd.s32 $0xFFFFFE00  }
0x17b: {  	[tilespmem:s25], [sflag:$0x1] =	stream.indirect.gather [hbm4b:s16+s20], $0x40, s14, s20, $0xb8;
	[tilespmem:$0x18C00] =	vst v63  }
0x17c: {  	s26 =	simm.s32 $0x4400  }
0x17d: {  	[tilespmem:s26], [sflag:$0x1] =	stream.indirect.gather [hbm4b:s16+s20], $0x40, s20, s20, $0xb8;
	[tilespmem:$0x18C00] =	vst v63  }
0x17e: {  	s20 =	simm.s32 $0x2  }
0x17f: {  	_ =	swait.ge [sflag:s20], $0x8000  }
0x180: {  	s22 =	simm.s32 $0x200;
	[sflag:s20] =	ssyncset.done $0x0  }
0x181: {  	s25 =	simm.s32 $0x3;
	s21 =	rddreg [dreg:$0x17];
	[sflag:s20] =	ssyncadd.s32 $0xFFFF8000  }
0x182: {  	[tilespmem:s22], [sflag:$0x4] =	stream.linear.gather [hbm4b:s21+s14], $0x200, $0x38;
	[tilespmem:$0x18C00] =	vst v63  }
0x183: {  	_ =	swait.ge [sflag:s25], $0x8000  }
0x184: {  	[sflag:s25] =	ssyncset.done $0x0  }
0x185: {  	s26 =	simm.s32 $0x0;
	[sflag:s25] =	ssyncadd.s32 $0xFFFF8000  }
0x186: {  	v16 =	vmov s14;
	v17 =	vld [tilespmem:s26+$0x8400]  }
0x187: {  	v16 =	vand.u32 $0x7F, v16  }
0x188: {  	v18 =	vadd.s32 v0, v16;
	_ =	sdelay $0x2  }
0x189: {  	v17 =	vmul.f32 $8.000000000e+00, v17;
	_ =	sdelay $0x1  }
0x18a: {  	[tilespmem:v18+s12+$0x0] =	vst.idx.msk $0xffff, v17  }
0x18b: {  	v17 =	vld [tilespmem:s26+$0x8410];
	_ =	sdelay $0x1  }
0x18c: {  	v18 =	vadd.s32 v1, v16;
	_ =	sdelay $0x2  }
0x18d: {  	v17 =	vmul.f32 $8.000000000e+00, v17;
	_ =	sdelay $0x1  }
0x18e: {  	[tilespmem:v18+s12+$0x0] =	vst.idx.msk $0xffff, v17  }
0x18f: {  	v17 =	vld [tilespmem:s26+$0x8420];
	_ =	sdelay $0x1  }
0x190: {  	v18 =	vadd.s32 v2, v16;
	_ =	sdelay $0x2  }
0x191: {  	v17 =	vmul.f32 $8.000000000e+00, v17;
	_ =	sdelay $0x1  }
0x192: {  	[tilespmem:v18+s12+$0x0] =	vst.idx.msk $0xffff, v17  }
0x193: {  	v17 =	vld [tilespmem:s26+$0x8430];
	_ =	sdelay $0x1  }
0x194: {  	v18 =	vadd.s32 v3, v16;
	_ =	sdelay $0x2  }
0x195: {  	v17 =	vmul.f32 $8.000000000e+00, v17;
	_ =	sdelay $0x1  }
0x196: {  	[tilespmem:v18+s12+$0x0] =	vst.idx.msk $0xffff, v17  }
0x197: {  	v17 =	vld [tilespmem:s26+$0xA400];
	_ =	sdelay $0x1  }
0x198: {  	v18 =	vadd.s32 v4, v16;
	_ =	sdelay $0x2  }
0x199: {  	v17 =	vmul.f32 $8.000000000e+00, v17;
	_ =	sdelay $0x1  }
0x19a: {  	[tilespmem:v18+s12+$0x0] =	vst.idx.msk $0xffff, v17  }
0x19b: {  	v17 =	vld [tilespmem:s26+$0xA410];
	_ =	sdelay $0x1  }
0x19c: {  	v18 =	vadd.s32 v5, v16;
	_ =	sdelay $0x2  }
0x19d: {  	v17 =	vmul.f32 $8.000000000e+00, v17;
	_ =	sdelay $0x1  }
0x19e: {  	[tilespmem:v18+s12+$0x0] =	vst.idx.msk $0xffff, v17  }
0x19f: {  	v17 =	vld [tilespmem:s26+$0xA420];
	_ =	sdelay $0x1  }
0x1a0: {  	v18 =	vadd.s32 v6, v16;
	_ =	sdelay $0x2  }
0x1a1: {  	v17 =	vmul.f32 $8.000000000e+00, v17;
	_ =	sdelay $0x1  }
0x1a2: {  	[tilespmem:v18+s12+$0x0] =	vst.idx.msk $0xffff, v17  }
0x1a3: {  	v17 =	vld [tilespmem:s26+$0xA430];
	_ =	sdelay $0x1  }
0x1a4: {  	v18 =	vadd.s32 v7, v16;
	_ =	sdelay $0x2  }
0x1a5: {  	v17 =	vmul.f32 $8.000000000e+00, v17;
	_ =	sdelay $0x1  }
0x1a6: {  	[tilespmem:v18+s12+$0x0] =	vst.idx.msk $0xffff, v17  }
0x1a7: {  	v17 =	vld [tilespmem:s26+$0xC400];
	_ =	sdelay $0x1  }
0x1a8: {  	v18 =	vadd.s32 v8, v16;
	_ =	sdelay $0x2  }
0x1a9: {  	v17 =	vmul.f32 $8.000000000e+00, v17;
	_ =	sdelay $0x1  }
0x1aa: {  	[tilespmem:v18+s12+$0x0] =	vst.idx.msk $0xffff, v17  }
0x1ab: {  	v17 =	vld [tilespmem:s26+$0xC410];
	_ =	sdelay $0x1  }
0x1ac: {  	v18 =	vadd.s32 v9, v16;
	_ =	sdelay $0x2  }
0x1ad: {  	v17 =	vmul.f32 $8.000000000e+00, v17;
	_ =	sdelay $0x1  }
0x1ae: {  	[tilespmem:v18+s12+$0x0] =	vst.idx.msk $0xffff, v17  }
0x1af: {  	v17 =	vld [tilespmem:s26+$0xC420];
	_ =	sdelay $0x1  }
0x1b0: {  	v18 =	vadd.s32 v10, v16;
	_ =	sdelay $0x2  }
0x1b1: {  	v17 =	vmul.f32 $8.000000000e+00, v17;
	_ =	sdelay $0x1  }
0x1b2: {  	[tilespmem:v18+s12+$0x0] =	vst.idx.msk $0xffff, v17  }
0x1b3: {  	v17 =	vld [tilespmem:s26+$0xC430];
	_ =	sdelay $0x1  }
0x1b4: {  	v18 =	vadd.s32 v11, v16;
	_ =	sdelay $0x2  }
0x1b5: {  	v17 =	vmul.f32 $8.000000000e+00, v17;
	_ =	sdelay $0x1  }
0x1b6: {  	[tilespmem:v18+s12+$0x0] =	vst.idx.msk $0xffff, v17  }
0x1b7: {  	v17 =	vld [tilespmem:s26+$0xE400];
	_ =	sdelay $0x1  }
0x1b8: {  	v18 =	vadd.s32 v12, v16;
	_ =	sdelay $0x2  }
0x1b9: {  	v17 =	vmul.f32 $8.000000000e+00, v17;
	_ =	sdelay $0x1  }
0x1ba: {  	[tilespmem:v18+s12+$0x0] =	vst.idx.msk $0xffff, v17  }
0x1bb: {  	v17 =	vld [tilespmem:s26+$0xE410];
	_ =	sdelay $0x1  }
0x1bc: {  	v18 =	vadd.s32 v13, v16;
	_ =	sdelay $0x2  }
0x1bd: {  	v17 =	vmul.f32 $8.000000000e+00, v17;
	_ =	sdelay $0x1  }
0x1be: {  	[tilespmem:v18+s12+$0x0] =	vst.idx.msk $0xffff, v17  }
0x1bf: {  	v17 =	vld [tilespmem:s26+$0xE420];
	_ =	sdelay $0x1  }
0x1c0: {  	v18 =	vadd.s32 v14, v16;
	_ =	sdelay $0x2  }
0x1c1: {  	v17 =	vmul.f32 $8.000000000e+00, v17;
	_ =	sdelay $0x1  }
0x1c2: {  	[tilespmem:v18+s12+$0x0] =	vst.idx.msk $0xffff, v17  }
0x1c3: {  	v17 =	vld [tilespmem:s26+$0xE430];
	_ =	sdelay $0x1  }
0x1c4: {  	v16 =	vadd.s32 v15, v16;
	_ =	sdelay $0x2  }
0x1c5: {  	s16 =	simm.s32 $0x100;
	s22 =	simm.s32 $0x200;
	v17 =	vmul.f32 $8.000000000e+00, v17  }
.LBB2_20:
0x1c6: {  	s21 =	sshra.s32 s16, $0x2  }
0x1c7: {  	s14 =	sadd.s32 $0x1, s14;
	s16 =	smov.u32 s22;
	s20 =	sadd.s32 $0x100, s22;
	[tilespmem:v16+s12+$0x0] =	vst.idx.msk $0xffff, v17  }
0x1c8: {  	p0 =	sne.s32 s22, $0x7F00;
	v16 =	vmov s14;
	v17 =	vld [tilespmem:s21+$0x8400]  }
0x1c9: {  	v16 =	vand.u32 $0x7F, v16  }
0x1ca: {  	v18 =	vadd.s32 v0, v16;
	_ =	sdelay $0x2  }
0x1cb: {  	v17 =	vmul.f32 $8.000000000e+00, v17;
	_ =	sdelay $0x1  }
0x1cc: {  	[tilespmem:v18+s12+$0x0] =	vst.idx.msk $0xffff, v17  }
0x1cd: {  	v17 =	vld [tilespmem:s21+$0x8410];
	_ =	sdelay $0x1  }
0x1ce: {  	v18 =	vadd.s32 v1, v16;
	_ =	sdelay $0x2  }
0x1cf: {  	v17 =	vmul.f32 $8.000000000e+00, v17;
	_ =	sdelay $0x1  }
0x1d0: {  	[tilespmem:v18+s12+$0x0] =	vst.idx.msk $0xffff, v17  }
0x1d1: {  	v17 =	vld [tilespmem:s21+$0x8420];
	_ =	sdelay $0x1  }
0x1d2: {  	v18 =	vadd.s32 v2, v16;
	_ =	sdelay $0x2  }
0x1d3: {  	v17 =	vmul.f32 $8.000000000e+00, v17;
	_ =	sdelay $0x1  }
0x1d4: {  	[tilespmem:v18+s12+$0x0] =	vst.idx.msk $0xffff, v17  }
0x1d5: {  	v17 =	vld [tilespmem:s21+$0x8430];
	_ =	sdelay $0x1  }
0x1d6: {  	v18 =	vadd.s32 v3, v16;
	_ =	sdelay $0x2  }
0x1d7: {  	v17 =	vmul.f32 $8.000000000e+00, v17;
	_ =	sdelay $0x1  }
0x1d8: {  	[tilespmem:v18+s12+$0x0] =	vst.idx.msk $0xffff, v17  }
0x1d9: {  	v17 =	vld [tilespmem:s21+$0xA400];
	_ =	sdelay $0x1  }
0x1da: {  	v18 =	vadd.s32 v4, v16;
	_ =	sdelay $0x2  }
0x1db: {  	v17 =	vmul.f32 $8.000000000e+00, v17;
	_ =	sdelay $0x1  }
0x1dc: {  	[tilespmem:v18+s12+$0x0] =	vst.idx.msk $0xffff, v17  }
0x1dd: {  	v17 =	vld [tilespmem:s21+$0xA410];
	_ =	sdelay $0x1  }
0x1de: {  	v18 =	vadd.s32 v5, v16;
	_ =	sdelay $0x2  }
0x1df: {  	v17 =	vmul.f32 $8.000000000e+00, v17;
	_ =	sdelay $0x1  }
0x1e0: {  	[tilespmem:v18+s12+$0x0] =	vst.idx.msk $0xffff, v17  }
0x1e1: {  	v17 =	vld [tilespmem:s21+$0xA420];
	_ =	sdelay $0x1  }
0x1e2: {  	v18 =	vadd.s32 v6, v16;
	_ =	sdelay $0x2  }
0x1e3: {  	v17 =	vmul.f32 $8.000000000e+00, v17;
	_ =	sdelay $0x1  }
0x1e4: {  	[tilespmem:v18+s12+$0x0] =	vst.idx.msk $0xffff, v17  }
0x1e5: {  	v17 =	vld [tilespmem:s21+$0xA430];
	_ =	sdelay $0x1  }
0x1e6: {  	v18 =	vadd.s32 v7, v16;
	_ =	sdelay $0x2  }
0x1e7: {  	v17 =	vmul.f32 $8.000000000e+00, v17;
	_ =	sdelay $0x1  }
0x1e8: {  	[tilespmem:v18+s12+$0x0] =	vst.idx.msk $0xffff, v17  }
0x1e9: {  	v17 =	vld [tilespmem:s21+$0xC400];
	_ =	sdelay $0x1  }
0x1ea: {  	v18 =	vadd.s32 v8, v16;
	_ =	sdelay $0x2  }
0x1eb: {  	v17 =	vmul.f32 $8.000000000e+00, v17;
	_ =	sdelay $0x1  }
0x1ec: {  	[tilespmem:v18+s12+$0x0] =	vst.idx.msk $0xffff, v17  }
0x1ed: {  	v17 =	vld [tilespmem:s21+$0xC410];
	_ =	sdelay $0x1  }
0x1ee: {  	v18 =	vadd.s32 v9, v16;
	_ =	sdelay $0x2  }
0x1ef: {  	v17 =	vmul.f32 $8.000000000e+00, v17;
	_ =	sdelay $0x1  }
0x1f0: {  	[tilespmem:v18+s12+$0x0] =	vst.idx.msk $0xffff, v17  }
0x1f1: {  	v17 =	vld [tilespmem:s21+$0xC420];
	_ =	sdelay $0x1  }
0x1f2: {  	v18 =	vadd.s32 v10, v16;
	_ =	sdelay $0x2  }
0x1f3: {  	v17 =	vmul.f32 $8.000000000e+00, v17;
	_ =	sdelay $0x1  }
0x1f4: {  	[tilespmem:v18+s12+$0x0] =	vst.idx.msk $0xffff, v17  }
0x1f5: {  	v17 =	vld [tilespmem:s21+$0xC430];
	_ =	sdelay $0x1  }
0x1f6: {  	v18 =	vadd.s32 v11, v16;
	_ =	sdelay $0x2  }
0x1f7: {  	v17 =	vmul.f32 $8.000000000e+00, v17;
	_ =	sdelay $0x1  }
0x1f8: {  	[tilespmem:v18+s12+$0x0] =	vst.idx.msk $0xffff, v17  }
0x1f9: {  	v17 =	vld [tilespmem:s21+$0xE400];
	_ =	sdelay $0x1  }
0x1fa: {  	v18 =	vadd.s32 v12, v16;
	_ =	sdelay $0x2  }
0x1fb: {  	v17 =	vmul.f32 $8.000000000e+00, v17;
	_ =	sdelay $0x1  }
0x1fc: {  	[tilespmem:v18+s12+$0x0] =	vst.idx.msk $0xffff, v17  }
0x1fd: {  	v17 =	vld [tilespmem:s21+$0xE410];
	_ =	sdelay $0x1  }
0x1fe: {  	v18 =	vadd.s32 v13, v16;
	_ =	sdelay $0x2  }
0x1ff: {  	v17 =	vmul.f32 $8.000000000e+00, v17;
	_ =	sdelay $0x1  }
0x200: {  	[tilespmem:v18+s12+$0x0] =	vst.idx.msk $0xffff, v17  }
0x201: {  	v17 =	vld [tilespmem:s21+$0xE420];
	_ =	sdelay $0x1  }
0x202: {  	v18 =	vadd.s32 v14, v16;
	_ =	sdelay $0x2  }
0x203: {  	v17 =	vmul.f32 $8.000000000e+00, v17;
	_ =	sdelay $0x1  }
0x204: {  	[tilespmem:v18+s12+$0x0] =	vst.idx.msk $0xffff, v17  }
0x205: {  	v17 =	vld [tilespmem:s21+$0xE430]  }
.Ltmp9:
0x206: {  	(pc) =	sbr.rel @p0 .LBB2_20-.Ltmp9, $2  }
0x207: {  	v16 =	vadd.s32 v15, v16;
	_ =	sdelay $0x2  }
0x208: {  	s22 =	smov.u32 s20;
	v17 =	vmul.f32 $8.000000000e+00, v17  }
0x209: {  	_ =	sdelay $0x3  }
0x20a: {  	s16 =	sshra.s32 s16, $0x2;
	s14 =	sadd.s32 $0x1, s14;
	[tilespmem:v16+s12+$0x0] =	vst.idx.msk $0xffff, v17  }
0x20b: {  	v16 =	vmov s14;
	v17 =	vld [tilespmem:s16+$0x8400]  }
0x20c: {  	v16 =	vand.u32 $0x7F, v16  }
0x20d: {  	v18 =	vadd.s32 v0, v16;
	_ =	sdelay $0x2  }
0x20e: {  	v17 =	vmul.f32 $8.000000000e+00, v17;
	_ =	sdelay $0x1  }
0x20f: {  	[tilespmem:v18+s12+$0x0] =	vst.idx.msk $0xffff, v17  }
0x210: {  	v17 =	vld [tilespmem:s16+$0x8410];
	_ =	sdelay $0x1  }
0x211: {  	v50 =	vadd.s32 v1, v16;
	_ =	sdelay $0x2  }
0x212: {  	v17 =	vmul.f32 $8.000000000e+00, v17;
	_ =	sdelay $0x1  }
0x213: {  	[tilespmem:v50+s12+$0x0] =	vst.idx.msk $0xffff, v17  }
0x214: {  	v17 =	vld [tilespmem:s16+$0x8420];
	_ =	sdelay $0x1  }
0x215: {  	v51 =	vadd.s32 v2, v16;
	_ =	sdelay $0x2  }
0x216: {  	v17 =	vmul.f32 $8.000000000e+00, v17;
	_ =	sdelay $0x1  }
0x217: {  	[tilespmem:v51+s12+$0x0] =	vst.idx.msk $0xffff, v17  }
0x218: {  	v17 =	vld [tilespmem:s16+$0x8430];
	_ =	sdelay $0x1  }
0x219: {  	v52 =	vadd.s32 v3, v16;
	_ =	sdelay $0x2  }
0x21a: {  	v17 =	vmul.f32 $8.000000000e+00, v17;
	_ =	sdelay $0x1  }
0x21b: {  	[tilespmem:v52+s12+$0x0] =	vst.idx.msk $0xffff, v17  }
0x21c: {  	v17 =	vld [tilespmem:s16+$0xA400];
	_ =	sdelay $0x1  }
0x21d: {  	v53 =	vadd.s32 v4, v16;
	_ =	sdelay $0x2  }
0x21e: {  	v17 =	vmul.f32 $8.000000000e+00, v17;
	_ =	sdelay $0x1  }
0x21f: {  	[tilespmem:v53+s12+$0x0] =	vst.idx.msk $0xffff, v17  }
0x220: {  	v17 =	vld [tilespmem:s16+$0xA410];
	_ =	sdelay $0x1  }
0x221: {  	v54 =	vadd.s32 v5, v16;
	_ =	sdelay $0x2  }
0x222: {  	v17 =	vmul.f32 $8.000000000e+00, v17;
	_ =	sdelay $0x1  }
0x223: {  	[tilespmem:v54+s12+$0x0] =	vst.idx.msk $0xffff, v17  }
0x224: {  	v17 =	vld [tilespmem:s16+$0xA420];
	_ =	sdelay $0x1  }
0x225: {  	v55 =	vadd.s32 v6, v16;
	_ =	sdelay $0x2  }
0x226: {  	v17 =	vmul.f32 $8.000000000e+00, v17;
	_ =	sdelay $0x1  }
0x227: {  	[tilespmem:v55+s12+$0x0] =	vst.idx.msk $0xffff, v17  }
0x228: {  	v17 =	vld [tilespmem:s16+$0xA430];
	_ =	sdelay $0x1  }
0x229: {  	v56 =	vadd.s32 v7, v16;
	_ =	sdelay $0x2  }
0x22a: {  	v17 =	vmul.f32 $8.000000000e+00, v17;
	_ =	sdelay $0x1  }
0x22b: {  	[tilespmem:v56+s12+$0x0] =	vst.idx.msk $0xffff, v17  }
0x22c: {  	v17 =	vld [tilespmem:s16+$0xC400];
	_ =	sdelay $0x1  }
0x22d: {  	v57 =	vadd.s32 v8, v16;
	_ =	sdelay $0x2  }
0x22e: {  	v17 =	vmul.f32 $8.000000000e+00, v17;
	_ =	sdelay $0x1  }
0x22f: {  	[tilespmem:v57+s12+$0x0] =	vst.idx.msk $0xffff, v17  }
0x230: {  	v17 =	vld [tilespmem:s16+$0xC410];
	_ =	sdelay $0x1  }
0x231: {  	v58 =	vadd.s32 v9, v16;
	_ =	sdelay $0x2  }
0x232: {  	v17 =	vmul.f32 $8.000000000e+00, v17;
	_ =	sdelay $0x1  }
0x233: {  	[tilespmem:v58+s12+$0x0] =	vst.idx.msk $0xffff, v17  }
0x234: {  	v17 =	vld [tilespmem:s16+$0xC420];
	_ =	sdelay $0x1  }
0x235: {  	v59 =	vadd.s32 v10, v16;
	_ =	sdelay $0x2  }
0x236: {  	v17 =	vmul.f32 $8.000000000e+00, v17;
	_ =	sdelay $0x1  }
0x237: {  	[tilespmem:v59+s12+$0x0] =	vst.idx.msk $0xffff, v17  }
0x238: {  	v17 =	vld [tilespmem:s16+$0xC430];
	_ =	sdelay $0x1  }
0x239: {  	v60 =	vadd.s32 v11, v16;
	_ =	sdelay $0x2  }
0x23a: {  	v17 =	vmul.f32 $8.000000000e+00, v17;
	_ =	sdelay $0x1  }
0x23b: {  	[tilespmem:v60+s12+$0x0] =	vst.idx.msk $0xffff, v17  }
0x23c: {  	v17 =	vld [tilespmem:s16+$0xE400];
	_ =	sdelay $0x1  }
0x23d: {  	v61 =	vadd.s32 v12, v16;
	_ =	sdelay $0x2  }
0x23e: {  	v17 =	vmul.f32 $8.000000000e+00, v17;
	_ =	sdelay $0x1  }
0x23f: {  	[tilespmem:v61+s12+$0x0] =	vst.idx.msk $0xffff, v17  }
0x240: {  	v17 =	vld [tilespmem:s16+$0xE410];
	_ =	sdelay $0x1  }
0x241: {  	v62 =	vadd.s32 v13, v16;
	_ =	sdelay $0x2  }
0x242: {  	v17 =	vmul.f32 $8.000000000e+00, v17;
	_ =	sdelay $0x1  }
0x243: {  	[tilespmem:v62+s12+$0x0] =	vst.idx.msk $0xffff, v17  }
0x244: {  	v17 =	vld [tilespmem:s16+$0xE420];
	_ =	sdelay $0x1  }
0x245: {  	v63 =	vadd.s32 v14, v16;
	_ =	sdelay $0x2  }
0x246: {  	v17 =	vmul.f32 $8.000000000e+00, v17;
	_ =	sdelay $0x1  }
0x247: {  	[tilespmem:v63+s12+$0x0] =	vst.idx.msk $0xffff, v17  }
0x248: {  	v17 =	vld [tilespmem:s16+$0xE430];
	_ =	sdelay $0x1  }
0x249: {  	v16 =	vadd.s32 v15, v16;
	_ =	sdelay $0x2  }
0x24a: {  	v17 =	vmul.f32 $8.000000000e+00, v17  }
0x24b: {  	s22 =	rddreg [dreg:$0x18];
	s20 =	simm.s32 $0x10488  }
0x24c: {  	s14 =	simm.s32 $0x10400;
	s21 =	sadd.s32 $0x0, s22;
	s16 =	simm.s32 $0x10;
	[tilespmem:v16+s12+$0x0] =	vst.idx.msk $0xffff, v17  }
.LBB2_22:
0x24d: {  	[hbm4b:s21+s3] =	stream.linear.scatter [tilespmem:s14], [sflag:$0x3], $0x80, $0x38;
	[tilespmem:$0x18C00] =	vst v63  }
0x24e: {  	s21 =	smov.u32 s16;
	s14 =	smov.u32 s20;
	p0 =	sne.s32 s16, $0x1F0  }
.Ltmp10:
0x24f: {  	s16 =	sadd.s32 $0x10, s16;
	(pc) =	sbr.rel @p0 .LBB2_22-.Ltmp10, $2  }
0x250: {  	_ =	sdelay $0x2  }
0x251: {  	s20 =	sadd.s32 $0x88, s20;
	s21 =	sadd.s32 s21, s22  }
0x252: {  	[hbm4b:s21+s3] =	stream.linear.scatter [tilespmem:s14], [sflag:$0x3], $0x80, $0x38;
	[tilespmem:$0x18C00] =	vst v63  }
0x253: {  	s14 =	simm.s32 $0x11500;
	s22 =	rddreg [dreg:$0x19]  }
0x254: {  	s16 =	simm.s32 $0x10;
	s20 =	simm.s32 $0x11588;
	s21 =	sadd.s32 $0x0, s22  }
.LBB2_24:
0x255: {  	[hbm4b:s21+s3] =	stream.linear.scatter [tilespmem:s14], [sflag:$0x3], $0x80, $0x38;
	[tilespmem:$0x18C00] =	vst v63  }
0x256: {  	s21 =	smov.u32 s16;
	s14 =	smov.u32 s20;
	p0 =	sne.s32 s16, $0x1F0  }
.Ltmp11:
0x257: {  	s16 =	sadd.s32 $0x10, s16;
	(pc) =	sbr.rel @p0 .LBB2_24-.Ltmp11, $2  }
0x258: {  	_ =	sdelay $0x2  }
0x259: {  	s20 =	sadd.s32 $0x88, s20;
	s21 =	sadd.s32 s21, s22  }
0x25a: {  	[hbm4b:s21+s3] =	stream.linear.scatter [tilespmem:s14], [sflag:$0x3], $0x80, $0x38;
	[tilespmem:$0x18C00] =	vst v63  }
0x25b: {  	s14 =	simm.s32 $0x12600  }
0x25c: {  	s16 =	simm.s32 $0x10;
	s21 =	sadd.s32 $0x0, s28;
	s20 =	simm.s32 $0x12688  }
.LBB2_26:
0x25d: {  	[hbm4b:s21+s3] =	stream.linear.scatter [tilespmem:s14], [sflag:$0x3], $0x80, $0x38;
	[tilespmem:$0x18C00] =	vst v63  }
0x25e: {  	s21 =	smov.u32 s16;
	s14 =	smov.u32 s20;
	p0 =	sne.s32 s16, $0x1F0  }
.Ltmp12:
0x25f: {  	s16 =	sadd.s32 $0x10, s16;
	(pc) =	sbr.rel @p0 .LBB2_26-.Ltmp12, $2  }
0x260: {  	_ =	sdelay $0x2  }
0x261: {  	s20 =	sadd.s32 $0x88, s20;
	s21 =	sadd.s32 s21, s28  }
0x262: {  	[hbm4b:s21+s3] =	stream.linear.scatter [tilespmem:s14], [sflag:$0x3], $0x80, $0x38;
	[tilespmem:$0x18C00] =	vst v63  }
0x263: {  	s14 =	simm.s32 $0x13700  }
0x264: {  	s16 =	simm.s32 $0x10;
	s21 =	sadd.s32 $0x0, s29;
	s20 =	simm.s32 $0x13788  }
.LBB2_28:
0x265: {  	[hbm4b:s21+s3] =	stream.linear.scatter [tilespmem:s14], [sflag:$0x3], $0x80, $0x38;
	[tilespmem:$0x18C00] =	vst v63  }
0x266: {  	s21 =	smov.u32 s16;
	s14 =	smov.u32 s20;
	p0 =	sne.s32 s16, $0x1F0  }
.Ltmp13:
0x267: {  	s16 =	sadd.s32 $0x10, s16;
	(pc) =	sbr.rel @p0 .LBB2_28-.Ltmp13, $2  }
0x268: {  	_ =	sdelay $0x2  }
0x269: {  	s20 =	sadd.s32 $0x88, s20;
	s21 =	sadd.s32 s21, s29  }
0x26a: {  	[hbm4b:s21+s3] =	stream.linear.scatter [tilespmem:s14], [sflag:$0x3], $0x80, $0x38;
	[tilespmem:$0x18C00] =	vst v63  }
0x26b: {  	s14 =	simm.s32 $0x14800  }
0x26c: {  	s16 =	simm.s32 $0x10;
	s21 =	sadd.s32 $0x0, s30;
	s20 =	simm.s32 $0x14888  }
.LBB2_30:
0x26d: {  	[hbm4b:s21+s3] =	stream.linear.scatter [tilespmem:s14], [sflag:$0x3], $0x80, $0x38;
	[tilespmem:$0x18C00] =	vst v63  }
0x26e: {  	s21 =	smov.u32 s16;
	s14 =	smov.u32 s20;
	p0 =	sne.s32 s16, $0x1F0  }
.Ltmp14:
0x26f: {  	s16 =	sadd.s32 $0x10, s16;
	(pc) =	sbr.rel @p0 .LBB2_30-.Ltmp14, $2  }
0x270: {  	_ =	sdelay $0x2  }
0x271: {  	s20 =	sadd.s32 $0x88, s20;
	s21 =	sadd.s32 s21, s30  }
0x272: {  	[hbm4b:s21+s3] =	stream.linear.scatter [tilespmem:s14], [sflag:$0x3], $0x80, $0x38;
	[tilespmem:$0x18C00] =	vst v63  }
0x273: {  	s14 =	simm.s32 $0x15900  }
0x274: {  	s16 =	simm.s32 $0x10;
	s21 =	sadd.s32 $0x0, s31;
	s20 =	simm.s32 $0x15988  }
.LBB2_32:
0x275: {  	[hbm4b:s21+s3] =	stream.linear.scatter [tilespmem:s14], [sflag:$0x3], $0x80, $0x38;
	[tilespmem:$0x18C00] =	vst v63  }
0x276: {  	s21 =	smov.u32 s16;
	s14 =	smov.u32 s20;
	p0 =	sne.s32 s16, $0x1F0  }
.Ltmp15:
0x277: {  	s16 =	sadd.s32 $0x10, s16;
	(pc) =	sbr.rel @p0 .LBB2_32-.Ltmp15, $2  }
0x278: {  	_ =	sdelay $0x2  }
0x279: {  	s20 =	sadd.s32 $0x88, s20;
	s21 =	sadd.s32 s21, s31  }
0x27a: {  	[hbm4b:s21+s3] =	stream.linear.scatter [tilespmem:s14], [sflag:$0x3], $0x80, $0x38;
	[tilespmem:$0x18C00] =	vst v63  }
0x27b: {  	s14 =	simm.s32 $0x16A00  }
0x27c: {  	s16 =	simm.s32 $0x10;
	s21 =	sadd.s32 $0x0, s1;
	s20 =	simm.s32 $0x16A88  }
.LBB2_34:
0x27d: {  	[hbm4b:s21+s3] =	stream.linear.scatter [tilespmem:s14], [sflag:$0x3], $0x80, $0x38;
	[tilespmem:$0x18C00] =	vst v63  }
0x27e: {  	s21 =	smov.u32 s16;
	s14 =	smov.u32 s20;
	p0 =	sne.s32 s16, $0x1F0  }
.Ltmp16:
0x27f: {  	s16 =	sadd.s32 $0x10, s16;
	(pc) =	sbr.rel @p0 .LBB2_34-.Ltmp16, $2  }
0x280: {  	_ =	sdelay $0x2  }
0x281: {  	s20 =	sadd.s32 $0x88, s20;
	s21 =	sadd.s32 s21, s1  }
0x282: {  	[hbm4b:s21+s3] =	stream.linear.scatter [tilespmem:s14], [sflag:$0x3], $0x80, $0x38;
	[tilespmem:$0x18C00] =	vst v63  }
0x283: {  	s14 =	simm.s32 $0x0;
	s16 =	simm.s32 $0x17B00  }
0x284: {  	s20 =	simm.s32 $0x10;
	s22 =	sadd.s32 $0x0, s0;
	s21 =	simm.s32 $0x17B88  }
.LBB2_36:
0x285: {  	[hbm4b:s22+s14] =	stream.linear.scatter [tilespmem:s16], [sflag:$0x3], $0x80, $0x38;
	[tilespmem:$0x18C00] =	vst v63  }
0x286: {  	s22 =	smov.u32 s20;
	s16 =	smov.u32 s21;
	p0 =	sne.s32 s20, $0x1F0  }
.Ltmp17:
0x287: {  	s20 =	sadd.s32 $0x10, s20;
	(pc) =	sbr.rel @p0 .LBB2_36-.Ltmp17, $2  }
0x288: {  	_ =	sdelay $0x2  }
0x289: {  	s21 =	sadd.s32 $0x88, s21;
	s22 =	sadd.s32 s22, s0  }
0x28a: {  	[hbm4b:s22+s14] =	stream.linear.scatter [tilespmem:s16], [sflag:$0x3], $0x80, $0x38;
	[tilespmem:$0x18C00] =	vst v63  }
.LBB2_38:
0x28b: {  	s16 =	simm.s32 $0x4  }
0x28c: {  	_ =	swait.ge [sflag:s16], $0x200  }
0x28d: {  	s20 =	simm.s32 $0x100;
	s21 =	simm.s32 $0x200;
	[sflag:s16] =	ssyncset.done $0x0  }
0x28e: {  	s22 =	simm.s32 $0x8400;
	[sflag:s16] =	ssyncadd.s32 $0xFFFFFE00;
	s16 =	rddreg [dreg:$0x3]  }
0x28f: {  	[tilespmem:s22], [sflag:$0x2] =	stream.indirect.gather [hbm4b:s16+s20], $0x40, s21, s20, $0xb8;
	[tilespmem:$0x18C00] =	vst v63  }
0x290: {  	s25 =	simm.s32 $0xC400;
	s22 =	simm.s32 $0x300  }
0x291: {  	[tilespmem:s25], [sflag:$0x2] =	stream.indirect.gather [hbm4b:s16+s20], $0x40, s22, s20, $0xb8;
	[tilespmem:$0x18C00] =	vst v63  }
0x292: {  	s26 =	sshll.u32 s14, $0x1;
	s22 =	rddreg [dreg:$0x1a]  }
0x293: {  	s25 =	simm.s32 $0x1;
	s16 =	sadd.s32 s26, s22  }
0x294: {  	_ =	swait.ge [sflag:s25], $0x8000;
	s22 =	simm.s32 $0x3;
	s16 =	sshll.u32 s16, $0x6  }
0x295: {  	[sflag:s25] =	ssyncset.done $0x0;
	s21 =	rddreg [dreg:$0x4];
	s16 =	sand.u32 $0x1FFFFF80, s16  }
0x296: {  	[sflag:s25] =	ssyncadd.s32 $0xFFFF8000;
	s20 =	sadd.s32 s21, s16;
	s16 =	simm.s32 $0x0  }
0x297: {  	[tilespmem:s16], [sflag:$0x4] =	stream.linear.gather [hbm4b:s20+s16], $0x200, $0x38;
	[tilespmem:$0x18C00] =	vst v63  }
0x298: {  	_ =	swait.ge [sflag:s22], $0x8000  }
0x299: {  	[sflag:s22] =	ssyncset.done $0x0  }
0x29a: {  	s25 =	simm.s32 $0x0;
	[sflag:s22] =	ssyncadd.s32 $0xFFFF8000  }
0x29b: {  	v16 =	vmov s16;
	v17 =	vld [tilespmem:s25+$0x400]  }
0x29c: {  	v16 =	vand.u32 $0x7F, v16  }
0x29d: {  	v18 =	vadd.s32 v0, v16;
	_ =	sdelay $0x2  }
0x29e: {  	v17 =	vmul.f32 $8.000000000e+00, v17;
	_ =	sdelay $0x1  }
0x29f: {  	[tilespmem:v18+s12+$0x0] =	vst.idx.msk $0xffff, v17  }
0x2a0: {  	v17 =	vld [tilespmem:s25+$0x410];
	_ =	sdelay $0x1  }
0x2a1: {  	v18 =	vadd.s32 v1, v16;
	_ =	sdelay $0x2  }
0x2a2: {  	v17 =	vmul.f32 $8.000000000e+00, v17;
	_ =	sdelay $0x1  }
0x2a3: {  	[tilespmem:v18+s12+$0x0] =	vst.idx.msk $0xffff, v17  }
0x2a4: {  	v17 =	vld [tilespmem:s25+$0x420];
	_ =	sdelay $0x1  }
0x2a5: {  	v18 =	vadd.s32 v2, v16;
	_ =	sdelay $0x2  }
0x2a6: {  	v17 =	vmul.f32 $8.000000000e+00, v17;
	_ =	sdelay $0x1  }
0x2a7: {  	[tilespmem:v18+s12+$0x0] =	vst.idx.msk $0xffff, v17  }
0x2a8: {  	v17 =	vld [tilespmem:s25+$0x430];
	_ =	sdelay $0x1  }
0x2a9: {  	v18 =	vadd.s32 v3, v16;
	_ =	sdelay $0x2  }
0x2aa: {  	v17 =	vmul.f32 $8.000000000e+00, v17;
	_ =	sdelay $0x1  }
0x2ab: {  	[tilespmem:v18+s12+$0x0] =	vst.idx.msk $0xffff, v17  }
0x2ac: {  	v17 =	vld [tilespmem:s25+$0x2400];
	_ =	sdelay $0x1  }
0x2ad: {  	v18 =	vadd.s32 v4, v16;
	_ =	sdelay $0x2  }
0x2ae: {  	v17 =	vmul.f32 $8.000000000e+00, v17;
	_ =	sdelay $0x1  }
0x2af: {  	[tilespmem:v18+s12+$0x0] =	vst.idx.msk $0xffff, v17  }
0x2b0: {  	v17 =	vld [tilespmem:s25+$0x2410];
	_ =	sdelay $0x1  }
0x2b1: {  	v18 =	vadd.s32 v5, v16;
	_ =	sdelay $0x2  }
0x2b2: {  	v17 =	vmul.f32 $8.000000000e+00, v17;
	_ =	sdelay $0x1  }
0x2b3: {  	[tilespmem:v18+s12+$0x0] =	vst.idx.msk $0xffff, v17  }
0x2b4: {  	v17 =	vld [tilespmem:s25+$0x2420];
	_ =	sdelay $0x1  }
0x2b5: {  	v18 =	vadd.s32 v6, v16;
	_ =	sdelay $0x2  }
0x2b6: {  	v17 =	vmul.f32 $8.000000000e+00, v17;
	_ =	sdelay $0x1  }
0x2b7: {  	[tilespmem:v18+s12+$0x0] =	vst.idx.msk $0xffff, v17  }
0x2b8: {  	v17 =	vld [tilespmem:s25+$0x2430];
	_ =	sdelay $0x1  }
0x2b9: {  	v18 =	vadd.s32 v7, v16;
	_ =	sdelay $0x2  }
0x2ba: {  	v17 =	vmul.f32 $8.000000000e+00, v17;
	_ =	sdelay $0x1  }
0x2bb: {  	[tilespmem:v18+s12+$0x0] =	vst.idx.msk $0xffff, v17  }
0x2bc: {  	v17 =	vld [tilespmem:s25+$0x4400];
	_ =	sdelay $0x1  }
0x2bd: {  	v18 =	vadd.s32 v8, v16;
	_ =	sdelay $0x2  }
0x2be: {  	v17 =	vmul.f32 $8.000000000e+00, v17;
	_ =	sdelay $0x1  }
0x2bf: {  	[tilespmem:v18+s12+$0x0] =	vst.idx.msk $0xffff, v17  }
0x2c0: {  	v17 =	vld [tilespmem:s25+$0x4410];
	_ =	sdelay $0x1  }
0x2c1: {  	v18 =	vadd.s32 v9, v16;
	_ =	sdelay $0x2  }
0x2c2: {  	v17 =	vmul.f32 $8.000000000e+00, v17;
	_ =	sdelay $0x1  }
0x2c3: {  	[tilespmem:v18+s12+$0x0] =	vst.idx.msk $0xffff, v17  }
0x2c4: {  	v17 =	vld [tilespmem:s25+$0x4420];
	_ =	sdelay $0x1  }
0x2c5: {  	v18 =	vadd.s32 v10, v16;
	_ =	sdelay $0x2  }
0x2c6: {  	v17 =	vmul.f32 $8.000000000e+00, v17;
	_ =	sdelay $0x1  }
0x2c7: {  	[tilespmem:v18+s12+$0x0] =	vst.idx.msk $0xffff, v17  }
0x2c8: {  	v17 =	vld [tilespmem:s25+$0x4430];
	_ =	sdelay $0x1  }
0x2c9: {  	v18 =	vadd.s32 v11, v16;
	_ =	sdelay $0x2  }
0x2ca: {  	v17 =	vmul.f32 $8.000000000e+00, v17;
	_ =	sdelay $0x1  }
0x2cb: {  	[tilespmem:v18+s12+$0x0] =	vst.idx.msk $0xffff, v17  }
0x2cc: {  	v17 =	vld [tilespmem:s25+$0x6400];
	_ =	sdelay $0x1  }
0x2cd: {  	v18 =	vadd.s32 v12, v16;
	_ =	sdelay $0x2  }
0x2ce: {  	v17 =	vmul.f32 $8.000000000e+00, v17;
	_ =	sdelay $0x1  }
0x2cf: {  	[tilespmem:v18+s12+$0x0] =	vst.idx.msk $0xffff, v17  }
0x2d0: {  	v17 =	vld [tilespmem:s25+$0x6410];
	_ =	sdelay $0x1  }
0x2d1: {  	v18 =	vadd.s32 v13, v16;
	_ =	sdelay $0x2  }
0x2d2: {  	v17 =	vmul.f32 $8.000000000e+00, v17;
	_ =	sdelay $0x1  }
0x2d3: {  	[tilespmem:v18+s12+$0x0] =	vst.idx.msk $0xffff, v17  }
0x2d4: {  	v17 =	vld [tilespmem:s25+$0x6420];
	_ =	sdelay $0x1  }
0x2d5: {  	v18 =	vadd.s32 v14, v16;
	_ =	sdelay $0x2  }
0x2d6: {  	v17 =	vmul.f32 $8.000000000e+00, v17;
	_ =	sdelay $0x1  }
0x2d7: {  	[tilespmem:v18+s12+$0x0] =	vst.idx.msk $0xffff, v17  }
0x2d8: {  	v17 =	vld [tilespmem:s25+$0x6430];
	_ =	sdelay $0x1  }
0x2d9: {  	v16 =	vadd.s32 v15, v16;
	_ =	sdelay $0x2  }
0x2da: {  	s20 =	simm.s32 $0x100;
	s25 =	simm.s32 $0x200;
	v17 =	vmul.f32 $8.000000000e+00, v17  }
.LBB2_39:
0x2db: {  	s22 =	sshra.s32 s20, $0x2  }
0x2dc: {  	s16 =	sadd.s32 $0x1, s16;
	s20 =	smov.u32 s25;
	s21 =	sadd.s32 $0x100, s25;
	[tilespmem:v16+s12+$0x0] =	vst.idx.msk $0xffff, v17  }
0x2dd: {  	p0 =	sne.s32 s25, $0x7F00;
	v16 =	vmov s16;
	v17 =	vld [tilespmem:s22+$0x400]  }
0x2de: {  	v16 =	vand.u32 $0x7F, v16  }
0x2df: {  	v18 =	vadd.s32 v0, v16;
	_ =	sdelay $0x2  }
0x2e0: {  	v17 =	vmul.f32 $8.000000000e+00, v17;
	_ =	sdelay $0x1  }
0x2e1: {  	[tilespmem:v18+s12+$0x0] =	vst.idx.msk $0xffff, v17  }
0x2e2: {  	v17 =	vld [tilespmem:s22+$0x410];
	_ =	sdelay $0x1  }
0x2e3: {  	v18 =	vadd.s32 v1, v16;
	_ =	sdelay $0x2  }
0x2e4: {  	v17 =	vmul.f32 $8.000000000e+00, v17;
	_ =	sdelay $0x1  }
0x2e5: {  	[tilespmem:v18+s12+$0x0] =	vst.idx.msk $0xffff, v17  }
0x2e6: {  	v17 =	vld [tilespmem:s22+$0x420];
	_ =	sdelay $0x1  }
0x2e7: {  	v18 =	vadd.s32 v2, v16;
	_ =	sdelay $0x2  }
0x2e8: {  	v17 =	vmul.f32 $8.000000000e+00, v17;
	_ =	sdelay $0x1  }
0x2e9: {  	[tilespmem:v18+s12+$0x0] =	vst.idx.msk $0xffff, v17  }
0x2ea: {  	v17 =	vld [tilespmem:s22+$0x430];
	_ =	sdelay $0x1  }
0x2eb: {  	v18 =	vadd.s32 v3, v16;
	_ =	sdelay $0x2  }
0x2ec: {  	v17 =	vmul.f32 $8.000000000e+00, v17;
	_ =	sdelay $0x1  }
0x2ed: {  	[tilespmem:v18+s12+$0x0] =	vst.idx.msk $0xffff, v17  }
0x2ee: {  	v17 =	vld [tilespmem:s22+$0x2400];
	_ =	sdelay $0x1  }
0x2ef: {  	v18 =	vadd.s32 v4, v16;
	_ =	sdelay $0x2  }
0x2f0: {  	v17 =	vmul.f32 $8.000000000e+00, v17;
	_ =	sdelay $0x1  }
0x2f1: {  	[tilespmem:v18+s12+$0x0] =	vst.idx.msk $0xffff, v17  }
0x2f2: {  	v17 =	vld [tilespmem:s22+$0x2410];
	_ =	sdelay $0x1  }
0x2f3: {  	v18 =	vadd.s32 v5, v16;
	_ =	sdelay $0x2  }
0x2f4: {  	v17 =	vmul.f32 $8.000000000e+00, v17;
	_ =	sdelay $0x1  }
0x2f5: {  	[tilespmem:v18+s12+$0x0] =	vst.idx.msk $0xffff, v17  }
0x2f6: {  	v17 =	vld [tilespmem:s22+$0x2420];
	_ =	sdelay $0x1  }
0x2f7: {  	v18 =	vadd.s32 v6, v16;
	_ =	sdelay $0x2  }
0x2f8: {  	v17 =	vmul.f32 $8.000000000e+00, v17;
	_ =	sdelay $0x1  }
0x2f9: {  	[tilespmem:v18+s12+$0x0] =	vst.idx.msk $0xffff, v17  }
0x2fa: {  	v17 =	vld [tilespmem:s22+$0x2430];
	_ =	sdelay $0x1  }
0x2fb: {  	v18 =	vadd.s32 v7, v16;
	_ =	sdelay $0x2  }
0x2fc: {  	v17 =	vmul.f32 $8.000000000e+00, v17;
	_ =	sdelay $0x1  }
0x2fd: {  	[tilespmem:v18+s12+$0x0] =	vst.idx.msk $0xffff, v17  }
0x2fe: {  	v17 =	vld [tilespmem:s22+$0x4400];
	_ =	sdelay $0x1  }
0x2ff: {  	v18 =	vadd.s32 v8, v16;
	_ =	sdelay $0x2  }
0x300: {  	v17 =	vmul.f32 $8.000000000e+00, v17;
	_ =	sdelay $0x1  }
0x301: {  	[tilespmem:v18+s12+$0x0] =	vst.idx.msk $0xffff, v17  }
0x302: {  	v17 =	vld [tilespmem:s22+$0x4410];
	_ =	sdelay $0x1  }
0x303: {  	v18 =	vadd.s32 v9, v16;
	_ =	sdelay $0x2  }
0x304: {  	v17 =	vmul.f32 $8.000000000e+00, v17;
	_ =	sdelay $0x1  }
0x305: {  	[tilespmem:v18+s12+$0x0] =	vst.idx.msk $0xffff, v17  }
0x306: {  	v17 =	vld [tilespmem:s22+$0x4420];
	_ =	sdelay $0x1  }
0x307: {  	v18 =	vadd.s32 v10, v16;
	_ =	sdelay $0x2  }
0x308: {  	v17 =	vmul.f32 $8.000000000e+00, v17;
	_ =	sdelay $0x1  }
0x309: {  	[tilespmem:v18+s12+$0x0] =	vst.idx.msk $0xffff, v17  }
0x30a: {  	v17 =	vld [tilespmem:s22+$0x4430];
	_ =	sdelay $0x1  }
0x30b: {  	v18 =	vadd.s32 v11, v16;
	_ =	sdelay $0x2  }
0x30c: {  	v17 =	vmul.f32 $8.000000000e+00, v17;
	_ =	sdelay $0x1  }
0x30d: {  	[tilespmem:v18+s12+$0x0] =	vst.idx.msk $0xffff, v17  }
0x30e: {  	v17 =	vld [tilespmem:s22+$0x6400];
	_ =	sdelay $0x1  }
0x30f: {  	v18 =	vadd.s32 v12, v16;
	_ =	sdelay $0x2  }
0x310: {  	v17 =	vmul.f32 $8.000000000e+00, v17;
	_ =	sdelay $0x1  }
0x311: {  	[tilespmem:v18+s12+$0x0] =	vst.idx.msk $0xffff, v17  }
0x312: {  	v17 =	vld [tilespmem:s22+$0x6410];
	_ =	sdelay $0x1  }
0x313: {  	v18 =	vadd.s32 v13, v16;
	_ =	sdelay $0x2  }
0x314: {  	v17 =	vmul.f32 $8.000000000e+00, v17;
	_ =	sdelay $0x1  }
0x315: {  	[tilespmem:v18+s12+$0x0] =	vst.idx.msk $0xffff, v17  }
0x316: {  	v17 =	vld [tilespmem:s22+$0x6420];
	_ =	sdelay $0x1  }
0x317: {  	v18 =	vadd.s32 v14, v16;
	_ =	sdelay $0x2  }
0x318: {  	v17 =	vmul.f32 $8.000000000e+00, v17;
	_ =	sdelay $0x1  }
0x319: {  	[tilespmem:v18+s12+$0x0] =	vst.idx.msk $0xffff, v17  }
0x31a: {  	v17 =	vld [tilespmem:s22+$0x6430]  }
.Ltmp18:
0x31b: {  	(pc) =	sbr.rel @p0 .LBB2_39-.Ltmp18, $2  }
0x31c: {  	v16 =	vadd.s32 v15, v16;
	_ =	sdelay $0x2  }
0x31d: {  	s25 =	smov.u32 s21;
	v17 =	vmul.f32 $8.000000000e+00, v17  }
0x31e: {  	_ =	sdelay $0x3  }
0x31f: {  	s20 =	sshra.s32 s20, $0x2;
	s16 =	sadd.s32 $0x1, s16;
	[tilespmem:v16+s12+$0x0] =	vst.idx.msk $0xffff, v17  }
0x320: {  	v16 =	vmov s16;
	v17 =	vld [tilespmem:s20+$0x400]  }
0x321: {  	v16 =	vand.u32 $0x7F, v16  }
0x322: {  	v18 =	vadd.s32 v0, v16;
	_ =	sdelay $0x2  }
0x323: {  	v17 =	vmul.f32 $8.000000000e+00, v17;
	_ =	sdelay $0x1  }
0x324: {  	[tilespmem:v18+s12+$0x0] =	vst.idx.msk $0xffff, v17  }
0x325: {  	v17 =	vld [tilespmem:s20+$0x410];
	_ =	sdelay $0x1  }
0x326: {  	v50 =	vadd.s32 v1, v16;
	_ =	sdelay $0x2  }
0x327: {  	v17 =	vmul.f32 $8.000000000e+00, v17;
	_ =	sdelay $0x1  }
0x328: {  	[tilespmem:v50+s12+$0x0] =	vst.idx.msk $0xffff, v17  }
0x329: {  	v17 =	vld [tilespmem:s20+$0x420];
	_ =	sdelay $0x1  }
0x32a: {  	v51 =	vadd.s32 v2, v16;
	_ =	sdelay $0x2  }
0x32b: {  	v17 =	vmul.f32 $8.000000000e+00, v17;
	_ =	sdelay $0x1  }
0x32c: {  	[tilespmem:v51+s12+$0x0] =	vst.idx.msk $0xffff, v17  }
0x32d: {  	v17 =	vld [tilespmem:s20+$0x430];
	_ =	sdelay $0x1  }
0x32e: {  	v52 =	vadd.s32 v3, v16;
	_ =	sdelay $0x2  }
0x32f: {  	v17 =	vmul.f32 $8.000000000e+00, v17;
	_ =	sdelay $0x1  }
0x330: {  	[tilespmem:v52+s12+$0x0] =	vst.idx.msk $0xffff, v17  }
0x331: {  	v17 =	vld [tilespmem:s20+$0x2400];
	_ =	sdelay $0x1  }
0x332: {  	v53 =	vadd.s32 v4, v16;
	_ =	sdelay $0x2  }
0x333: {  	v17 =	vmul.f32 $8.000000000e+00, v17;
	_ =	sdelay $0x1  }
0x334: {  	[tilespmem:v53+s12+$0x0] =	vst.idx.msk $0xffff, v17  }
0x335: {  	v17 =	vld [tilespmem:s20+$0x2410];
	_ =	sdelay $0x1  }
0x336: {  	v54 =	vadd.s32 v5, v16;
	_ =	sdelay $0x2  }
0x337: {  	v17 =	vmul.f32 $8.000000000e+00, v17;
	_ =	sdelay $0x1  }
0x338: {  	[tilespmem:v54+s12+$0x0] =	vst.idx.msk $0xffff, v17  }
0x339: {  	v17 =	vld [tilespmem:s20+$0x2420];
	_ =	sdelay $0x1  }
0x33a: {  	v55 =	vadd.s32 v6, v16;
	_ =	sdelay $0x2  }
0x33b: {  	v17 =	vmul.f32 $8.000000000e+00, v17;
	_ =	sdelay $0x1  }
0x33c: {  	[tilespmem:v55+s12+$0x0] =	vst.idx.msk $0xffff, v17  }
0x33d: {  	v17 =	vld [tilespmem:s20+$0x2430];
	_ =	sdelay $0x1  }
0x33e: {  	v56 =	vadd.s32 v7, v16;
	_ =	sdelay $0x2  }
0x33f: {  	v17 =	vmul.f32 $8.000000000e+00, v17;
	_ =	sdelay $0x1  }
0x340: {  	[tilespmem:v56+s12+$0x0] =	vst.idx.msk $0xffff, v17  }
0x341: {  	v17 =	vld [tilespmem:s20+$0x4400];
	_ =	sdelay $0x1  }
0x342: {  	v57 =	vadd.s32 v8, v16;
	_ =	sdelay $0x2  }
0x343: {  	v17 =	vmul.f32 $8.000000000e+00, v17;
	_ =	sdelay $0x1  }
0x344: {  	[tilespmem:v57+s12+$0x0] =	vst.idx.msk $0xffff, v17  }
0x345: {  	v17 =	vld [tilespmem:s20+$0x4410];
	_ =	sdelay $0x1  }
0x346: {  	v58 =	vadd.s32 v9, v16;
	_ =	sdelay $0x2  }
0x347: {  	v17 =	vmul.f32 $8.000000000e+00, v17;
	_ =	sdelay $0x1  }
0x348: {  	[tilespmem:v58+s12+$0x0] =	vst.idx.msk $0xffff, v17  }
0x349: {  	v17 =	vld [tilespmem:s20+$0x4420];
	_ =	sdelay $0x1  }
0x34a: {  	v59 =	vadd.s32 v10, v16;
	_ =	sdelay $0x2  }
0x34b: {  	v17 =	vmul.f32 $8.000000000e+00, v17;
	_ =	sdelay $0x1  }
0x34c: {  	[tilespmem:v59+s12+$0x0] =	vst.idx.msk $0xffff, v17  }
0x34d: {  	v17 =	vld [tilespmem:s20+$0x4430];
	_ =	sdelay $0x1  }
0x34e: {  	v60 =	vadd.s32 v11, v16;
	_ =	sdelay $0x2  }
0x34f: {  	v17 =	vmul.f32 $8.000000000e+00, v17;
	_ =	sdelay $0x1  }
0x350: {  	[tilespmem:v60+s12+$0x0] =	vst.idx.msk $0xffff, v17  }
0x351: {  	v17 =	vld [tilespmem:s20+$0x6400];
	_ =	sdelay $0x1  }
0x352: {  	v61 =	vadd.s32 v12, v16;
	_ =	sdelay $0x2  }
0x353: {  	v17 =	vmul.f32 $8.000000000e+00, v17;
	_ =	sdelay $0x1  }
0x354: {  	[tilespmem:v61+s12+$0x0] =	vst.idx.msk $0xffff, v17  }
0x355: {  	v17 =	vld [tilespmem:s20+$0x6410];
	_ =	sdelay $0x1  }
0x356: {  	v62 =	vadd.s32 v13, v16;
	_ =	sdelay $0x2  }
0x357: {  	v17 =	vmul.f32 $8.000000000e+00, v17;
	_ =	sdelay $0x1  }
0x358: {  	[tilespmem:v62+s12+$0x0] =	vst.idx.msk $0xffff, v17  }
0x359: {  	v17 =	vld [tilespmem:s20+$0x6420];
	_ =	sdelay $0x1  }
0x35a: {  	v63 =	vadd.s32 v14, v16;
	_ =	sdelay $0x2  }
0x35b: {  	v17 =	vmul.f32 $8.000000000e+00, v17;
	_ =	sdelay $0x1  }
0x35c: {  	[tilespmem:v63+s12+$0x0] =	vst.idx.msk $0xffff, v17  }
0x35d: {  	v17 =	vld [tilespmem:s20+$0x6430]  }
0x35e: {  	s22 =	rddreg [dreg:$0x1b]  }
0x35f: {  	s16 =	sadd.s32 s26, s22;
	v16 =	vadd.s32 v15, v16  }
0x360: {  	s25 =	sshll.u32 s16, $0x9;
	s16 =	sshll.u32 s16, $0xC  }
0x361: {  	[smem:$0x7FD] =	sst s26;
	s16 =	sand.u32 $0xFFE0000, s16;
	s20 =	sand.u32 $0x3C00, s25  }
0x362: {  	s26 =	rddreg [dreg:$0x1];
	s16 =	sor.u32 s20, s16;
	v17 =	vmul.f32 $8.000000000e+00, v17  }
0x363: {  	s21 =	simm.s32 $0x10400;
	s20 =	sadd.s32 s26, s16  }
0x364: {  	s22 =	simm.s32 $0x10;
	s25 =	simm.s32 $0x10488;
	s26 =	sadd.s32 $0x0, s20;
	[tilespmem:v16+s12+$0x0] =	vst.idx.msk $0xffff, v17  }
.LBB2_41:
0x365: {  	[hbm4b:s26+s3] =	stream.linear.scatter [tilespmem:s21], [sflag:$0x3], $0x80, $0x38;
	[tilespmem:$0x18C00] =	vst v63  }
0x366: {  	s26 =	smov.u32 s22;
	s21 =	smov.u32 s25;
	p0 =	sne.s32 s22, $0x1F0  }
.Ltmp19:
0x367: {  	s22 =	sadd.s32 $0x10, s22;
	(pc) =	sbr.rel @p0 .LBB2_41-.Ltmp19, $2  }
0x368: {  	_ =	sdelay $0x2  }
0x369: {  	s25 =	sadd.s32 $0x88, s25;
	s26 =	sadd.s32 s26, s20  }
0x36a: {  	[hbm4b:s26+s3] =	stream.linear.scatter [tilespmem:s21], [sflag:$0x3], $0x80, $0x38;
	[tilespmem:$0x18C00] =	vst v63  }
0x36b: {  	s20 =	rddreg [dreg:$0x8]  }
0x36c: {  	s21 =	simm.s32 $0x11500;
	s20 =	sadd.s32 s16, s20  }
0x36d: {  	s22 =	simm.s32 $0x10;
	s25 =	simm.s32 $0x11588;
	s26 =	sadd.s32 $0x0, s20  }
.LBB2_43:
0x36e: {  	[hbm4b:s26+s3] =	stream.linear.scatter [tilespmem:s21], [sflag:$0x3], $0x80, $0x38;
	[tilespmem:$0x18C00] =	vst v63  }
0x36f: {  	s26 =	smov.u32 s22;
	s21 =	smov.u32 s25;
	p0 =	sne.s32 s22, $0x1F0  }
.Ltmp20:
0x370: {  	s22 =	sadd.s32 $0x10, s22;
	(pc) =	sbr.rel @p0 .LBB2_43-.Ltmp20, $2  }
0x371: {  	_ =	sdelay $0x2  }
0x372: {  	s25 =	sadd.s32 $0x88, s25;
	s26 =	sadd.s32 s26, s20  }
0x373: {  	[hbm4b:s26+s3] =	stream.linear.scatter [tilespmem:s21], [sflag:$0x3], $0x80, $0x38;
	[tilespmem:$0x18C00] =	vst v63  }
0x374: {  	s20 =	rddreg [dreg:$0x9]  }
0x375: {  	s21 =	simm.s32 $0x12600;
	s20 =	sadd.s32 s16, s20  }
0x376: {  	s22 =	simm.s32 $0x10;
	s25 =	simm.s32 $0x12688;
	s26 =	sadd.s32 $0x0, s20  }
.LBB2_45:
0x377: {  	[hbm4b:s26+s3] =	stream.linear.scatter [tilespmem:s21], [sflag:$0x3], $0x80, $0x38;
	[tilespmem:$0x18C00] =	vst v63  }
0x378: {  	s26 =	smov.u32 s22;
	s21 =	smov.u32 s25;
	p0 =	sne.s32 s22, $0x1F0  }
.Ltmp21:
0x379: {  	s22 =	sadd.s32 $0x10, s22;
	(pc) =	sbr.rel @p0 .LBB2_45-.Ltmp21, $2  }
0x37a: {  	_ =	sdelay $0x2  }
0x37b: {  	s25 =	sadd.s32 $0x88, s25;
	s26 =	sadd.s32 s26, s20  }
0x37c: {  	[hbm4b:s26+s3] =	stream.linear.scatter [tilespmem:s21], [sflag:$0x3], $0x80, $0x38;
	[tilespmem:$0x18C00] =	vst v63  }
0x37d: {  	s20 =	rddreg [dreg:$0xc]  }
0x37e: {  	s21 =	simm.s32 $0x13700;
	s20 =	sadd.s32 s16, s20  }
0x37f: {  	s22 =	simm.s32 $0x10;
	s25 =	simm.s32 $0x13788;
	s26 =	sadd.s32 $0x0, s20  }
.LBB2_47:
0x380: {  	[hbm4b:s26+s3] =	stream.linear.scatter [tilespmem:s21], [sflag:$0x3], $0x80, $0x38;
	[tilespmem:$0x18C00] =	vst v63  }
0x381: {  	s26 =	smov.u32 s22;
	s21 =	smov.u32 s25;
	p0 =	sne.s32 s22, $0x1F0  }
.Ltmp22:
0x382: {  	s22 =	sadd.s32 $0x10, s22;
	(pc) =	sbr.rel @p0 .LBB2_47-.Ltmp22, $2  }
0x383: {  	_ =	sdelay $0x2  }
0x384: {  	s25 =	sadd.s32 $0x88, s25;
	s26 =	sadd.s32 s26, s20  }
0x385: {  	[hbm4b:s26+s3] =	stream.linear.scatter [tilespmem:s21], [sflag:$0x3], $0x80, $0x38;
	[tilespmem:$0x18C00] =	vst v63  }
0x386: {  	s20 =	rddreg [dreg:$0xe]  }
0x387: {  	s21 =	simm.s32 $0x14800;
	s20 =	sadd.s32 s16, s20  }
0x388: {  	s22 =	simm.s32 $0x10;
	s25 =	simm.s32 $0x14888;
	s26 =	sadd.s32 $0x0, s20  }
.LBB2_49:
0x389: {  	[hbm4b:s26+s3] =	stream.linear.scatter [tilespmem:s21], [sflag:$0x3], $0x80, $0x38;
	[tilespmem:$0x18C00] =	vst v63  }
0x38a: {  	s26 =	smov.u32 s22;
	s21 =	smov.u32 s25;
	p0 =	sne.s32 s22, $0x1F0  }
.Ltmp23:
0x38b: {  	s22 =	sadd.s32 $0x10, s22;
	(pc) =	sbr.rel @p0 .LBB2_49-.Ltmp23, $2  }
0x38c: {  	_ =	sdelay $0x2  }
0x38d: {  	s25 =	sadd.s32 $0x88, s25;
	s26 =	sadd.s32 s26, s20  }
0x38e: {  	[hbm4b:s26+s3] =	stream.linear.scatter [tilespmem:s21], [sflag:$0x3], $0x80, $0x38;
	[tilespmem:$0x18C00] =	vst v63  }
0x38f: {  	s20 =	rddreg [dreg:$0x10]  }
0x390: {  	s21 =	simm.s32 $0x15900;
	s20 =	sadd.s32 s16, s20  }
0x391: {  	s22 =	simm.s32 $0x10;
	s25 =	simm.s32 $0x15988;
	s26 =	sadd.s32 $0x0, s20  }
.LBB2_51:
0x392: {  	[hbm4b:s26+s3] =	stream.linear.scatter [tilespmem:s21], [sflag:$0x3], $0x80, $0x38;
	[tilespmem:$0x18C00] =	vst v63  }
0x393: {  	s26 =	smov.u32 s22;
	s21 =	smov.u32 s25;
	p0 =	sne.s32 s22, $0x1F0  }
.Ltmp24:
0x394: {  	s22 =	sadd.s32 $0x10, s22;
	(pc) =	sbr.rel @p0 .LBB2_51-.Ltmp24, $2  }
0x395: {  	_ =	sdelay $0x2  }
0x396: {  	s25 =	sadd.s32 $0x88, s25;
	s26 =	sadd.s32 s26, s20  }
0x397: {  	[hbm4b:s26+s3] =	stream.linear.scatter [tilespmem:s21], [sflag:$0x3], $0x80, $0x38;
	[tilespmem:$0x18C00] =	vst v63  }
0x398: {  	s20 =	rddreg [dreg:$0x11]  }
0x399: {  	s21 =	simm.s32 $0x16A00;
	s20 =	sadd.s32 s16, s20  }
0x39a: {  	s22 =	simm.s32 $0x10;
	s25 =	simm.s32 $0x16A88;
	s26 =	sadd.s32 $0x0, s20  }
.LBB2_53:
0x39b: {  	[hbm4b:s26+s3] =	stream.linear.scatter [tilespmem:s21], [sflag:$0x3], $0x80, $0x38;
	[tilespmem:$0x18C00] =	vst v63  }
0x39c: {  	s26 =	smov.u32 s22;
	s21 =	smov.u32 s25;
	p0 =	sne.s32 s22, $0x1F0  }
.Ltmp25:
0x39d: {  	s22 =	sadd.s32 $0x10, s22;
	(pc) =	sbr.rel @p0 .LBB2_53-.Ltmp25, $2  }
0x39e: {  	_ =	sdelay $0x2  }
0x39f: {  	s25 =	sadd.s32 $0x88, s25;
	s26 =	sadd.s32 s26, s20  }
0x3a0: {  	[hbm4b:s26+s3] =	stream.linear.scatter [tilespmem:s21], [sflag:$0x3], $0x80, $0x38;
	[tilespmem:$0x18C00] =	vst v63  }
0x3a1: {  	s20 =	rddreg [dreg:$0x12]  }
0x3a2: {  	s21 =	simm.s32 $0x10;
	s16 =	sadd.s32 s16, s20  }
0x3a3: {  	s22 =	simm.s32 $0x17B88;
	s20 =	simm.s32 $0x17B00;
	s25 =	sadd.s32 $0x0, s16  }
.LBB2_55:
0x3a4: {  	[hbm4b:s25+s3] =	stream.linear.scatter [tilespmem:s20], [sflag:$0x3], $0x80, $0x38;
	[tilespmem:$0x18C00] =	vst v63  }
0x3a5: {  	s25 =	smov.u32 s21;
	s20 =	smov.u32 s22;
	p0 =	sne.s32 s21, $0x1F0  }
.Ltmp26:
0x3a6: {  	s21 =	sadd.s32 $0x10, s21;
	(pc) =	sbr.rel @p0 .LBB2_55-.Ltmp26, $2  }
0x3a7: {  	_ =	sdelay $0x2  }
0x3a8: {  	s22 =	sadd.s32 $0x88, s22;
	s25 =	sadd.s32 s25, s16  }
0x3a9: {  	[hbm4b:s25+s3] =	stream.linear.scatter [tilespmem:s20], [sflag:$0x3], $0x80, $0x38;
	[tilespmem:$0x18C00] =	vst v63  }
0x3aa: {  	s16 =	simm.s32 $0x4  }
0x3ab: {  	_ =	swait.ge [sflag:s16], $0x200  }
0x3ac: {  	s21 =	simm.s32 $0x100;
	s22 =	simm.s32 $0x400;
	[sflag:s16] =	ssyncset.done $0x0  }
0x3ad: {  	s25 =	rddreg [dreg:$0x3];
	[sflag:s16] =	ssyncadd.s32 $0xFFFFFE00;
	s16 =	simm.s32 $0x0  }
0x3ae: {  	[tilespmem:s22], [sflag:$0x1] =	stream.indirect.gather [hbm4b:s25+s21], $0x40, s16, s21, $0xb8;
	[tilespmem:$0x18C00] =	vst v63  }
0x3af: {  	s26 =	simm.s32 $0x4400  }
0x3b0: {  	[tilespmem:s26], [sflag:$0x1] =	stream.indirect.gather [hbm4b:s25+s21], $0x40, s21, s21, $0xb8;
	[tilespmem:$0x18C00] =	vst v63  }
0x3b1: {  	s26 =	sld [smem:$0x7FD];
	_ =	sdelay $0x1  }
0x3b2: {  	s22 =	rddreg [dreg:$0x1c];
	s25 =	simm.s32 $0x2  }
0x3b3: {  	_ =	swait.ge [sflag:s25], $0x8000;
	s20 =	sadd.s32 s26, s22  }
0x3b4: {  	[sflag:s25] =	ssyncset.done $0x0;
	s20 =	sshll.u32 s20, $0x6  }
0x3b5: {  	[sflag:s25] =	ssyncadd.s32 $0xFFFF8000;
	s22 =	rddreg [dreg:$0x4];
	s20 =	sand.u32 $0x1FFFFFC0, s20  }
0x3b6: {  	s25 =	simm.s32 $0x200;
	s20 =	sadd.s32 s22, s20;
	s22 =	simm.s32 $0x3  }
0x3b7: {  	[tilespmem:s25], [sflag:$0x4] =	stream.linear.gather [hbm4b:s20+s16], $0x200, $0x38;
	[tilespmem:$0x18C00] =	vst v63  }
0x3b8: {  	_ =	swait.ge [sflag:s22], $0x8000  }
0x3b9: {  	[sflag:s22] =	ssyncset.done $0x0  }
0x3ba: {  	s25 =	simm.s32 $0x0;
	[sflag:s22] =	ssyncadd.s32 $0xFFFF8000  }
0x3bb: {  	v16 =	vmov s16;
	v17 =	vld [tilespmem:s25+$0x8400]  }
0x3bc: {  	v16 =	vand.u32 $0x7F, v16  }
0x3bd: {  	v18 =	vadd.s32 v0, v16;
	_ =	sdelay $0x2  }
0x3be: {  	v17 =	vmul.f32 $8.000000000e+00, v17;
	_ =	sdelay $0x1  }
0x3bf: {  	[tilespmem:v18+s12+$0x0] =	vst.idx.msk $0xffff, v17  }
0x3c0: {  	v17 =	vld [tilespmem:s25+$0x8410];
	_ =	sdelay $0x1  }
0x3c1: {  	v18 =	vadd.s32 v1, v16;
	_ =	sdelay $0x2  }
0x3c2: {  	v17 =	vmul.f32 $8.000000000e+00, v17;
	_ =	sdelay $0x1  }
0x3c3: {  	[tilespmem:v18+s12+$0x0] =	vst.idx.msk $0xffff, v17  }
0x3c4: {  	v17 =	vld [tilespmem:s25+$0x8420];
	_ =	sdelay $0x1  }
0x3c5: {  	v18 =	vadd.s32 v2, v16;
	_ =	sdelay $0x2  }
0x3c6: {  	v17 =	vmul.f32 $8.000000000e+00, v17;
	_ =	sdelay $0x1  }
0x3c7: {  	[tilespmem:v18+s12+$0x0] =	vst.idx.msk $0xffff, v17  }
0x3c8: {  	v17 =	vld [tilespmem:s25+$0x8430];
	_ =	sdelay $0x1  }
0x3c9: {  	v18 =	vadd.s32 v3, v16;
	_ =	sdelay $0x2  }
0x3ca: {  	v17 =	vmul.f32 $8.000000000e+00, v17;
	_ =	sdelay $0x1  }
0x3cb: {  	[tilespmem:v18+s12+$0x0] =	vst.idx.msk $0xffff, v17  }
0x3cc: {  	v17 =	vld [tilespmem:s25+$0xA400];
	_ =	sdelay $0x1  }
0x3cd: {  	v18 =	vadd.s32 v4, v16;
	_ =	sdelay $0x2  }
0x3ce: {  	v17 =	vmul.f32 $8.000000000e+00, v17;
	_ =	sdelay $0x1  }
0x3cf: {  	[tilespmem:v18+s12+$0x0] =	vst.idx.msk $0xffff, v17  }
0x3d0: {  	v17 =	vld [tilespmem:s25+$0xA410];
	_ =	sdelay $0x1  }
0x3d1: {  	v18 =	vadd.s32 v5, v16;
	_ =	sdelay $0x2  }
0x3d2: {  	v17 =	vmul.f32 $8.000000000e+00, v17;
	_ =	sdelay $0x1  }
0x3d3: {  	[tilespmem:v18+s12+$0x0] =	vst.idx.msk $0xffff, v17  }
0x3d4: {  	v17 =	vld [tilespmem:s25+$0xA420];
	_ =	sdelay $0x1  }
0x3d5: {  	v18 =	vadd.s32 v6, v16;
	_ =	sdelay $0x2  }
0x3d6: {  	v17 =	vmul.f32 $8.000000000e+00, v17;
	_ =	sdelay $0x1  }
0x3d7: {  	[tilespmem:v18+s12+$0x0] =	vst.idx.msk $0xffff, v17  }
0x3d8: {  	v17 =	vld [tilespmem:s25+$0xA430];
	_ =	sdelay $0x1  }
0x3d9: {  	v18 =	vadd.s32 v7, v16;
	_ =	sdelay $0x2  }
0x3da: {  	v17 =	vmul.f32 $8.000000000e+00, v17;
	_ =	sdelay $0x1  }
0x3db: {  	[tilespmem:v18+s12+$0x0] =	vst.idx.msk $0xffff, v17  }
0x3dc: {  	v17 =	vld [tilespmem:s25+$0xC400];
	_ =	sdelay $0x1  }
0x3dd: {  	v18 =	vadd.s32 v8, v16;
	_ =	sdelay $0x2  }
0x3de: {  	v17 =	vmul.f32 $8.000000000e+00, v17;
	_ =	sdelay $0x1  }
0x3df: {  	[tilespmem:v18+s12+$0x0] =	vst.idx.msk $0xffff, v17  }
0x3e0: {  	v17 =	vld [tilespmem:s25+$0xC410];
	_ =	sdelay $0x1  }
0x3e1: {  	v18 =	vadd.s32 v9, v16;
	_ =	sdelay $0x2  }
0x3e2: {  	v17 =	vmul.f32 $8.000000000e+00, v17;
	_ =	sdelay $0x1  }
0x3e3: {  	[tilespmem:v18+s12+$0x0] =	vst.idx.msk $0xffff, v17  }
0x3e4: {  	v17 =	vld [tilespmem:s25+$0xC420];
	_ =	sdelay $0x1  }
0x3e5: {  	v18 =	vadd.s32 v10, v16;
	_ =	sdelay $0x2  }
0x3e6: {  	v17 =	vmul.f32 $8.000000000e+00, v17;
	_ =	sdelay $0x1  }
0x3e7: {  	[tilespmem:v18+s12+$0x0] =	vst.idx.msk $0xffff, v17  }
0x3e8: {  	v17 =	vld [tilespmem:s25+$0xC430];
	_ =	sdelay $0x1  }
0x3e9: {  	v18 =	vadd.s32 v11, v16;
	_ =	sdelay $0x2  }
0x3ea: {  	v17 =	vmul.f32 $8.000000000e+00, v17;
	_ =	sdelay $0x1  }
0x3eb: {  	[tilespmem:v18+s12+$0x0] =	vst.idx.msk $0xffff, v17  }
0x3ec: {  	v17 =	vld [tilespmem:s25+$0xE400];
	_ =	sdelay $0x1  }
0x3ed: {  	v18 =	vadd.s32 v12, v16;
	_ =	sdelay $0x2  }
0x3ee: {  	v17 =	vmul.f32 $8.000000000e+00, v17;
	_ =	sdelay $0x1  }
0x3ef: {  	[tilespmem:v18+s12+$0x0] =	vst.idx.msk $0xffff, v17  }
0x3f0: {  	v17 =	vld [tilespmem:s25+$0xE410];
	_ =	sdelay $0x1  }
0x3f1: {  	v18 =	vadd.s32 v13, v16;
	_ =	sdelay $0x2  }
0x3f2: {  	v17 =	vmul.f32 $8.000000000e+00, v17;
	_ =	sdelay $0x1  }
0x3f3: {  	[tilespmem:v18+s12+$0x0] =	vst.idx.msk $0xffff, v17  }
0x3f4: {  	v17 =	vld [tilespmem:s25+$0xE420];
	_ =	sdelay $0x1  }
0x3f5: {  	v18 =	vadd.s32 v14, v16;
	_ =	sdelay $0x2  }
0x3f6: {  	v17 =	vmul.f32 $8.000000000e+00, v17;
	_ =	sdelay $0x1  }
0x3f7: {  	[tilespmem:v18+s12+$0x0] =	vst.idx.msk $0xffff, v17  }
0x3f8: {  	v17 =	vld [tilespmem:s25+$0xE430];
	_ =	sdelay $0x1  }
0x3f9: {  	v16 =	vadd.s32 v15, v16;
	_ =	sdelay $0x2  }
0x3fa: {  	s20 =	simm.s32 $0x100;
	s25 =	simm.s32 $0x200;
	v17 =	vmul.f32 $8.000000000e+00, v17  }
.LBB2_57:
0x3fb: {  	s22 =	sshra.s32 s20, $0x2  }
0x3fc: {  	s16 =	sadd.s32 $0x1, s16;
	s20 =	smov.u32 s25;
	s21 =	sadd.s32 $0x100, s25;
	[tilespmem:v16+s12+$0x0] =	vst.idx.msk $0xffff, v17  }
0x3fd: {  	p0 =	sne.s32 s25, $0x7F00;
	v16 =	vmov s16;
	v17 =	vld [tilespmem:s22+$0x8400]  }
0x3fe: {  	v16 =	vand.u32 $0x7F, v16  }
0x3ff: {  	v18 =	vadd.s32 v0, v16;
	_ =	sdelay $0x2  }
0x400: {  	v17 =	vmul.f32 $8.000000000e+00, v17;
	_ =	sdelay $0x1  }
0x401: {  	[tilespmem:v18+s12+$0x0] =	vst.idx.msk $0xffff, v17  }
0x402: {  	v17 =	vld [tilespmem:s22+$0x8410];
	_ =	sdelay $0x1  }
0x403: {  	v18 =	vadd.s32 v1, v16;
	_ =	sdelay $0x2  }
0x404: {  	v17 =	vmul.f32 $8.000000000e+00, v17;
	_ =	sdelay $0x1  }
0x405: {  	[tilespmem:v18+s12+$0x0] =	vst.idx.msk $0xffff, v17  }
0x406: {  	v17 =	vld [tilespmem:s22+$0x8420];
	_ =	sdelay $0x1  }
0x407: {  	v18 =	vadd.s32 v2, v16;
	_ =	sdelay $0x2  }
0x408: {  	v17 =	vmul.f32 $8.000000000e+00, v17;
	_ =	sdelay $0x1  }
0x409: {  	[tilespmem:v18+s12+$0x0] =	vst.idx.msk $0xffff, v17  }
0x40a: {  	v17 =	vld [tilespmem:s22+$0x8430];
	_ =	sdelay $0x1  }
0x40b: {  	v18 =	vadd.s32 v3, v16;
	_ =	sdelay $0x2  }
0x40c: {  	v17 =	vmul.f32 $8.000000000e+00, v17;
	_ =	sdelay $0x1  }
0x40d: {  	[tilespmem:v18+s12+$0x0] =	vst.idx.msk $0xffff, v17  }
0x40e: {  	v17 =	vld [tilespmem:s22+$0xA400];
	_ =	sdelay $0x1  }
0x40f: {  	v18 =	vadd.s32 v4, v16;
	_ =	sdelay $0x2  }
0x410: {  	v17 =	vmul.f32 $8.000000000e+00, v17;
	_ =	sdelay $0x1  }
0x411: {  	[tilespmem:v18+s12+$0x0] =	vst.idx.msk $0xffff, v17  }
0x412: {  	v17 =	vld [tilespmem:s22+$0xA410];
	_ =	sdelay $0x1  }
0x413: {  	v18 =	vadd.s32 v5, v16;
	_ =	sdelay $0x2  }
0x414: {  	v17 =	vmul.f32 $8.000000000e+00, v17;
	_ =	sdelay $0x1  }
0x415: {  	[tilespmem:v18+s12+$0x0] =	vst.idx.msk $0xffff, v17  }
0x416: {  	v17 =	vld [tilespmem:s22+$0xA420];
	_ =	sdelay $0x1  }
0x417: {  	v18 =	vadd.s32 v6, v16;
	_ =	sdelay $0x2  }
0x418: {  	v17 =	vmul.f32 $8.000000000e+00, v17;
	_ =	sdelay $0x1  }
0x419: {  	[tilespmem:v18+s12+$0x0] =	vst.idx.msk $0xffff, v17  }
0x41a: {  	v17 =	vld [tilespmem:s22+$0xA430];
	_ =	sdelay $0x1  }
0x41b: {  	v18 =	vadd.s32 v7, v16;
	_ =	sdelay $0x2  }
0x41c: {  	v17 =	vmul.f32 $8.000000000e+00, v17;
	_ =	sdelay $0x1  }
0x41d: {  	[tilespmem:v18+s12+$0x0] =	vst.idx.msk $0xffff, v17  }
0x41e: {  	v17 =	vld [tilespmem:s22+$0xC400];
	_ =	sdelay $0x1  }
0x41f: {  	v18 =	vadd.s32 v8, v16;
	_ =	sdelay $0x2  }
0x420: {  	v17 =	vmul.f32 $8.000000000e+00, v17;
	_ =	sdelay $0x1  }
0x421: {  	[tilespmem:v18+s12+$0x0] =	vst.idx.msk $0xffff, v17  }
0x422: {  	v17 =	vld [tilespmem:s22+$0xC410];
	_ =	sdelay $0x1  }
0x423: {  	v18 =	vadd.s32 v9, v16;
	_ =	sdelay $0x2  }
0x424: {  	v17 =	vmul.f32 $8.000000000e+00, v17;
	_ =	sdelay $0x1  }
0x425: {  	[tilespmem:v18+s12+$0x0] =	vst.idx.msk $0xffff, v17  }
0x426: {  	v17 =	vld [tilespmem:s22+$0xC420];
	_ =	sdelay $0x1  }
0x427: {  	v18 =	vadd.s32 v10, v16;
	_ =	sdelay $0x2  }
0x428: {  	v17 =	vmul.f32 $8.000000000e+00, v17;
	_ =	sdelay $0x1  }
0x429: {  	[tilespmem:v18+s12+$0x0] =	vst.idx.msk $0xffff, v17  }
0x42a: {  	v17 =	vld [tilespmem:s22+$0xC430];
	_ =	sdelay $0x1  }
0x42b: {  	v18 =	vadd.s32 v11, v16;
	_ =	sdelay $0x2  }
0x42c: {  	v17 =	vmul.f32 $8.000000000e+00, v17;
	_ =	sdelay $0x1  }
0x42d: {  	[tilespmem:v18+s12+$0x0] =	vst.idx.msk $0xffff, v17  }
0x42e: {  	v17 =	vld [tilespmem:s22+$0xE400];
	_ =	sdelay $0x1  }
0x42f: {  	v18 =	vadd.s32 v12, v16;
	_ =	sdelay $0x2  }
0x430: {  	v17 =	vmul.f32 $8.000000000e+00, v17;
	_ =	sdelay $0x1  }
0x431: {  	[tilespmem:v18+s12+$0x0] =	vst.idx.msk $0xffff, v17  }
0x432: {  	v17 =	vld [tilespmem:s22+$0xE410];
	_ =	sdelay $0x1  }
0x433: {  	v18 =	vadd.s32 v13, v16;
	_ =	sdelay $0x2  }
0x434: {  	v17 =	vmul.f32 $8.000000000e+00, v17;
	_ =	sdelay $0x1  }
0x435: {  	[tilespmem:v18+s12+$0x0] =	vst.idx.msk $0xffff, v17  }
0x436: {  	v17 =	vld [tilespmem:s22+$0xE420];
	_ =	sdelay $0x1  }
0x437: {  	v18 =	vadd.s32 v14, v16;
	_ =	sdelay $0x2  }
0x438: {  	v17 =	vmul.f32 $8.000000000e+00, v17;
	_ =	sdelay $0x1  }
0x439: {  	[tilespmem:v18+s12+$0x0] =	vst.idx.msk $0xffff, v17  }
0x43a: {  	v17 =	vld [tilespmem:s22+$0xE430]  }
.Ltmp27:
0x43b: {  	(pc) =	sbr.rel @p0 .LBB2_57-.Ltmp27, $2  }
0x43c: {  	v16 =	vadd.s32 v15, v16;
	_ =	sdelay $0x2  }
0x43d: {  	s25 =	smov.u32 s21;
	v17 =	vmul.f32 $8.000000000e+00, v17  }
0x43e: {  	_ =	sdelay $0x3  }
0x43f: {  	s20 =	sshra.s32 s20, $0x2;
	s16 =	sadd.s32 $0x1, s16;
	[tilespmem:v16+s12+$0x0] =	vst.idx.msk $0xffff, v17  }
0x440: {  	v16 =	vmov s16;
	v17 =	vld [tilespmem:s20+$0x8400]  }
0x441: {  	v16 =	vand.u32 $0x7F, v16  }
0x442: {  	v18 =	vadd.s32 v0, v16;
	_ =	sdelay $0x2  }
0x443: {  	v17 =	vmul.f32 $8.000000000e+00, v17;
	_ =	sdelay $0x1  }
0x444: {  	[tilespmem:v18+s12+$0x0] =	vst.idx.msk $0xffff, v17  }
0x445: {  	v17 =	vld [tilespmem:s20+$0x8410];
	_ =	sdelay $0x1  }
0x446: {  	v50 =	vadd.s32 v1, v16;
	_ =	sdelay $0x2  }
0x447: {  	v17 =	vmul.f32 $8.000000000e+00, v17;
	_ =	sdelay $0x1  }
0x448: {  	[tilespmem:v50+s12+$0x0] =	vst.idx.msk $0xffff, v17  }
0x449: {  	v17 =	vld [tilespmem:s20+$0x8420];
	_ =	sdelay $0x1  }
0x44a: {  	v51 =	vadd.s32 v2, v16;
	_ =	sdelay $0x2  }
0x44b: {  	v17 =	vmul.f32 $8.000000000e+00, v17;
	_ =	sdelay $0x1  }
0x44c: {  	[tilespmem:v51+s12+$0x0] =	vst.idx.msk $0xffff, v17  }
0x44d: {  	v17 =	vld [tilespmem:s20+$0x8430];
	_ =	sdelay $0x1  }
0x44e: {  	v52 =	vadd.s32 v3, v16;
	_ =	sdelay $0x2  }
0x44f: {  	v17 =	vmul.f32 $8.000000000e+00, v17;
	_ =	sdelay $0x1  }
0x450: {  	[tilespmem:v52+s12+$0x0] =	vst.idx.msk $0xffff, v17  }
0x451: {  	v17 =	vld [tilespmem:s20+$0xA400];
	_ =	sdelay $0x1  }
0x452: {  	v53 =	vadd.s32 v4, v16;
	_ =	sdelay $0x2  }
0x453: {  	v17 =	vmul.f32 $8.000000000e+00, v17;
	_ =	sdelay $0x1  }
0x454: {  	[tilespmem:v53+s12+$0x0] =	vst.idx.msk $0xffff, v17  }
0x455: {  	v17 =	vld [tilespmem:s20+$0xA410];
	_ =	sdelay $0x1  }
0x456: {  	v54 =	vadd.s32 v5, v16;
	_ =	sdelay $0x2  }
0x457: {  	v17 =	vmul.f32 $8.000000000e+00, v17;
	_ =	sdelay $0x1  }
0x458: {  	[tilespmem:v54+s12+$0x0] =	vst.idx.msk $0xffff, v17  }
0x459: {  	v17 =	vld [tilespmem:s20+$0xA420];
	_ =	sdelay $0x1  }
0x45a: {  	v55 =	vadd.s32 v6, v16;
	_ =	sdelay $0x2  }
0x45b: {  	v17 =	vmul.f32 $8.000000000e+00, v17;
	_ =	sdelay $0x1  }
0x45c: {  	[tilespmem:v55+s12+$0x0] =	vst.idx.msk $0xffff, v17  }
0x45d: {  	v17 =	vld [tilespmem:s20+$0xA430];
	_ =	sdelay $0x1  }
0x45e: {  	v56 =	vadd.s32 v7, v16;
	_ =	sdelay $0x2  }
0x45f: {  	v17 =	vmul.f32 $8.000000000e+00, v17;
	_ =	sdelay $0x1  }
0x460: {  	[tilespmem:v56+s12+$0x0] =	vst.idx.msk $0xffff, v17  }
0x461: {  	v17 =	vld [tilespmem:s20+$0xC400];
	_ =	sdelay $0x1  }
0x462: {  	v57 =	vadd.s32 v8, v16;
	_ =	sdelay $0x2  }
0x463: {  	v17 =	vmul.f32 $8.000000000e+00, v17;
	_ =	sdelay $0x1  }
0x464: {  	[tilespmem:v57+s12+$0x0] =	vst.idx.msk $0xffff, v17  }
0x465: {  	v17 =	vld [tilespmem:s20+$0xC410];
	_ =	sdelay $0x1  }
0x466: {  	v58 =	vadd.s32 v9, v16;
	_ =	sdelay $0x2  }
0x467: {  	v17 =	vmul.f32 $8.000000000e+00, v17;
	_ =	sdelay $0x1  }
0x468: {  	[tilespmem:v58+s12+$0x0] =	vst.idx.msk $0xffff, v17  }
0x469: {  	v17 =	vld [tilespmem:s20+$0xC420];
	_ =	sdelay $0x1  }
0x46a: {  	v59 =	vadd.s32 v10, v16;
	_ =	sdelay $0x2  }
0x46b: {  	v17 =	vmul.f32 $8.000000000e+00, v17;
	_ =	sdelay $0x1  }
0x46c: {  	[tilespmem:v59+s12+$0x0] =	vst.idx.msk $0xffff, v17  }
0x46d: {  	v17 =	vld [tilespmem:s20+$0xC430];
	_ =	sdelay $0x1  }
0x46e: {  	v60 =	vadd.s32 v11, v16;
	_ =	sdelay $0x2  }
0x46f: {  	v17 =	vmul.f32 $8.000000000e+00, v17;
	_ =	sdelay $0x1  }
0x470: {  	[tilespmem:v60+s12+$0x0] =	vst.idx.msk $0xffff, v17  }
0x471: {  	v17 =	vld [tilespmem:s20+$0xE400];
	_ =	sdelay $0x1  }
0x472: {  	v61 =	vadd.s32 v12, v16;
	_ =	sdelay $0x2  }
0x473: {  	v17 =	vmul.f32 $8.000000000e+00, v17;
	_ =	sdelay $0x1  }
0x474: {  	[tilespmem:v61+s12+$0x0] =	vst.idx.msk $0xffff, v17  }
0x475: {  	v17 =	vld [tilespmem:s20+$0xE410];
	_ =	sdelay $0x1  }
0x476: {  	v62 =	vadd.s32 v13, v16;
	_ =	sdelay $0x2  }
0x477: {  	v17 =	vmul.f32 $8.000000000e+00, v17;
	_ =	sdelay $0x1  }
0x478: {  	[tilespmem:v62+s12+$0x0] =	vst.idx.msk $0xffff, v17  }
0x479: {  	v17 =	vld [tilespmem:s20+$0xE420];
	_ =	sdelay $0x1  }
0x47a: {  	v63 =	vadd.s32 v14, v16;
	_ =	sdelay $0x2  }
0x47b: {  	v17 =	vmul.f32 $8.000000000e+00, v17;
	_ =	sdelay $0x1  }
0x47c: {  	[tilespmem:v63+s12+$0x0] =	vst.idx.msk $0xffff, v17  }
0x47d: {  	v17 =	vld [tilespmem:s20+$0xE430]  }
0x47e: {  	s22 =	rddreg [dreg:$0x1d]  }
0x47f: {  	s16 =	sadd.s32 s26, s22;
	v16 =	vadd.s32 v15, v16  }
0x480: {  	s25 =	sshll.u32 s16, $0x9;
	s16 =	sshll.u32 s16, $0xC  }
0x481: {  	s16 =	sand.u32 $0xFFE0000, s16;
	s20 =	sand.u32 $0x3E00, s25  }
0x482: {  	s26 =	rddreg [dreg:$0x1];
	s16 =	sor.u32 s20, s16;
	v17 =	vmul.f32 $8.000000000e+00, v17  }
0x483: {  	s21 =	simm.s32 $0x10400;
	s20 =	sadd.s32 s26, s16  }
0x484: {  	s22 =	simm.s32 $0x10;
	s25 =	simm.s32 $0x10488;
	s26 =	sadd.s32 $0x0, s20;
	[tilespmem:v16+s12+$0x0] =	vst.idx.msk $0xffff, v17  }
.LBB2_59:
0x485: {  	[hbm4b:s26+s3] =	stream.linear.scatter [tilespmem:s21], [sflag:$0x3], $0x80, $0x38;
	[tilespmem:$0x18C00] =	vst v63  }
0x486: {  	s26 =	smov.u32 s22;
	s21 =	smov.u32 s25;
	p0 =	sne.s32 s22, $0x1F0  }
.Ltmp28:
0x487: {  	s22 =	sadd.s32 $0x10, s22;
	(pc) =	sbr.rel @p0 .LBB2_59-.Ltmp28, $2  }
0x488: {  	_ =	sdelay $0x2  }
0x489: {  	s25 =	sadd.s32 $0x88, s25;
	s26 =	sadd.s32 s26, s20  }
0x48a: {  	[hbm4b:s26+s3] =	stream.linear.scatter [tilespmem:s21], [sflag:$0x3], $0x80, $0x38;
	[tilespmem:$0x18C00] =	vst v63  }
0x48b: {  	s20 =	rddreg [dreg:$0x8]  }
0x48c: {  	s21 =	simm.s32 $0x11500;
	s20 =	sadd.s32 s16, s20  }
0x48d: {  	s22 =	simm.s32 $0x10;
	s25 =	simm.s32 $0x11588;
	s26 =	sadd.s32 $0x0, s20  }
.LBB2_61:
0x48e: {  	[hbm4b:s26+s3] =	stream.linear.scatter [tilespmem:s21], [sflag:$0x3], $0x80, $0x38;
	[tilespmem:$0x18C00] =	vst v63  }
0x48f: {  	s26 =	smov.u32 s22;
	s21 =	smov.u32 s25;
	p0 =	sne.s32 s22, $0x1F0  }
.Ltmp29:
0x490: {  	s22 =	sadd.s32 $0x10, s22;
	(pc) =	sbr.rel @p0 .LBB2_61-.Ltmp29, $2  }
0x491: {  	_ =	sdelay $0x2  }
0x492: {  	s25 =	sadd.s32 $0x88, s25;
	s26 =	sadd.s32 s26, s20  }
0x493: {  	[hbm4b:s26+s3] =	stream.linear.scatter [tilespmem:s21], [sflag:$0x3], $0x80, $0x38;
	[tilespmem:$0x18C00] =	vst v63  }
0x494: {  	s20 =	rddreg [dreg:$0x9]  }
0x495: {  	s21 =	simm.s32 $0x12600;
	s20 =	sadd.s32 s16, s20  }
0x496: {  	s22 =	simm.s32 $0x10;
	s25 =	simm.s32 $0x12688;
	s26 =	sadd.s32 $0x0, s20  }
.LBB2_63:
0x497: {  	[hbm4b:s26+s3] =	stream.linear.scatter [tilespmem:s21], [sflag:$0x3], $0x80, $0x38;
	[tilespmem:$0x18C00] =	vst v63  }
0x498: {  	s26 =	smov.u32 s22;
	s21 =	smov.u32 s25;
	p0 =	sne.s32 s22, $0x1F0  }
.Ltmp30:
0x499: {  	s22 =	sadd.s32 $0x10, s22;
	(pc) =	sbr.rel @p0 .LBB2_63-.Ltmp30, $2  }
0x49a: {  	_ =	sdelay $0x2  }
0x49b: {  	s25 =	sadd.s32 $0x88, s25;
	s26 =	sadd.s32 s26, s20  }
0x49c: {  	[hbm4b:s26+s3] =	stream.linear.scatter [tilespmem:s21], [sflag:$0x3], $0x80, $0x38;
	[tilespmem:$0x18C00] =	vst v63  }
0x49d: {  	s20 =	rddreg [dreg:$0xc]  }
0x49e: {  	s21 =	simm.s32 $0x13700;
	s20 =	sadd.s32 s16, s20  }
0x49f: {  	s22 =	simm.s32 $0x10;
	s25 =	simm.s32 $0x13788;
	s26 =	sadd.s32 $0x0, s20  }
.LBB2_65:
0x4a0: {  	[hbm4b:s26+s3] =	stream.linear.scatter [tilespmem:s21], [sflag:$0x3], $0x80, $0x38;
	[tilespmem:$0x18C00] =	vst v63  }
0x4a1: {  	s26 =	smov.u32 s22;
	s21 =	smov.u32 s25;
	p0 =	sne.s32 s22, $0x1F0  }
.Ltmp31:
0x4a2: {  	s22 =	sadd.s32 $0x10, s22;
	(pc) =	sbr.rel @p0 .LBB2_65-.Ltmp31, $2  }
0x4a3: {  	_ =	sdelay $0x2  }
0x4a4: {  	s25 =	sadd.s32 $0x88, s25;
	s26 =	sadd.s32 s26, s20  }
0x4a5: {  	[hbm4b:s26+s3] =	stream.linear.scatter [tilespmem:s21], [sflag:$0x3], $0x80, $0x38;
	[tilespmem:$0x18C00] =	vst v63  }
0x4a6: {  	s20 =	rddreg [dreg:$0xe]  }
0x4a7: {  	s21 =	simm.s32 $0x14800;
	s20 =	sadd.s32 s16, s20  }
0x4a8: {  	s22 =	simm.s32 $0x10;
	s25 =	simm.s32 $0x14888;
	s26 =	sadd.s32 $0x0, s20  }
.LBB2_67:
0x4a9: {  	[hbm4b:s26+s3] =	stream.linear.scatter [tilespmem:s21], [sflag:$0x3], $0x80, $0x38;
	[tilespmem:$0x18C00] =	vst v63  }
0x4aa: {  	s26 =	smov.u32 s22;
	s21 =	smov.u32 s25;
	p0 =	sne.s32 s22, $0x1F0  }
.Ltmp32:
0x4ab: {  	s22 =	sadd.s32 $0x10, s22;
	(pc) =	sbr.rel @p0 .LBB2_67-.Ltmp32, $2  }
0x4ac: {  	_ =	sdelay $0x2  }
0x4ad: {  	s25 =	sadd.s32 $0x88, s25;
	s26 =	sadd.s32 s26, s20  }
0x4ae: {  	[hbm4b:s26+s3] =	stream.linear.scatter [tilespmem:s21], [sflag:$0x3], $0x80, $0x38;
	[tilespmem:$0x18C00] =	vst v63  }
0x4af: {  	s20 =	rddreg [dreg:$0x10]  }
0x4b0: {  	s21 =	simm.s32 $0x15900;
	s20 =	sadd.s32 s16, s20  }
0x4b1: {  	s22 =	simm.s32 $0x10;
	s25 =	simm.s32 $0x15988;
	s26 =	sadd.s32 $0x0, s20  }
.LBB2_69:
0x4b2: {  	[hbm4b:s26+s3] =	stream.linear.scatter [tilespmem:s21], [sflag:$0x3], $0x80, $0x38;
	[tilespmem:$0x18C00] =	vst v63  }
0x4b3: {  	s26 =	smov.u32 s22;
	s21 =	smov.u32 s25;
	p0 =	sne.s32 s22, $0x1F0  }
.Ltmp33:
0x4b4: {  	s22 =	sadd.s32 $0x10, s22;
	(pc) =	sbr.rel @p0 .LBB2_69-.Ltmp33, $2  }
0x4b5: {  	_ =	sdelay $0x2  }
0x4b6: {  	s25 =	sadd.s32 $0x88, s25;
	s26 =	sadd.s32 s26, s20  }
0x4b7: {  	[hbm4b:s26+s3] =	stream.linear.scatter [tilespmem:s21], [sflag:$0x3], $0x80, $0x38;
	[tilespmem:$0x18C00] =	vst v63  }
0x4b8: {  	s20 =	rddreg [dreg:$0x11]  }
0x4b9: {  	s21 =	simm.s32 $0x16A00;
	s20 =	sadd.s32 s16, s20  }
0x4ba: {  	s22 =	simm.s32 $0x10;
	s25 =	simm.s32 $0x16A88;
	s26 =	sadd.s32 $0x0, s20  }
.LBB2_71:
0x4bb: {  	[hbm4b:s26+s3] =	stream.linear.scatter [tilespmem:s21], [sflag:$0x3], $0x80, $0x38;
	[tilespmem:$0x18C00] =	vst v63  }
0x4bc: {  	s26 =	smov.u32 s22;
	s21 =	smov.u32 s25;
	p0 =	sne.s32 s22, $0x1F0  }
.Ltmp34:
0x4bd: {  	s22 =	sadd.s32 $0x10, s22;
	(pc) =	sbr.rel @p0 .LBB2_71-.Ltmp34, $2  }
0x4be: {  	_ =	sdelay $0x2  }
0x4bf: {  	s25 =	sadd.s32 $0x88, s25;
	s26 =	sadd.s32 s26, s20  }
0x4c0: {  	[hbm4b:s26+s3] =	stream.linear.scatter [tilespmem:s21], [sflag:$0x3], $0x80, $0x38;
	[tilespmem:$0x18C00] =	vst v63  }
0x4c1: {  	s20 =	rddreg [dreg:$0x12]  }
0x4c2: {  	s21 =	simm.s32 $0x10;
	s16 =	sadd.s32 s16, s20  }
0x4c3: {  	s22 =	simm.s32 $0x17B88;
	s20 =	simm.s32 $0x17B00;
	s25 =	sadd.s32 $0x0, s16  }
.LBB2_73:
0x4c4: {  	[hbm4b:s25+s3] =	stream.linear.scatter [tilespmem:s20], [sflag:$0x3], $0x80, $0x38;
	[tilespmem:$0x18C00] =	vst v63  }
0x4c5: {  	s25 =	smov.u32 s21;
	s20 =	smov.u32 s22;
	p0 =	sne.s32 s21, $0x1F0  }
.Ltmp35:
0x4c6: {  	s21 =	sadd.s32 $0x10, s21;
	(pc) =	sbr.rel @p0 .LBB2_73-.Ltmp35, $2  }
0x4c7: {  	_ =	sdelay $0x2  }
0x4c8: {  	s22 =	sadd.s32 $0x88, s22;
	s25 =	sadd.s32 s25, s16  }
0x4c9: {  	s14 =	sadd.s32 $0x1, s14  }
0x4ca: {  	p0 =	sne.s32 s14, $0x17  }
.Ltmp36:
0x4cb: {  	_ = 	snop;
	(pc) =	sbr.rel @p0 .LBB2_38-.Ltmp36, $2  }
0x4cc: {  	_ =	sdelay $0x2  }
0x4cd: {  	[hbm4b:s25+s3] =	stream.linear.scatter [tilespmem:s20], [sflag:$0x3], $0x80, $0x38;
	[tilespmem:$0x18C00] =	vst v63  }
0x4ce: {  	s14 =	simm.s32 $0x4  }
0x4cf: {  	_ =	swait.ge [sflag:s14], $0x200  }
0x4d0: {  	s16 =	simm.s32 $0x100;
	s20 =	simm.s32 $0x200;
	[sflag:s14] =	ssyncset.done $0x0  }
0x4d1: {  	s21 =	simm.s32 $0x8400;
	s22 =	rddreg [dreg:$0x3];
	[sflag:s14] =	ssyncadd.s32 $0xFFFFFE00  }
0x4d2: {  	[tilespmem:s21], [sflag:$0x2] =	stream.indirect.gather [hbm4b:s22+s16], $0x40, s20, s16, $0xb8;
	[tilespmem:$0x18C00] =	vst v63  }
0x4d3: {  	s25 =	simm.s32 $0x300;
	s26 =	simm.s32 $0xC400  }
0x4d4: {  	[tilespmem:s26], [sflag:$0x2] =	stream.indirect.gather [hbm4b:s22+s16], $0x40, s25, s16, $0xb8;
	[tilespmem:$0x18C00] =	vst v63  }
0x4d5: {  	s22 =	simm.s32 $0x1  }
0x4d6: {  	_ =	swait.ge [sflag:s22], $0x8000  }
0x4d7: {  	[sflag:s22] =	ssyncset.done $0x0  }
0x4d8: {  	s25 =	simm.s32 $0x3;
	[sflag:s22] =	ssyncadd.s32 $0xFFFF8000  }
0x4d9: {  	_ =	swait.ge [sflag:s25], $0x8000  }
0x4da: {  	[sflag:s25] =	ssyncset.done $0x0  }
0x4db: {  	s14 =	simm.s32 $0x0;
	s26 =	simm.s32 $0x0;
	[sflag:s25] =	ssyncadd.s32 $0xFFFF8000  }
0x4dc: {  	v16 =	vmov s14;
	v17 =	vld [tilespmem:s26+$0x400]  }
0x4dd: {  	v16 =	vand.u32 $0x7F, v16  }
0x4de: {  	v18 =	vadd.s32 v0, v16;
	_ =	sdelay $0x2  }
0x4df: {  	v17 =	vmul.f32 $8.000000000e+00, v17;
	_ =	sdelay $0x1  }
0x4e0: {  	[tilespmem:v18+s12+$0x0] =	vst.idx.msk $0xffff, v17  }
0x4e1: {  	v17 =	vld [tilespmem:s26+$0x410];
	_ =	sdelay $0x1  }
0x4e2: {  	v18 =	vadd.s32 v1, v16;
	_ =	sdelay $0x2  }
0x4e3: {  	v17 =	vmul.f32 $8.000000000e+00, v17;
	_ =	sdelay $0x1  }
0x4e4: {  	[tilespmem:v18+s12+$0x0] =	vst.idx.msk $0xffff, v17  }
0x4e5: {  	v17 =	vld [tilespmem:s26+$0x420];
	_ =	sdelay $0x1  }
0x4e6: {  	v18 =	vadd.s32 v2, v16;
	_ =	sdelay $0x2  }
0x4e7: {  	v17 =	vmul.f32 $8.000000000e+00, v17;
	_ =	sdelay $0x1  }
0x4e8: {  	[tilespmem:v18+s12+$0x0] =	vst.idx.msk $0xffff, v17  }
0x4e9: {  	v17 =	vld [tilespmem:s26+$0x430];
	_ =	sdelay $0x1  }
0x4ea: {  	v18 =	vadd.s32 v3, v16;
	_ =	sdelay $0x2  }
0x4eb: {  	v17 =	vmul.f32 $8.000000000e+00, v17;
	_ =	sdelay $0x1  }
0x4ec: {  	[tilespmem:v18+s12+$0x0] =	vst.idx.msk $0xffff, v17  }
0x4ed: {  	v17 =	vld [tilespmem:s26+$0x2400];
	_ =	sdelay $0x1  }
0x4ee: {  	v18 =	vadd.s32 v4, v16;
	_ =	sdelay $0x2  }
0x4ef: {  	v17 =	vmul.f32 $8.000000000e+00, v17;
	_ =	sdelay $0x1  }
0x4f0: {  	[tilespmem:v18+s12+$0x0] =	vst.idx.msk $0xffff, v17  }
0x4f1: {  	v17 =	vld [tilespmem:s26+$0x2410];
	_ =	sdelay $0x1  }
0x4f2: {  	v18 =	vadd.s32 v5, v16;
	_ =	sdelay $0x2  }
0x4f3: {  	v17 =	vmul.f32 $8.000000000e+00, v17;
	_ =	sdelay $0x1  }
0x4f4: {  	[tilespmem:v18+s12+$0x0] =	vst.idx.msk $0xffff, v17  }
0x4f5: {  	v17 =	vld [tilespmem:s26+$0x2420];
	_ =	sdelay $0x1  }
0x4f6: {  	v18 =	vadd.s32 v6, v16;
	_ =	sdelay $0x2  }
0x4f7: {  	v17 =	vmul.f32 $8.000000000e+00, v17;
	_ =	sdelay $0x1  }
0x4f8: {  	[tilespmem:v18+s12+$0x0] =	vst.idx.msk $0xffff, v17  }
0x4f9: {  	v17 =	vld [tilespmem:s26+$0x2430];
	_ =	sdelay $0x1  }
0x4fa: {  	v18 =	vadd.s32 v7, v16;
	_ =	sdelay $0x2  }
0x4fb: {  	v17 =	vmul.f32 $8.000000000e+00, v17;
	_ =	sdelay $0x1  }
0x4fc: {  	[tilespmem:v18+s12+$0x0] =	vst.idx.msk $0xffff, v17  }
0x4fd: {  	v17 =	vld [tilespmem:s26+$0x4400];
	_ =	sdelay $0x1  }
0x4fe: {  	v18 =	vadd.s32 v8, v16;
	_ =	sdelay $0x2  }
0x4ff: {  	v17 =	vmul.f32 $8.000000000e+00, v17;
	_ =	sdelay $0x1  }
0x500: {  	[tilespmem:v18+s12+$0x0] =	vst.idx.msk $0xffff, v17  }
0x501: {  	v17 =	vld [tilespmem:s26+$0x4410];
	_ =	sdelay $0x1  }
0x502: {  	v18 =	vadd.s32 v9, v16;
	_ =	sdelay $0x2  }
0x503: {  	v17 =	vmul.f32 $8.000000000e+00, v17;
	_ =	sdelay $0x1  }
0x504: {  	[tilespmem:v18+s12+$0x0] =	vst.idx.msk $0xffff, v17  }
0x505: {  	v17 =	vld [tilespmem:s26+$0x4420];
	_ =	sdelay $0x1  }
0x506: {  	v18 =	vadd.s32 v10, v16;
	_ =	sdelay $0x2  }
0x507: {  	v17 =	vmul.f32 $8.000000000e+00, v17;
	_ =	sdelay $0x1  }
0x508: {  	[tilespmem:v18+s12+$0x0] =	vst.idx.msk $0xffff, v17  }
0x509: {  	v17 =	vld [tilespmem:s26+$0x4430];
	_ =	sdelay $0x1  }
0x50a: {  	v18 =	vadd.s32 v11, v16;
	_ =	sdelay $0x2  }
0x50b: {  	v17 =	vmul.f32 $8.000000000e+00, v17;
	_ =	sdelay $0x1  }
0x50c: {  	[tilespmem:v18+s12+$0x0] =	vst.idx.msk $0xffff, v17  }
0x50d: {  	v17 =	vld [tilespmem:s26+$0x6400];
	_ =	sdelay $0x1  }
0x50e: {  	v18 =	vadd.s32 v12, v16;
	_ =	sdelay $0x2  }
0x50f: {  	v17 =	vmul.f32 $8.000000000e+00, v17;
	_ =	sdelay $0x1  }
0x510: {  	[tilespmem:v18+s12+$0x0] =	vst.idx.msk $0xffff, v17  }
0x511: {  	v17 =	vld [tilespmem:s26+$0x6410];
	_ =	sdelay $0x1  }
0x512: {  	v18 =	vadd.s32 v13, v16;
	_ =	sdelay $0x2  }
0x513: {  	v17 =	vmul.f32 $8.000000000e+00, v17;
	_ =	sdelay $0x1  }
0x514: {  	[tilespmem:v18+s12+$0x0] =	vst.idx.msk $0xffff, v17  }
0x515: {  	v17 =	vld [tilespmem:s26+$0x6420];
	_ =	sdelay $0x1  }
0x516: {  	v18 =	vadd.s32 v14, v16;
	_ =	sdelay $0x2  }
0x517: {  	v17 =	vmul.f32 $8.000000000e+00, v17;
	_ =	sdelay $0x1  }
0x518: {  	[tilespmem:v18+s12+$0x0] =	vst.idx.msk $0xffff, v17  }
0x519: {  	v17 =	vld [tilespmem:s26+$0x6430];
	_ =	sdelay $0x1  }
0x51a: {  	v16 =	vadd.s32 v15, v16;
	_ =	sdelay $0x2  }
0x51b: {  	s16 =	simm.s32 $0x100;
	s22 =	simm.s32 $0x200;
	v17 =	vmul.f32 $8.000000000e+00, v17  }
.LBB2_76:
0x51c: {  	s21 =	sshra.s32 s16, $0x2  }
0x51d: {  	s14 =	sadd.s32 $0x1, s14;
	s16 =	smov.u32 s22;
	s20 =	sadd.s32 $0x100, s22;
	[tilespmem:v16+s12+$0x0] =	vst.idx.msk $0xffff, v17  }
0x51e: {  	p0 =	sne.s32 s22, $0x7F00;
	v16 =	vmov s14;
	v17 =	vld [tilespmem:s21+$0x400]  }
0x51f: {  	v16 =	vand.u32 $0x7F, v16  }
0x520: {  	v18 =	vadd.s32 v0, v16;
	_ =	sdelay $0x2  }
0x521: {  	v17 =	vmul.f32 $8.000000000e+00, v17;
	_ =	sdelay $0x1  }
0x522: {  	[tilespmem:v18+s12+$0x0] =	vst.idx.msk $0xffff, v17  }
0x523: {  	v17 =	vld [tilespmem:s21+$0x410];
	_ =	sdelay $0x1  }
0x524: {  	v18 =	vadd.s32 v1, v16;
	_ =	sdelay $0x2  }
0x525: {  	v17 =	vmul.f32 $8.000000000e+00, v17;
	_ =	sdelay $0x1  }
0x526: {  	[tilespmem:v18+s12+$0x0] =	vst.idx.msk $0xffff, v17  }
0x527: {  	v17 =	vld [tilespmem:s21+$0x420];
	_ =	sdelay $0x1  }
0x528: {  	v18 =	vadd.s32 v2, v16;
	_ =	sdelay $0x2  }
0x529: {  	v17 =	vmul.f32 $8.000000000e+00, v17;
	_ =	sdelay $0x1  }
0x52a: {  	[tilespmem:v18+s12+$0x0] =	vst.idx.msk $0xffff, v17  }
0x52b: {  	v17 =	vld [tilespmem:s21+$0x430];
	_ =	sdelay $0x1  }
0x52c: {  	v18 =	vadd.s32 v3, v16;
	_ =	sdelay $0x2  }
0x52d: {  	v17 =	vmul.f32 $8.000000000e+00, v17;
	_ =	sdelay $0x1  }
0x52e: {  	[tilespmem:v18+s12+$0x0] =	vst.idx.msk $0xffff, v17  }
0x52f: {  	v17 =	vld [tilespmem:s21+$0x2400];
	_ =	sdelay $0x1  }
0x530: {  	v18 =	vadd.s32 v4, v16;
	_ =	sdelay $0x2  }
0x531: {  	v17 =	vmul.f32 $8.000000000e+00, v17;
	_ =	sdelay $0x1  }
0x532: {  	[tilespmem:v18+s12+$0x0] =	vst.idx.msk $0xffff, v17  }
0x533: {  	v17 =	vld [tilespmem:s21+$0x2410];
	_ =	sdelay $0x1  }
0x534: {  	v18 =	vadd.s32 v5, v16;
	_ =	sdelay $0x2  }
0x535: {  	v17 =	vmul.f32 $8.000000000e+00, v17;
	_ =	sdelay $0x1  }
0x536: {  	[tilespmem:v18+s12+$0x0] =	vst.idx.msk $0xffff, v17  }
0x537: {  	v17 =	vld [tilespmem:s21+$0x2420];
	_ =	sdelay $0x1  }
0x538: {  	v18 =	vadd.s32 v6, v16;
	_ =	sdelay $0x2  }
0x539: {  	v17 =	vmul.f32 $8.000000000e+00, v17;
	_ =	sdelay $0x1  }
0x53a: {  	[tilespmem:v18+s12+$0x0] =	vst.idx.msk $0xffff, v17  }
0x53b: {  	v17 =	vld [tilespmem:s21+$0x2430];
	_ =	sdelay $0x1  }
0x53c: {  	v18 =	vadd.s32 v7, v16;
	_ =	sdelay $0x2  }
0x53d: {  	v17 =	vmul.f32 $8.000000000e+00, v17;
	_ =	sdelay $0x1  }
0x53e: {  	[tilespmem:v18+s12+$0x0] =	vst.idx.msk $0xffff, v17  }
0x53f: {  	v17 =	vld [tilespmem:s21+$0x4400];
	_ =	sdelay $0x1  }
0x540: {  	v18 =	vadd.s32 v8, v16;
	_ =	sdelay $0x2  }
0x541: {  	v17 =	vmul.f32 $8.000000000e+00, v17;
	_ =	sdelay $0x1  }
0x542: {  	[tilespmem:v18+s12+$0x0] =	vst.idx.msk $0xffff, v17  }
0x543: {  	v17 =	vld [tilespmem:s21+$0x4410];
	_ =	sdelay $0x1  }
0x544: {  	v18 =	vadd.s32 v9, v16;
	_ =	sdelay $0x2  }
0x545: {  	v17 =	vmul.f32 $8.000000000e+00, v17;
	_ =	sdelay $0x1  }
0x546: {  	[tilespmem:v18+s12+$0x0] =	vst.idx.msk $0xffff, v17  }
0x547: {  	v17 =	vld [tilespmem:s21+$0x4420];
	_ =	sdelay $0x1  }
0x548: {  	v18 =	vadd.s32 v10, v16;
	_ =	sdelay $0x2  }
0x549: {  	v17 =	vmul.f32 $8.000000000e+00, v17;
	_ =	sdelay $0x1  }
0x54a: {  	[tilespmem:v18+s12+$0x0] =	vst.idx.msk $0xffff, v17  }
0x54b: {  	v17 =	vld [tilespmem:s21+$0x4430];
	_ =	sdelay $0x1  }
0x54c: {  	v18 =	vadd.s32 v11, v16;
	_ =	sdelay $0x2  }
0x54d: {  	v17 =	vmul.f32 $8.000000000e+00, v17;
	_ =	sdelay $0x1  }
0x54e: {  	[tilespmem:v18+s12+$0x0] =	vst.idx.msk $0xffff, v17  }
0x54f: {  	v17 =	vld [tilespmem:s21+$0x6400];
	_ =	sdelay $0x1  }
0x550: {  	v18 =	vadd.s32 v12, v16;
	_ =	sdelay $0x2  }
0x551: {  	v17 =	vmul.f32 $8.000000000e+00, v17;
	_ =	sdelay $0x1  }
0x552: {  	[tilespmem:v18+s12+$0x0] =	vst.idx.msk $0xffff, v17  }
0x553: {  	v17 =	vld [tilespmem:s21+$0x6410];
	_ =	sdelay $0x1  }
0x554: {  	v18 =	vadd.s32 v13, v16;
	_ =	sdelay $0x2  }
0x555: {  	v17 =	vmul.f32 $8.000000000e+00, v17;
	_ =	sdelay $0x1  }
0x556: {  	[tilespmem:v18+s12+$0x0] =	vst.idx.msk $0xffff, v17  }
0x557: {  	v17 =	vld [tilespmem:s21+$0x6420];
	_ =	sdelay $0x1  }
0x558: {  	v18 =	vadd.s32 v14, v16;
	_ =	sdelay $0x2  }
0x559: {  	v17 =	vmul.f32 $8.000000000e+00, v17;
	_ =	sdelay $0x1  }
0x55a: {  	[tilespmem:v18+s12+$0x0] =	vst.idx.msk $0xffff, v17  }
0x55b: {  	v17 =	vld [tilespmem:s21+$0x6430]  }
.Ltmp37:
0x55c: {  	(pc) =	sbr.rel @p0 .LBB2_76-.Ltmp37, $2  }
0x55d: {  	v16 =	vadd.s32 v15, v16;
	_ =	sdelay $0x2  }
0x55e: {  	s22 =	smov.u32 s20;
	v17 =	vmul.f32 $8.000000000e+00, v17  }
0x55f: {  	_ =	sdelay $0x3  }
0x560: {  	s16 =	sshra.s32 s16, $0x2;
	s14 =	sadd.s32 $0x1, s14;
	[tilespmem:v16+s12+$0x0] =	vst.idx.msk $0xffff, v17  }
0x561: {  	v16 =	vmov s14;
	v17 =	vld [tilespmem:s16+$0x400]  }
0x562: {  	v16 =	vand.u32 $0x7F, v16  }
0x563: {  	v18 =	vadd.s32 v0, v16;
	_ =	sdelay $0x2  }
0x564: {  	v17 =	vmul.f32 $8.000000000e+00, v17;
	_ =	sdelay $0x1  }
0x565: {  	[tilespmem:v18+s12+$0x0] =	vst.idx.msk $0xffff, v17  }
0x566: {  	v17 =	vld [tilespmem:s16+$0x410];
	_ =	sdelay $0x1  }
0x567: {  	v50 =	vadd.s32 v1, v16;
	_ =	sdelay $0x2  }
0x568: {  	v17 =	vmul.f32 $8.000000000e+00, v17;
	_ =	sdelay $0x1  }
0x569: {  	[tilespmem:v50+s12+$0x0] =	vst.idx.msk $0xffff, v17  }
0x56a: {  	v17 =	vld [tilespmem:s16+$0x420];
	_ =	sdelay $0x1  }
0x56b: {  	v51 =	vadd.s32 v2, v16;
	_ =	sdelay $0x2  }
0x56c: {  	v17 =	vmul.f32 $8.000000000e+00, v17;
	_ =	sdelay $0x1  }
0x56d: {  	[tilespmem:v51+s12+$0x0] =	vst.idx.msk $0xffff, v17  }
0x56e: {  	v17 =	vld [tilespmem:s16+$0x430];
	_ =	sdelay $0x1  }
0x56f: {  	v52 =	vadd.s32 v3, v16;
	_ =	sdelay $0x2  }
0x570: {  	v17 =	vmul.f32 $8.000000000e+00, v17;
	_ =	sdelay $0x1  }
0x571: {  	[tilespmem:v52+s12+$0x0] =	vst.idx.msk $0xffff, v17  }
0x572: {  	v17 =	vld [tilespmem:s16+$0x2400];
	_ =	sdelay $0x1  }
0x573: {  	v53 =	vadd.s32 v4, v16;
	_ =	sdelay $0x2  }
0x574: {  	v17 =	vmul.f32 $8.000000000e+00, v17;
	_ =	sdelay $0x1  }
0x575: {  	[tilespmem:v53+s12+$0x0] =	vst.idx.msk $0xffff, v17  }
0x576: {  	v17 =	vld [tilespmem:s16+$0x2410];
	_ =	sdelay $0x1  }
0x577: {  	v54 =	vadd.s32 v5, v16;
	_ =	sdelay $0x2  }
0x578: {  	v17 =	vmul.f32 $8.000000000e+00, v17;
	_ =	sdelay $0x1  }
0x579: {  	[tilespmem:v54+s12+$0x0] =	vst.idx.msk $0xffff, v17  }
0x57a: {  	v17 =	vld [tilespmem:s16+$0x2420];
	_ =	sdelay $0x1  }
0x57b: {  	v55 =	vadd.s32 v6, v16;
	_ =	sdelay $0x2  }
0x57c: {  	v17 =	vmul.f32 $8.000000000e+00, v17;
	_ =	sdelay $0x1  }
0x57d: {  	[tilespmem:v55+s12+$0x0] =	vst.idx.msk $0xffff, v17  }
0x57e: {  	v17 =	vld [tilespmem:s16+$0x2430];
	_ =	sdelay $0x1  }
0x57f: {  	v56 =	vadd.s32 v7, v16;
	_ =	sdelay $0x2  }
0x580: {  	v17 =	vmul.f32 $8.000000000e+00, v17;
	_ =	sdelay $0x1  }
0x581: {  	[tilespmem:v56+s12+$0x0] =	vst.idx.msk $0xffff, v17  }
0x582: {  	v17 =	vld [tilespmem:s16+$0x4400];
	_ =	sdelay $0x1  }
0x583: {  	v57 =	vadd.s32 v8, v16;
	_ =	sdelay $0x2  }
0x584: {  	v17 =	vmul.f32 $8.000000000e+00, v17;
	_ =	sdelay $0x1  }
0x585: {  	[tilespmem:v57+s12+$0x0] =	vst.idx.msk $0xffff, v17  }
0x586: {  	v17 =	vld [tilespmem:s16+$0x4410];
	_ =	sdelay $0x1  }
0x587: {  	v58 =	vadd.s32 v9, v16;
	_ =	sdelay $0x2  }
0x588: {  	v17 =	vmul.f32 $8.000000000e+00, v17;
	_ =	sdelay $0x1  }
0x589: {  	[tilespmem:v58+s12+$0x0] =	vst.idx.msk $0xffff, v17  }
0x58a: {  	v17 =	vld [tilespmem:s16+$0x4420];
	_ =	sdelay $0x1  }
0x58b: {  	v59 =	vadd.s32 v10, v16;
	_ =	sdelay $0x2  }
0x58c: {  	v17 =	vmul.f32 $8.000000000e+00, v17;
	_ =	sdelay $0x1  }
0x58d: {  	[tilespmem:v59+s12+$0x0] =	vst.idx.msk $0xffff, v17  }
0x58e: {  	v17 =	vld [tilespmem:s16+$0x4430];
	_ =	sdelay $0x1  }
0x58f: {  	v60 =	vadd.s32 v11, v16;
	_ =	sdelay $0x2  }
0x590: {  	v17 =	vmul.f32 $8.000000000e+00, v17;
	_ =	sdelay $0x1  }
0x591: {  	[tilespmem:v60+s12+$0x0] =	vst.idx.msk $0xffff, v17  }
0x592: {  	v17 =	vld [tilespmem:s16+$0x6400];
	_ =	sdelay $0x1  }
0x593: {  	v61 =	vadd.s32 v12, v16;
	_ =	sdelay $0x2  }
0x594: {  	v17 =	vmul.f32 $8.000000000e+00, v17;
	_ =	sdelay $0x1  }
0x595: {  	[tilespmem:v61+s12+$0x0] =	vst.idx.msk $0xffff, v17  }
0x596: {  	v17 =	vld [tilespmem:s16+$0x6410];
	_ =	sdelay $0x1  }
0x597: {  	v62 =	vadd.s32 v13, v16;
	_ =	sdelay $0x2  }
0x598: {  	v17 =	vmul.f32 $8.000000000e+00, v17;
	_ =	sdelay $0x1  }
0x599: {  	[tilespmem:v62+s12+$0x0] =	vst.idx.msk $0xffff, v17  }
0x59a: {  	v17 =	vld [tilespmem:s16+$0x6420];
	_ =	sdelay $0x1  }
0x59b: {  	v63 =	vadd.s32 v14, v16;
	_ =	sdelay $0x2  }
0x59c: {  	v17 =	vmul.f32 $8.000000000e+00, v17;
	_ =	sdelay $0x1  }
0x59d: {  	[tilespmem:v63+s12+$0x0] =	vst.idx.msk $0xffff, v17  }
0x59e: {  	v17 =	vld [tilespmem:s16+$0x6430];
	_ =	sdelay $0x1  }
0x59f: {  	v16 =	vadd.s32 v15, v16;
	_ =	sdelay $0x2  }
0x5a0: {  	v17 =	vmul.f32 $8.000000000e+00, v17  }
0x5a1: {  	s21 =	sadd.s32 $0x0, s2;
	s20 =	simm.s32 $0x10488  }
0x5a2: {  	s25 =	rddreg [dreg:$0x7];
	s14 =	simm.s32 $0x10400;
	s16 =	simm.s32 $0x10;
	[tilespmem:v16+s12+$0x0] =	vst.idx.msk $0xffff, v17  }
.LBB2_78:
0x5a3: {  	[hbm4b:s21+s3] =	stream.linear.scatter [tilespmem:s14], [sflag:$0x3], $0x80, $0x38;
	[tilespmem:$0x18C00] =	vst v63  }
0x5a4: {  	s21 =	smov.u32 s16;
	s14 =	smov.u32 s20;
	p0 =	sne.s32 s16, $0x1F0  }
.Ltmp38:
0x5a5: {  	s16 =	sadd.s32 $0x10, s16;
	(pc) =	sbr.rel @p0 .LBB2_78-.Ltmp38, $2  }
0x5a6: {  	_ =	sdelay $0x2  }
0x5a7: {  	s20 =	sadd.s32 $0x88, s20;
	s21 =	sadd.s32 s21, s2  }
0x5a8: {  	[hbm4b:s21+s3] =	stream.linear.scatter [tilespmem:s14], [sflag:$0x3], $0x80, $0x38;
	[tilespmem:$0x18C00] =	vst v63  }
0x5a9: {  	s14 =	simm.s32 $0x11500  }
0x5aa: {  	s16 =	simm.s32 $0x10;
	s21 =	sadd.s32 $0x0, s6;
	s20 =	simm.s32 $0x11588  }
.LBB2_80:
0x5ab: {  	[hbm4b:s21+s3] =	stream.linear.scatter [tilespmem:s14], [sflag:$0x3], $0x80, $0x38;
	[tilespmem:$0x18C00] =	vst v63  }
0x5ac: {  	s21 =	smov.u32 s16;
	s14 =	smov.u32 s20;
	p0 =	sne.s32 s16, $0x1F0  }
.Ltmp39:
0x5ad: {  	s16 =	sadd.s32 $0x10, s16;
	(pc) =	sbr.rel @p0 .LBB2_80-.Ltmp39, $2  }
0x5ae: {  	_ =	sdelay $0x2  }
0x5af: {  	s20 =	sadd.s32 $0x88, s20;
	s21 =	sadd.s32 s21, s6  }
0x5b0: {  	[hbm4b:s21+s3] =	stream.linear.scatter [tilespmem:s14], [sflag:$0x3], $0x80, $0x38;
	[tilespmem:$0x18C00] =	vst v63  }
0x5b1: {  	s14 =	simm.s32 $0x12600  }
0x5b2: {  	s16 =	simm.s32 $0x10;
	s21 =	sadd.s32 $0x0, s7;
	s20 =	simm.s32 $0x12688  }
.LBB2_82:
0x5b3: {  	[hbm4b:s21+s3] =	stream.linear.scatter [tilespmem:s14], [sflag:$0x3], $0x80, $0x38;
	[tilespmem:$0x18C00] =	vst v63  }
0x5b4: {  	s21 =	smov.u32 s16;
	s14 =	smov.u32 s20;
	p0 =	sne.s32 s16, $0x1F0  }
.Ltmp40:
0x5b5: {  	s16 =	sadd.s32 $0x10, s16;
	(pc) =	sbr.rel @p0 .LBB2_82-.Ltmp40, $2  }
0x5b6: {  	_ =	sdelay $0x2  }
0x5b7: {  	s20 =	sadd.s32 $0x88, s20;
	s21 =	sadd.s32 s21, s7  }
0x5b8: {  	[hbm4b:s21+s3] =	stream.linear.scatter [tilespmem:s14], [sflag:$0x3], $0x80, $0x38;
	[tilespmem:$0x18C00] =	vst v63  }
0x5b9: {  	s14 =	simm.s32 $0x13700  }
0x5ba: {  	s16 =	simm.s32 $0x10;
	s21 =	sadd.s32 $0x0, s23;
	s20 =	simm.s32 $0x13788  }
.LBB2_84:
0x5bb: {  	[hbm4b:s21+s3] =	stream.linear.scatter [tilespmem:s14], [sflag:$0x3], $0x80, $0x38;
	[tilespmem:$0x18C00] =	vst v63  }
0x5bc: {  	s21 =	smov.u32 s16;
	s14 =	smov.u32 s20;
	p0 =	sne.s32 s16, $0x1F0  }
.Ltmp41:
0x5bd: {  	s16 =	sadd.s32 $0x10, s16;
	(pc) =	sbr.rel @p0 .LBB2_84-.Ltmp41, $2  }
0x5be: {  	_ =	sdelay $0x2  }
0x5bf: {  	s20 =	sadd.s32 $0x88, s20;
	s21 =	sadd.s32 s21, s23  }
0x5c0: {  	[hbm4b:s21+s3] =	stream.linear.scatter [tilespmem:s14], [sflag:$0x3], $0x80, $0x38;
	[tilespmem:$0x18C00] =	vst v63  }
0x5c1: {  	s14 =	simm.s32 $0x14800  }
0x5c2: {  	s16 =	simm.s32 $0x10;
	s21 =	sadd.s32 $0x0, s24;
	s20 =	simm.s32 $0x14888  }
.LBB2_86:
0x5c3: {  	[hbm4b:s21+s3] =	stream.linear.scatter [tilespmem:s14], [sflag:$0x3], $0x80, $0x38;
	[tilespmem:$0x18C00] =	vst v63  }
0x5c4: {  	s21 =	smov.u32 s16;
	s14 =	smov.u32 s20;
	p0 =	sne.s32 s16, $0x1F0  }
.Ltmp42:
0x5c5: {  	s16 =	sadd.s32 $0x10, s16;
	(pc) =	sbr.rel @p0 .LBB2_86-.Ltmp42, $2  }
0x5c6: {  	_ =	sdelay $0x2  }
0x5c7: {  	s20 =	sadd.s32 $0x88, s20;
	s21 =	sadd.s32 s21, s24  }
0x5c8: {  	[hbm4b:s21+s3] =	stream.linear.scatter [tilespmem:s14], [sflag:$0x3], $0x80, $0x38;
	[tilespmem:$0x18C00] =	vst v63  }
0x5c9: {  	s14 =	simm.s32 $0x15900  }
0x5ca: {  	s16 =	simm.s32 $0x10;
	s21 =	sadd.s32 $0x0, s5;
	s20 =	simm.s32 $0x15988  }
.LBB2_88:
0x5cb: {  	[hbm4b:s21+s3] =	stream.linear.scatter [tilespmem:s14], [sflag:$0x3], $0x80, $0x38;
	[tilespmem:$0x18C00] =	vst v63  }
0x5cc: {  	s21 =	smov.u32 s16;
	s14 =	smov.u32 s20;
	p0 =	sne.s32 s16, $0x1F0  }
.Ltmp43:
0x5cd: {  	s16 =	sadd.s32 $0x10, s16;
	(pc) =	sbr.rel @p0 .LBB2_88-.Ltmp43, $2  }
0x5ce: {  	_ =	sdelay $0x2  }
0x5cf: {  	s20 =	sadd.s32 $0x88, s20;
	s21 =	sadd.s32 s21, s5  }
0x5d0: {  	[hbm4b:s21+s3] =	stream.linear.scatter [tilespmem:s14], [sflag:$0x3], $0x80, $0x38;
	[tilespmem:$0x18C00] =	vst v63  }
0x5d1: {  	s14 =	simm.s32 $0x16A00  }
0x5d2: {  	s16 =	simm.s32 $0x10;
	s21 =	sadd.s32 $0x0, s9;
	s20 =	simm.s32 $0x16A88  }
.LBB2_90:
0x5d3: {  	[hbm4b:s21+s3] =	stream.linear.scatter [tilespmem:s14], [sflag:$0x3], $0x80, $0x38;
	[tilespmem:$0x18C00] =	vst v63  }
0x5d4: {  	s21 =	smov.u32 s16;
	s14 =	smov.u32 s20;
	p0 =	sne.s32 s16, $0x1F0  }
.Ltmp44:
0x5d5: {  	s16 =	sadd.s32 $0x10, s16;
	(pc) =	sbr.rel @p0 .LBB2_90-.Ltmp44, $2  }
0x5d6: {  	_ =	sdelay $0x2  }
0x5d7: {  	s20 =	sadd.s32 $0x88, s20;
	s21 =	sadd.s32 s21, s9  }
0x5d8: {  	[hbm4b:s21+s3] =	stream.linear.scatter [tilespmem:s14], [sflag:$0x3], $0x80, $0x38;
	[tilespmem:$0x18C00] =	vst v63  }
0x5d9: {  	s14 =	simm.s32 $0x17B00  }
0x5da: {  	s16 =	simm.s32 $0x10;
	s21 =	sadd.s32 $0x0, s10;
	s20 =	simm.s32 $0x17B88  }
.LBB2_92:
0x5db: {  	[hbm4b:s21+s3] =	stream.linear.scatter [tilespmem:s14], [sflag:$0x3], $0x80, $0x38;
	[tilespmem:$0x18C00] =	vst v63  }
0x5dc: {  	s21 =	smov.u32 s16;
	s14 =	smov.u32 s20;
	p0 =	sne.s32 s16, $0x1F0  }
.Ltmp45:
0x5dd: {  	s16 =	sadd.s32 $0x10, s16;
	(pc) =	sbr.rel @p0 .LBB2_92-.Ltmp45, $2  }
0x5de: {  	_ =	sdelay $0x2  }
0x5df: {  	s20 =	sadd.s32 $0x88, s20;
	s21 =	sadd.s32 s21, s10  }
0x5e0: {  	[hbm4b:s21+s3] =	stream.linear.scatter [tilespmem:s14], [sflag:$0x3], $0x80, $0x38;
	[tilespmem:$0x18C00] =	vst v63  }
0x5e1: {  	s22 =	simm.s32 $0x2  }
0x5e2: {  	_ =	swait.ge [sflag:s22], $0x8000  }
0x5e3: {  	[sflag:s22] =	ssyncset.done $0x0  }
0x5e4: {  	s26 =	simm.s32 $0x3;
	[sflag:s22] =	ssyncadd.s32 $0xFFFF8000  }
0x5e5: {  	_ =	swait.ge [sflag:s26], $0x8000  }
0x5e6: {  	[sflag:s26] =	ssyncset.done $0x0  }
0x5e7: {  	s14 =	simm.s32 $0x0;
	s16 =	simm.s32 $0x0;
	[sflag:s26] =	ssyncadd.s32 $0xFFFF8000  }
0x5e8: {  	v16 =	vmov s14;
	v17 =	vld [tilespmem:s16+$0x8400]  }
0x5e9: {  	v16 =	vand.u32 $0x7F, v16  }
0x5ea: {  	v18 =	vadd.s32 v0, v16;
	_ =	sdelay $0x2  }
0x5eb: {  	v17 =	vmul.f32 $8.000000000e+00, v17;
	_ =	sdelay $0x1  }
0x5ec: {  	[tilespmem:v18+s12+$0x0] =	vst.idx.msk $0xffff, v17  }
0x5ed: {  	v17 =	vld [tilespmem:s16+$0x8410];
	_ =	sdelay $0x1  }
0x5ee: {  	v18 =	vadd.s32 v1, v16;
	_ =	sdelay $0x2  }
0x5ef: {  	v17 =	vmul.f32 $8.000000000e+00, v17;
	_ =	sdelay $0x1  }
0x5f0: {  	[tilespmem:v18+s12+$0x0] =	vst.idx.msk $0xffff, v17  }
0x5f1: {  	v17 =	vld [tilespmem:s16+$0x8420];
	_ =	sdelay $0x1  }
0x5f2: {  	v18 =	vadd.s32 v2, v16;
	_ =	sdelay $0x2  }
0x5f3: {  	v17 =	vmul.f32 $8.000000000e+00, v17;
	_ =	sdelay $0x1  }
0x5f4: {  	[tilespmem:v18+s12+$0x0] =	vst.idx.msk $0xffff, v17  }
0x5f5: {  	v17 =	vld [tilespmem:s16+$0x8430];
	_ =	sdelay $0x1  }
0x5f6: {  	v18 =	vadd.s32 v3, v16;
	_ =	sdelay $0x2  }
0x5f7: {  	v17 =	vmul.f32 $8.000000000e+00, v17;
	_ =	sdelay $0x1  }
0x5f8: {  	[tilespmem:v18+s12+$0x0] =	vst.idx.msk $0xffff, v17  }
0x5f9: {  	v17 =	vld [tilespmem:s16+$0xA400];
	_ =	sdelay $0x1  }
0x5fa: {  	v18 =	vadd.s32 v4, v16;
	_ =	sdelay $0x2  }
0x5fb: {  	v17 =	vmul.f32 $8.000000000e+00, v17;
	_ =	sdelay $0x1  }
0x5fc: {  	[tilespmem:v18+s12+$0x0] =	vst.idx.msk $0xffff, v17  }
0x5fd: {  	v17 =	vld [tilespmem:s16+$0xA410];
	_ =	sdelay $0x1  }
0x5fe: {  	v18 =	vadd.s32 v5, v16;
	_ =	sdelay $0x2  }
0x5ff: {  	v17 =	vmul.f32 $8.000000000e+00, v17;
	_ =	sdelay $0x1  }
0x600: {  	[tilespmem:v18+s12+$0x0] =	vst.idx.msk $0xffff, v17  }
0x601: {  	v17 =	vld [tilespmem:s16+$0xA420];
	_ =	sdelay $0x1  }
0x602: {  	v18 =	vadd.s32 v6, v16;
	_ =	sdelay $0x2  }
0x603: {  	v17 =	vmul.f32 $8.000000000e+00, v17;
	_ =	sdelay $0x1  }
0x604: {  	[tilespmem:v18+s12+$0x0] =	vst.idx.msk $0xffff, v17  }
0x605: {  	v17 =	vld [tilespmem:s16+$0xA430];
	_ =	sdelay $0x1  }
0x606: {  	v18 =	vadd.s32 v7, v16;
	_ =	sdelay $0x2  }
0x607: {  	v17 =	vmul.f32 $8.000000000e+00, v17;
	_ =	sdelay $0x1  }
0x608: {  	[tilespmem:v18+s12+$0x0] =	vst.idx.msk $0xffff, v17  }
0x609: {  	v17 =	vld [tilespmem:s16+$0xC400];
	_ =	sdelay $0x1  }
0x60a: {  	v18 =	vadd.s32 v8, v16;
	_ =	sdelay $0x2  }
0x60b: {  	v17 =	vmul.f32 $8.000000000e+00, v17;
	_ =	sdelay $0x1  }
0x60c: {  	[tilespmem:v18+s12+$0x0] =	vst.idx.msk $0xffff, v17  }
0x60d: {  	v17 =	vld [tilespmem:s16+$0xC410];
	_ =	sdelay $0x1  }
0x60e: {  	v18 =	vadd.s32 v9, v16;
	_ =	sdelay $0x2  }
0x60f: {  	v17 =	vmul.f32 $8.000000000e+00, v17;
	_ =	sdelay $0x1  }
0x610: {  	[tilespmem:v18+s12+$0x0] =	vst.idx.msk $0xffff, v17  }
0x611: {  	v17 =	vld [tilespmem:s16+$0xC420];
	_ =	sdelay $0x1  }
0x612: {  	v18 =	vadd.s32 v10, v16;
	_ =	sdelay $0x2  }
0x613: {  	v17 =	vmul.f32 $8.000000000e+00, v17;
	_ =	sdelay $0x1  }
0x614: {  	[tilespmem:v18+s12+$0x0] =	vst.idx.msk $0xffff, v17  }
0x615: {  	v17 =	vld [tilespmem:s16+$0xC430];
	_ =	sdelay $0x1  }
0x616: {  	v18 =	vadd.s32 v11, v16;
	_ =	sdelay $0x2  }
0x617: {  	v17 =	vmul.f32 $8.000000000e+00, v17;
	_ =	sdelay $0x1  }
0x618: {  	[tilespmem:v18+s12+$0x0] =	vst.idx.msk $0xffff, v17  }
0x619: {  	v17 =	vld [tilespmem:s16+$0xE400];
	_ =	sdelay $0x1  }
0x61a: {  	v18 =	vadd.s32 v12, v16;
	_ =	sdelay $0x2  }
0x61b: {  	v17 =	vmul.f32 $8.000000000e+00, v17;
	_ =	sdelay $0x1  }
0x61c: {  	[tilespmem:v18+s12+$0x0] =	vst.idx.msk $0xffff, v17  }
0x61d: {  	v17 =	vld [tilespmem:s16+$0xE410];
	_ =	sdelay $0x1  }
0x61e: {  	v18 =	vadd.s32 v13, v16;
	_ =	sdelay $0x2  }
0x61f: {  	v17 =	vmul.f32 $8.000000000e+00, v17;
	_ =	sdelay $0x1  }
0x620: {  	[tilespmem:v18+s12+$0x0] =	vst.idx.msk $0xffff, v17  }
0x621: {  	v17 =	vld [tilespmem:s16+$0xE420];
	_ =	sdelay $0x1  }
0x622: {  	v18 =	vadd.s32 v14, v16;
	_ =	sdelay $0x2  }
0x623: {  	v17 =	vmul.f32 $8.000000000e+00, v17;
	_ =	sdelay $0x1  }
0x624: {  	[tilespmem:v18+s12+$0x0] =	vst.idx.msk $0xffff, v17  }
0x625: {  	v17 =	vld [tilespmem:s16+$0xE430];
	_ =	sdelay $0x1  }
0x626: {  	v16 =	vadd.s32 v15, v16;
	_ =	sdelay $0x2  }
0x627: {  	s22 =	simm.s32 $0x200;
	s16 =	simm.s32 $0x100;
	v17 =	vmul.f32 $8.000000000e+00, v17  }
.LBB2_94:
0x628: {  	s21 =	sshra.s32 s16, $0x2  }
0x629: {  	s14 =	sadd.s32 $0x1, s14;
	s16 =	smov.u32 s22;
	s20 =	sadd.s32 $0x100, s22;
	[tilespmem:v16+s12+$0x0] =	vst.idx.msk $0xffff, v17  }
0x62a: {  	p0 =	sne.s32 s22, $0x7F00;
	v16 =	vmov s14;
	v17 =	vld [tilespmem:s21+$0x8400]  }
0x62b: {  	v16 =	vand.u32 $0x7F, v16  }
0x62c: {  	v18 =	vadd.s32 v0, v16;
	_ =	sdelay $0x2  }
0x62d: {  	v17 =	vmul.f32 $8.000000000e+00, v17;
	_ =	sdelay $0x1  }
0x62e: {  	[tilespmem:v18+s12+$0x0] =	vst.idx.msk $0xffff, v17  }
0x62f: {  	v17 =	vld [tilespmem:s21+$0x8410];
	_ =	sdelay $0x1  }
0x630: {  	v18 =	vadd.s32 v1, v16;
	_ =	sdelay $0x2  }
0x631: {  	v17 =	vmul.f32 $8.000000000e+00, v17;
	_ =	sdelay $0x1  }
0x632: {  	[tilespmem:v18+s12+$0x0] =	vst.idx.msk $0xffff, v17  }
0x633: {  	v17 =	vld [tilespmem:s21+$0x8420];
	_ =	sdelay $0x1  }
0x634: {  	v18 =	vadd.s32 v2, v16;
	_ =	sdelay $0x2  }
0x635: {  	v17 =	vmul.f32 $8.000000000e+00, v17;
	_ =	sdelay $0x1  }
0x636: {  	[tilespmem:v18+s12+$0x0] =	vst.idx.msk $0xffff, v17  }
0x637: {  	v17 =	vld [tilespmem:s21+$0x8430];
	_ =	sdelay $0x1  }
0x638: {  	v18 =	vadd.s32 v3, v16;
	_ =	sdelay $0x2  }
0x639: {  	v17 =	vmul.f32 $8.000000000e+00, v17;
	_ =	sdelay $0x1  }
0x63a: {  	[tilespmem:v18+s12+$0x0] =	vst.idx.msk $0xffff, v17  }
0x63b: {  	v17 =	vld [tilespmem:s21+$0xA400];
	_ =	sdelay $0x1  }
0x63c: {  	v18 =	vadd.s32 v4, v16;
	_ =	sdelay $0x2  }
0x63d: {  	v17 =	vmul.f32 $8.000000000e+00, v17;
	_ =	sdelay $0x1  }
0x63e: {  	[tilespmem:v18+s12+$0x0] =	vst.idx.msk $0xffff, v17  }
0x63f: {  	v17 =	vld [tilespmem:s21+$0xA410];
	_ =	sdelay $0x1  }
0x640: {  	v18 =	vadd.s32 v5, v16;
	_ =	sdelay $0x2  }
0x641: {  	v17 =	vmul.f32 $8.000000000e+00, v17;
	_ =	sdelay $0x1  }
0x642: {  	[tilespmem:v18+s12+$0x0] =	vst.idx.msk $0xffff, v17  }
0x643: {  	v17 =	vld [tilespmem:s21+$0xA420];
	_ =	sdelay $0x1  }
0x644: {  	v18 =	vadd.s32 v6, v16;
	_ =	sdelay $0x2  }
0x645: {  	v17 =	vmul.f32 $8.000000000e+00, v17;
	_ =	sdelay $0x1  }
0x646: {  	[tilespmem:v18+s12+$0x0] =	vst.idx.msk $0xffff, v17  }
0x647: {  	v17 =	vld [tilespmem:s21+$0xA430];
	_ =	sdelay $0x1  }
0x648: {  	v18 =	vadd.s32 v7, v16;
	_ =	sdelay $0x2  }
0x649: {  	v17 =	vmul.f32 $8.000000000e+00, v17;
	_ =	sdelay $0x1  }
0x64a: {  	[tilespmem:v18+s12+$0x0] =	vst.idx.msk $0xffff, v17  }
0x64b: {  	v17 =	vld [tilespmem:s21+$0xC400];
	_ =	sdelay $0x1  }
0x64c: {  	v18 =	vadd.s32 v8, v16;
	_ =	sdelay $0x2  }
0x64d: {  	v17 =	vmul.f32 $8.000000000e+00, v17;
	_ =	sdelay $0x1  }
0x64e: {  	[tilespmem:v18+s12+$0x0] =	vst.idx.msk $0xffff, v17  }
0x64f: {  	v17 =	vld [tilespmem:s21+$0xC410];
	_ =	sdelay $0x1  }
0x650: {  	v18 =	vadd.s32 v9, v16;
	_ =	sdelay $0x2  }
0x651: {  	v17 =	vmul.f32 $8.000000000e+00, v17;
	_ =	sdelay $0x1  }
0x652: {  	[tilespmem:v18+s12+$0x0] =	vst.idx.msk $0xffff, v17  }
0x653: {  	v17 =	vld [tilespmem:s21+$0xC420];
	_ =	sdelay $0x1  }
0x654: {  	v18 =	vadd.s32 v10, v16;
	_ =	sdelay $0x2  }
0x655: {  	v17 =	vmul.f32 $8.000000000e+00, v17;
	_ =	sdelay $0x1  }
0x656: {  	[tilespmem:v18+s12+$0x0] =	vst.idx.msk $0xffff, v17  }
0x657: {  	v17 =	vld [tilespmem:s21+$0xC430];
	_ =	sdelay $0x1  }
0x658: {  	v18 =	vadd.s32 v11, v16;
	_ =	sdelay $0x2  }
0x659: {  	v17 =	vmul.f32 $8.000000000e+00, v17;
	_ =	sdelay $0x1  }
0x65a: {  	[tilespmem:v18+s12+$0x0] =	vst.idx.msk $0xffff, v17  }
0x65b: {  	v17 =	vld [tilespmem:s21+$0xE400];
	_ =	sdelay $0x1  }
0x65c: {  	v18 =	vadd.s32 v12, v16;
	_ =	sdelay $0x2  }
0x65d: {  	v17 =	vmul.f32 $8.000000000e+00, v17;
	_ =	sdelay $0x1  }
0x65e: {  	[tilespmem:v18+s12+$0x0] =	vst.idx.msk $0xffff, v17  }
0x65f: {  	v17 =	vld [tilespmem:s21+$0xE410];
	_ =	sdelay $0x1  }
0x660: {  	v18 =	vadd.s32 v13, v16;
	_ =	sdelay $0x2  }
0x661: {  	v17 =	vmul.f32 $8.000000000e+00, v17;
	_ =	sdelay $0x1  }
0x662: {  	[tilespmem:v18+s12+$0x0] =	vst.idx.msk $0xffff, v17  }
0x663: {  	v17 =	vld [tilespmem:s21+$0xE420];
	_ =	sdelay $0x1  }
0x664: {  	v18 =	vadd.s32 v14, v16;
	_ =	sdelay $0x2  }
0x665: {  	v17 =	vmul.f32 $8.000000000e+00, v17;
	_ =	sdelay $0x1  }
0x666: {  	[tilespmem:v18+s12+$0x0] =	vst.idx.msk $0xffff, v17  }
0x667: {  	v17 =	vld [tilespmem:s21+$0xE430]  }
.Ltmp46:
0x668: {  	(pc) =	sbr.rel @p0 .LBB2_94-.Ltmp46, $2  }
0x669: {  	v16 =	vadd.s32 v15, v16;
	_ =	sdelay $0x2  }
0x66a: {  	s22 =	smov.u32 s20;
	v17 =	vmul.f32 $8.000000000e+00, v17  }
0x66b: {  	_ =	sdelay $0x3  }
0x66c: {  	s16 =	sshra.s32 s16, $0x2;
	s14 =	sadd.s32 $0x1, s14;
	[tilespmem:v16+s12+$0x0] =	vst.idx.msk $0xffff, v17  }
0x66d: {  	v16 =	vmov s14;
	v17 =	vld [tilespmem:s16+$0x8400]  }
0x66e: {  	v16 =	vand.u32 $0x7F, v16  }
0x66f: {  	v18 =	vadd.s32 v0, v16;
	_ =	sdelay $0x2  }
0x670: {  	v17 =	vmul.f32 $8.000000000e+00, v17;
	_ =	sdelay $0x1  }
0x671: {  	[tilespmem:v18+s12+$0x0] =	vst.idx.msk $0xffff, v17  }
0x672: {  	v17 =	vld [tilespmem:s16+$0x8410];
	_ =	sdelay $0x1  }
0x673: {  	v50 =	vadd.s32 v1, v16;
	_ =	sdelay $0x2  }
0x674: {  	v17 =	vmul.f32 $8.000000000e+00, v17;
	_ =	sdelay $0x1  }
0x675: {  	[tilespmem:v50+s12+$0x0] =	vst.idx.msk $0xffff, v17  }
0x676: {  	v17 =	vld [tilespmem:s16+$0x8420];
	_ =	sdelay $0x1  }
0x677: {  	v51 =	vadd.s32 v2, v16;
	_ =	sdelay $0x2  }
0x678: {  	v17 =	vmul.f32 $8.000000000e+00, v17;
	_ =	sdelay $0x1  }
0x679: {  	[tilespmem:v51+s12+$0x0] =	vst.idx.msk $0xffff, v17  }
0x67a: {  	v17 =	vld [tilespmem:s16+$0x8430];
	_ =	sdelay $0x1  }
0x67b: {  	v52 =	vadd.s32 v3, v16;
	_ =	sdelay $0x2  }
0x67c: {  	v17 =	vmul.f32 $8.000000000e+00, v17;
	_ =	sdelay $0x1  }
0x67d: {  	[tilespmem:v52+s12+$0x0] =	vst.idx.msk $0xffff, v17  }
0x67e: {  	v17 =	vld [tilespmem:s16+$0xA400];
	_ =	sdelay $0x1  }
0x67f: {  	v53 =	vadd.s32 v4, v16;
	_ =	sdelay $0x2  }
0x680: {  	v17 =	vmul.f32 $8.000000000e+00, v17;
	_ =	sdelay $0x1  }
0x681: {  	[tilespmem:v53+s12+$0x0] =	vst.idx.msk $0xffff, v17  }
0x682: {  	v17 =	vld [tilespmem:s16+$0xA410];
	_ =	sdelay $0x1  }
0x683: {  	v54 =	vadd.s32 v5, v16;
	_ =	sdelay $0x2  }
0x684: {  	v17 =	vmul.f32 $8.000000000e+00, v17;
	_ =	sdelay $0x1  }
0x685: {  	[tilespmem:v54+s12+$0x0] =	vst.idx.msk $0xffff, v17  }
0x686: {  	v17 =	vld [tilespmem:s16+$0xA420];
	_ =	sdelay $0x1  }
0x687: {  	v55 =	vadd.s32 v6, v16;
	_ =	sdelay $0x2  }
0x688: {  	v17 =	vmul.f32 $8.000000000e+00, v17;
	_ =	sdelay $0x1  }
0x689: {  	[tilespmem:v55+s12+$0x0] =	vst.idx.msk $0xffff, v17  }
0x68a: {  	v17 =	vld [tilespmem:s16+$0xA430];
	_ =	sdelay $0x1  }
0x68b: {  	v56 =	vadd.s32 v7, v16;
	_ =	sdelay $0x2  }
0x68c: {  	v17 =	vmul.f32 $8.000000000e+00, v17;
	_ =	sdelay $0x1  }
0x68d: {  	[tilespmem:v56+s12+$0x0] =	vst.idx.msk $0xffff, v17  }
0x68e: {  	v17 =	vld [tilespmem:s16+$0xC400];
	_ =	sdelay $0x1  }
0x68f: {  	v57 =	vadd.s32 v8, v16;
	_ =	sdelay $0x2  }
0x690: {  	v17 =	vmul.f32 $8.000000000e+00, v17;
	_ =	sdelay $0x1  }
0x691: {  	[tilespmem:v57+s12+$0x0] =	vst.idx.msk $0xffff, v17  }
0x692: {  	v17 =	vld [tilespmem:s16+$0xC410];
	_ =	sdelay $0x1  }
0x693: {  	v58 =	vadd.s32 v9, v16;
	_ =	sdelay $0x2  }
0x694: {  	v17 =	vmul.f32 $8.000000000e+00, v17;
	_ =	sdelay $0x1  }
0x695: {  	[tilespmem:v58+s12+$0x0] =	vst.idx.msk $0xffff, v17  }
0x696: {  	v17 =	vld [tilespmem:s16+$0xC420];
	_ =	sdelay $0x1  }
0x697: {  	v59 =	vadd.s32 v10, v16;
	_ =	sdelay $0x2  }
0x698: {  	v17 =	vmul.f32 $8.000000000e+00, v17;
	_ =	sdelay $0x1  }
0x699: {  	[tilespmem:v59+s12+$0x0] =	vst.idx.msk $0xffff, v17  }
0x69a: {  	v17 =	vld [tilespmem:s16+$0xC430];
	_ =	sdelay $0x1  }
0x69b: {  	v60 =	vadd.s32 v11, v16;
	_ =	sdelay $0x2  }
0x69c: {  	v17 =	vmul.f32 $8.000000000e+00, v17;
	_ =	sdelay $0x1  }
0x69d: {  	[tilespmem:v60+s12+$0x0] =	vst.idx.msk $0xffff, v17  }
0x69e: {  	v17 =	vld [tilespmem:s16+$0xE400];
	_ =	sdelay $0x1  }
0x69f: {  	v61 =	vadd.s32 v12, v16;
	_ =	sdelay $0x2  }
0x6a0: {  	v17 =	vmul.f32 $8.000000000e+00, v17;
	_ =	sdelay $0x1  }
0x6a1: {  	[tilespmem:v61+s12+$0x0] =	vst.idx.msk $0xffff, v17  }
0x6a2: {  	v17 =	vld [tilespmem:s16+$0xE410];
	_ =	sdelay $0x1  }
0x6a3: {  	v62 =	vadd.s32 v13, v16;
	_ =	sdelay $0x2  }
0x6a4: {  	v17 =	vmul.f32 $8.000000000e+00, v17;
	_ =	sdelay $0x1  }
0x6a5: {  	[tilespmem:v62+s12+$0x0] =	vst.idx.msk $0xffff, v17  }
0x6a6: {  	v17 =	vld [tilespmem:s16+$0xE420];
	_ =	sdelay $0x1  }
0x6a7: {  	v63 =	vadd.s32 v14, v16;
	_ =	sdelay $0x2  }
0x6a8: {  	v17 =	vmul.f32 $8.000000000e+00, v17;
	_ =	sdelay $0x1  }
0x6a9: {  	[tilespmem:v63+s12+$0x0] =	vst.idx.msk $0xffff, v17  }
0x6aa: {  	v17 =	vld [tilespmem:s16+$0xE430];
	_ =	sdelay $0x1  }
0x6ab: {  	v16 =	vadd.s32 v15, v16;
	_ =	sdelay $0x2  }
0x6ac: {  	v17 =	vmul.f32 $8.000000000e+00, v17  }
0x6ad: {  	s21 =	sadd.s32 $0x0, s13  }
0x6ae: {  	s20 =	simm.s32 $0x10488;
	s14 =	simm.s32 $0x10400;
	s16 =	simm.s32 $0x10;
	[tilespmem:v16+s12+$0x0] =	vst.idx.msk $0xffff, v17  }
.LBB2_96:
0x6af: {  	[hbm4b:s21+s3] =	stream.linear.scatter [tilespmem:s14], [sflag:$0x3], $0x80, $0x38;
	[tilespmem:$0x18C00] =	vst v63  }
0x6b0: {  	s21 =	smov.u32 s16;
	s14 =	smov.u32 s20;
	p0 =	sne.s32 s16, $0x1F0  }
.Ltmp47:
0x6b1: {  	s16 =	sadd.s32 $0x10, s16;
	(pc) =	sbr.rel @p0 .LBB2_96-.Ltmp47, $2  }
0x6b2: {  	_ =	sdelay $0x2  }
0x6b3: {  	s20 =	sadd.s32 $0x88, s20;
	s21 =	sadd.s32 s21, s13  }
0x6b4: {  	[hbm4b:s21+s3] =	stream.linear.scatter [tilespmem:s14], [sflag:$0x3], $0x80, $0x38;
	[tilespmem:$0x18C00] =	vst v63  }
0x6b5: {  	s14 =	simm.s32 $0x11500  }
0x6b6: {  	s16 =	simm.s32 $0x10;
	s21 =	sadd.s32 $0x0, s15;
	s20 =	simm.s32 $0x11588  }
.LBB2_98:
0x6b7: {  	[hbm4b:s21+s3] =	stream.linear.scatter [tilespmem:s14], [sflag:$0x3], $0x80, $0x38;
	[tilespmem:$0x18C00] =	vst v63  }
0x6b8: {  	s21 =	smov.u32 s16;
	s14 =	smov.u32 s20;
	p0 =	sne.s32 s16, $0x1F0  }
.Ltmp48:
0x6b9: {  	s16 =	sadd.s32 $0x10, s16;
	(pc) =	sbr.rel @p0 .LBB2_98-.Ltmp48, $2  }
0x6ba: {  	_ =	sdelay $0x2  }
0x6bb: {  	s20 =	sadd.s32 $0x88, s20;
	s21 =	sadd.s32 s21, s15  }
0x6bc: {  	[hbm4b:s21+s3] =	stream.linear.scatter [tilespmem:s14], [sflag:$0x3], $0x80, $0x38;
	[tilespmem:$0x18C00] =	vst v63  }
0x6bd: {  	s14 =	simm.s32 $0x12600  }
0x6be: {  	s16 =	simm.s32 $0x10;
	s21 =	sadd.s32 $0x0, s17;
	s20 =	simm.s32 $0x12688  }
.LBB2_100:
0x6bf: {  	[hbm4b:s21+s3] =	stream.linear.scatter [tilespmem:s14], [sflag:$0x3], $0x80, $0x38;
	[tilespmem:$0x18C00] =	vst v63  }
0x6c0: {  	s21 =	smov.u32 s16;
	s14 =	smov.u32 s20;
	p0 =	sne.s32 s16, $0x1F0  }
.Ltmp49:
0x6c1: {  	s16 =	sadd.s32 $0x10, s16;
	(pc) =	sbr.rel @p0 .LBB2_100-.Ltmp49, $2  }
0x6c2: {  	_ =	sdelay $0x2  }
0x6c3: {  	s20 =	sadd.s32 $0x88, s20;
	s21 =	sadd.s32 s21, s17  }
0x6c4: {  	[hbm4b:s21+s3] =	stream.linear.scatter [tilespmem:s14], [sflag:$0x3], $0x80, $0x38;
	[tilespmem:$0x18C00] =	vst v63  }
0x6c5: {  	s14 =	simm.s32 $0x13700  }
0x6c6: {  	s16 =	simm.s32 $0x10;
	s21 =	sadd.s32 $0x0, s18;
	s20 =	simm.s32 $0x13788  }
.LBB2_102:
0x6c7: {  	[hbm4b:s21+s3] =	stream.linear.scatter [tilespmem:s14], [sflag:$0x3], $0x80, $0x38;
	[tilespmem:$0x18C00] =	vst v63  }
0x6c8: {  	s21 =	smov.u32 s16;
	s14 =	smov.u32 s20;
	p0 =	sne.s32 s16, $0x1F0  }
.Ltmp50:
0x6c9: {  	s16 =	sadd.s32 $0x10, s16;
	(pc) =	sbr.rel @p0 .LBB2_102-.Ltmp50, $2  }
0x6ca: {  	_ =	sdelay $0x2  }
0x6cb: {  	s20 =	sadd.s32 $0x88, s20;
	s21 =	sadd.s32 s21, s18  }
0x6cc: {  	[hbm4b:s21+s3] =	stream.linear.scatter [tilespmem:s14], [sflag:$0x3], $0x80, $0x38;
	[tilespmem:$0x18C00] =	vst v63  }
0x6cd: {  	s14 =	simm.s32 $0x14800  }
0x6ce: {  	s16 =	simm.s32 $0x10;
	s21 =	sadd.s32 $0x0, s19;
	s20 =	simm.s32 $0x14888  }
.LBB2_104:
0x6cf: {  	[hbm4b:s21+s3] =	stream.linear.scatter [tilespmem:s14], [sflag:$0x3], $0x80, $0x38;
	[tilespmem:$0x18C00] =	vst v63  }
0x6d0: {  	s21 =	smov.u32 s16;
	s14 =	smov.u32 s20;
	p0 =	sne.s32 s16, $0x1F0  }
.Ltmp51:
0x6d1: {  	s16 =	sadd.s32 $0x10, s16;
	(pc) =	sbr.rel @p0 .LBB2_104-.Ltmp51, $2  }
0x6d2: {  	_ =	sdelay $0x2  }
0x6d3: {  	s20 =	sadd.s32 $0x88, s20;
	s21 =	sadd.s32 s21, s19  }
0x6d4: {  	[hbm4b:s21+s3] =	stream.linear.scatter [tilespmem:s14], [sflag:$0x3], $0x80, $0x38;
	[tilespmem:$0x18C00] =	vst v63  }
0x6d5: {  	s14 =	simm.s32 $0x15900  }
0x6d6: {  	s16 =	simm.s32 $0x10;
	s21 =	sadd.s32 $0x0, s4;
	s20 =	simm.s32 $0x15988  }
.LBB2_106:
0x6d7: {  	[hbm4b:s21+s3] =	stream.linear.scatter [tilespmem:s14], [sflag:$0x3], $0x80, $0x38;
	[tilespmem:$0x18C00] =	vst v63  }
0x6d8: {  	s21 =	smov.u32 s16;
	s14 =	smov.u32 s20;
	p0 =	sne.s32 s16, $0x1F0  }
.Ltmp52:
0x6d9: {  	s16 =	sadd.s32 $0x10, s16;
	(pc) =	sbr.rel @p0 .LBB2_106-.Ltmp52, $2  }
0x6da: {  	_ =	sdelay $0x2  }
0x6db: {  	s20 =	sadd.s32 $0x88, s20;
	s21 =	sadd.s32 s21, s4  }
0x6dc: {  	[hbm4b:s21+s3] =	stream.linear.scatter [tilespmem:s14], [sflag:$0x3], $0x80, $0x38;
	[tilespmem:$0x18C00] =	vst v63  }
0x6dd: {  	s14 =	simm.s32 $0x16A00  }
0x6de: {  	s16 =	simm.s32 $0x10;
	s21 =	sadd.s32 $0x0, s8;
	s20 =	simm.s32 $0x16A88  }
.LBB2_108:
0x6df: {  	[hbm4b:s21+s3] =	stream.linear.scatter [tilespmem:s14], [sflag:$0x3], $0x80, $0x38;
	[tilespmem:$0x18C00] =	vst v63  }
0x6e0: {  	s21 =	smov.u32 s16;
	s14 =	smov.u32 s20;
	p0 =	sne.s32 s16, $0x1F0  }
.Ltmp53:
0x6e1: {  	s16 =	sadd.s32 $0x10, s16;
	(pc) =	sbr.rel @p0 .LBB2_108-.Ltmp53, $2  }
0x6e2: {  	_ =	sdelay $0x2  }
0x6e3: {  	s20 =	sadd.s32 $0x88, s20;
	s21 =	sadd.s32 s21, s8  }
0x6e4: {  	[hbm4b:s21+s3] =	stream.linear.scatter [tilespmem:s14], [sflag:$0x3], $0x80, $0x38;
	[tilespmem:$0x18C00] =	vst v63  }
0x6e5: {  	s14 =	simm.s32 $0x17B00  }
0x6e6: {  	s16 =	simm.s32 $0x10;
	s21 =	sadd.s32 $0x0, s11;
	s20 =	simm.s32 $0x17B88  }
.LBB2_110:
0x6e7: {  	[hbm4b:s21+s3] =	stream.linear.scatter [tilespmem:s14], [sflag:$0x3], $0x80, $0x38;
	[tilespmem:$0x18C00] =	vst v63  }
0x6e8: {  	s21 =	smov.u32 s16;
	s14 =	smov.u32 s20;
	p0 =	sne.s32 s16, $0x1F0  }
.Ltmp54:
0x6e9: {  	s16 =	sadd.s32 $0x10, s16;
	(pc) =	sbr.rel @p0 .LBB2_110-.Ltmp54, $2  }
0x6ea: {  	_ =	sdelay $0x2  }
0x6eb: {  	s20 =	sadd.s32 $0x88, s20;
	s21 =	sadd.s32 s21, s11  }
0x6ec: {  	[hbm4b:s21+s3] =	stream.linear.scatter [tilespmem:s14], [sflag:$0x3], $0x80, $0x38;
	[tilespmem:$0x18C00] =	vst v63  }
0x6ed: {  	s16 =	simm.s32 $0x3  }
0x6ee: {  	_ =	swait.ge [sflag:s16], $0x8000  }
0x6ef: {  	s20 =	rddreg [dreg:$0x1f]  }
0x6f0: {  	s26 =	rddreg [dreg:$0x1e];
	s20 =	sadd.s32 $0x1, s20  }
0x6f1: {  	p0 =	sne.s32 s20, s26  }
.Ltmp55:
0x6f2: {  	_ = 	snop;
	(pc) =	sbr.rel @p0 .LBB2_1-.Ltmp55, $3  }
0x6f3: {  	_ =	sdelay $0x1  }
0x6f4: {  	[sflag:s16] =	ssyncset.done $0x0  }
0x6f5: {  	[sflag:s16] =	ssyncadd.s32 $0xFFFF8000  }
0x6f6: {  	_ =	sfence.sel $0x180000  }
0x6f7: {  	[bflag:$0x0] =	sbarrier.arrive $0xFFFF  }
0x6f8: {  	_ =	strace $0x90000047  }
0x6f9: {  	s0 =	stileid.u32;
	[bflag:$0x2] =	sbarrier.arrive $0xFFFF  }
0x6fa: {  	p0 =	sne.s32 s0, $0x0;
	s0 =	rddreg [dreg:$0x2]  }
0x6fb: {  	s0 =	sadd.s32 @!p0 $0x100000, s0  }
0x6fc: {  	[sflag:s0] =	ssyncadd.tile.s32 @!p0 $0x1;
	_ =	shalt  }
.Lfunc_end2:
_tile_overlayer_lowered:
.L_overlay_start_2:
0x6fd: {  	(tag) =	ssettag $0x2  }
0x6fe: {  	s0 =	rddreg [dreg:$0x0];
	s2 =	stileid.u32  }
0x6ff: {  	s1 =	rddreg [dreg:$0x1];
	p0 =	sne.s32 s2, $0x0  }
0x700: {  	s3 =	rddreg [dreg:$0x2];
	[bflag:$0x3] =	sbarrier.arrive $0xFFFF;
	s2 =	simm.s32 @!p0 $0x1C05  }
0x701: {  	[timem:s3], [sflag:s2] =	dma.local @!p0 [hbm:s0], s1  }
0x702: {  	s0 =	simm.s32 @!p0 $0x5  }
0x703: {  	_ =	swait.ge @!p0 [sflag:s0], s1  }
0x704: {  	s1 =	ssub.s32 @!p0 $0x0, s1;
	[sflag:s0] =	ssyncset.done @!p0 $0x0  }
0x705: {  	[sflag:s0] =	ssyncadd.s32 @!p0 s1  }
0x706: {  	[bflag:$0x3] =	sbarrier.arrive $0xFFFF  }
0x707: {  	_ =	shalt  }

</sc_bundles>
